<compile_context>
chip_gen: v7x
topology: tpu7x:2x2x1
jax: 0.10.2.dev20260603
libtpu: 0.0.44.dev20260713+nightly
codegen_flags: <defaults>
</compile_context>

<pallas_src>
import functools

import jax
import jax.numpy as jnp
from jax import lax
from jax.experimental import pallas as pl
from jax.experimental.pallas import tpu as pltpu
from jax.experimental.pallas import tpu_sc as plsc

_LANES = 16
_CHUNK = 128
_WIDE = 128


def _widen_rows(table_t):
    d, v = table_t.shape
    cols_per_blk = 25600
    n_blk = (v + cols_per_blk - 1) // cols_per_blk

    def body(in_ref, out_ref):
        out_ref[:, 0:d] = in_ref[...].T

    return pl.pallas_call(
        body,
        grid=(n_blk,),
        in_specs=[pl.BlockSpec((d, cols_per_blk), lambda i: (0, i))],
        out_specs=pl.BlockSpec((cols_per_blk, _WIDE), lambda i: (i, 0)),
        out_shape=jax.ShapeDtypeStruct((v, _WIDE), jnp.float32),
    )(table_t)


@functools.partial(jax.jit, static_argnames=("num_cores", "num_subcores"))
def _w2v_scores(target2d, context2d, table, *, num_cores, num_subcores):
    n_chunks, chunk = target2d.shape
    batch = n_chunks * chunk
    _, wide = table.shape
    embed = 64
    num_workers = num_cores * num_subcores
    b_per_w = batch // num_workers
    chunks_per_w = b_per_w // chunk

    mesh = plsc.VectorSubcoreMesh(core_axis_name="c", subcore_axis_name="s")

    @functools.partial(
        pl.kernel,
        mesh=mesh,
        out_type=jax.ShapeDtypeStruct((batch,), jnp.float32),
        scratch_types=[
            pltpu.VMEM((chunks_per_w, chunk), jnp.int32),
            pltpu.VMEM((chunks_per_w, chunk), jnp.int32),
            pltpu.VMEM((chunk, wide), jnp.float32),
            pltpu.VMEM((chunk, wide), jnp.float32),
            pltpu.VMEM((chunk, wide), jnp.float32),
            pltpu.VMEM((chunk, wide), jnp.float32),
            pltpu.VMEM((b_per_w,), jnp.float32),
            pltpu.SemaphoreType.DMA,
            pltpu.SemaphoreType.DMA,
            pltpu.SemaphoreType.DMA,
            pltpu.SemaphoreType.DMA,
        ],
        compiler_params=pltpu.CompilerParams(
            needs_layout_passes=False, use_tc_tiling_on_sc=True),
    )
    def k(tgt_hbm, ctx_hbm, table_hbm, out_hbm, tidx_v, cidx_v, tb0, cb0,
          tb1, cb1, out_v, st0, sc0, st1, sc1):
        wid = lax.axis_index("s") * num_cores + lax.axis_index("c")
        base = wid * b_per_w
        cbase = wid * chunks_per_w

        pltpu.sync_copy(tgt_hbm.at[pl.ds(cbase, chunks_per_w)], tidx_v)
        pltpu.sync_copy(ctx_hbm.at[pl.ds(cbase, chunks_per_w)], cidx_v)

        lane_iota = lax.iota(jnp.int32, _LANES)
        n_sub = embed // _LANES
        bufs = [(tb0, cb0, st0, sc0), (tb1, cb1, st1, sc1)]

        def fire(ci, slot):
            tb, cb, st, sc_ = bufs[slot]
            return (pltpu.async_copy(table_hbm.at[tidx_v.at[ci]], tb, st),
                    pltpu.async_copy(table_hbm.at[cidx_v.at[ci]], cb, sc_))

        pend = {0: fire(0, 0), 1: fire(1, 1)}
        for ci in range(chunks_per_w):
            slot = ci % 2
            ct, cc = pend.pop(ci)
            ct.wait()
            cc.wait()
            tb, cb = bufs[slot][0], bufs[slot][1]

            def group_body(g, _, tb=tb, cb=cb, ci=ci):
                base_r = g * _LANES
                res = jnp.zeros((_LANES,), jnp.float32)
                for r in range(_LANES):
                    row = base_r + r
                    acc = (tb[row, pl.ds(0, _LANES)] *
                           cb[row, pl.ds(0, _LANES)])
                    for j in range(1, n_sub):
                        acc = acc + (tb[row, pl.ds(j * _LANES, _LANES)] *
                                     cb[row, pl.ds(j * _LANES, _LANES)])
                    res = jnp.where(lane_iota == r, jnp.sum(acc), res)
                out_v[pl.ds(ci * chunk + base_r, _LANES)] = res
                return 0

            lax.fori_loop(0, chunk // _LANES, group_body, 0)
            if ci + 2 < chunks_per_w:
                pend[ci + 2] = fire(ci + 2, slot)

        pltpu.sync_copy(out_v, out_hbm.at[pl.ds(base, b_per_w)])

    return k(target2d, context2d, table)


def kernel(target, context, word_embeddings):
    info = plsc.get_sparse_core_info()
    batch = target.shape[0]
    t2 = target.reshape(batch // _CHUNK, _CHUNK)
    c2 = context.reshape(batch // _CHUNK, _CHUNK)
    table_wide = _widen_rows(word_embeddings.T)
    return _w2v_scores(t2, c2, table_wide,
                       num_cores=info.num_cores,
                       num_subcores=info.num_subcores)

# --- scband reference (transcript-rebuilt; emitter-appended) ---
"""Pipeline reference for scband-word2-vec-16999480558048 (READ-ONLY COPY).

The authoritative reference and input builder live on the scoring server;
editing this copy changes nothing except your own understanding.
"""

import jax, jax.numpy as jnp
import numpy as np

VOCAB = 100000
EMBED = 64
BATCH = 16384

def setup_inputs(seed: int = 0) -> dict:
    key = jax.random.key(seed)
    k1, k2, k3 = jax.random.split(key, 3)
    target = jax.random.randint(k1, (BATCH,), 0, VOCAB, dtype=jnp.int64 if jax.config.jax_enable_x64 else jnp.int32).astype(jnp.int32)
    context = jax.random.randint(k2, (BATCH,), 0, VOCAB, dtype=jnp.int64 if jax.config.jax_enable_x64 else jnp.int32).astype(jnp.int32)
    word_embeddings = jax.random.normal(k3, (VOCAB, EMBED), dtype=jnp.float32)
    return {"target": target, "context": context, "word_embeddings": word_embeddings}

def reference(target, context, word_embeddings):
    # Word2Vec (skip-gram style, shared embedding table):
    # embed target and context words, score = dot product per pair.
    tgt_emb = jnp.take(word_embeddings, target, axis=0)      # [B, D] gather
    ctx_emb = jnp.take(word_embeddings, context, axis=0)     # [B, D] gather
    scores = jnp.sum(tgt_emb * ctx_emb, axis=-1)             # [B]
    return scores

if __name__ == "__main__":
    import jax
    _d = setup_inputs()
    print(jax.jit(kernel)(*tuple(_d.values())))

</pallas_src>

<mosaic_0001>
#map = affine_map<(d0, d1) -> (0, 0)>
#map1 = affine_map<(d0, d1) -> (0)>
module attributes {stable_mosaic.version = 14 : i64} {
  func.func @k(%arg0: i32, %arg1: i32, %arg2: memref<128x128xi32, #tpu.memory_space<hbm>>, %arg3: memref<128x128xi32, #tpu.memory_space<hbm>>, %arg4: memref<100000x128xf32, #tpu.memory_space<hbm>>, %arg5: memref<16384xf32, #tpu.memory_space<hbm>>, %arg6: memref<4x128xi32, #tpu.memory_space<vmem>>, %arg7: memref<4x128xi32, #tpu.memory_space<vmem>>, %arg8: memref<128x128xf32, #tpu.memory_space<vmem>>, %arg9: memref<128x128xf32, #tpu.memory_space<vmem>>, %arg10: memref<128x128xf32, #tpu.memory_space<vmem>>, %arg11: memref<128x128xf32, #tpu.memory_space<vmem>>, %arg12: memref<512xf32, #tpu.memory_space<vmem>>, %arg13: memref<!tpu.dma_semaphore, #tpu.memory_space<semaphore_mem>>, %arg14: memref<!tpu.dma_semaphore, #tpu.memory_space<semaphore_mem>>, %arg15: memref<!tpu.dma_semaphore, #tpu.memory_space<semaphore_mem>>, %arg16: memref<!tpu.dma_semaphore, #tpu.memory_space<semaphore_mem>>) attributes {dimension_semantics = [#tpu.dimension_semantics<core_parallel>, #tpu.dimension_semantics<subcore_parallel>], iteration_bounds = array<i64: 2, 16>, scalar_prefetch = 0 : i64, scratch_operands = 11 : i64, tpu.core_type = #tpu.core_type<sc_vector_subcore>, window_params = [{transform_indices = #map}, {transform_indices = #map}, {transform_indices = #map}, {transform_indices = #map1}]} {
    %mul3A = arith.constant 2 : i32
    %mul3A_0 = arith.muli %arg1, %mul3A : i32
    %add3A = arith.addi %mul3A_0, %arg0 : i32
    %mul3A_1 = arith.constant 512 : i32
    %mul3A_2 = arith.muli %add3A, %mul3A_1 : i32
    %mul3A_3 = arith.constant 4 : i32
    %mul3A_4 = arith.muli %add3A, %mul3A_3 : i32
    "tpu.region"() ({
      %run_scoped3A = tpu.sem_alloc : memref<!tpu.dma_semaphore, #tpu.memory_space<semaphore_mem>>
      %dma_start3A_142 = arith.constant 0 : i32
      %dma_start3A_143 = tpu.memref_slice %arg2[%mul3A_4, %dma_start3A_142] : memref<128x128xi32, #tpu.memory_space<hbm>> -> memref<4x128xi32, #tpu.memory_space<hbm>>
      %dma_start3A_144 = arith.constant 0 : i32
      %dma_start3A_145 = tpu.memref_slice %arg2[%mul3A_4, %dma_start3A_144] : memref<128x128xi32, #tpu.memory_space<hbm>> -> memref<4x128xi32, #tpu.memory_space<hbm>>
      tpu.enqueue_dma source(%dma_start3A_145 : memref<4x128xi32, #tpu.memory_space<hbm>>) target(%arg6 : memref<4x128xi32, #tpu.memory_space<vmem>>) target_semaphore(%run_scoped3A : memref<!tpu.dma_semaphore, #tpu.memory_space<semaphore_mem>>)
      %dma_wait3A_146 = arith.constant 0 : i32
      %dma_wait3A_147 = tpu.memref_slice %arg2[%mul3A_4, %dma_wait3A_146] : memref<128x128xi32, #tpu.memory_space<hbm>> -> memref<4x128xi32, #tpu.memory_space<hbm>>
      %dma_wait3A_148 = arith.constant 0 : i32
      %dma_wait3A_149 = tpu.memref_slice %arg2[%mul3A_4, %dma_wait3A_148] : memref<128x128xi32, #tpu.memory_space<hbm>> -> memref<4x128xi32, #tpu.memory_space<hbm>>
      tpu.wait_dma2 semaphore(%run_scoped3A : memref<!tpu.dma_semaphore, #tpu.memory_space<semaphore_mem>>) src(%dma_wait3A_149 : memref<4x128xi32, #tpu.memory_space<hbm>>) dst(%arg6 : memref<4x128xi32, #tpu.memory_space<vmem>>)
      tpu.yield
    }) : () -> ()
    "tpu.region"() ({
      %run_scoped3A = tpu.sem_alloc : memref<!tpu.dma_semaphore, #tpu.memory_space<semaphore_mem>>
      %dma_start3A_142 = arith.constant 0 : i32
      %dma_start3A_143 = tpu.memref_slice %arg3[%mul3A_4, %dma_start3A_142] : memref<128x128xi32, #tpu.memory_space<hbm>> -> memref<4x128xi32, #tpu.memory_space<hbm>>
      %dma_start3A_144 = arith.constant 0 : i32
      %dma_start3A_145 = tpu.memref_slice %arg3[%mul3A_4, %dma_start3A_144] : memref<128x128xi32, #tpu.memory_space<hbm>> -> memref<4x128xi32, #tpu.memory_space<hbm>>
      tpu.enqueue_dma source(%dma_start3A_145 : memref<4x128xi32, #tpu.memory_space<hbm>>) target(%arg7 : memref<4x128xi32, #tpu.memory_space<vmem>>) target_semaphore(%run_scoped3A : memref<!tpu.dma_semaphore, #tpu.memory_space<semaphore_mem>>)
      %dma_wait3A_146 = arith.constant 0 : i32
      %dma_wait3A_147 = tpu.memref_slice %arg3[%mul3A_4, %dma_wait3A_146] : memref<128x128xi32, #tpu.memory_space<hbm>> -> memref<4x128xi32, #tpu.memory_space<hbm>>
      %dma_wait3A_148 = arith.constant 0 : i32
      %dma_wait3A_149 = tpu.memref_slice %arg3[%mul3A_4, %dma_wait3A_148] : memref<128x128xi32, #tpu.memory_space<hbm>> -> memref<4x128xi32, #tpu.memory_space<hbm>>
      tpu.wait_dma2 semaphore(%run_scoped3A : memref<!tpu.dma_semaphore, #tpu.memory_space<semaphore_mem>>) src(%dma_wait3A_149 : memref<4x128xi32, #tpu.memory_space<hbm>>) dst(%arg7 : memref<4x128xi32, #tpu.memory_space<vmem>>)
      tpu.yield
    }) : () -> ()
    %iota3A = tpu.iota {dimensions = array<i32: 0>} : vector<16xi32>
    %dma_start3A = arith.constant 0 : i32
    %dma_start3A_5 = arith.constant 0 : i32
    %dma_start3A_6 = tpu.memref_slice %arg6[%dma_start3A, %dma_start3A_5] : memref<4x128xi32, #tpu.memory_space<vmem>> -> memref<1x128xi32, #tpu.memory_space<vmem>>
    %dma_start3A_7 = tpu.memref_squeeze %dma_start3A_6 : memref<1x128xi32, #tpu.memory_space<vmem>> -> memref<128xi32, #tpu.memory_space<vmem>>
    %dma_start3A_8 = arith.constant 0 : i32
    %dma_start3A_9 = arith.constant 0 : i32
    %dma_start3A_10 = tpu.memref_slice %arg4[%dma_start3A_8, %dma_start3A_9] : memref<100000x128xf32, #tpu.memory_space<hbm>> -> memref<100000x128xf32, #tpu.memory_space<hbm>>
    tpu.enqueue_indirect_dma source(%dma_start3A_10 : memref<100000x128xf32, #tpu.memory_space<hbm>>) target(%arg8 : memref<128x128xf32, #tpu.memory_space<vmem>>) offsets(%dma_start3A_7 : memref<128xi32, #tpu.memory_space<vmem>>) semaphore(%arg13 : memref<!tpu.dma_semaphore, #tpu.memory_space<semaphore_mem>>)
    %dma_start3A_11 = arith.constant 0 : i32
    %dma_start3A_12 = arith.constant 0 : i32
    %dma_start3A_13 = tpu.memref_slice %arg7[%dma_start3A_11, %dma_start3A_12] : memref<4x128xi32, #tpu.memory_space<vmem>> -> memref<1x128xi32, #tpu.memory_space<vmem>>
    %dma_start3A_14 = tpu.memref_squeeze %dma_start3A_13 : memref<1x128xi32, #tpu.memory_space<vmem>> -> memref<128xi32, #tpu.memory_space<vmem>>
    %dma_start3A_15 = arith.constant 0 : i32
    %dma_start3A_16 = arith.constant 0 : i32
    %dma_start3A_17 = tpu.memref_slice %arg4[%dma_start3A_15, %dma_start3A_16] : memref<100000x128xf32, #tpu.memory_space<hbm>> -> memref<100000x128xf32, #tpu.memory_space<hbm>>
    tpu.enqueue_indirect_dma source(%dma_start3A_17 : memref<100000x128xf32, #tpu.memory_space<hbm>>) target(%arg9 : memref<128x128xf32, #tpu.memory_space<vmem>>) offsets(%dma_start3A_14 : memref<128xi32, #tpu.memory_space<vmem>>) semaphore(%arg14 : memref<!tpu.dma_semaphore, #tpu.memory_space<semaphore_mem>>)
    %dma_start3A_18 = arith.constant 1 : i32
    %dma_start3A_19 = arith.constant 0 : i32
    %dma_start3A_20 = tpu.memref_slice %arg6[%dma_start3A_18, %dma_start3A_19] : memref<4x128xi32, #tpu.memory_space<vmem>> -> memref<1x128xi32, #tpu.memory_space<vmem>>
    %dma_start3A_21 = tpu.memref_squeeze %dma_start3A_20 : memref<1x128xi32, #tpu.memory_space<vmem>> -> memref<128xi32, #tpu.memory_space<vmem>>
    %dma_start3A_22 = arith.constant 0 : i32
    %dma_start3A_23 = arith.constant 0 : i32
    %dma_start3A_24 = tpu.memref_slice %arg4[%dma_start3A_22, %dma_start3A_23] : memref<100000x128xf32, #tpu.memory_space<hbm>> -> memref<100000x128xf32, #tpu.memory_space<hbm>>
    tpu.enqueue_indirect_dma source(%dma_start3A_24 : memref<100000x128xf32, #tpu.memory_space<hbm>>) target(%arg10 : memref<128x128xf32, #tpu.memory_space<vmem>>) offsets(%dma_start3A_21 : memref<128xi32, #tpu.memory_space<vmem>>) semaphore(%arg15 : memref<!tpu.dma_semaphore, #tpu.memory_space<semaphore_mem>>)
    %dma_start3A_25 = arith.constant 1 : i32
    %dma_start3A_26 = arith.constant 0 : i32
    %dma_start3A_27 = tpu.memref_slice %arg7[%dma_start3A_25, %dma_start3A_26] : memref<4x128xi32, #tpu.memory_space<vmem>> -> memref<1x128xi32, #tpu.memory_space<vmem>>
    %dma_start3A_28 = tpu.memref_squeeze %dma_start3A_27 : memref<1x128xi32, #tpu.memory_space<vmem>> -> memref<128xi32, #tpu.memory_space<vmem>>
    %dma_start3A_29 = arith.constant 0 : i32
    %dma_start3A_30 = arith.constant 0 : i32
    %dma_start3A_31 = tpu.memref_slice %arg4[%dma_start3A_29, %dma_start3A_30] : memref<100000x128xf32, #tpu.memory_space<hbm>> -> memref<100000x128xf32, #tpu.memory_space<hbm>>
    tpu.enqueue_indirect_dma source(%dma_start3A_31 : memref<100000x128xf32, #tpu.memory_space<hbm>>) target(%arg11 : memref<128x128xf32, #tpu.memory_space<vmem>>) offsets(%dma_start3A_28 : memref<128xi32, #tpu.memory_space<vmem>>) semaphore(%arg16 : memref<!tpu.dma_semaphore, #tpu.memory_space<semaphore_mem>>)
    %dma_wait3A = arith.constant 0 : i32
    %dma_wait3A_32 = arith.constant 0 : i32
    %dma_wait3A_33 = tpu.memref_slice %arg6[%dma_wait3A, %dma_wait3A_32] : memref<4x128xi32, #tpu.memory_space<vmem>> -> memref<1x128xi32, #tpu.memory_space<vmem>>
    %dma_wait3A_34 = tpu.memref_squeeze %dma_wait3A_33 : memref<1x128xi32, #tpu.memory_space<vmem>> -> memref<128xi32, #tpu.memory_space<vmem>>
    %dma_wait3A_35 = arith.constant 0 : i32
    %dma_wait3A_36 = arith.constant 0 : i32
    %dma_wait3A_37 = tpu.memref_slice %arg4[%dma_wait3A_35, %dma_wait3A_36] : memref<100000x128xf32, #tpu.memory_space<hbm>> -> memref<100000x128xf32, #tpu.memory_space<hbm>>
    tpu.wait_indirect_dma semaphore(%arg13 : memref<!tpu.dma_semaphore, #tpu.memory_space<semaphore_mem>>) src(%dma_wait3A_37 : memref<100000x128xf32, #tpu.memory_space<hbm>>) dst(%arg8 : memref<128x128xf32, #tpu.memory_space<vmem>>)
    %dma_wait3A_38 = arith.constant 0 : i32
    %dma_wait3A_39 = arith.constant 0 : i32
    %dma_wait3A_40 = tpu.memref_slice %arg7[%dma_wait3A_38, %dma_wait3A_39] : memref<4x128xi32, #tpu.memory_space<vmem>> -> memref<1x128xi32, #tpu.memory_space<vmem>>
    %dma_wait3A_41 = tpu.memref_squeeze %dma_wait3A_40 : memref<1x128xi32, #tpu.memory_space<vmem>> -> memref<128xi32, #tpu.memory_space<vmem>>
    %dma_wait3A_42 = arith.constant 0 : i32
    %dma_wait3A_43 = arith.constant 0 : i32
    %dma_wait3A_44 = tpu.memref_slice %arg4[%dma_wait3A_42, %dma_wait3A_43] : memref<100000x128xf32, #tpu.memory_space<hbm>> -> memref<100000x128xf32, #tpu.memory_space<hbm>>
    tpu.wait_indirect_dma semaphore(%arg14 : memref<!tpu.dma_semaphore, #tpu.memory_space<semaphore_mem>>) src(%dma_wait3A_44 : memref<100000x128xf32, #tpu.memory_space<hbm>>) dst(%arg9 : memref<128x128xf32, #tpu.memory_space<vmem>>)
    %scan3A = arith.constant 0 : i32
    %scan3A_45 = arith.constant 0 : i32
    %scan3A_46 = arith.constant 8 : i32
    %scan3A_47 = arith.addi %scan3A_45, %scan3A_46 : i32
    %scan3A_48 = arith.constant 1 : i32
    %scan3A_49 = scf.for %scan3A_142 = %scan3A_45 to %scan3A_47 step %scan3A_48 iter_args(%scan3A_143 = %scan3A) -> (i32)  : i32 {
      %mul3A_144 = arith.constant 16 : i32
      %mul3A_145 = arith.muli %scan3A_142, %mul3A_144 : i32
      %broadcast_in_dim3A = arith.constant 0.000000e+00 : f32
      %broadcast_in_dim3A_146 = vector.broadcast %broadcast_in_dim3A : f32 to vector<16xf32>
      %add3A_147 = arith.constant 0 : i32
      %add3A_148 = arith.addi %mul3A_145, %add3A_147 : i32
      %get3A = arith.index_cast %add3A_148 : i32 to index
      %get3A_149 = arith.constant 0 : index
      %get3A_150 = tpu.vector_load %arg8[%get3A, %get3A_149] {strides = array<i32>} : memref<128x128xf32, #tpu.memory_space<vmem>>, vector<16xf32>,
      %get3A_151 = arith.index_cast %add3A_148 : i32 to index
      %get3A_152 = arith.constant 0 : index
      %get3A_153 = tpu.vector_load %arg9[%get3A_151, %get3A_152] {strides = array<i32>} : memref<128x128xf32, #tpu.memory_space<vmem>>, vector<16xf32>,
      %mul3A_154 = arith.mulf %get3A_150, %get3A_153 : vector<16xf32>
      %get3A_155 = arith.index_cast %add3A_148 : i32 to index
      %get3A_156 = arith.constant 16 : index
      %get3A_157 = tpu.vector_load %arg8[%get3A_155, %get3A_156] {strides = array<i32>} : memref<128x128xf32, #tpu.memory_space<vmem>>, vector<16xf32>,
      %get3A_158 = arith.index_cast %add3A_148 : i32 to index
      %get3A_159 = arith.constant 16 : index
      %get3A_160 = tpu.vector_load %arg9[%get3A_158, %get3A_159] {strides = array<i32>} : memref<128x128xf32, #tpu.memory_space<vmem>>, vector<16xf32>,
      %mul3A_161 = arith.mulf %get3A_157, %get3A_160 : vector<16xf32>
      %add3A_162 = arith.addf %mul3A_154, %mul3A_161 : vector<16xf32>
      %get3A_163 = arith.index_cast %add3A_148 : i32 to index
      %get3A_164 = arith.constant 32 : index
      %get3A_165 = tpu.vector_load %arg8[%get3A_163, %get3A_164] {strides = array<i32>} : memref<128x128xf32, #tpu.memory_space<vmem>>, vector<16xf32>,
      %get3A_166 = arith.index_cast %add3A_148 : i32 to index
      %get3A_167 = arith.constant 32 : index
      %get3A_168 = tpu.vector_load %arg9[%get3A_166, %get3A_167] {strides = array<i32>} : memref<128x128xf32, #tpu.memory_space<vmem>>, vector<16xf32>,
      %mul3A_169 = arith.mulf %get3A_165, %get3A_168 : vector<16xf32>
      %add3A_170 = arith.addf %add3A_162, %mul3A_169 : vector<16xf32>
      %get3A_171 = arith.index_cast %add3A_148 : i32 to index
      %get3A_172 = arith.constant 48 : index
      %get3A_173 = tpu.vector_load %arg8[%get3A_171, %get3A_172] {strides = array<i32>} : memref<128x128xf32, #tpu.memory_space<vmem>>, vector<16xf32>,
      %get3A_174 = arith.index_cast %add3A_148 : i32 to index
      %get3A_175 = arith.constant 48 : index
      %get3A_176 = tpu.vector_load %arg9[%get3A_174, %get3A_175] {strides = array<i32>} : memref<128x128xf32, #tpu.memory_space<vmem>>, vector<16xf32>,
      %mul3A_177 = arith.mulf %get3A_173, %get3A_176 : vector<16xf32>
      %add3A_178 = arith.addf %add3A_170, %mul3A_177 : vector<16xf32>
      %eq3A = arith.constant 0 : i32
      %eq3A_179 = vector.broadcast %eq3A : i32 to vector<16xi32>
      %eq3A_180 = arith.cmpi eq, %iota3A, %eq3A_179 : vector<16xi32>
      %reduce_sum3A = arith.constant true
      %reduce_sum3A_181 = vector.broadcast %reduce_sum3A : i1 to vector<16xi1>
      %reduce_sum3A_182 = tpu.scan <sum>, %add3A_178 masked %reduce_sum3A_181 : vector<16xf32>, vector<16xi1> -> vector<16xf32>
      %reduce_sum3A_183 = vector.extract %reduce_sum3A_182[15] : f32 from vector<16xf32>
      %broadcast_in_dim3A_184 = vector.broadcast %reduce_sum3A_183 : f32 to vector<16xf32>
      %select_n3A = arith.select %eq3A_180, %broadcast_in_dim3A_184, %broadcast_in_dim3A_146 : vector<16xi1>, vector<16xf32>
      %add3A_185 = arith.constant 1 : i32
      %add3A_186 = arith.addi %mul3A_145, %add3A_185 : i32
      %get3A_187 = arith.index_cast %add3A_186 : i32 to index
      %get3A_188 = arith.constant 0 : index
      %get3A_189 = tpu.vector_load %arg8[%get3A_187, %get3A_188] {strides = array<i32>} : memref<128x128xf32, #tpu.memory_space<vmem>>, vector<16xf32>,
      %get3A_190 = arith.index_cast %add3A_186 : i32 to index
      %get3A_191 = arith.constant 0 : index
      %get3A_192 = tpu.vector_load %arg9[%get3A_190, %get3A_191] {strides = array<i32>} : memref<128x128xf32, #tpu.memory_space<vmem>>, vector<16xf32>,
      %mul3A_193 = arith.mulf %get3A_189, %get3A_192 : vector<16xf32>
      %get3A_194 = arith.index_cast %add3A_186 : i32 to index
      %get3A_195 = arith.constant 16 : index
      %get3A_196 = tpu.vector_load %arg8[%get3A_194, %get3A_195] {strides = array<i32>} : memref<128x128xf32, #tpu.memory_space<vmem>>, vector<16xf32>,
      %get3A_197 = arith.index_cast %add3A_186 : i32 to index
      %get3A_198 = arith.constant 16 : index
      %get3A_199 = tpu.vector_load %arg9[%get3A_197, %get3A_198] {strides = array<i32>} : memref<128x128xf32, #tpu.memory_space<vmem>>, vector<16xf32>,
      %mul3A_200 = arith.mulf %get3A_196, %get3A_199 : vector<16xf32>
      %add3A_201 = arith.addf %mul3A_193, %mul3A_200 : vector<16xf32>
      %get3A_202 = arith.index_cast %add3A_186 : i32 to index
      %get3A_203 = arith.constant 32 : index
      %get3A_204 = tpu.vector_load %arg8[%get3A_202, %get3A_203] {strides = array<i32>} : memref<128x128xf32, #tpu.memory_space<vmem>>, vector<16xf32>,
      %get3A_205 = arith.index_cast %add3A_186 : i32 to index
      %get3A_206 = arith.constant 32 : index
      %get3A_207 = tpu.vector_load %arg9[%get3A_205, %get3A_206] {strides = array<i32>} : memref<128x128xf32, #tpu.memory_space<vmem>>, vector<16xf32>,
      %mul3A_208 = arith.mulf %get3A_204, %get3A_207 : vector<16xf32>
      %add3A_209 = arith.addf %add3A_201, %mul3A_208 : vector<16xf32>
      %get3A_210 = arith.index_cast %add3A_186 : i32 to index
      %get3A_211 = arith.constant 48 : index
      %get3A_212 = tpu.vector_load %arg8[%get3A_210, %get3A_211] {strides = array<i32>} : memref<128x128xf32, #tpu.memory_space<vmem>>, vector<16xf32>,
      %get3A_213 = arith.index_cast %add3A_186 : i32 to index
      %get3A_214 = arith.constant 48 : index
      %get3A_215 = tpu.vector_load %arg9[%get3A_213, %get3A_214] {strides = array<i32>} : memref<128x128xf32, #tpu.memory_space<vmem>>, vector<16xf32>,
      %mul3A_216 = arith.mulf %get3A_212, %get3A_215 : vector<16xf32>
      %add3A_217 = arith.addf %add3A_209, %mul3A_216 : vector<16xf32>
      %eq3A_218 = arith.constant 1 : i32
      %eq3A_219 = vector.broadcast %eq3A_218 : i32 to vector<16xi32>
      %eq3A_220 = arith.cmpi eq, %iota3A, %eq3A_219 : vector<16xi32>
      %reduce_sum3A_221 = arith.constant true
      %reduce_sum3A_222 = vector.broadcast %reduce_sum3A_221 : i1 to vector<16xi1>
      %reduce_sum3A_223 = tpu.scan <sum>, %add3A_217 masked %reduce_sum3A_222 : vector<16xf32>, vector<16xi1> -> vector<16xf32>
      %reduce_sum3A_224 = vector.extract %reduce_sum3A_223[15] : f32 from vector<16xf32>
      %broadcast_in_dim3A_225 = vector.broadcast %reduce_sum3A_224 : f32 to vector<16xf32>
      %select_n3A_226 = arith.select %eq3A_220, %broadcast_in_dim3A_225, %select_n3A : vector<16xi1>, vector<16xf32>
      %add3A_227 = arith.constant 2 : i32
      %add3A_228 = arith.addi %mul3A_145, %add3A_227 : i32
      %get3A_229 = arith.index_cast %add3A_228 : i32 to index
      %get3A_230 = arith.constant 0 : index
      %get3A_231 = tpu.vector_load %arg8[%get3A_229, %get3A_230] {strides = array<i32>} : memref<128x128xf32, #tpu.memory_space<vmem>>, vector<16xf32>,
      %get3A_232 = arith.index_cast %add3A_228 : i32 to index
      %get3A_233 = arith.constant 0 : index
      %get3A_234 = tpu.vector_load %arg9[%get3A_232, %get3A_233] {strides = array<i32>} : memref<128x128xf32, #tpu.memory_space<vmem>>, vector<16xf32>,
      %mul3A_235 = arith.mulf %get3A_231, %get3A_234 : vector<16xf32>
      %get3A_236 = arith.index_cast %add3A_228 : i32 to index
      %get3A_237 = arith.constant 16 : index
      %get3A_238 = tpu.vector_load %arg8[%get3A_236, %get3A_237] {strides = array<i32>} : memref<128x128xf32, #tpu.memory_space<vmem>>, vector<16xf32>,
      %get3A_239 = arith.index_cast %add3A_228 : i32 to index
      %get3A_240 = arith.constant 16 : index
      %get3A_241 = tpu.vector_load %arg9[%get3A_239, %get3A_240] {strides = array<i32>} : memref<128x128xf32, #tpu.memory_space<vmem>>, vector<16xf32>,
      %mul3A_242 = arith.mulf %get3A_238, %get3A_241 : vector<16xf32>
      %add3A_243 = arith.addf %mul3A_235, %mul3A_242 : vector<16xf32>
      %get3A_244 = arith.index_cast %add3A_228 : i32 to index
      %get3A_245 = arith.constant 32 : index
      %get3A_246 = tpu.vector_load %arg8[%get3A_244, %get3A_245] {strides = array<i32>} : memref<128x128xf32, #tpu.memory_space<vmem>>, vector<16xf32>,
      %get3A_247 = arith.index_cast %add3A_228 : i32 to index
      %get3A_248 = arith.constant 32 : index
      %get3A_249 = tpu.vector_load %arg9[%get3A_247, %get3A_248] {strides = array<i32>} : memref<128x128xf32, #tpu.memory_space<vmem>>, vector<16xf32>,
      %mul3A_250 = arith.mulf %get3A_246, %get3A_249 : vector<16xf32>
      %add3A_251 = arith.addf %add3A_243, %mul3A_250 : vector<16xf32>
      %get3A_252 = arith.index_cast %add3A_228 : i32 to index
      %get3A_253 = arith.constant 48 : index
      %get3A_254 = tpu.vector_load %arg8[%get3A_252, %get3A_253] {strides = array<i32>} : memref<128x128xf32, #tpu.memory_space<vmem>>, vector<16xf32>,
      %get3A_255 = arith.index_cast %add3A_228 : i32 to index
      %get3A_256 = arith.constant 48 : index
      %get3A_257 = tpu.vector_load %arg9[%get3A_255, %get3A_256] {strides = array<i32>} : memref<128x128xf32, #tpu.memory_space<vmem>>, vector<16xf32>,
      %mul3A_258 = arith.mulf %get3A_254, %get3A_257 : vector<16xf32>
      %add3A_259 = arith.addf %add3A_251, %mul3A_258 : vector<16xf32>
      %eq3A_260 = arith.constant 2 : i32
      %eq3A_261 = vector.broadcast %eq3A_260 : i32 to vector<16xi32>
      %eq3A_262 = arith.cmpi eq, %iota3A, %eq3A_261 : vector<16xi32>
      %reduce_sum3A_263 = arith.constant true
      %reduce_sum3A_264 = vector.broadcast %reduce_sum3A_263 : i1 to vector<16xi1>
      %reduce_sum3A_265 = tpu.scan <sum>, %add3A_259 masked %reduce_sum3A_264 : vector<16xf32>, vector<16xi1> -> vector<16xf32>
      %reduce_sum3A_266 = vector.extract %reduce_sum3A_265[15] : f32 from vector<16xf32>
      %broadcast_in_dim3A_267 = vector.broadcast %reduce_sum3A_266 : f32 to vector<16xf32>
      %select_n3A_268 = arith.select %eq3A_262, %broadcast_in_dim3A_267, %select_n3A_226 : vector<16xi1>, vector<16xf32>
      %add3A_269 = arith.constant 3 : i32
      %add3A_270 = arith.addi %mul3A_145, %add3A_269 : i32
      %get3A_271 = arith.index_cast %add3A_270 : i32 to index
      %get3A_272 = arith.constant 0 : index
      %get3A_273 = tpu.vector_load %arg8[%get3A_271, %get3A_272] {strides = array<i32>} : memref<128x128xf32, #tpu.memory_space<vmem>>, vector<16xf32>,
      %get3A_274 = arith.index_cast %add3A_270 : i32 to index
      %get3A_275 = arith.constant 0 : index
      %get3A_276 = tpu.vector_load %arg9[%get3A_274, %get3A_275] {strides = array<i32>} : memref<128x128xf32, #tpu.memory_space<vmem>>, vector<16xf32>,
      %mul3A_277 = arith.mulf %get3A_273, %get3A_276 : vector<16xf32>
      %get3A_278 = arith.index_cast %add3A_270 : i32 to index
      %get3A_279 = arith.constant 16 : index
      %get3A_280 = tpu.vector_load %arg8[%get3A_278, %get3A_279] {strides = array<i32>} : memref<128x128xf32, #tpu.memory_space<vmem>>, vector<16xf32>,
      %get3A_281 = arith.index_cast %add3A_270 : i32 to index
      %get3A_282 = arith.constant 16 : index
      %get3A_283 = tpu.vector_load %arg9[%get3A_281, %get3A_282] {strides = array<i32>} : memref<128x128xf32, #tpu.memory_space<vmem>>, vector<16xf32>,
      %mul3A_284 = arith.mulf %get3A_280, %get3A_283 : vector<16xf32>
      %add3A_285 = arith.addf %mul3A_277, %mul3A_284 : vector<16xf32>
      %get3A_286 = arith.index_cast %add3A_270 : i32 to index
      %get3A_287 = arith.constant 32 : index
      %get3A_288 = tpu.vector_load %arg8[%get3A_286, %get3A_287] {strides = array<i32>} : memref<128x128xf32, #tpu.memory_space<vmem>>, vector<16xf32>,
      %get3A_289 = arith.index_cast %add3A_270 : i32 to index
      %get3A_290 = arith.constant 32 : index
      %get3A_291 = tpu.vector_load %arg9[%get3A_289, %get3A_290] {strides = array<i32>} : memref<128x128xf32, #tpu.memory_space<vmem>>, vector<16xf32>,
      %mul3A_292 = arith.mulf %get3A_288, %get3A_291 : vector<16xf32>
      %add3A_293 = arith.addf %add3A_285, %mul3A_292 : vector<16xf32>
      %get3A_294 = arith.index_cast %add3A_270 : i32 to index
      %get3A_295 = arith.constant 48 : index
      %get3A_296 = tpu.vector_load %arg8[%get3A_294, %get3A_295] {strides = array<i32>} : memref<128x128xf32, #tpu.memory_space<vmem>>, vector<16xf32>,
      %get3A_297 = arith.index_cast %add3A_270 : i32 to index
      %get3A_298 = arith.constant 48 : index
      %get3A_299 = tpu.vector_load %arg9[%get3A_297, %get3A_298] {strides = array<i32>} : memref<128x128xf32, #tpu.memory_space<vmem>>, vector<16xf32>,
      %mul3A_300 = arith.mulf %get3A_296, %get3A_299 : vector<16xf32>
      %add3A_301 = arith.addf %add3A_293, %mul3A_300 : vector<16xf32>
      %eq3A_302 = arith.constant 3 : i32
      %eq3A_303 = vector.broadcast %eq3A_302 : i32 to vector<16xi32>
      %eq3A_304 = arith.cmpi eq, %iota3A, %eq3A_303 : vector<16xi32>
      %reduce_sum3A_305 = arith.constant true
      %reduce_sum3A_306 = vector.broadcast %reduce_sum3A_305 : i1 to vector<16xi1>
      %reduce_sum3A_307 = tpu.scan <sum>, %add3A_301 masked %reduce_sum3A_306 : vector<16xf32>, vector<16xi1> -> vector<16xf32>
      %reduce_sum3A_308 = vector.extract %reduce_sum3A_307[15] : f32 from vector<16xf32>
      %broadcast_in_dim3A_309 = vector.broadcast %reduce_sum3A_308 : f32 to vector<16xf32>
      %select_n3A_310 = arith.select %eq3A_304, %broadcast_in_dim3A_309, %select_n3A_268 : vector<16xi1>, vector<16xf32>
      %add3A_311 = arith.constant 4 : i32
      %add3A_312 = arith.addi %mul3A_145, %add3A_311 : i32
      %get3A_313 = arith.index_cast %add3A_312 : i32 to index
      %get3A_314 = arith.constant 0 : index
      %get3A_315 = tpu.vector_load %arg8[%get3A_313, %get3A_314] {strides = array<i32>} : memref<128x128xf32, #tpu.memory_space<vmem>>, vector<16xf32>,
      %get3A_316 = arith.index_cast %add3A_312 : i32 to index
      %get3A_317 = arith.constant 0 : index
      %get3A_318 = tpu.vector_load %arg9[%get3A_316, %get3A_317] {strides = array<i32>} : memref<128x128xf32, #tpu.memory_space<vmem>>, vector<16xf32>,
      %mul3A_319 = arith.mulf %get3A_315, %get3A_318 : vector<16xf32>
      %get3A_320 = arith.index_cast %add3A_312 : i32 to index
      %get3A_321 = arith.constant 16 : index
      %get3A_322 = tpu.vector_load %arg8[%get3A_320, %get3A_321] {strides = array<i32>} : memref<128x128xf32, #tpu.memory_space<vmem>>, vector<16xf32>,
      %get3A_323 = arith.index_cast %add3A_312 : i32 to index
      %get3A_324 = arith.constant 16 : index
      %get3A_325 = tpu.vector_load %arg9[%get3A_323, %get3A_324] {strides = array<i32>} : memref<128x128xf32, #tpu.memory_space<vmem>>, vector<16xf32>,
      %mul3A_326 = arith.mulf %get3A_322, %get3A_325 : vector<16xf32>
      %add3A_327 = arith.addf %mul3A_319, %mul3A_326 : vector<16xf32>
      %get3A_328 = arith.index_cast %add3A_312 : i32 to index
      %get3A_329 = arith.constant 32 : index
      %get3A_330 = tpu.vector_load %arg8[%get3A_328, %get3A_329] {strides = array<i32>} : memref<128x128xf32, #tpu.memory_space<vmem>>, vector<16xf32>,
      %get3A_331 = arith.index_cast %add3A_312 : i32 to index
      %get3A_332 = arith.constant 32 : index
      %get3A_333 = tpu.vector_load %arg9[%get3A_331, %get3A_332] {strides = array<i32>} : memref<128x128xf32, #tpu.memory_space<vmem>>, vector<16xf32>,
      %mul3A_334 = arith.mulf %get3A_330, %get3A_333 : vector<16xf32>
      %add3A_335 = arith.addf %add3A_327, %mul3A_334 : vector<16xf32>
      %get3A_336 = arith.index_cast %add3A_312 : i32 to index
      %get3A_337 = arith.constant 48 : index
      %get3A_338 = tpu.vector_load %arg8[%get3A_336, %get3A_337] {strides = array<i32>} : memref<128x128xf32, #tpu.memory_space<vmem>>, vector<16xf32>,
      %get3A_339 = arith.index_cast %add3A_312 : i32 to index
      %get3A_340 = arith.constant 48 : index
      %get3A_341 = tpu.vector_load %arg9[%get3A_339, %get3A_340] {strides = array<i32>} : memref<128x128xf32, #tpu.memory_space<vmem>>, vector<16xf32>,
      %mul3A_342 = arith.mulf %get3A_338, %get3A_341 : vector<16xf32>
      %add3A_343 = arith.addf %add3A_335, %mul3A_342 : vector<16xf32>
      %eq3A_344 = arith.constant 4 : i32
      %eq3A_345 = vector.broadcast %eq3A_344 : i32 to vector<16xi32>
      %eq3A_346 = arith.cmpi eq, %iota3A, %eq3A_345 : vector<16xi32>
      %reduce_sum3A_347 = arith.constant true
      %reduce_sum3A_348 = vector.broadcast %reduce_sum3A_347 : i1 to vector<16xi1>
      %reduce_sum3A_349 = tpu.scan <sum>, %add3A_343 masked %reduce_sum3A_348 : vector<16xf32>, vector<16xi1> -> vector<16xf32>
      %reduce_sum3A_350 = vector.extract %reduce_sum3A_349[15] : f32 from vector<16xf32>
      %broadcast_in_dim3A_351 = vector.broadcast %reduce_sum3A_350 : f32 to vector<16xf32>
      %select_n3A_352 = arith.select %eq3A_346, %broadcast_in_dim3A_351, %select_n3A_310 : vector<16xi1>, vector<16xf32>
      %add3A_353 = arith.constant 5 : i32
      %add3A_354 = arith.addi %mul3A_145, %add3A_353 : i32
      %get3A_355 = arith.index_cast %add3A_354 : i32 to index
      %get3A_356 = arith.constant 0 : index
      %get3A_357 = tpu.vector_load %arg8[%get3A_355, %get3A_356] {strides = array<i32>} : memref<128x128xf32, #tpu.memory_space<vmem>>, vector<16xf32>,
      %get3A_358 = arith.index_cast %add3A_354 : i32 to index
      %get3A_359 = arith.constant 0 : index
      %get3A_360 = tpu.vector_load %arg9[%get3A_358, %get3A_359] {strides = array<i32>} : memref<128x128xf32, #tpu.memory_space<vmem>>, vector<16xf32>,
      %mul3A_361 = arith.mulf %get3A_357, %get3A_360 : vector<16xf32>
      %get3A_362 = arith.index_cast %add3A_354 : i32 to index
      %get3A_363 = arith.constant 16 : index
      %get3A_364 = tpu.vector_load %arg8[%get3A_362, %get3A_363] {strides = array<i32>} : memref<128x128xf32, #tpu.memory_space<vmem>>, vector<16xf32>,
      %get3A_365 = arith.index_cast %add3A_354 : i32 to index
      %get3A_366 = arith.constant 16 : index
      %get3A_367 = tpu.vector_load %arg9[%get3A_365, %get3A_366] {strides = array<i32>} : memref<128x128xf32, #tpu.memory_space<vmem>>, vector<16xf32>,
      %mul3A_368 = arith.mulf %get3A_364, %get3A_367 : vector<16xf32>
      %add3A_369 = arith.addf %mul3A_361, %mul3A_368 : vector<16xf32>
      %get3A_370 = arith.index_cast %add3A_354 : i32 to index
      %get3A_371 = arith.constant 32 : index
      %get3A_372 = tpu.vector_load %arg8[%get3A_370, %get3A_371] {strides = array<i32>} : memref<128x128xf32, #tpu.memory_space<vmem>>, vector<16xf32>,
      %get3A_373 = arith.index_cast %add3A_354 : i32 to index
      %get3A_374 = arith.constant 32 : index
      %get3A_375 = tpu.vector_load %arg9[%get3A_373, %get3A_374] {strides = array<i32>} : memref<128x128xf32, #tpu.memory_space<vmem>>, vector<16xf32>,
      %mul3A_376 = arith.mulf %get3A_372, %get3A_375 : vector<16xf32>
      %add3A_377 = arith.addf %add3A_369, %mul3A_376 : vector<16xf32>
      %get3A_378 = arith.index_cast %add3A_354 : i32 to index
      %get3A_379 = arith.constant 48 : index
      %get3A_380 = tpu.vector_load %arg8[%get3A_378, %get3A_379] {strides = array<i32>} : memref<128x128xf32, #tpu.memory_space<vmem>>, vector<16xf32>,
      %get3A_381 = arith.index_cast %add3A_354 : i32 to index
      %get3A_382 = arith.constant 48 : index
      %get3A_383 = tpu.vector_load %arg9[%get3A_381, %get3A_382] {strides = array<i32>} : memref<128x128xf32, #tpu.memory_space<vmem>>, vector<16xf32>,
      %mul3A_384 = arith.mulf %get3A_380, %get3A_383 : vector<16xf32>
      %add3A_385 = arith.addf %add3A_377, %mul3A_384 : vector<16xf32>
      %eq3A_386 = arith.constant 5 : i32
      %eq3A_387 = vector.broadcast %eq3A_386 : i32 to vector<16xi32>
      %eq3A_388 = arith.cmpi eq, %iota3A, %eq3A_387 : vector<16xi32>
      %reduce_sum3A_389 = arith.constant true
      %reduce_sum3A_390 = vector.broadcast %reduce_sum3A_389 : i1 to vector<16xi1>
      %reduce_sum3A_391 = tpu.scan <sum>, %add3A_385 masked %reduce_sum3A_390 : vector<16xf32>, vector<16xi1> -> vector<16xf32>
      %reduce_sum3A_392 = vector.extract %reduce_sum3A_391[15] : f32 from vector<16xf32>
      %broadcast_in_dim3A_393 = vector.broadcast %reduce_sum3A_392 : f32 to vector<16xf32>
      %select_n3A_394 = arith.select %eq3A_388, %broadcast_in_dim3A_393, %select_n3A_352 : vector<16xi1>, vector<16xf32>
      %add3A_395 = arith.constant 6 : i32
      %add3A_396 = arith.addi %mul3A_145, %add3A_395 : i32
      %get3A_397 = arith.index_cast %add3A_396 : i32 to index
      %get3A_398 = arith.constant 0 : index
      %get3A_399 = tpu.vector_load %arg8[%get3A_397, %get3A_398] {strides = array<i32>} : memref<128x128xf32, #tpu.memory_space<vmem>>, vector<16xf32>,
      %get3A_400 = arith.index_cast %add3A_396 : i32 to index
      %get3A_401 = arith.constant 0 : index
      %get3A_402 = tpu.vector_load %arg9[%get3A_400, %get3A_401] {strides = array<i32>} : memref<128x128xf32, #tpu.memory_space<vmem>>, vector<16xf32>,
      %mul3A_403 = arith.mulf %get3A_399, %get3A_402 : vector<16xf32>
      %get3A_404 = arith.index_cast %add3A_396 : i32 to index
      %get3A_405 = arith.constant 16 : index
      %get3A_406 = tpu.vector_load %arg8[%get3A_404, %get3A_405] {strides = array<i32>} : memref<128x128xf32, #tpu.memory_space<vmem>>, vector<16xf32>,
      %get3A_407 = arith.index_cast %add3A_396 : i32 to index
      %get3A_408 = arith.constant 16 : index
      %get3A_409 = tpu.vector_load %arg9[%get3A_407, %get3A_408] {strides = array<i32>} : memref<128x128xf32, #tpu.memory_space<vmem>>, vector<16xf32>,
      %mul3A_410 = arith.mulf %get3A_406, %get3A_409 : vector<16xf32>
      %add3A_411 = arith.addf %mul3A_403, %mul3A_410 : vector<16xf32>
      %get3A_412 = arith.index_cast %add3A_396 : i32 to index
      %get3A_413 = arith.constant 32 : index
      %get3A_414 = tpu.vector_load %arg8[%get3A_412, %get3A_413] {strides = array<i32>} : memref<128x128xf32, #tpu.memory_space<vmem>>, vector<16xf32>,
      %get3A_415 = arith.index_cast %add3A_396 : i32 to index
      %get3A_416 = arith.constant 32 : index
      %get3A_417 = tpu.vector_load %arg9[%get3A_415, %get3A_416] {strides = array<i32>} : memref<128x128xf32, #tpu.memory_space<vmem>>, vector<16xf32>,
      %mul3A_418 = arith.mulf %get3A_414, %get3A_417 : vector<16xf32>
      %add3A_419 = arith.addf %add3A_411, %mul3A_418 : vector<16xf32>
      %get3A_420 = arith.index_cast %add3A_396 : i32 to index
      %get3A_421 = arith.constant 48 : index
      %get3A_422 = tpu.vector_load %arg8[%get3A_420, %get3A_421] {strides = array<i32>} : memref<128x128xf32, #tpu.memory_space<vmem>>, vector<16xf32>,
      %get3A_423 = arith.index_cast %add3A_396 : i32 to index
      %get3A_424 = arith.constant 48 : index
      %get3A_425 = tpu.vector_load %arg9[%get3A_423, %get3A_424] {strides = array<i32>} : memref<128x128xf32, #tpu.memory_space<vmem>>, vector<16xf32>,
      %mul3A_426 = arith.mulf %get3A_422, %get3A_425 : vector<16xf32>
      %add3A_427 = arith.addf %add3A_419, %mul3A_426 : vector<16xf32>
      %eq3A_428 = arith.constant 6 : i32
      %eq3A_429 = vector.broadcast %eq3A_428 : i32 to vector<16xi32>
      %eq3A_430 = arith.cmpi eq, %iota3A, %eq3A_429 : vector<16xi32>
      %reduce_sum3A_431 = arith.constant true
      %reduce_sum3A_432 = vector.broadcast %reduce_sum3A_431 : i1 to vector<16xi1>
      %reduce_sum3A_433 = tpu.scan <sum>, %add3A_427 masked %reduce_sum3A_432 : vector<16xf32>, vector<16xi1> -> vector<16xf32>
      %reduce_sum3A_434 = vector.extract %reduce_sum3A_433[15] : f32 from vector<16xf32>
      %broadcast_in_dim3A_435 = vector.broadcast %reduce_sum3A_434 : f32 to vector<16xf32>
      %select_n3A_436 = arith.select %eq3A_430, %broadcast_in_dim3A_435, %select_n3A_394 : vector<16xi1>, vector<16xf32>
      %add3A_437 = arith.constant 7 : i32
      %add3A_438 = arith.addi %mul3A_145, %add3A_437 : i32
      %get3A_439 = arith.index_cast %add3A_438 : i32 to index
      %get3A_440 = arith.constant 0 : index
      %get3A_441 = tpu.vector_load %arg8[%get3A_439, %get3A_440] {strides = array<i32>} : memref<128x128xf32, #tpu.memory_space<vmem>>, vector<16xf32>,
      %get3A_442 = arith.index_cast %add3A_438 : i32 to index
      %get3A_443 = arith.constant 0 : index
      %get3A_444 = tpu.vector_load %arg9[%get3A_442, %get3A_443] {strides = array<i32>} : memref<128x128xf32, #tpu.memory_space<vmem>>, vector<16xf32>,
      %mul3A_445 = arith.mulf %get3A_441, %get3A_444 : vector<16xf32>
      %get3A_446 = arith.index_cast %add3A_438 : i32 to index
      %get3A_447 = arith.constant 16 : index
      %get3A_448 = tpu.vector_load %arg8[%get3A_446, %get3A_447] {strides = array<i32>} : memref<128x128xf32, #tpu.memory_space<vmem>>, vector<16xf32>,
      %get3A_449 = arith.index_cast %add3A_438 : i32 to index
      %get3A_450 = arith.constant 16 : index
      %get3A_451 = tpu.vector_load %arg9[%get3A_449, %get3A_450] {strides = array<i32>} : memref<128x128xf32, #tpu.memory_space<vmem>>, vector<16xf32>,
      %mul3A_452 = arith.mulf %get3A_448, %get3A_451 : vector<16xf32>
      %add3A_453 = arith.addf %mul3A_445, %mul3A_452 : vector<16xf32>
      %get3A_454 = arith.index_cast %add3A_438 : i32 to index
      %get3A_455 = arith.constant 32 : index
      %get3A_456 = tpu.vector_load %arg8[%get3A_454, %get3A_455] {strides = array<i32>} : memref<128x128xf32, #tpu.memory_space<vmem>>, vector<16xf32>,
      %get3A_457 = arith.index_cast %add3A_438 : i32 to index
      %get3A_458 = arith.constant 32 : index
      %get3A_459 = tpu.vector_load %arg9[%get3A_457, %get3A_458] {strides = array<i32>} : memref<128x128xf32, #tpu.memory_space<vmem>>, vector<16xf32>,
      %mul3A_460 = arith.mulf %get3A_456, %get3A_459 : vector<16xf32>
      %add3A_461 = arith.addf %add3A_453, %mul3A_460 : vector<16xf32>
      %get3A_462 = arith.index_cast %add3A_438 : i32 to index
      %get3A_463 = arith.constant 48 : index
      %get3A_464 = tpu.vector_load %arg8[%get3A_462, %get3A_463] {strides = array<i32>} : memref<128x128xf32, #tpu.memory_space<vmem>>, vector<16xf32>,
      %get3A_465 = arith.index_cast %add3A_438 : i32 to index
      %get3A_466 = arith.constant 48 : index
      %get3A_467 = tpu.vector_load %arg9[%get3A_465, %get3A_466] {strides = array<i32>} : memref<128x128xf32, #tpu.memory_space<vmem>>, vector<16xf32>,
      %mul3A_468 = arith.mulf %get3A_464, %get3A_467 : vector<16xf32>
      %add3A_469 = arith.addf %add3A_461, %mul3A_468 : vector<16xf32>
      %eq3A_470 = arith.constant 7 : i32
      %eq3A_471 = vector.broadcast %eq3A_470 : i32 to vector<16xi32>
      %eq3A_472 = arith.cmpi eq, %iota3A, %eq3A_471 : vector<16xi32>
      %reduce_sum3A_473 = arith.constant true
      %reduce_sum3A_474 = vector.broadcast %reduce_sum3A_473 : i1 to vector<16xi1>
      %reduce_sum3A_475 = tpu.scan <sum>, %add3A_469 masked %reduce_sum3A_474 : vector<16xf32>, vector<16xi1> -> vector<16xf32>
      %reduce_sum3A_476 = vector.extract %reduce_sum3A_475[15] : f32 from vector<16xf32>
      %broadcast_in_dim3A_477 = vector.broadcast %reduce_sum3A_476 : f32 to vector<16xf32>
      %select_n3A_478 = arith.select %eq3A_472, %broadcast_in_dim3A_477, %select_n3A_436 : vector<16xi1>, vector<16xf32>
      %add3A_479 = arith.constant 8 : i32
      %add3A_480 = arith.addi %mul3A_145, %add3A_479 : i32
      %get3A_481 = arith.index_cast %add3A_480 : i32 to index
      %get3A_482 = arith.constant 0 : index
      %get3A_483 = tpu.vector_load %arg8[%get3A_481, %get3A_482] {strides = array<i32>} : memref<128x128xf32, #tpu.memory_space<vmem>>, vector<16xf32>,
      %get3A_484 = arith.index_cast %add3A_480 : i32 to index
      %get3A_485 = arith.constant 0 : index
      %get3A_486 = tpu.vector_load %arg9[%get3A_484, %get3A_485] {strides = array<i32>} : memref<128x128xf32, #tpu.memory_space<vmem>>, vector<16xf32>,
      %mul3A_487 = arith.mulf %get3A_483, %get3A_486 : vector<16xf32>
      %get3A_488 = arith.index_cast %add3A_480 : i32 to index
      %get3A_489 = arith.constant 16 : index
      %get3A_490 = tpu.vector_load %arg8[%get3A_488, %get3A_489] {strides = array<i32>} : memref<128x128xf32, #tpu.memory_space<vmem>>, vector<16xf32>,
      %get3A_491 = arith.index_cast %add3A_480 : i32 to index
      %get3A_492 = arith.constant 16 : index
      %get3A_493 = tpu.vector_load %arg9[%get3A_491, %get3A_492] {strides = array<i32>} : memref<128x128xf32, #tpu.memory_space<vmem>>, vector<16xf32>,
      %mul3A_494 = arith.mulf %get3A_490, %get3A_493 : vector<16xf32>
      %add3A_495 = arith.addf %mul3A_487, %mul3A_494 : vector<16xf32>
      %get3A_496 = arith.index_cast %add3A_480 : i32 to index
      %get3A_497 = arith.constant 32 : index
      %get3A_498 = tpu.vector_load %arg8[%get3A_496, %get3A_497] {strides = array<i32>} : memref<128x128xf32, #tpu.memory_space<vmem>>, vector<16xf32>,
      %get3A_499 = arith.index_cast %add3A_480 : i32 to index
      %get3A_500 = arith.constant 32 : index
      %get3A_501 = tpu.vector_load %arg9[%get3A_499, %get3A_500] {strides = array<i32>} : memref<128x128xf32, #tpu.memory_space<vmem>>, vector<16xf32>,
      %mul3A_502 = arith.mulf %get3A_498, %get3A_501 : vector<16xf32>
      %add3A_503 = arith.addf %add3A_495, %mul3A_502 : vector<16xf32>
      %get3A_504 = arith.index_cast %add3A_480 : i32 to index
      %get3A_505 = arith.constant 48 : index
      %get3A_506 = tpu.vector_load %arg8[%get3A_504, %get3A_505] {strides = array<i32>} : memref<128x128xf32, #tpu.memory_space<vmem>>, vector<16xf32>,
      %get3A_507 = arith.index_cast %add3A_480 : i32 to index
      %get3A_508 = arith.constant 48 : index
      %get3A_509 = tpu.vector_load %arg9[%get3A_507, %get3A_508] {strides = array<i32>} : memref<128x128xf32, #tpu.memory_space<vmem>>, vector<16xf32>,
      %mul3A_510 = arith.mulf %get3A_506, %get3A_509 : vector<16xf32>
      %add3A_511 = arith.addf %add3A_503, %mul3A_510 : vector<16xf32>
      %eq3A_512 = arith.constant 8 : i32
      %eq3A_513 = vector.broadcast %eq3A_512 : i32 to vector<16xi32>
      %eq3A_514 = arith.cmpi eq, %iota3A, %eq3A_513 : vector<16xi32>
      %reduce_sum3A_515 = arith.constant true
      %reduce_sum3A_516 = vector.broadcast %reduce_sum3A_515 : i1 to vector<16xi1>
      %reduce_sum3A_517 = tpu.scan <sum>, %add3A_511 masked %reduce_sum3A_516 : vector<16xf32>, vector<16xi1> -> vector<16xf32>
      %reduce_sum3A_518 = vector.extract %reduce_sum3A_517[15] : f32 from vector<16xf32>
      %broadcast_in_dim3A_519 = vector.broadcast %reduce_sum3A_518 : f32 to vector<16xf32>
      %select_n3A_520 = arith.select %eq3A_514, %broadcast_in_dim3A_519, %select_n3A_478 : vector<16xi1>, vector<16xf32>
      %add3A_521 = arith.constant 9 : i32
      %add3A_522 = arith.addi %mul3A_145, %add3A_521 : i32
      %get3A_523 = arith.index_cast %add3A_522 : i32 to index
      %get3A_524 = arith.constant 0 : index
      %get3A_525 = tpu.vector_load %arg8[%get3A_523, %get3A_524] {strides = array<i32>} : memref<128x128xf32, #tpu.memory_space<vmem>>, vector<16xf32>,
      %get3A_526 = arith.index_cast %add3A_522 : i32 to index
      %get3A_527 = arith.constant 0 : index
      %get3A_528 = tpu.vector_load %arg9[%get3A_526, %get3A_527] {strides = array<i32>} : memref<128x128xf32, #tpu.memory_space<vmem>>, vector<16xf32>,
      %mul3A_529 = arith.mulf %get3A_525, %get3A_528 : vector<16xf32>
      %get3A_530 = arith.index_cast %add3A_522 : i32 to index
      %get3A_531 = arith.constant 16 : index
      %get3A_532 = tpu.vector_load %arg8[%get3A_530, %get3A_531] {strides = array<i32>} : memref<128x128xf32, #tpu.memory_space<vmem>>, vector<16xf32>,
      %get3A_533 = arith.index_cast %add3A_522 : i32 to index
      %get3A_534 = arith.constant 16 : index
      %get3A_535 = tpu.vector_load %arg9[%get3A_533, %get3A_534] {strides = array<i32>} : memref<128x128xf32, #tpu.memory_space<vmem>>, vector<16xf32>,
      %mul3A_536 = arith.mulf %get3A_532, %get3A_535 : vector<16xf32>
      %add3A_537 = arith.addf %mul3A_529, %mul3A_536 : vector<16xf32>
      %get3A_538 = arith.index_cast %add3A_522 : i32 to index
      %get3A_539 = arith.constant 32 : index
      %get3A_540 = tpu.vector_load %arg8[%get3A_538, %get3A_539] {strides = array<i32>} : memref<128x128xf32, #tpu.memory_space<vmem>>, vector<16xf32>,
      %get3A_541 = arith.index_cast %add3A_522 : i32 to index
      %get3A_542 = arith.constant 32 : index
      %get3A_543 = tpu.vector_load %arg9[%get3A_541, %get3A_542] {strides = array<i32>} : memref<128x128xf32, #tpu.memory_space<vmem>>, vector<16xf32>,
      %mul3A_544 = arith.mulf %get3A_540, %get3A_543 : vector<16xf32>
      %add3A_545 = arith.addf %add3A_537, %mul3A_544 : vector<16xf32>
      %get3A_546 = arith.index_cast %add3A_522 : i32 to index
      %get3A_547 = arith.constant 48 : index
      %get3A_548 = tpu.vector_load %arg8[%get3A_546, %get3A_547] {strides = array<i32>} : memref<128x128xf32, #tpu.memory_space<vmem>>, vector<16xf32>,
      %get3A_549 = arith.index_cast %add3A_522 : i32 to index
      %get3A_550 = arith.constant 48 : index
      %get3A_551 = tpu.vector_load %arg9[%get3A_549, %get3A_550] {strides = array<i32>} : memref<128x128xf32, #tpu.memory_space<vmem>>, vector<16xf32>,
      %mul3A_552 = arith.mulf %get3A_548, %get3A_551 : vector<16xf32>
      %add3A_553 = arith.addf %add3A_545, %mul3A_552 : vector<16xf32>
      %eq3A_554 = arith.constant 9 : i32
      %eq3A_555 = vector.broadcast %eq3A_554 : i32 to vector<16xi32>
      %eq3A_556 = arith.cmpi eq, %iota3A, %eq3A_555 : vector<16xi32>
      %reduce_sum3A_557 = arith.constant true
      %reduce_sum3A_558 = vector.broadcast %reduce_sum3A_557 : i1 to vector<16xi1>
      %reduce_sum3A_559 = tpu.scan <sum>, %add3A_553 masked %reduce_sum3A_558 : vector<16xf32>, vector<16xi1> -> vector<16xf32>
      %reduce_sum3A_560 = vector.extract %reduce_sum3A_559[15] : f32 from vector<16xf32>
      %broadcast_in_dim3A_561 = vector.broadcast %reduce_sum3A_560 : f32 to vector<16xf32>
      %select_n3A_562 = arith.select %eq3A_556, %broadcast_in_dim3A_561, %select_n3A_520 : vector<16xi1>, vector<16xf32>
      %add3A_563 = arith.constant 10 : i32
      %add3A_564 = arith.addi %mul3A_145, %add3A_563 : i32
      %get3A_565 = arith.index_cast %add3A_564 : i32 to index
      %get3A_566 = arith.constant 0 : index
      %get3A_567 = tpu.vector_load %arg8[%get3A_565, %get3A_566] {strides = array<i32>} : memref<128x128xf32, #tpu.memory_space<vmem>>, vector<16xf32>,
      %get3A_568 = arith.index_cast %add3A_564 : i32 to index
      %get3A_569 = arith.constant 0 : index
      %get3A_570 = tpu.vector_load %arg9[%get3A_568, %get3A_569] {strides = array<i32>} : memref<128x128xf32, #tpu.memory_space<vmem>>, vector<16xf32>,
      %mul3A_571 = arith.mulf %get3A_567, %get3A_570 : vector<16xf32>
      %get3A_572 = arith.index_cast %add3A_564 : i32 to index
      %get3A_573 = arith.constant 16 : index
      %get3A_574 = tpu.vector_load %arg8[%get3A_572, %get3A_573] {strides = array<i32>} : memref<128x128xf32, #tpu.memory_space<vmem>>, vector<16xf32>,
      %get3A_575 = arith.index_cast %add3A_564 : i32 to index
      %get3A_576 = arith.constant 16 : index
      %get3A_577 = tpu.vector_load %arg9[%get3A_575, %get3A_576] {strides = array<i32>} : memref<128x128xf32, #tpu.memory_space<vmem>>, vector<16xf32>,
      %mul3A_578 = arith.mulf %get3A_574, %get3A_577 : vector<16xf32>
      %add3A_579 = arith.addf %mul3A_571, %mul3A_578 : vector<16xf32>
      %get3A_580 = arith.index_cast %add3A_564 : i32 to index
      %get3A_581 = arith.constant 32 : index
      %get3A_582 = tpu.vector_load %arg8[%get3A_580, %get3A_581] {strides = array<i32>} : memref<128x128xf32, #tpu.memory_space<vmem>>, vector<16xf32>,
      %get3A_583 = arith.index_cast %add3A_564 : i32 to index
      %get3A_584 = arith.constant 32 : index
      %get3A_585 = tpu.vector_load %arg9[%get3A_583, %get3A_584] {strides = array<i32>} : memref<128x128xf32, #tpu.memory_space<vmem>>, vector<16xf32>,
      %mul3A_586 = arith.mulf %get3A_582, %get3A_585 : vector<16xf32>
      %add3A_587 = arith.addf %add3A_579, %mul3A_586 : vector<16xf32>
      %get3A_588 = arith.index_cast %add3A_564 : i32 to index
      %get3A_589 = arith.constant 48 : index
      %get3A_590 = tpu.vector_load %arg8[%get3A_588, %get3A_589] {strides = array<i32>} : memref<128x128xf32, #tpu.memory_space<vmem>>, vector<16xf32>,
      %get3A_591 = arith.index_cast %add3A_564 : i32 to index
      %get3A_592 = arith.constant 48 : index
      %get3A_593 = tpu.vector_load %arg9[%get3A_591, %get3A_592] {strides = array<i32>} : memref<128x128xf32, #tpu.memory_space<vmem>>, vector<16xf32>,
      %mul3A_594 = arith.mulf %get3A_590, %get3A_593 : vector<16xf32>
      %add3A_595 = arith.addf %add3A_587, %mul3A_594 : vector<16xf32>
      %eq3A_596 = arith.constant 10 : i32
      %eq3A_597 = vector.broadcast %eq3A_596 : i32 to vector<16xi32>
      %eq3A_598 = arith.cmpi eq, %iota3A, %eq3A_597 : vector<16xi32>
      %reduce_sum3A_599 = arith.constant true
      %reduce_sum3A_600 = vector.broadcast %reduce_sum3A_599 : i1 to vector<16xi1>
      %reduce_sum3A_601 = tpu.scan <sum>, %add3A_595 masked %reduce_sum3A_600 : vector<16xf32>, vector<16xi1> -> vector<16xf32>
      %reduce_sum3A_602 = vector.extract %reduce_sum3A_601[15] : f32 from vector<16xf32>
      %broadcast_in_dim3A_603 = vector.broadcast %reduce_sum3A_602 : f32 to vector<16xf32>
      %select_n3A_604 = arith.select %eq3A_598, %broadcast_in_dim3A_603, %select_n3A_562 : vector<16xi1>, vector<16xf32>
      %add3A_605 = arith.constant 11 : i32
      %add3A_606 = arith.addi %mul3A_145, %add3A_605 : i32
      %get3A_607 = arith.index_cast %add3A_606 : i32 to index
      %get3A_608 = arith.constant 0 : index
      %get3A_609 = tpu.vector_load %arg8[%get3A_607, %get3A_608] {strides = array<i32>} : memref<128x128xf32, #tpu.memory_space<vmem>>, vector<16xf32>,
      %get3A_610 = arith.index_cast %add3A_606 : i32 to index
      %get3A_611 = arith.constant 0 : index
      %get3A_612 = tpu.vector_load %arg9[%get3A_610, %get3A_611] {strides = array<i32>} : memref<128x128xf32, #tpu.memory_space<vmem>>, vector<16xf32>,
      %mul3A_613 = arith.mulf %get3A_609, %get3A_612 : vector<16xf32>
      %get3A_614 = arith.index_cast %add3A_606 : i32 to index
      %get3A_615 = arith.constant 16 : index
      %get3A_616 = tpu.vector_load %arg8[%get3A_614, %get3A_615] {strides = array<i32>} : memref<128x128xf32, #tpu.memory_space<vmem>>, vector<16xf32>,
      %get3A_617 = arith.index_cast %add3A_606 : i32 to index
      %get3A_618 = arith.constant 16 : index
      %get3A_619 = tpu.vector_load %arg9[%get3A_617, %get3A_618] {strides = array<i32>} : memref<128x128xf32, #tpu.memory_space<vmem>>, vector<16xf32>,
      %mul3A_620 = arith.mulf %get3A_616, %get3A_619 : vector<16xf32>
      %add3A_621 = arith.addf %mul3A_613, %mul3A_620 : vector<16xf32>
      %get3A_622 = arith.index_cast %add3A_606 : i32 to index
      %get3A_623 = arith.constant 32 : index
      %get3A_624 = tpu.vector_load %arg8[%get3A_622, %get3A_623] {strides = array<i32>} : memref<128x128xf32, #tpu.memory_space<vmem>>, vector<16xf32>,
      %get3A_625 = arith.index_cast %add3A_606 : i32 to index
      %get3A_626 = arith.constant 32 : index
      %get3A_627 = tpu.vector_load %arg9[%get3A_625, %get3A_626] {strides = array<i32>} : memref<128x128xf32, #tpu.memory_space<vmem>>, vector<16xf32>,
      %mul3A_628 = arith.mulf %get3A_624, %get3A_627 : vector<16xf32>
      %add3A_629 = arith.addf %add3A_621, %mul3A_628 : vector<16xf32>
      %get3A_630 = arith.index_cast %add3A_606 : i32 to index
      %get3A_631 = arith.constant 48 : index
      %get3A_632 = tpu.vector_load %arg8[%get3A_630, %get3A_631] {strides = array<i32>} : memref<128x128xf32, #tpu.memory_space<vmem>>, vector<16xf32>,
      %get3A_633 = arith.index_cast %add3A_606 : i32 to index
      %get3A_634 = arith.constant 48 : index
      %get3A_635 = tpu.vector_load %arg9[%get3A_633, %get3A_634] {strides = array<i32>} : memref<128x128xf32, #tpu.memory_space<vmem>>, vector<16xf32>,
      %mul3A_636 = arith.mulf %get3A_632, %get3A_635 : vector<16xf32>
      %add3A_637 = arith.addf %add3A_629, %mul3A_636 : vector<16xf32>
      %eq3A_638 = arith.constant 11 : i32
      %eq3A_639 = vector.broadcast %eq3A_638 : i32 to vector<16xi32>
      %eq3A_640 = arith.cmpi eq, %iota3A, %eq3A_639 : vector<16xi32>
      %reduce_sum3A_641 = arith.constant true
      %reduce_sum3A_642 = vector.broadcast %reduce_sum3A_641 : i1 to vector<16xi1>
      %reduce_sum3A_643 = tpu.scan <sum>, %add3A_637 masked %reduce_sum3A_642 : vector<16xf32>, vector<16xi1> -> vector<16xf32>
      %reduce_sum3A_644 = vector.extract %reduce_sum3A_643[15] : f32 from vector<16xf32>
      %broadcast_in_dim3A_645 = vector.broadcast %reduce_sum3A_644 : f32 to vector<16xf32>
      %select_n3A_646 = arith.select %eq3A_640, %broadcast_in_dim3A_645, %select_n3A_604 : vector<16xi1>, vector<16xf32>
      %add3A_647 = arith.constant 12 : i32
      %add3A_648 = arith.addi %mul3A_145, %add3A_647 : i32
      %get3A_649 = arith.index_cast %add3A_648 : i32 to index
      %get3A_650 = arith.constant 0 : index
      %get3A_651 = tpu.vector_load %arg8[%get3A_649, %get3A_650] {strides = array<i32>} : memref<128x128xf32, #tpu.memory_space<vmem>>, vector<16xf32>,
      %get3A_652 = arith.index_cast %add3A_648 : i32 to index
      %get3A_653 = arith.constant 0 : index
      %get3A_654 = tpu.vector_load %arg9[%get3A_652, %get3A_653] {strides = array<i32>} : memref<128x128xf32, #tpu.memory_space<vmem>>, vector<16xf32>,
      %mul3A_655 = arith.mulf %get3A_651, %get3A_654 : vector<16xf32>
      %get3A_656 = arith.index_cast %add3A_648 : i32 to index
      %get3A_657 = arith.constant 16 : index
      %get3A_658 = tpu.vector_load %arg8[%get3A_656, %get3A_657] {strides = array<i32>} : memref<128x128xf32, #tpu.memory_space<vmem>>, vector<16xf32>,
      %get3A_659 = arith.index_cast %add3A_648 : i32 to index
      %get3A_660 = arith.constant 16 : index
      %get3A_661 = tpu.vector_load %arg9[%get3A_659, %get3A_660] {strides = array<i32>} : memref<128x128xf32, #tpu.memory_space<vmem>>, vector<16xf32>,
      %mul3A_662 = arith.mulf %get3A_658, %get3A_661 : vector<16xf32>
      %add3A_663 = arith.addf %mul3A_655, %mul3A_662 : vector<16xf32>
      %get3A_664 = arith.index_cast %add3A_648 : i32 to index
      %get3A_665 = arith.constant 32 : index
      %get3A_666 = tpu.vector_load %arg8[%get3A_664, %get3A_665] {strides = array<i32>} : memref<128x128xf32, #tpu.memory_space<vmem>>, vector<16xf32>,
      %get3A_667 = arith.index_cast %add3A_648 : i32 to index
      %get3A_668 = arith.constant 32 : index
      %get3A_669 = tpu.vector_load %arg9[%get3A_667, %get3A_668] {strides = array<i32>} : memref<128x128xf32, #tpu.memory_space<vmem>>, vector<16xf32>,
      %mul3A_670 = arith.mulf %get3A_666, %get3A_669 : vector<16xf32>
      %add3A_671 = arith.addf %add3A_663, %mul3A_670 : vector<16xf32>
      %get3A_672 = arith.index_cast %add3A_648 : i32 to index
      %get3A_673 = arith.constant 48 : index
      %get3A_674 = tpu.vector_load %arg8[%get3A_672, %get3A_673] {strides = array<i32>} : memref<128x128xf32, #tpu.memory_space<vmem>>, vector<16xf32>,
      %get3A_675 = arith.index_cast %add3A_648 : i32 to index
      %get3A_676 = arith.constant 48 : index
      %get3A_677 = tpu.vector_load %arg9[%get3A_675, %get3A_676] {strides = array<i32>} : memref<128x128xf32, #tpu.memory_space<vmem>>, vector<16xf32>,
      %mul3A_678 = arith.mulf %get3A_674, %get3A_677 : vector<16xf32>
      %add3A_679 = arith.addf %add3A_671, %mul3A_678 : vector<16xf32>
      %eq3A_680 = arith.constant 12 : i32
      %eq3A_681 = vector.broadcast %eq3A_680 : i32 to vector<16xi32>
      %eq3A_682 = arith.cmpi eq, %iota3A, %eq3A_681 : vector<16xi32>
      %reduce_sum3A_683 = arith.constant true
      %reduce_sum3A_684 = vector.broadcast %reduce_sum3A_683 : i1 to vector<16xi1>
      %reduce_sum3A_685 = tpu.scan <sum>, %add3A_679 masked %reduce_sum3A_684 : vector<16xf32>, vector<16xi1> -> vector<16xf32>
      %reduce_sum3A_686 = vector.extract %reduce_sum3A_685[15] : f32 from vector<16xf32>
      %broadcast_in_dim3A_687 = vector.broadcast %reduce_sum3A_686 : f32 to vector<16xf32>
      %select_n3A_688 = arith.select %eq3A_682, %broadcast_in_dim3A_687, %select_n3A_646 : vector<16xi1>, vector<16xf32>
      %add3A_689 = arith.constant 13 : i32
      %add3A_690 = arith.addi %mul3A_145, %add3A_689 : i32
      %get3A_691 = arith.index_cast %add3A_690 : i32 to index
      %get3A_692 = arith.constant 0 : index
      %get3A_693 = tpu.vector_load %arg8[%get3A_691, %get3A_692] {strides = array<i32>} : memref<128x128xf32, #tpu.memory_space<vmem>>, vector<16xf32>,
      %get3A_694 = arith.index_cast %add3A_690 : i32 to index
      %get3A_695 = arith.constant 0 : index
      %get3A_696 = tpu.vector_load %arg9[%get3A_694, %get3A_695] {strides = array<i32>} : memref<128x128xf32, #tpu.memory_space<vmem>>, vector<16xf32>,
      %mul3A_697 = arith.mulf %get3A_693, %get3A_696 : vector<16xf32>
      %get3A_698 = arith.index_cast %add3A_690 : i32 to index
      %get3A_699 = arith.constant 16 : index
      %get3A_700 = tpu.vector_load %arg8[%get3A_698, %get3A_699] {strides = array<i32>} : memref<128x128xf32, #tpu.memory_space<vmem>>, vector<16xf32>,
      %get3A_701 = arith.index_cast %add3A_690 : i32 to index
      %get3A_702 = arith.constant 16 : index
      %get3A_703 = tpu.vector_load %arg9[%get3A_701, %get3A_702] {strides = array<i32>} : memref<128x128xf32, #tpu.memory_space<vmem>>, vector<16xf32>,
      %mul3A_704 = arith.mulf %get3A_700, %get3A_703 : vector<16xf32>
      %add3A_705 = arith.addf %mul3A_697, %mul3A_704 : vector<16xf32>
      %get3A_706 = arith.index_cast %add3A_690 : i32 to index
      %get3A_707 = arith.constant 32 : index
      %get3A_708 = tpu.vector_load %arg8[%get3A_706, %get3A_707] {strides = array<i32>} : memref<128x128xf32, #tpu.memory_space<vmem>>, vector<16xf32>,
      %get3A_709 = arith.index_cast %add3A_690 : i32 to index
      %get3A_710 = arith.constant 32 : index
      %get3A_711 = tpu.vector_load %arg9[%get3A_709, %get3A_710] {strides = array<i32>} : memref<128x128xf32, #tpu.memory_space<vmem>>, vector<16xf32>,
      %mul3A_712 = arith.mulf %get3A_708, %get3A_711 : vector<16xf32>
      %add3A_713 = arith.addf %add3A_705, %mul3A_712 : vector<16xf32>
      %get3A_714 = arith.index_cast %add3A_690 : i32 to index
      %get3A_715 = arith.constant 48 : index
      %get3A_716 = tpu.vector_load %arg8[%get3A_714, %get3A_715] {strides = array<i32>} : memref<128x128xf32, #tpu.memory_space<vmem>>, vector<16xf32>,
      %get3A_717 = arith.index_cast %add3A_690 : i32 to index
      %get3A_718 = arith.constant 48 : index
      %get3A_719 = tpu.vector_load %arg9[%get3A_717, %get3A_718] {strides = array<i32>} : memref<128x128xf32, #tpu.memory_space<vmem>>, vector<16xf32>,
      %mul3A_720 = arith.mulf %get3A_716, %get3A_719 : vector<16xf32>
      %add3A_721 = arith.addf %add3A_713, %mul3A_720 : vector<16xf32>
      %eq3A_722 = arith.constant 13 : i32
      %eq3A_723 = vector.broadcast %eq3A_722 : i32 to vector<16xi32>
      %eq3A_724 = arith.cmpi eq, %iota3A, %eq3A_723 : vector<16xi32>
      %reduce_sum3A_725 = arith.constant true
      %reduce_sum3A_726 = vector.broadcast %reduce_sum3A_725 : i1 to vector<16xi1>
      %reduce_sum3A_727 = tpu.scan <sum>, %add3A_721 masked %reduce_sum3A_726 : vector<16xf32>, vector<16xi1> -> vector<16xf32>
      %reduce_sum3A_728 = vector.extract %reduce_sum3A_727[15] : f32 from vector<16xf32>
      %broadcast_in_dim3A_729 = vector.broadcast %reduce_sum3A_728 : f32 to vector<16xf32>
      %select_n3A_730 = arith.select %eq3A_724, %broadcast_in_dim3A_729, %select_n3A_688 : vector<16xi1>, vector<16xf32>
      %add3A_731 = arith.constant 14 : i32
      %add3A_732 = arith.addi %mul3A_145, %add3A_731 : i32
      %get3A_733 = arith.index_cast %add3A_732 : i32 to index
      %get3A_734 = arith.constant 0 : index
      %get3A_735 = tpu.vector_load %arg8[%get3A_733, %get3A_734] {strides = array<i32>} : memref<128x128xf32, #tpu.memory_space<vmem>>, vector<16xf32>,
      %get3A_736 = arith.index_cast %add3A_732 : i32 to index
      %get3A_737 = arith.constant 0 : index
      %get3A_738 = tpu.vector_load %arg9[%get3A_736, %get3A_737] {strides = array<i32>} : memref<128x128xf32, #tpu.memory_space<vmem>>, vector<16xf32>,
      %mul3A_739 = arith.mulf %get3A_735, %get3A_738 : vector<16xf32>
      %get3A_740 = arith.index_cast %add3A_732 : i32 to index
      %get3A_741 = arith.constant 16 : index
      %get3A_742 = tpu.vector_load %arg8[%get3A_740, %get3A_741] {strides = array<i32>} : memref<128x128xf32, #tpu.memory_space<vmem>>, vector<16xf32>,
      %get3A_743 = arith.index_cast %add3A_732 : i32 to index
      %get3A_744 = arith.constant 16 : index
      %get3A_745 = tpu.vector_load %arg9[%get3A_743, %get3A_744] {strides = array<i32>} : memref<128x128xf32, #tpu.memory_space<vmem>>, vector<16xf32>,
      %mul3A_746 = arith.mulf %get3A_742, %get3A_745 : vector<16xf32>
      %add3A_747 = arith.addf %mul3A_739, %mul3A_746 : vector<16xf32>
      %get3A_748 = arith.index_cast %add3A_732 : i32 to index
      %get3A_749 = arith.constant 32 : index
      %get3A_750 = tpu.vector_load %arg8[%get3A_748, %get3A_749] {strides = array<i32>} : memref<128x128xf32, #tpu.memory_space<vmem>>, vector<16xf32>,
      %get3A_751 = arith.index_cast %add3A_732 : i32 to index
      %get3A_752 = arith.constant 32 : index
      %get3A_753 = tpu.vector_load %arg9[%get3A_751, %get3A_752] {strides = array<i32>} : memref<128x128xf32, #tpu.memory_space<vmem>>, vector<16xf32>,
      %mul3A_754 = arith.mulf %get3A_750, %get3A_753 : vector<16xf32>
      %add3A_755 = arith.addf %add3A_747, %mul3A_754 : vector<16xf32>
      %get3A_756 = arith.index_cast %add3A_732 : i32 to index
      %get3A_757 = arith.constant 48 : index
      %get3A_758 = tpu.vector_load %arg8[%get3A_756, %get3A_757] {strides = array<i32>} : memref<128x128xf32, #tpu.memory_space<vmem>>, vector<16xf32>,
      %get3A_759 = arith.index_cast %add3A_732 : i32 to index
      %get3A_760 = arith.constant 48 : index
      %get3A_761 = tpu.vector_load %arg9[%get3A_759, %get3A_760] {strides = array<i32>} : memref<128x128xf32, #tpu.memory_space<vmem>>, vector<16xf32>,
      %mul3A_762 = arith.mulf %get3A_758, %get3A_761 : vector<16xf32>
      %add3A_763 = arith.addf %add3A_755, %mul3A_762 : vector<16xf32>
      %eq3A_764 = arith.constant 14 : i32
      %eq3A_765 = vector.broadcast %eq3A_764 : i32 to vector<16xi32>
      %eq3A_766 = arith.cmpi eq, %iota3A, %eq3A_765 : vector<16xi32>
      %reduce_sum3A_767 = arith.constant true
      %reduce_sum3A_768 = vector.broadcast %reduce_sum3A_767 : i1 to vector<16xi1>
      %reduce_sum3A_769 = tpu.scan <sum>, %add3A_763 masked %reduce_sum3A_768 : vector<16xf32>, vector<16xi1> -> vector<16xf32>
      %reduce_sum3A_770 = vector.extract %reduce_sum3A_769[15] : f32 from vector<16xf32>
      %broadcast_in_dim3A_771 = vector.broadcast %reduce_sum3A_770 : f32 to vector<16xf32>
      %select_n3A_772 = arith.select %eq3A_766, %broadcast_in_dim3A_771, %select_n3A_730 : vector<16xi1>, vector<16xf32>
      %add3A_773 = arith.constant 15 : i32
      %add3A_774 = arith.addi %mul3A_145, %add3A_773 : i32
      %get3A_775 = arith.index_cast %add3A_774 : i32 to index
      %get3A_776 = arith.constant 0 : index
      %get3A_777 = tpu.vector_load %arg8[%get3A_775, %get3A_776] {strides = array<i32>} : memref<128x128xf32, #tpu.memory_space<vmem>>, vector<16xf32>,
      %get3A_778 = arith.index_cast %add3A_774 : i32 to index
      %get3A_779 = arith.constant 0 : index
      %get3A_780 = tpu.vector_load %arg9[%get3A_778, %get3A_779] {strides = array<i32>} : memref<128x128xf32, #tpu.memory_space<vmem>>, vector<16xf32>,
      %mul3A_781 = arith.mulf %get3A_777, %get3A_780 : vector<16xf32>
      %get3A_782 = arith.index_cast %add3A_774 : i32 to index
      %get3A_783 = arith.constant 16 : index
      %get3A_784 = tpu.vector_load %arg8[%get3A_782, %get3A_783] {strides = array<i32>} : memref<128x128xf32, #tpu.memory_space<vmem>>, vector<16xf32>,
      %get3A_785 = arith.index_cast %add3A_774 : i32 to index
      %get3A_786 = arith.constant 16 : index
      %get3A_787 = tpu.vector_load %arg9[%get3A_785, %get3A_786] {strides = array<i32>} : memref<128x128xf32, #tpu.memory_space<vmem>>, vector<16xf32>,
      %mul3A_788 = arith.mulf %get3A_784, %get3A_787 : vector<16xf32>
      %add3A_789 = arith.addf %mul3A_781, %mul3A_788 : vector<16xf32>
      %get3A_790 = arith.index_cast %add3A_774 : i32 to index
      %get3A_791 = arith.constant 32 : index
      %get3A_792 = tpu.vector_load %arg8[%get3A_790, %get3A_791] {strides = array<i32>} : memref<128x128xf32, #tpu.memory_space<vmem>>, vector<16xf32>,
      %get3A_793 = arith.index_cast %add3A_774 : i32 to index
      %get3A_794 = arith.constant 32 : index
      %get3A_795 = tpu.vector_load %arg9[%get3A_793, %get3A_794] {strides = array<i32>} : memref<128x128xf32, #tpu.memory_space<vmem>>, vector<16xf32>,
      %mul3A_796 = arith.mulf %get3A_792, %get3A_795 : vector<16xf32>
      %add3A_797 = arith.addf %add3A_789, %mul3A_796 : vector<16xf32>
      %get3A_798 = arith.index_cast %add3A_774 : i32 to index
      %get3A_799 = arith.constant 48 : index
      %get3A_800 = tpu.vector_load %arg8[%get3A_798, %get3A_799] {strides = array<i32>} : memref<128x128xf32, #tpu.memory_space<vmem>>, vector<16xf32>,
      %get3A_801 = arith.index_cast %add3A_774 : i32 to index
      %get3A_802 = arith.constant 48 : index
      %get3A_803 = tpu.vector_load %arg9[%get3A_801, %get3A_802] {strides = array<i32>} : memref<128x128xf32, #tpu.memory_space<vmem>>, vector<16xf32>,
      %mul3A_804 = arith.mulf %get3A_800, %get3A_803 : vector<16xf32>
      %add3A_805 = arith.addf %add3A_797, %mul3A_804 : vector<16xf32>
      %eq3A_806 = arith.constant 15 : i32
      %eq3A_807 = vector.broadcast %eq3A_806 : i32 to vector<16xi32>
      %eq3A_808 = arith.cmpi eq, %iota3A, %eq3A_807 : vector<16xi32>
      %reduce_sum3A_809 = arith.constant true
      %reduce_sum3A_810 = vector.broadcast %reduce_sum3A_809 : i1 to vector<16xi1>
      %reduce_sum3A_811 = tpu.scan <sum>, %add3A_805 masked %reduce_sum3A_810 : vector<16xf32>, vector<16xi1> -> vector<16xf32>
      %reduce_sum3A_812 = vector.extract %reduce_sum3A_811[15] : f32 from vector<16xf32>
      %broadcast_in_dim3A_813 = vector.broadcast %reduce_sum3A_812 : f32 to vector<16xf32>
      %select_n3A_814 = arith.select %eq3A_808, %broadcast_in_dim3A_813, %select_n3A_772 : vector<16xi1>, vector<16xf32>
      %add3A_815 = arith.constant 0 : i32
      %add3A_816 = arith.addi %add3A_815, %mul3A_145 : i32
      %swap3A = arith.index_cast %add3A_816 : i32 to index
      %swap3A_817 = tpu.vector_load %arg12[%swap3A] {strides = array<i32>} : memref<512xf32, #tpu.memory_space<vmem>>, vector<16xf32>,
      tpu.vector_store %arg12[%swap3A], %select_n3A_814 {strides = array<i32>} : memref<512xf32, #tpu.memory_space<vmem>>, vector<16xf32>,
      %scan3A_818 = arith.constant 0 : i32
      scf.yield %scan3A_818 : i32
    }
    %scan3A_50 = arith.constant 8 : i32
    %dma_start3A_51 = arith.constant 2 : i32
    %dma_start3A_52 = arith.constant 0 : i32
    %dma_start3A_53 = tpu.memref_slice %arg6[%dma_start3A_51, %dma_start3A_52] : memref<4x128xi32, #tpu.memory_space<vmem>> -> memref<1x128xi32, #tpu.memory_space<vmem>>
    %dma_start3A_54 = tpu.memref_squeeze %dma_start3A_53 : memref<1x128xi32, #tpu.memory_space<vmem>> -> memref<128xi32, #tpu.memory_space<vmem>>
    %dma_start3A_55 = arith.constant 0 : i32
    %dma_start3A_56 = arith.constant 0 : i32
    %dma_start3A_57 = tpu.memref_slice %arg4[%dma_start3A_55, %dma_start3A_56] : memref<100000x128xf32, #tpu.memory_space<hbm>> -> memref<100000x128xf32, #tpu.memory_space<hbm>>
    tpu.enqueue_indirect_dma source(%dma_start3A_57 : memref<100000x128xf32, #tpu.memory_space<hbm>>) target(%arg8 : memref<128x128xf32, #tpu.memory_space<vmem>>) offsets(%dma_start3A_54 : memref<128xi32, #tpu.memory_space<vmem>>) semaphore(%arg13 : memref<!tpu.dma_semaphore, #tpu.memory_space<semaphore_mem>>)
    %dma_start3A_58 = arith.constant 2 : i32
    %dma_start3A_59 = arith.constant 0 : i32
    %dma_start3A_60 = tpu.memref_slice %arg7[%dma_start3A_58, %dma_start3A_59] : memref<4x128xi32, #tpu.memory_space<vmem>> -> memref<1x128xi32, #tpu.memory_space<vmem>>
    %dma_start3A_61 = tpu.memref_squeeze %dma_start3A_60 : memref<1x128xi32, #tpu.memory_space<vmem>> -> memref<128xi32, #tpu.memory_space<vmem>>
    %dma_start3A_62 = arith.constant 0 : i32
    %dma_start3A_63 = arith.constant 0 : i32
    %dma_start3A_64 = tpu.memref_slice %arg4[%dma_start3A_62, %dma_start3A_63] : memref<100000x128xf32, #tpu.memory_space<hbm>> -> memref<100000x128xf32, #tpu.memory_space<hbm>>
    tpu.enqueue_indirect_dma source(%dma_start3A_64 : memref<100000x128xf32, #tpu.memory_space<hbm>>) target(%arg9 : memref<128x128xf32, #tpu.memory_space<vmem>>) offsets(%dma_start3A_61 : memref<128xi32, #tpu.memory_space<vmem>>) semaphore(%arg14 : memref<!tpu.dma_semaphore, #tpu.memory_space<semaphore_mem>>)
    %dma_wait3A_65 = arith.constant 1 : i32
    %dma_wait3A_66 = arith.constant 0 : i32
    %dma_wait3A_67 = tpu.memref_slice %arg6[%dma_wait3A_65, %dma_wait3A_66] : memref<4x128xi32, #tpu.memory_space<vmem>> -> memref<1x128xi32, #tpu.memory_space<vmem>>
    %dma_wait3A_68 = tpu.memref_squeeze %dma_wait3A_67 : memref<1x128xi32, #tpu.memory_space<vmem>> -> memref<128xi32, #tpu.memory_space<vmem>>
    %dma_wait3A_69 = arith.constant 0 : i32
    %dma_wait3A_70 = arith.constant 0 : i32
    %dma_wait3A_71 = tpu.memref_slice %arg4[%dma_wait3A_69, %dma_wait3A_70] : memref<100000x128xf32, #tpu.memory_space<hbm>> -> memref<100000x128xf32, #tpu.memory_space<hbm>>
    tpu.wait_indirect_dma semaphore(%arg15 : memref<!tpu.dma_semaphore, #tpu.memory_space<semaphore_mem>>) src(%dma_wait3A_71 : memref<100000x128xf32, #tpu.memory_space<hbm>>) dst(%arg10 : memref<128x128xf32, #tpu.memory_space<vmem>>)
    %dma_wait3A_72 = arith.constant 1 : i32
    %dma_wait3A_73 = arith.constant 0 : i32
    %dma_wait3A_74 = tpu.memref_slice %arg7[%dma_wait3A_72, %dma_wait3A_73] : memref<4x128xi32, #tpu.memory_space<vmem>> -> memref<1x128xi32, #tpu.memory_space<vmem>>
    %dma_wait3A_75 = tpu.memref_squeeze %dma_wait3A_74 : memref<1x128xi32, #tpu.memory_space<vmem>> -> memref<128xi32, #tpu.memory_space<vmem>>
    %dma_wait3A_76 = arith.constant 0 : i32
    %dma_wait3A_77 = arith.constant 0 : i32
    %dma_wait3A_78 = tpu.memref_slice %arg4[%dma_wait3A_76, %dma_wait3A_77] : memref<100000x128xf32, #tpu.memory_space<hbm>> -> memref<100000x128xf32, #tpu.memory_space<hbm>>
    tpu.wait_indirect_dma semaphore(%arg16 : memref<!tpu.dma_semaphore, #tpu.memory_space<semaphore_mem>>) src(%dma_wait3A_78 : memref<100000x128xf32, #tpu.memory_space<hbm>>) dst(%arg11 : memref<128x128xf32, #tpu.memory_space<vmem>>)
    %scan3A_79 = arith.constant 0 : i32
    %scan3A_80 = arith.constant 0 : i32
    %scan3A_81 = arith.constant 8 : i32
    %scan3A_82 = arith.addi %scan3A_80, %scan3A_81 : i32
    %scan3A_83 = arith.constant 1 : i32
    %scan3A_84 = scf.for %scan3A_142 = %scan3A_80 to %scan3A_82 step %scan3A_83 iter_args(%scan3A_143 = %scan3A_79) -> (i32)  : i32 {
      %mul3A_144 = arith.constant 16 : i32
      %mul3A_145 = arith.muli %scan3A_142, %mul3A_144 : i32
      %broadcast_in_dim3A = arith.constant 0.000000e+00 : f32
      %broadcast_in_dim3A_146 = vector.broadcast %broadcast_in_dim3A : f32 to vector<16xf32>
      %add3A_147 = arith.constant 0 : i32
      %add3A_148 = arith.addi %mul3A_145, %add3A_147 : i32
      %get3A = arith.index_cast %add3A_148 : i32 to index
      %get3A_149 = arith.constant 0 : index
      %get3A_150 = tpu.vector_load %arg10[%get3A, %get3A_149] {strides = array<i32>} : memref<128x128xf32, #tpu.memory_space<vmem>>, vector<16xf32>,
      %get3A_151 = arith.index_cast %add3A_148 : i32 to index
      %get3A_152 = arith.constant 0 : index
      %get3A_153 = tpu.vector_load %arg11[%get3A_151, %get3A_152] {strides = array<i32>} : memref<128x128xf32, #tpu.memory_space<vmem>>, vector<16xf32>,
      %mul3A_154 = arith.mulf %get3A_150, %get3A_153 : vector<16xf32>
      %get3A_155 = arith.index_cast %add3A_148 : i32 to index
      %get3A_156 = arith.constant 16 : index
      %get3A_157 = tpu.vector_load %arg10[%get3A_155, %get3A_156] {strides = array<i32>} : memref<128x128xf32, #tpu.memory_space<vmem>>, vector<16xf32>,
      %get3A_158 = arith.index_cast %add3A_148 : i32 to index
      %get3A_159 = arith.constant 16 : index
      %get3A_160 = tpu.vector_load %arg11[%get3A_158, %get3A_159] {strides = array<i32>} : memref<128x128xf32, #tpu.memory_space<vmem>>, vector<16xf32>,
      %mul3A_161 = arith.mulf %get3A_157, %get3A_160 : vector<16xf32>
      %add3A_162 = arith.addf %mul3A_154, %mul3A_161 : vector<16xf32>
      %get3A_163 = arith.index_cast %add3A_148 : i32 to index
      %get3A_164 = arith.constant 32 : index
      %get3A_165 = tpu.vector_load %arg10[%get3A_163, %get3A_164] {strides = array<i32>} : memref<128x128xf32, #tpu.memory_space<vmem>>, vector<16xf32>,
      %get3A_166 = arith.index_cast %add3A_148 : i32 to index
      %get3A_167 = arith.constant 32 : index
      %get3A_168 = tpu.vector_load %arg11[%get3A_166, %get3A_167] {strides = array<i32>} : memref<128x128xf32, #tpu.memory_space<vmem>>, vector<16xf32>,
      %mul3A_169 = arith.mulf %get3A_165, %get3A_168 : vector<16xf32>
      %add3A_170 = arith.addf %add3A_162, %mul3A_169 : vector<16xf32>
      %get3A_171 = arith.index_cast %add3A_148 : i32 to index
      %get3A_172 = arith.constant 48 : index
      %get3A_173 = tpu.vector_load %arg10[%get3A_171, %get3A_172] {strides = array<i32>} : memref<128x128xf32, #tpu.memory_space<vmem>>, vector<16xf32>,
      %get3A_174 = arith.index_cast %add3A_148 : i32 to index
      %get3A_175 = arith.constant 48 : index
      %get3A_176 = tpu.vector_load %arg11[%get3A_174, %get3A_175] {strides = array<i32>} : memref<128x128xf32, #tpu.memory_space<vmem>>, vector<16xf32>,
      %mul3A_177 = arith.mulf %get3A_173, %get3A_176 : vector<16xf32>
      %add3A_178 = arith.addf %add3A_170, %mul3A_177 : vector<16xf32>
      %eq3A = arith.constant 0 : i32
      %eq3A_179 = vector.broadcast %eq3A : i32 to vector<16xi32>
      %eq3A_180 = arith.cmpi eq, %iota3A, %eq3A_179 : vector<16xi32>
      %reduce_sum3A = arith.constant true
      %reduce_sum3A_181 = vector.broadcast %reduce_sum3A : i1 to vector<16xi1>
      %reduce_sum3A_182 = tpu.scan <sum>, %add3A_178 masked %reduce_sum3A_181 : vector<16xf32>, vector<16xi1> -> vector<16xf32>
      %reduce_sum3A_183 = vector.extract %reduce_sum3A_182[15] : f32 from vector<16xf32>
      %broadcast_in_dim3A_184 = vector.broadcast %reduce_sum3A_183 : f32 to vector<16xf32>
      %select_n3A = arith.select %eq3A_180, %broadcast_in_dim3A_184, %broadcast_in_dim3A_146 : vector<16xi1>, vector<16xf32>
      %add3A_185 = arith.constant 1 : i32
      %add3A_186 = arith.addi %mul3A_145, %add3A_185 : i32
      %get3A_187 = arith.index_cast %add3A_186 : i32 to index
      %get3A_188 = arith.constant 0 : index
      %get3A_189 = tpu.vector_load %arg10[%get3A_187, %get3A_188] {strides = array<i32>} : memref<128x128xf32, #tpu.memory_space<vmem>>, vector<16xf32>,
      %get3A_190 = arith.index_cast %add3A_186 : i32 to index
      %get3A_191 = arith.constant 0 : index
      %get3A_192 = tpu.vector_load %arg11[%get3A_190, %get3A_191] {strides = array<i32>} : memref<128x128xf32, #tpu.memory_space<vmem>>, vector<16xf32>,
      %mul3A_193 = arith.mulf %get3A_189, %get3A_192 : vector<16xf32>
      %get3A_194 = arith.index_cast %add3A_186 : i32 to index
      %get3A_195 = arith.constant 16 : index
      %get3A_196 = tpu.vector_load %arg10[%get3A_194, %get3A_195] {strides = array<i32>} : memref<128x128xf32, #tpu.memory_space<vmem>>, vector<16xf32>,
      %get3A_197 = arith.index_cast %add3A_186 : i32 to index
      %get3A_198 = arith.constant 16 : index
      %get3A_199 = tpu.vector_load %arg11[%get3A_197, %get3A_198] {strides = array<i32>} : memref<128x128xf32, #tpu.memory_space<vmem>>, vector<16xf32>,
      %mul3A_200 = arith.mulf %get3A_196, %get3A_199 : vector<16xf32>
      %add3A_201 = arith.addf %mul3A_193, %mul3A_200 : vector<16xf32>
      %get3A_202 = arith.index_cast %add3A_186 : i32 to index
      %get3A_203 = arith.constant 32 : index
      %get3A_204 = tpu.vector_load %arg10[%get3A_202, %get3A_203] {strides = array<i32>} : memref<128x128xf32, #tpu.memory_space<vmem>>, vector<16xf32>,
      %get3A_205 = arith.index_cast %add3A_186 : i32 to index
      %get3A_206 = arith.constant 32 : index
      %get3A_207 = tpu.vector_load %arg11[%get3A_205, %get3A_206] {strides = array<i32>} : memref<128x128xf32, #tpu.memory_space<vmem>>, vector<16xf32>,
      %mul3A_208 = arith.mulf %get3A_204, %get3A_207 : vector<16xf32>
      %add3A_209 = arith.addf %add3A_201, %mul3A_208 : vector<16xf32>
      %get3A_210 = arith.index_cast %add3A_186 : i32 to index
      %get3A_211 = arith.constant 48 : index
      %get3A_212 = tpu.vector_load %arg10[%get3A_210, %get3A_211] {strides = array<i32>} : memref<128x128xf32, #tpu.memory_space<vmem>>, vector<16xf32>,
      %get3A_213 = arith.index_cast %add3A_186 : i32 to index
      %get3A_214 = arith.constant 48 : index
      %get3A_215 = tpu.vector_load %arg11[%get3A_213, %get3A_214] {strides = array<i32>} : memref<128x128xf32, #tpu.memory_space<vmem>>, vector<16xf32>,
      %mul3A_216 = arith.mulf %get3A_212, %get3A_215 : vector<16xf32>
      %add3A_217 = arith.addf %add3A_209, %mul3A_216 : vector<16xf32>
      %eq3A_218 = arith.constant 1 : i32
      %eq3A_219 = vector.broadcast %eq3A_218 : i32 to vector<16xi32>
      %eq3A_220 = arith.cmpi eq, %iota3A, %eq3A_219 : vector<16xi32>
      %reduce_sum3A_221 = arith.constant true
      %reduce_sum3A_222 = vector.broadcast %reduce_sum3A_221 : i1 to vector<16xi1>
      %reduce_sum3A_223 = tpu.scan <sum>, %add3A_217 masked %reduce_sum3A_222 : vector<16xf32>, vector<16xi1> -> vector<16xf32>
      %reduce_sum3A_224 = vector.extract %reduce_sum3A_223[15] : f32 from vector<16xf32>
      %broadcast_in_dim3A_225 = vector.broadcast %reduce_sum3A_224 : f32 to vector<16xf32>
      %select_n3A_226 = arith.select %eq3A_220, %broadcast_in_dim3A_225, %select_n3A : vector<16xi1>, vector<16xf32>
      %add3A_227 = arith.constant 2 : i32
      %add3A_228 = arith.addi %mul3A_145, %add3A_227 : i32
      %get3A_229 = arith.index_cast %add3A_228 : i32 to index
      %get3A_230 = arith.constant 0 : index
      %get3A_231 = tpu.vector_load %arg10[%get3A_229, %get3A_230] {strides = array<i32>} : memref<128x128xf32, #tpu.memory_space<vmem>>, vector<16xf32>,
      %get3A_232 = arith.index_cast %add3A_228 : i32 to index
      %get3A_233 = arith.constant 0 : index
      %get3A_234 = tpu.vector_load %arg11[%get3A_232, %get3A_233] {strides = array<i32>} : memref<128x128xf32, #tpu.memory_space<vmem>>, vector<16xf32>,
      %mul3A_235 = arith.mulf %get3A_231, %get3A_234 : vector<16xf32>
      %get3A_236 = arith.index_cast %add3A_228 : i32 to index
      %get3A_237 = arith.constant 16 : index
      %get3A_238 = tpu.vector_load %arg10[%get3A_236, %get3A_237] {strides = array<i32>} : memref<128x128xf32, #tpu.memory_space<vmem>>, vector<16xf32>,
      %get3A_239 = arith.index_cast %add3A_228 : i32 to index
      %get3A_240 = arith.constant 16 : index
      %get3A_241 = tpu.vector_load %arg11[%get3A_239, %get3A_240] {strides = array<i32>} : memref<128x128xf32, #tpu.memory_space<vmem>>, vector<16xf32>,
      %mul3A_242 = arith.mulf %get3A_238, %get3A_241 : vector<16xf32>
      %add3A_243 = arith.addf %mul3A_235, %mul3A_242 : vector<16xf32>
      %get3A_244 = arith.index_cast %add3A_228 : i32 to index
      %get3A_245 = arith.constant 32 : index
      %get3A_246 = tpu.vector_load %arg10[%get3A_244, %get3A_245] {strides = array<i32>} : memref<128x128xf32, #tpu.memory_space<vmem>>, vector<16xf32>,
      %get3A_247 = arith.index_cast %add3A_228 : i32 to index
      %get3A_248 = arith.constant 32 : index
      %get3A_249 = tpu.vector_load %arg11[%get3A_247, %get3A_248] {strides = array<i32>} : memref<128x128xf32, #tpu.memory_space<vmem>>, vector<16xf32>,
      %mul3A_250 = arith.mulf %get3A_246, %get3A_249 : vector<16xf32>
      %add3A_251 = arith.addf %add3A_243, %mul3A_250 : vector<16xf32>
      %get3A_252 = arith.index_cast %add3A_228 : i32 to index
      %get3A_253 = arith.constant 48 : index
      %get3A_254 = tpu.vector_load %arg10[%get3A_252, %get3A_253] {strides = array<i32>} : memref<128x128xf32, #tpu.memory_space<vmem>>, vector<16xf32>,
      %get3A_255 = arith.index_cast %add3A_228 : i32 to index
      %get3A_256 = arith.constant 48 : index
      %get3A_257 = tpu.vector_load %arg11[%get3A_255, %get3A_256] {strides = array<i32>} : memref<128x128xf32, #tpu.memory_space<vmem>>, vector<16xf32>,
      %mul3A_258 = arith.mulf %get3A_254, %get3A_257 : vector<16xf32>
      %add3A_259 = arith.addf %add3A_251, %mul3A_258 : vector<16xf32>
      %eq3A_260 = arith.constant 2 : i32
      %eq3A_261 = vector.broadcast %eq3A_260 : i32 to vector<16xi32>
      %eq3A_262 = arith.cmpi eq, %iota3A, %eq3A_261 : vector<16xi32>
      %reduce_sum3A_263 = arith.constant true
      %reduce_sum3A_264 = vector.broadcast %reduce_sum3A_263 : i1 to vector<16xi1>
      %reduce_sum3A_265 = tpu.scan <sum>, %add3A_259 masked %reduce_sum3A_264 : vector<16xf32>, vector<16xi1> -> vector<16xf32>
      %reduce_sum3A_266 = vector.extract %reduce_sum3A_265[15] : f32 from vector<16xf32>
      %broadcast_in_dim3A_267 = vector.broadcast %reduce_sum3A_266 : f32 to vector<16xf32>
      %select_n3A_268 = arith.select %eq3A_262, %broadcast_in_dim3A_267, %select_n3A_226 : vector<16xi1>, vector<16xf32>
      %add3A_269 = arith.constant 3 : i32
      %add3A_270 = arith.addi %mul3A_145, %add3A_269 : i32
      %get3A_271 = arith.index_cast %add3A_270 : i32 to index
      %get3A_272 = arith.constant 0 : index
      %get3A_273 = tpu.vector_load %arg10[%get3A_271, %get3A_272] {strides = array<i32>} : memref<128x128xf32, #tpu.memory_space<vmem>>, vector<16xf32>,
      %get3A_274 = arith.index_cast %add3A_270 : i32 to index
      %get3A_275 = arith.constant 0 : index
      %get3A_276 = tpu.vector_load %arg11[%get3A_274, %get3A_275] {strides = array<i32>} : memref<128x128xf32, #tpu.memory_space<vmem>>, vector<16xf32>,
      %mul3A_277 = arith.mulf %get3A_273, %get3A_276 : vector<16xf32>
      %get3A_278 = arith.index_cast %add3A_270 : i32 to index
      %get3A_279 = arith.constant 16 : index
      %get3A_280 = tpu.vector_load %arg10[%get3A_278, %get3A_279] {strides = array<i32>} : memref<128x128xf32, #tpu.memory_space<vmem>>, vector<16xf32>,
      %get3A_281 = arith.index_cast %add3A_270 : i32 to index
      %get3A_282 = arith.constant 16 : index
      %get3A_283 = tpu.vector_load %arg11[%get3A_281, %get3A_282] {strides = array<i32>} : memref<128x128xf32, #tpu.memory_space<vmem>>, vector<16xf32>,
      %mul3A_284 = arith.mulf %get3A_280, %get3A_283 : vector<16xf32>
      %add3A_285 = arith.addf %mul3A_277, %mul3A_284 : vector<16xf32>
      %get3A_286 = arith.index_cast %add3A_270 : i32 to index
      %get3A_287 = arith.constant 32 : index
      %get3A_288 = tpu.vector_load %arg10[%get3A_286, %get3A_287] {strides = array<i32>} : memref<128x128xf32, #tpu.memory_space<vmem>>, vector<16xf32>,
      %get3A_289 = arith.index_cast %add3A_270 : i32 to index
      %get3A_290 = arith.constant 32 : index
      %get3A_291 = tpu.vector_load %arg11[%get3A_289, %get3A_290] {strides = array<i32>} : memref<128x128xf32, #tpu.memory_space<vmem>>, vector<16xf32>,
      %mul3A_292 = arith.mulf %get3A_288, %get3A_291 : vector<16xf32>
      %add3A_293 = arith.addf %add3A_285, %mul3A_292 : vector<16xf32>
      %get3A_294 = arith.index_cast %add3A_270 : i32 to index
      %get3A_295 = arith.constant 48 : index
      %get3A_296 = tpu.vector_load %arg10[%get3A_294, %get3A_295] {strides = array<i32>} : memref<128x128xf32, #tpu.memory_space<vmem>>, vector<16xf32>,
      %get3A_297 = arith.index_cast %add3A_270 : i32 to index
      %get3A_298 = arith.constant 48 : index
      %get3A_299 = tpu.vector_load %arg11[%get3A_297, %get3A_298] {strides = array<i32>} : memref<128x128xf32, #tpu.memory_space<vmem>>, vector<16xf32>,
      %mul3A_300 = arith.mulf %get3A_296, %get3A_299 : vector<16xf32>
      %add3A_301 = arith.addf %add3A_293, %mul3A_300 : vector<16xf32>
      %eq3A_302 = arith.constant 3 : i32
      %eq3A_303 = vector.broadcast %eq3A_302 : i32 to vector<16xi32>
      %eq3A_304 = arith.cmpi eq, %iota3A, %eq3A_303 : vector<16xi32>
      %reduce_sum3A_305 = arith.constant true
      %reduce_sum3A_306 = vector.broadcast %reduce_sum3A_305 : i1 to vector<16xi1>
      %reduce_sum3A_307 = tpu.scan <sum>, %add3A_301 masked %reduce_sum3A_306 : vector<16xf32>, vector<16xi1> -> vector<16xf32>
      %reduce_sum3A_308 = vector.extract %reduce_sum3A_307[15] : f32 from vector<16xf32>
      %broadcast_in_dim3A_309 = vector.broadcast %reduce_sum3A_308 : f32 to vector<16xf32>
      %select_n3A_310 = arith.select %eq3A_304, %broadcast_in_dim3A_309, %select_n3A_268 : vector<16xi1>, vector<16xf32>
      %add3A_311 = arith.constant 4 : i32
      %add3A_312 = arith.addi %mul3A_145, %add3A_311 : i32
      %get3A_313 = arith.index_cast %add3A_312 : i32 to index
      %get3A_314 = arith.constant 0 : index
      %get3A_315 = tpu.vector_load %arg10[%get3A_313, %get3A_314] {strides = array<i32>} : memref<128x128xf32, #tpu.memory_space<vmem>>, vector<16xf32>,
      %get3A_316 = arith.index_cast %add3A_312 : i32 to index
      %get3A_317 = arith.constant 0 : index
      %get3A_318 = tpu.vector_load %arg11[%get3A_316, %get3A_317] {strides = array<i32>} : memref<128x128xf32, #tpu.memory_space<vmem>>, vector<16xf32>,
      %mul3A_319 = arith.mulf %get3A_315, %get3A_318 : vector<16xf32>
      %get3A_320 = arith.index_cast %add3A_312 : i32 to index
      %get3A_321 = arith.constant 16 : index
      %get3A_322 = tpu.vector_load %arg10[%get3A_320, %get3A_321] {strides = array<i32>} : memref<128x128xf32, #tpu.memory_space<vmem>>, vector<16xf32>,
      %get3A_323 = arith.index_cast %add3A_312 : i32 to index
      %get3A_324 = arith.constant 16 : index
      %get3A_325 = tpu.vector_load %arg11[%get3A_323, %get3A_324] {strides = array<i32>} : memref<128x128xf32, #tpu.memory_space<vmem>>, vector<16xf32>,
      %mul3A_326 = arith.mulf %get3A_322, %get3A_325 : vector<16xf32>
      %add3A_327 = arith.addf %mul3A_319, %mul3A_326 : vector<16xf32>
      %get3A_328 = arith.index_cast %add3A_312 : i32 to index
      %get3A_329 = arith.constant 32 : index
      %get3A_330 = tpu.vector_load %arg10[%get3A_328, %get3A_329] {strides = array<i32>} : memref<128x128xf32, #tpu.memory_space<vmem>>, vector<16xf32>,
      %get3A_331 = arith.index_cast %add3A_312 : i32 to index
      %get3A_332 = arith.constant 32 : index
      %get3A_333 = tpu.vector_load %arg11[%get3A_331, %get3A_332] {strides = array<i32>} : memref<128x128xf32, #tpu.memory_space<vmem>>, vector<16xf32>,
      %mul3A_334 = arith.mulf %get3A_330, %get3A_333 : vector<16xf32>
      %add3A_335 = arith.addf %add3A_327, %mul3A_334 : vector<16xf32>
      %get3A_336 = arith.index_cast %add3A_312 : i32 to index
      %get3A_337 = arith.constant 48 : index
      %get3A_338 = tpu.vector_load %arg10[%get3A_336, %get3A_337] {strides = array<i32>} : memref<128x128xf32, #tpu.memory_space<vmem>>, vector<16xf32>,
      %get3A_339 = arith.index_cast %add3A_312 : i32 to index
      %get3A_340 = arith.constant 48 : index
      %get3A_341 = tpu.vector_load %arg11[%get3A_339, %get3A_340] {strides = array<i32>} : memref<128x128xf32, #tpu.memory_space<vmem>>, vector<16xf32>,
      %mul3A_342 = arith.mulf %get3A_338, %get3A_341 : vector<16xf32>
      %add3A_343 = arith.addf %add3A_335, %mul3A_342 : vector<16xf32>
      %eq3A_344 = arith.constant 4 : i32
      %eq3A_345 = vector.broadcast %eq3A_344 : i32 to vector<16xi32>
      %eq3A_346 = arith.cmpi eq, %iota3A, %eq3A_345 : vector<16xi32>
      %reduce_sum3A_347 = arith.constant true
      %reduce_sum3A_348 = vector.broadcast %reduce_sum3A_347 : i1 to vector<16xi1>
      %reduce_sum3A_349 = tpu.scan <sum>, %add3A_343 masked %reduce_sum3A_348 : vector<16xf32>, vector<16xi1> -> vector<16xf32>
      %reduce_sum3A_350 = vector.extract %reduce_sum3A_349[15] : f32 from vector<16xf32>
      %broadcast_in_dim3A_351 = vector.broadcast %reduce_sum3A_350 : f32 to vector<16xf32>
      %select_n3A_352 = arith.select %eq3A_346, %broadcast_in_dim3A_351, %select_n3A_310 : vector<16xi1>, vector<16xf32>
      %add3A_353 = arith.constant 5 : i32
      %add3A_354 = arith.addi %mul3A_145, %add3A_353 : i32
      %get3A_355 = arith.index_cast %add3A_354 : i32 to index
      %get3A_356 = arith.constant 0 : index
      %get3A_357 = tpu.vector_load %arg10[%get3A_355, %get3A_356] {strides = array<i32>} : memref<128x128xf32, #tpu.memory_space<vmem>>, vector<16xf32>,
      %get3A_358 = arith.index_cast %add3A_354 : i32 to index
      %get3A_359 = arith.constant 0 : index
      %get3A_360 = tpu.vector_load %arg11[%get3A_358, %get3A_359] {strides = array<i32>} : memref<128x128xf32, #tpu.memory_space<vmem>>, vector<16xf32>,
      %mul3A_361 = arith.mulf %get3A_357, %get3A_360 : vector<16xf32>
      %get3A_362 = arith.index_cast %add3A_354 : i32 to index
      %get3A_363 = arith.constant 16 : index
      %get3A_364 = tpu.vector_load %arg10[%get3A_362, %get3A_363] {strides = array<i32>} : memref<128x128xf32, #tpu.memory_space<vmem>>, vector<16xf32>,
      %get3A_365 = arith.index_cast %add3A_354 : i32 to index
      %get3A_366 = arith.constant 16 : index
      %get3A_367 = tpu.vector_load %arg11[%get3A_365, %get3A_366] {strides = array<i32>} : memref<128x128xf32, #tpu.memory_space<vmem>>, vector<16xf32>,
      %mul3A_368 = arith.mulf %get3A_364, %get3A_367 : vector<16xf32>
      %add3A_369 = arith.addf %mul3A_361, %mul3A_368 : vector<16xf32>
      %get3A_370 = arith.index_cast %add3A_354 : i32 to index
      %get3A_371 = arith.constant 32 : index
      %get3A_372 = tpu.vector_load %arg10[%get3A_370, %get3A_371] {strides = array<i32>} : memref<128x128xf32, #tpu.memory_space<vmem>>, vector<16xf32>,
      %get3A_373 = arith.index_cast %add3A_354 : i32 to index
      %get3A_374 = arith.constant 32 : index
      %get3A_375 = tpu.vector_load %arg11[%get3A_373, %get3A_374] {strides = array<i32>} : memref<128x128xf32, #tpu.memory_space<vmem>>, vector<16xf32>,
      %mul3A_376 = arith.mulf %get3A_372, %get3A_375 : vector<16xf32>
      %add3A_377 = arith.addf %add3A_369, %mul3A_376 : vector<16xf32>
      %get3A_378 = arith.index_cast %add3A_354 : i32 to index
      %get3A_379 = arith.constant 48 : index
      %get3A_380 = tpu.vector_load %arg10[%get3A_378, %get3A_379] {strides = array<i32>} : memref<128x128xf32, #tpu.memory_space<vmem>>, vector<16xf32>,
      %get3A_381 = arith.index_cast %add3A_354 : i32 to index
      %get3A_382 = arith.constant 48 : index
      %get3A_383 = tpu.vector_load %arg11[%get3A_381, %get3A_382] {strides = array<i32>} : memref<128x128xf32, #tpu.memory_space<vmem>>, vector<16xf32>,
      %mul3A_384 = arith.mulf %get3A_380, %get3A_383 : vector<16xf32>
      %add3A_385 = arith.addf %add3A_377, %mul3A_384 : vector<16xf32>
      %eq3A_386 = arith.constant 5 : i32
      %eq3A_387 = vector.broadcast %eq3A_386 : i32 to vector<16xi32>
      %eq3A_388 = arith.cmpi eq, %iota3A, %eq3A_387 : vector<16xi32>
      %reduce_sum3A_389 = arith.constant true
      %reduce_sum3A_390 = vector.broadcast %reduce_sum3A_389 : i1 to vector<16xi1>
      %reduce_sum3A_391 = tpu.scan <sum>, %add3A_385 masked %reduce_sum3A_390 : vector<16xf32>, vector<16xi1> -> vector<16xf32>
      %reduce_sum3A_392 = vector.extract %reduce_sum3A_391[15] : f32 from vector<16xf32>
      %broadcast_in_dim3A_393 = vector.broadcast %reduce_sum3A_392 : f32 to vector<16xf32>
      %select_n3A_394 = arith.select %eq3A_388, %broadcast_in_dim3A_393, %select_n3A_352 : vector<16xi1>, vector<16xf32>
      %add3A_395 = arith.constant 6 : i32
      %add3A_396 = arith.addi %mul3A_145, %add3A_395 : i32
      %get3A_397 = arith.index_cast %add3A_396 : i32 to index
      %get3A_398 = arith.constant 0 : index
      %get3A_399 = tpu.vector_load %arg10[%get3A_397, %get3A_398] {strides = array<i32>} : memref<128x128xf32, #tpu.memory_space<vmem>>, vector<16xf32>,
      %get3A_400 = arith.index_cast %add3A_396 : i32 to index
      %get3A_401 = arith.constant 0 : index
      %get3A_402 = tpu.vector_load %arg11[%get3A_400, %get3A_401] {strides = array<i32>} : memref<128x128xf32, #tpu.memory_space<vmem>>, vector<16xf32>,
      %mul3A_403 = arith.mulf %get3A_399, %get3A_402 : vector<16xf32>
      %get3A_404 = arith.index_cast %add3A_396 : i32 to index
      %get3A_405 = arith.constant 16 : index
      %get3A_406 = tpu.vector_load %arg10[%get3A_404, %get3A_405] {strides = array<i32>} : memref<128x128xf32, #tpu.memory_space<vmem>>, vector<16xf32>,
      %get3A_407 = arith.index_cast %add3A_396 : i32 to index
      %get3A_408 = arith.constant 16 : index
      %get3A_409 = tpu.vector_load %arg11[%get3A_407, %get3A_408] {strides = array<i32>} : memref<128x128xf32, #tpu.memory_space<vmem>>, vector<16xf32>,
      %mul3A_410 = arith.mulf %get3A_406, %get3A_409 : vector<16xf32>
      %add3A_411 = arith.addf %mul3A_403, %mul3A_410 : vector<16xf32>
      %get3A_412 = arith.index_cast %add3A_396 : i32 to index
      %get3A_413 = arith.constant 32 : index
      %get3A_414 = tpu.vector_load %arg10[%get3A_412, %get3A_413] {strides = array<i32>} : memref<128x128xf32, #tpu.memory_space<vmem>>, vector<16xf32>,
      %get3A_415 = arith.index_cast %add3A_396 : i32 to index
      %get3A_416 = arith.constant 32 : index
      %get3A_417 = tpu.vector_load %arg11[%get3A_415, %get3A_416] {strides = array<i32>} : memref<128x128xf32, #tpu.memory_space<vmem>>, vector<16xf32>,
      %mul3A_418 = arith.mulf %get3A_414, %get3A_417 : vector<16xf32>
      %add3A_419 = arith.addf %add3A_411, %mul3A_418 : vector<16xf32>
      %get3A_420 = arith.index_cast %add3A_396 : i32 to index
      %get3A_421 = arith.constant 48 : index
      %get3A_422 = tpu.vector_load %arg10[%get3A_420, %get3A_421] {strides = array<i32>} : memref<128x128xf32, #tpu.memory_space<vmem>>, vector<16xf32>,
      %get3A_423 = arith.index_cast %add3A_396 : i32 to index
      %get3A_424 = arith.constant 48 : index
      %get3A_425 = tpu.vector_load %arg11[%get3A_423, %get3A_424] {strides = array<i32>} : memref<128x128xf32, #tpu.memory_space<vmem>>, vector<16xf32>,
      %mul3A_426 = arith.mulf %get3A_422, %get3A_425 : vector<16xf32>
      %add3A_427 = arith.addf %add3A_419, %mul3A_426 : vector<16xf32>
      %eq3A_428 = arith.constant 6 : i32
      %eq3A_429 = vector.broadcast %eq3A_428 : i32 to vector<16xi32>
      %eq3A_430 = arith.cmpi eq, %iota3A, %eq3A_429 : vector<16xi32>
      %reduce_sum3A_431 = arith.constant true
      %reduce_sum3A_432 = vector.broadcast %reduce_sum3A_431 : i1 to vector<16xi1>
      %reduce_sum3A_433 = tpu.scan <sum>, %add3A_427 masked %reduce_sum3A_432 : vector<16xf32>, vector<16xi1> -> vector<16xf32>
      %reduce_sum3A_434 = vector.extract %reduce_sum3A_433[15] : f32 from vector<16xf32>
      %broadcast_in_dim3A_435 = vector.broadcast %reduce_sum3A_434 : f32 to vector<16xf32>
      %select_n3A_436 = arith.select %eq3A_430, %broadcast_in_dim3A_435, %select_n3A_394 : vector<16xi1>, vector<16xf32>
      %add3A_437 = arith.constant 7 : i32
      %add3A_438 = arith.addi %mul3A_145, %add3A_437 : i32
      %get3A_439 = arith.index_cast %add3A_438 : i32 to index
      %get3A_440 = arith.constant 0 : index
      %get3A_441 = tpu.vector_load %arg10[%get3A_439, %get3A_440] {strides = array<i32>} : memref<128x128xf32, #tpu.memory_space<vmem>>, vector<16xf32>,
      %get3A_442 = arith.index_cast %add3A_438 : i32 to index
      %get3A_443 = arith.constant 0 : index
      %get3A_444 = tpu.vector_load %arg11[%get3A_442, %get3A_443] {strides = array<i32>} : memref<128x128xf32, #tpu.memory_space<vmem>>, vector<16xf32>,
      %mul3A_445 = arith.mulf %get3A_441, %get3A_444 : vector<16xf32>
      %get3A_446 = arith.index_cast %add3A_438 : i32 to index
      %get3A_447 = arith.constant 16 : index
      %get3A_448 = tpu.vector_load %arg10[%get3A_446, %get3A_447] {strides = array<i32>} : memref<128x128xf32, #tpu.memory_space<vmem>>, vector<16xf32>,
      %get3A_449 = arith.index_cast %add3A_438 : i32 to index
      %get3A_450 = arith.constant 16 : index
      %get3A_451 = tpu.vector_load %arg11[%get3A_449, %get3A_450] {strides = array<i32>} : memref<128x128xf32, #tpu.memory_space<vmem>>, vector<16xf32>,
      %mul3A_452 = arith.mulf %get3A_448, %get3A_451 : vector<16xf32>
      %add3A_453 = arith.addf %mul3A_445, %mul3A_452 : vector<16xf32>
      %get3A_454 = arith.index_cast %add3A_438 : i32 to index
      %get3A_455 = arith.constant 32 : index
      %get3A_456 = tpu.vector_load %arg10[%get3A_454, %get3A_455] {strides = array<i32>} : memref<128x128xf32, #tpu.memory_space<vmem>>, vector<16xf32>,
      %get3A_457 = arith.index_cast %add3A_438 : i32 to index
      %get3A_458 = arith.constant 32 : index
      %get3A_459 = tpu.vector_load %arg11[%get3A_457, %get3A_458] {strides = array<i32>} : memref<128x128xf32, #tpu.memory_space<vmem>>, vector<16xf32>,
      %mul3A_460 = arith.mulf %get3A_456, %get3A_459 : vector<16xf32>
      %add3A_461 = arith.addf %add3A_453, %mul3A_460 : vector<16xf32>
      %get3A_462 = arith.index_cast %add3A_438 : i32 to index
      %get3A_463 = arith.constant 48 : index
      %get3A_464 = tpu.vector_load %arg10[%get3A_462, %get3A_463] {strides = array<i32>} : memref<128x128xf32, #tpu.memory_space<vmem>>, vector<16xf32>,
      %get3A_465 = arith.index_cast %add3A_438 : i32 to index
      %get3A_466 = arith.constant 48 : index
      %get3A_467 = tpu.vector_load %arg11[%get3A_465, %get3A_466] {strides = array<i32>} : memref<128x128xf32, #tpu.memory_space<vmem>>, vector<16xf32>,
      %mul3A_468 = arith.mulf %get3A_464, %get3A_467 : vector<16xf32>
      %add3A_469 = arith.addf %add3A_461, %mul3A_468 : vector<16xf32>
      %eq3A_470 = arith.constant 7 : i32
      %eq3A_471 = vector.broadcast %eq3A_470 : i32 to vector<16xi32>
      %eq3A_472 = arith.cmpi eq, %iota3A, %eq3A_471 : vector<16xi32>
      %reduce_sum3A_473 = arith.constant true
      %reduce_sum3A_474 = vector.broadcast %reduce_sum3A_473 : i1 to vector<16xi1>
      %reduce_sum3A_475 = tpu.scan <sum>, %add3A_469 masked %reduce_sum3A_474 : vector<16xf32>, vector<16xi1> -> vector<16xf32>
      %reduce_sum3A_476 = vector.extract %reduce_sum3A_475[15] : f32 from vector<16xf32>
      %broadcast_in_dim3A_477 = vector.broadcast %reduce_sum3A_476 : f32 to vector<16xf32>
      %select_n3A_478 = arith.select %eq3A_472, %broadcast_in_dim3A_477, %select_n3A_436 : vector<16xi1>, vector<16xf32>
      %add3A_479 = arith.constant 8 : i32
      %add3A_480 = arith.addi %mul3A_145, %add3A_479 : i32
      %get3A_481 = arith.index_cast %add3A_480 : i32 to index
      %get3A_482 = arith.constant 0 : index
      %get3A_483 = tpu.vector_load %arg10[%get3A_481, %get3A_482] {strides = array<i32>} : memref<128x128xf32, #tpu.memory_space<vmem>>, vector<16xf32>,
      %get3A_484 = arith.index_cast %add3A_480 : i32 to index
      %get3A_485 = arith.constant 0 : index
      %get3A_486 = tpu.vector_load %arg11[%get3A_484, %get3A_485] {strides = array<i32>} : memref<128x128xf32, #tpu.memory_space<vmem>>, vector<16xf32>,
      %mul3A_487 = arith.mulf %get3A_483, %get3A_486 : vector<16xf32>
      %get3A_488 = arith.index_cast %add3A_480 : i32 to index
      %get3A_489 = arith.constant 16 : index
      %get3A_490 = tpu.vector_load %arg10[%get3A_488, %get3A_489] {strides = array<i32>} : memref<128x128xf32, #tpu.memory_space<vmem>>, vector<16xf32>,
      %get3A_491 = arith.index_cast %add3A_480 : i32 to index
      %get3A_492 = arith.constant 16 : index
      %get3A_493 = tpu.vector_load %arg11[%get3A_491, %get3A_492] {strides = array<i32>} : memref<128x128xf32, #tpu.memory_space<vmem>>, vector<16xf32>,
      %mul3A_494 = arith.mulf %get3A_490, %get3A_493 : vector<16xf32>
      %add3A_495 = arith.addf %mul3A_487, %mul3A_494 : vector<16xf32>
      %get3A_496 = arith.index_cast %add3A_480 : i32 to index
      %get3A_497 = arith.constant 32 : index
      %get3A_498 = tpu.vector_load %arg10[%get3A_496, %get3A_497] {strides = array<i32>} : memref<128x128xf32, #tpu.memory_space<vmem>>, vector<16xf32>,
      %get3A_499 = arith.index_cast %add3A_480 : i32 to index
      %get3A_500 = arith.constant 32 : index
      %get3A_501 = tpu.vector_load %arg11[%get3A_499, %get3A_500] {strides = array<i32>} : memref<128x128xf32, #tpu.memory_space<vmem>>, vector<16xf32>,
      %mul3A_502 = arith.mulf %get3A_498, %get3A_501 : vector<16xf32>
      %add3A_503 = arith.addf %add3A_495, %mul3A_502 : vector<16xf32>
      %get3A_504 = arith.index_cast %add3A_480 : i32 to index
      %get3A_505 = arith.constant 48 : index
      %get3A_506 = tpu.vector_load %arg10[%get3A_504, %get3A_505] {strides = array<i32>} : memref<128x128xf32, #tpu.memory_space<vmem>>, vector<16xf32>,
      %get3A_507 = arith.index_cast %add3A_480 : i32 to index
      %get3A_508 = arith.constant 48 : index
      %get3A_509 = tpu.vector_load %arg11[%get3A_507, %get3A_508] {strides = array<i32>} : memref<128x128xf32, #tpu.memory_space<vmem>>, vector<16xf32>,
      %mul3A_510 = arith.mulf %get3A_506, %get3A_509 : vector<16xf32>
      %add3A_511 = arith.addf %add3A_503, %mul3A_510 : vector<16xf32>
      %eq3A_512 = arith.constant 8 : i32
      %eq3A_513 = vector.broadcast %eq3A_512 : i32 to vector<16xi32>
      %eq3A_514 = arith.cmpi eq, %iota3A, %eq3A_513 : vector<16xi32>
      %reduce_sum3A_515 = arith.constant true
      %reduce_sum3A_516 = vector.broadcast %reduce_sum3A_515 : i1 to vector<16xi1>
      %reduce_sum3A_517 = tpu.scan <sum>, %add3A_511 masked %reduce_sum3A_516 : vector<16xf32>, vector<16xi1> -> vector<16xf32>
      %reduce_sum3A_518 = vector.extract %reduce_sum3A_517[15] : f32 from vector<16xf32>
      %broadcast_in_dim3A_519 = vector.broadcast %reduce_sum3A_518 : f32 to vector<16xf32>
      %select_n3A_520 = arith.select %eq3A_514, %broadcast_in_dim3A_519, %select_n3A_478 : vector<16xi1>, vector<16xf32>
      %add3A_521 = arith.constant 9 : i32
      %add3A_522 = arith.addi %mul3A_145, %add3A_521 : i32
      %get3A_523 = arith.index_cast %add3A_522 : i32 to index
      %get3A_524 = arith.constant 0 : index
      %get3A_525 = tpu.vector_load %arg10[%get3A_523, %get3A_524] {strides = array<i32>} : memref<128x128xf32, #tpu.memory_space<vmem>>, vector<16xf32>,
      %get3A_526 = arith.index_cast %add3A_522 : i32 to index
      %get3A_527 = arith.constant 0 : index
      %get3A_528 = tpu.vector_load %arg11[%get3A_526, %get3A_527] {strides = array<i32>} : memref<128x128xf32, #tpu.memory_space<vmem>>, vector<16xf32>,
      %mul3A_529 = arith.mulf %get3A_525, %get3A_528 : vector<16xf32>
      %get3A_530 = arith.index_cast %add3A_522 : i32 to index
      %get3A_531 = arith.constant 16 : index
      %get3A_532 = tpu.vector_load %arg10[%get3A_530, %get3A_531] {strides = array<i32>} : memref<128x128xf32, #tpu.memory_space<vmem>>, vector<16xf32>,
      %get3A_533 = arith.index_cast %add3A_522 : i32 to index
      %get3A_534 = arith.constant 16 : index
      %get3A_535 = tpu.vector_load %arg11[%get3A_533, %get3A_534] {strides = array<i32>} : memref<128x128xf32, #tpu.memory_space<vmem>>, vector<16xf32>,
      %mul3A_536 = arith.mulf %get3A_532, %get3A_535 : vector<16xf32>
      %add3A_537 = arith.addf %mul3A_529, %mul3A_536 : vector<16xf32>
      %get3A_538 = arith.index_cast %add3A_522 : i32 to index
      %get3A_539 = arith.constant 32 : index
      %get3A_540 = tpu.vector_load %arg10[%get3A_538, %get3A_539] {strides = array<i32>} : memref<128x128xf32, #tpu.memory_space<vmem>>, vector<16xf32>,
      %get3A_541 = arith.index_cast %add3A_522 : i32 to index
      %get3A_542 = arith.constant 32 : index
      %get3A_543 = tpu.vector_load %arg11[%get3A_541, %get3A_542] {strides = array<i32>} : memref<128x128xf32, #tpu.memory_space<vmem>>, vector<16xf32>,
      %mul3A_544 = arith.mulf %get3A_540, %get3A_543 : vector<16xf32>
      %add3A_545 = arith.addf %add3A_537, %mul3A_544 : vector<16xf32>
      %get3A_546 = arith.index_cast %add3A_522 : i32 to index
      %get3A_547 = arith.constant 48 : index
      %get3A_548 = tpu.vector_load %arg10[%get3A_546, %get3A_547] {strides = array<i32>} : memref<128x128xf32, #tpu.memory_space<vmem>>, vector<16xf32>,
      %get3A_549 = arith.index_cast %add3A_522 : i32 to index
      %get3A_550 = arith.constant 48 : index
      %get3A_551 = tpu.vector_load %arg11[%get3A_549, %get3A_550] {strides = array<i32>} : memref<128x128xf32, #tpu.memory_space<vmem>>, vector<16xf32>,
      %mul3A_552 = arith.mulf %get3A_548, %get3A_551 : vector<16xf32>
      %add3A_553 = arith.addf %add3A_545, %mul3A_552 : vector<16xf32>
      %eq3A_554 = arith.constant 9 : i32
      %eq3A_555 = vector.broadcast %eq3A_554 : i32 to vector<16xi32>
      %eq3A_556 = arith.cmpi eq, %iota3A, %eq3A_555 : vector<16xi32>
      %reduce_sum3A_557 = arith.constant true
      %reduce_sum3A_558 = vector.broadcast %reduce_sum3A_557 : i1 to vector<16xi1>
      %reduce_sum3A_559 = tpu.scan <sum>, %add3A_553 masked %reduce_sum3A_558 : vector<16xf32>, vector<16xi1> -> vector<16xf32>
      %reduce_sum3A_560 = vector.extract %reduce_sum3A_559[15] : f32 from vector<16xf32>
      %broadcast_in_dim3A_561 = vector.broadcast %reduce_sum3A_560 : f32 to vector<16xf32>
      %select_n3A_562 = arith.select %eq3A_556, %broadcast_in_dim3A_561, %select_n3A_520 : vector<16xi1>, vector<16xf32>
      %add3A_563 = arith.constant 10 : i32
      %add3A_564 = arith.addi %mul3A_145, %add3A_563 : i32
      %get3A_565 = arith.index_cast %add3A_564 : i32 to index
      %get3A_566 = arith.constant 0 : index
      %get3A_567 = tpu.vector_load %arg10[%get3A_565, %get3A_566] {strides = array<i32>} : memref<128x128xf32, #tpu.memory_space<vmem>>, vector<16xf32>,
      %get3A_568 = arith.index_cast %add3A_564 : i32 to index
      %get3A_569 = arith.constant 0 : index
      %get3A_570 = tpu.vector_load %arg11[%get3A_568, %get3A_569] {strides = array<i32>} : memref<128x128xf32, #tpu.memory_space<vmem>>, vector<16xf32>,
      %mul3A_571 = arith.mulf %get3A_567, %get3A_570 : vector<16xf32>
      %get3A_572 = arith.index_cast %add3A_564 : i32 to index
      %get3A_573 = arith.constant 16 : index
      %get3A_574 = tpu.vector_load %arg10[%get3A_572, %get3A_573] {strides = array<i32>} : memref<128x128xf32, #tpu.memory_space<vmem>>, vector<16xf32>,
      %get3A_575 = arith.index_cast %add3A_564 : i32 to index
      %get3A_576 = arith.constant 16 : index
      %get3A_577 = tpu.vector_load %arg11[%get3A_575, %get3A_576] {strides = array<i32>} : memref<128x128xf32, #tpu.memory_space<vmem>>, vector<16xf32>,
      %mul3A_578 = arith.mulf %get3A_574, %get3A_577 : vector<16xf32>
      %add3A_579 = arith.addf %mul3A_571, %mul3A_578 : vector<16xf32>
      %get3A_580 = arith.index_cast %add3A_564 : i32 to index
      %get3A_581 = arith.constant 32 : index
      %get3A_582 = tpu.vector_load %arg10[%get3A_580, %get3A_581] {strides = array<i32>} : memref<128x128xf32, #tpu.memory_space<vmem>>, vector<16xf32>,
      %get3A_583 = arith.index_cast %add3A_564 : i32 to index
      %get3A_584 = arith.constant 32 : index
      %get3A_585 = tpu.vector_load %arg11[%get3A_583, %get3A_584] {strides = array<i32>} : memref<128x128xf32, #tpu.memory_space<vmem>>, vector<16xf32>,
      %mul3A_586 = arith.mulf %get3A_582, %get3A_585 : vector<16xf32>
      %add3A_587 = arith.addf %add3A_579, %mul3A_586 : vector<16xf32>
      %get3A_588 = arith.index_cast %add3A_564 : i32 to index
      %get3A_589 = arith.constant 48 : index
      %get3A_590 = tpu.vector_load %arg10[%get3A_588, %get3A_589] {strides = array<i32>} : memref<128x128xf32, #tpu.memory_space<vmem>>, vector<16xf32>,
      %get3A_591 = arith.index_cast %add3A_564 : i32 to index
      %get3A_592 = arith.constant 48 : index
      %get3A_593 = tpu.vector_load %arg11[%get3A_591, %get3A_592] {strides = array<i32>} : memref<128x128xf32, #tpu.memory_space<vmem>>, vector<16xf32>,
      %mul3A_594 = arith.mulf %get3A_590, %get3A_593 : vector<16xf32>
      %add3A_595 = arith.addf %add3A_587, %mul3A_594 : vector<16xf32>
      %eq3A_596 = arith.constant 10 : i32
      %eq3A_597 = vector.broadcast %eq3A_596 : i32 to vector<16xi32>
      %eq3A_598 = arith.cmpi eq, %iota3A, %eq3A_597 : vector<16xi32>
      %reduce_sum3A_599 = arith.constant true
      %reduce_sum3A_600 = vector.broadcast %reduce_sum3A_599 : i1 to vector<16xi1>
      %reduce_sum3A_601 = tpu.scan <sum>, %add3A_595 masked %reduce_sum3A_600 : vector<16xf32>, vector<16xi1> -> vector<16xf32>
      %reduce_sum3A_602 = vector.extract %reduce_sum3A_601[15] : f32 from vector<16xf32>
      %broadcast_in_dim3A_603 = vector.broadcast %reduce_sum3A_602 : f32 to vector<16xf32>
      %select_n3A_604 = arith.select %eq3A_598, %broadcast_in_dim3A_603, %select_n3A_562 : vector<16xi1>, vector<16xf32>
      %add3A_605 = arith.constant 11 : i32
      %add3A_606 = arith.addi %mul3A_145, %add3A_605 : i32
      %get3A_607 = arith.index_cast %add3A_606 : i32 to index
      %get3A_608 = arith.constant 0 : index
      %get3A_609 = tpu.vector_load %arg10[%get3A_607, %get3A_608] {strides = array<i32>} : memref<128x128xf32, #tpu.memory_space<vmem>>, vector<16xf32>,
      %get3A_610 = arith.index_cast %add3A_606 : i32 to index
      %get3A_611 = arith.constant 0 : index
      %get3A_612 = tpu.vector_load %arg11[%get3A_610, %get3A_611] {strides = array<i32>} : memref<128x128xf32, #tpu.memory_space<vmem>>, vector<16xf32>,
      %mul3A_613 = arith.mulf %get3A_609, %get3A_612 : vector<16xf32>
      %get3A_614 = arith.index_cast %add3A_606 : i32 to index
      %get3A_615 = arith.constant 16 : index
      %get3A_616 = tpu.vector_load %arg10[%get3A_614, %get3A_615] {strides = array<i32>} : memref<128x128xf32, #tpu.memory_space<vmem>>, vector<16xf32>,
      %get3A_617 = arith.index_cast %add3A_606 : i32 to index
      %get3A_618 = arith.constant 16 : index
      %get3A_619 = tpu.vector_load %arg11[%get3A_617, %get3A_618] {strides = array<i32>} : memref<128x128xf32, #tpu.memory_space<vmem>>, vector<16xf32>,
      %mul3A_620 = arith.mulf %get3A_616, %get3A_619 : vector<16xf32>
      %add3A_621 = arith.addf %mul3A_613, %mul3A_620 : vector<16xf32>
      %get3A_622 = arith.index_cast %add3A_606 : i32 to index
      %get3A_623 = arith.constant 32 : index
      %get3A_624 = tpu.vector_load %arg10[%get3A_622, %get3A_623] {strides = array<i32>} : memref<128x128xf32, #tpu.memory_space<vmem>>, vector<16xf32>,
      %get3A_625 = arith.index_cast %add3A_606 : i32 to index
      %get3A_626 = arith.constant 32 : index
      %get3A_627 = tpu.vector_load %arg11[%get3A_625, %get3A_626] {strides = array<i32>} : memref<128x128xf32, #tpu.memory_space<vmem>>, vector<16xf32>,
      %mul3A_628 = arith.mulf %get3A_624, %get3A_627 : vector<16xf32>
      %add3A_629 = arith.addf %add3A_621, %mul3A_628 : vector<16xf32>
      %get3A_630 = arith.index_cast %add3A_606 : i32 to index
      %get3A_631 = arith.constant 48 : index
      %get3A_632 = tpu.vector_load %arg10[%get3A_630, %get3A_631] {strides = array<i32>} : memref<128x128xf32, #tpu.memory_space<vmem>>, vector<16xf32>,
      %get3A_633 = arith.index_cast %add3A_606 : i32 to index
      %get3A_634 = arith.constant 48 : index
      %get3A_635 = tpu.vector_load %arg11[%get3A_633, %get3A_634] {strides = array<i32>} : memref<128x128xf32, #tpu.memory_space<vmem>>, vector<16xf32>,
      %mul3A_636 = arith.mulf %get3A_632, %get3A_635 : vector<16xf32>
      %add3A_637 = arith.addf %add3A_629, %mul3A_636 : vector<16xf32>
      %eq3A_638 = arith.constant 11 : i32
      %eq3A_639 = vector.broadcast %eq3A_638 : i32 to vector<16xi32>
      %eq3A_640 = arith.cmpi eq, %iota3A, %eq3A_639 : vector<16xi32>
      %reduce_sum3A_641 = arith.constant true
      %reduce_sum3A_642 = vector.broadcast %reduce_sum3A_641 : i1 to vector<16xi1>
      %reduce_sum3A_643 = tpu.scan <sum>, %add3A_637 masked %reduce_sum3A_642 : vector<16xf32>, vector<16xi1> -> vector<16xf32>
      %reduce_sum3A_644 = vector.extract %reduce_sum3A_643[15] : f32 from vector<16xf32>
      %broadcast_in_dim3A_645 = vector.broadcast %reduce_sum3A_644 : f32 to vector<16xf32>
      %select_n3A_646 = arith.select %eq3A_640, %broadcast_in_dim3A_645, %select_n3A_604 : vector<16xi1>, vector<16xf32>
      %add3A_647 = arith.constant 12 : i32
      %add3A_648 = arith.addi %mul3A_145, %add3A_647 : i32
      %get3A_649 = arith.index_cast %add3A_648 : i32 to index
      %get3A_650 = arith.constant 0 : index
      %get3A_651 = tpu.vector_load %arg10[%get3A_649, %get3A_650] {strides = array<i32>} : memref<128x128xf32, #tpu.memory_space<vmem>>, vector<16xf32>,
      %get3A_652 = arith.index_cast %add3A_648 : i32 to index
      %get3A_653 = arith.constant 0 : index
      %get3A_654 = tpu.vector_load %arg11[%get3A_652, %get3A_653] {strides = array<i32>} : memref<128x128xf32, #tpu.memory_space<vmem>>, vector<16xf32>,
      %mul3A_655 = arith.mulf %get3A_651, %get3A_654 : vector<16xf32>
      %get3A_656 = arith.index_cast %add3A_648 : i32 to index
      %get3A_657 = arith.constant 16 : index
      %get3A_658 = tpu.vector_load %arg10[%get3A_656, %get3A_657] {strides = array<i32>} : memref<128x128xf32, #tpu.memory_space<vmem>>, vector<16xf32>,
      %get3A_659 = arith.index_cast %add3A_648 : i32 to index
      %get3A_660 = arith.constant 16 : index
      %get3A_661 = tpu.vector_load %arg11[%get3A_659, %get3A_660] {strides = array<i32>} : memref<128x128xf32, #tpu.memory_space<vmem>>, vector<16xf32>,
      %mul3A_662 = arith.mulf %get3A_658, %get3A_661 : vector<16xf32>
      %add3A_663 = arith.addf %mul3A_655, %mul3A_662 : vector<16xf32>
      %get3A_664 = arith.index_cast %add3A_648 : i32 to index
      %get3A_665 = arith.constant 32 : index
      %get3A_666 = tpu.vector_load %arg10[%get3A_664, %get3A_665] {strides = array<i32>} : memref<128x128xf32, #tpu.memory_space<vmem>>, vector<16xf32>,
      %get3A_667 = arith.index_cast %add3A_648 : i32 to index
      %get3A_668 = arith.constant 32 : index
      %get3A_669 = tpu.vector_load %arg11[%get3A_667, %get3A_668] {strides = array<i32>} : memref<128x128xf32, #tpu.memory_space<vmem>>, vector<16xf32>,
      %mul3A_670 = arith.mulf %get3A_666, %get3A_669 : vector<16xf32>
      %add3A_671 = arith.addf %add3A_663, %mul3A_670 : vector<16xf32>
      %get3A_672 = arith.index_cast %add3A_648 : i32 to index
      %get3A_673 = arith.constant 48 : index
      %get3A_674 = tpu.vector_load %arg10[%get3A_672, %get3A_673] {strides = array<i32>} : memref<128x128xf32, #tpu.memory_space<vmem>>, vector<16xf32>,
      %get3A_675 = arith.index_cast %add3A_648 : i32 to index
      %get3A_676 = arith.constant 48 : index
      %get3A_677 = tpu.vector_load %arg11[%get3A_675, %get3A_676] {strides = array<i32>} : memref<128x128xf32, #tpu.memory_space<vmem>>, vector<16xf32>,
      %mul3A_678 = arith.mulf %get3A_674, %get3A_677 : vector<16xf32>
      %add3A_679 = arith.addf %add3A_671, %mul3A_678 : vector<16xf32>
      %eq3A_680 = arith.constant 12 : i32
      %eq3A_681 = vector.broadcast %eq3A_680 : i32 to vector<16xi32>
      %eq3A_682 = arith.cmpi eq, %iota3A, %eq3A_681 : vector<16xi32>
      %reduce_sum3A_683 = arith.constant true
      %reduce_sum3A_684 = vector.broadcast %reduce_sum3A_683 : i1 to vector<16xi1>
      %reduce_sum3A_685 = tpu.scan <sum>, %add3A_679 masked %reduce_sum3A_684 : vector<16xf32>, vector<16xi1> -> vector<16xf32>
      %reduce_sum3A_686 = vector.extract %reduce_sum3A_685[15] : f32 from vector<16xf32>
      %broadcast_in_dim3A_687 = vector.broadcast %reduce_sum3A_686 : f32 to vector<16xf32>
      %select_n3A_688 = arith.select %eq3A_682, %broadcast_in_dim3A_687, %select_n3A_646 : vector<16xi1>, vector<16xf32>
      %add3A_689 = arith.constant 13 : i32
      %add3A_690 = arith.addi %mul3A_145, %add3A_689 : i32
      %get3A_691 = arith.index_cast %add3A_690 : i32 to index
      %get3A_692 = arith.constant 0 : index
      %get3A_693 = tpu.vector_load %arg10[%get3A_691, %get3A_692] {strides = array<i32>} : memref<128x128xf32, #tpu.memory_space<vmem>>, vector<16xf32>,
      %get3A_694 = arith.index_cast %add3A_690 : i32 to index
      %get3A_695 = arith.constant 0 : index
      %get3A_696 = tpu.vector_load %arg11[%get3A_694, %get3A_695] {strides = array<i32>} : memref<128x128xf32, #tpu.memory_space<vmem>>, vector<16xf32>,
      %mul3A_697 = arith.mulf %get3A_693, %get3A_696 : vector<16xf32>
      %get3A_698 = arith.index_cast %add3A_690 : i32 to index
      %get3A_699 = arith.constant 16 : index
      %get3A_700 = tpu.vector_load %arg10[%get3A_698, %get3A_699] {strides = array<i32>} : memref<128x128xf32, #tpu.memory_space<vmem>>, vector<16xf32>,
      %get3A_701 = arith.index_cast %add3A_690 : i32 to index
      %get3A_702 = arith.constant 16 : index
      %get3A_703 = tpu.vector_load %arg11[%get3A_701, %get3A_702] {strides = array<i32>} : memref<128x128xf32, #tpu.memory_space<vmem>>, vector<16xf32>,
      %mul3A_704 = arith.mulf %get3A_700, %get3A_703 : vector<16xf32>
      %add3A_705 = arith.addf %mul3A_697, %mul3A_704 : vector<16xf32>
      %get3A_706 = arith.index_cast %add3A_690 : i32 to index
      %get3A_707 = arith.constant 32 : index
      %get3A_708 = tpu.vector_load %arg10[%get3A_706, %get3A_707] {strides = array<i32>} : memref<128x128xf32, #tpu.memory_space<vmem>>, vector<16xf32>,
      %get3A_709 = arith.index_cast %add3A_690 : i32 to index
      %get3A_710 = arith.constant 32 : index
      %get3A_711 = tpu.vector_load %arg11[%get3A_709, %get3A_710] {strides = array<i32>} : memref<128x128xf32, #tpu.memory_space<vmem>>, vector<16xf32>,
      %mul3A_712 = arith.mulf %get3A_708, %get3A_711 : vector<16xf32>
      %add3A_713 = arith.addf %add3A_705, %mul3A_712 : vector<16xf32>
      %get3A_714 = arith.index_cast %add3A_690 : i32 to index
      %get3A_715 = arith.constant 48 : index
      %get3A_716 = tpu.vector_load %arg10[%get3A_714, %get3A_715] {strides = array<i32>} : memref<128x128xf32, #tpu.memory_space<vmem>>, vector<16xf32>,
      %get3A_717 = arith.index_cast %add3A_690 : i32 to index
      %get3A_718 = arith.constant 48 : index
      %get3A_719 = tpu.vector_load %arg11[%get3A_717, %get3A_718] {strides = array<i32>} : memref<128x128xf32, #tpu.memory_space<vmem>>, vector<16xf32>,
      %mul3A_720 = arith.mulf %get3A_716, %get3A_719 : vector<16xf32>
      %add3A_721 = arith.addf %add3A_713, %mul3A_720 : vector<16xf32>
      %eq3A_722 = arith.constant 13 : i32
      %eq3A_723 = vector.broadcast %eq3A_722 : i32 to vector<16xi32>
      %eq3A_724 = arith.cmpi eq, %iota3A, %eq3A_723 : vector<16xi32>
      %reduce_sum3A_725 = arith.constant true
      %reduce_sum3A_726 = vector.broadcast %reduce_sum3A_725 : i1 to vector<16xi1>
      %reduce_sum3A_727 = tpu.scan <sum>, %add3A_721 masked %reduce_sum3A_726 : vector<16xf32>, vector<16xi1> -> vector<16xf32>
      %reduce_sum3A_728 = vector.extract %reduce_sum3A_727[15] : f32 from vector<16xf32>
      %broadcast_in_dim3A_729 = vector.broadcast %reduce_sum3A_728 : f32 to vector<16xf32>
      %select_n3A_730 = arith.select %eq3A_724, %broadcast_in_dim3A_729, %select_n3A_688 : vector<16xi1>, vector<16xf32>
      %add3A_731 = arith.constant 14 : i32
      %add3A_732 = arith.addi %mul3A_145, %add3A_731 : i32
      %get3A_733 = arith.index_cast %add3A_732 : i32 to index
      %get3A_734 = arith.constant 0 : index
      %get3A_735 = tpu.vector_load %arg10[%get3A_733, %get3A_734] {strides = array<i32>} : memref<128x128xf32, #tpu.memory_space<vmem>>, vector<16xf32>,
      %get3A_736 = arith.index_cast %add3A_732 : i32 to index
      %get3A_737 = arith.constant 0 : index
      %get3A_738 = tpu.vector_load %arg11[%get3A_736, %get3A_737] {strides = array<i32>} : memref<128x128xf32, #tpu.memory_space<vmem>>, vector<16xf32>,
      %mul3A_739 = arith.mulf %get3A_735, %get3A_738 : vector<16xf32>
      %get3A_740 = arith.index_cast %add3A_732 : i32 to index
      %get3A_741 = arith.constant 16 : index
      %get3A_742 = tpu.vector_load %arg10[%get3A_740, %get3A_741] {strides = array<i32>} : memref<128x128xf32, #tpu.memory_space<vmem>>, vector<16xf32>,
      %get3A_743 = arith.index_cast %add3A_732 : i32 to index
      %get3A_744 = arith.constant 16 : index
      %get3A_745 = tpu.vector_load %arg11[%get3A_743, %get3A_744] {strides = array<i32>} : memref<128x128xf32, #tpu.memory_space<vmem>>, vector<16xf32>,
      %mul3A_746 = arith.mulf %get3A_742, %get3A_745 : vector<16xf32>
      %add3A_747 = arith.addf %mul3A_739, %mul3A_746 : vector<16xf32>
      %get3A_748 = arith.index_cast %add3A_732 : i32 to index
      %get3A_749 = arith.constant 32 : index
      %get3A_750 = tpu.vector_load %arg10[%get3A_748, %get3A_749] {strides = array<i32>} : memref<128x128xf32, #tpu.memory_space<vmem>>, vector<16xf32>,
      %get3A_751 = arith.index_cast %add3A_732 : i32 to index
      %get3A_752 = arith.constant 32 : index
      %get3A_753 = tpu.vector_load %arg11[%get3A_751, %get3A_752] {strides = array<i32>} : memref<128x128xf32, #tpu.memory_space<vmem>>, vector<16xf32>,
      %mul3A_754 = arith.mulf %get3A_750, %get3A_753 : vector<16xf32>
      %add3A_755 = arith.addf %add3A_747, %mul3A_754 : vector<16xf32>
      %get3A_756 = arith.index_cast %add3A_732 : i32 to index
      %get3A_757 = arith.constant 48 : index
      %get3A_758 = tpu.vector_load %arg10[%get3A_756, %get3A_757] {strides = array<i32>} : memref<128x128xf32, #tpu.memory_space<vmem>>, vector<16xf32>,
      %get3A_759 = arith.index_cast %add3A_732 : i32 to index
      %get3A_760 = arith.constant 48 : index
      %get3A_761 = tpu.vector_load %arg11[%get3A_759, %get3A_760] {strides = array<i32>} : memref<128x128xf32, #tpu.memory_space<vmem>>, vector<16xf32>,
      %mul3A_762 = arith.mulf %get3A_758, %get3A_761 : vector<16xf32>
      %add3A_763 = arith.addf %add3A_755, %mul3A_762 : vector<16xf32>
      %eq3A_764 = arith.constant 14 : i32
      %eq3A_765 = vector.broadcast %eq3A_764 : i32 to vector<16xi32>
      %eq3A_766 = arith.cmpi eq, %iota3A, %eq3A_765 : vector<16xi32>
      %reduce_sum3A_767 = arith.constant true
      %reduce_sum3A_768 = vector.broadcast %reduce_sum3A_767 : i1 to vector<16xi1>
      %reduce_sum3A_769 = tpu.scan <sum>, %add3A_763 masked %reduce_sum3A_768 : vector<16xf32>, vector<16xi1> -> vector<16xf32>
      %reduce_sum3A_770 = vector.extract %reduce_sum3A_769[15] : f32 from vector<16xf32>
      %broadcast_in_dim3A_771 = vector.broadcast %reduce_sum3A_770 : f32 to vector<16xf32>
      %select_n3A_772 = arith.select %eq3A_766, %broadcast_in_dim3A_771, %select_n3A_730 : vector<16xi1>, vector<16xf32>
      %add3A_773 = arith.constant 15 : i32
      %add3A_774 = arith.addi %mul3A_145, %add3A_773 : i32
      %get3A_775 = arith.index_cast %add3A_774 : i32 to index
      %get3A_776 = arith.constant 0 : index
      %get3A_777 = tpu.vector_load %arg10[%get3A_775, %get3A_776] {strides = array<i32>} : memref<128x128xf32, #tpu.memory_space<vmem>>, vector<16xf32>,
      %get3A_778 = arith.index_cast %add3A_774 : i32 to index
      %get3A_779 = arith.constant 0 : index
      %get3A_780 = tpu.vector_load %arg11[%get3A_778, %get3A_779] {strides = array<i32>} : memref<128x128xf32, #tpu.memory_space<vmem>>, vector<16xf32>,
      %mul3A_781 = arith.mulf %get3A_777, %get3A_780 : vector<16xf32>
      %get3A_782 = arith.index_cast %add3A_774 : i32 to index
      %get3A_783 = arith.constant 16 : index
      %get3A_784 = tpu.vector_load %arg10[%get3A_782, %get3A_783] {strides = array<i32>} : memref<128x128xf32, #tpu.memory_space<vmem>>, vector<16xf32>,
      %get3A_785 = arith.index_cast %add3A_774 : i32 to index
      %get3A_786 = arith.constant 16 : index
      %get3A_787 = tpu.vector_load %arg11[%get3A_785, %get3A_786] {strides = array<i32>} : memref<128x128xf32, #tpu.memory_space<vmem>>, vector<16xf32>,
      %mul3A_788 = arith.mulf %get3A_784, %get3A_787 : vector<16xf32>
      %add3A_789 = arith.addf %mul3A_781, %mul3A_788 : vector<16xf32>
      %get3A_790 = arith.index_cast %add3A_774 : i32 to index
      %get3A_791 = arith.constant 32 : index
      %get3A_792 = tpu.vector_load %arg10[%get3A_790, %get3A_791] {strides = array<i32>} : memref<128x128xf32, #tpu.memory_space<vmem>>, vector<16xf32>,
      %get3A_793 = arith.index_cast %add3A_774 : i32 to index
      %get3A_794 = arith.constant 32 : index
      %get3A_795 = tpu.vector_load %arg11[%get3A_793, %get3A_794] {strides = array<i32>} : memref<128x128xf32, #tpu.memory_space<vmem>>, vector<16xf32>,
      %mul3A_796 = arith.mulf %get3A_792, %get3A_795 : vector<16xf32>
      %add3A_797 = arith.addf %add3A_789, %mul3A_796 : vector<16xf32>
      %get3A_798 = arith.index_cast %add3A_774 : i32 to index
      %get3A_799 = arith.constant 48 : index
      %get3A_800 = tpu.vector_load %arg10[%get3A_798, %get3A_799] {strides = array<i32>} : memref<128x128xf32, #tpu.memory_space<vmem>>, vector<16xf32>,
      %get3A_801 = arith.index_cast %add3A_774 : i32 to index
      %get3A_802 = arith.constant 48 : index
      %get3A_803 = tpu.vector_load %arg11[%get3A_801, %get3A_802] {strides = array<i32>} : memref<128x128xf32, #tpu.memory_space<vmem>>, vector<16xf32>,
      %mul3A_804 = arith.mulf %get3A_800, %get3A_803 : vector<16xf32>
      %add3A_805 = arith.addf %add3A_797, %mul3A_804 : vector<16xf32>
      %eq3A_806 = arith.constant 15 : i32
      %eq3A_807 = vector.broadcast %eq3A_806 : i32 to vector<16xi32>
      %eq3A_808 = arith.cmpi eq, %iota3A, %eq3A_807 : vector<16xi32>
      %reduce_sum3A_809 = arith.constant true
      %reduce_sum3A_810 = vector.broadcast %reduce_sum3A_809 : i1 to vector<16xi1>
      %reduce_sum3A_811 = tpu.scan <sum>, %add3A_805 masked %reduce_sum3A_810 : vector<16xf32>, vector<16xi1> -> vector<16xf32>
      %reduce_sum3A_812 = vector.extract %reduce_sum3A_811[15] : f32 from vector<16xf32>
      %broadcast_in_dim3A_813 = vector.broadcast %reduce_sum3A_812 : f32 to vector<16xf32>
      %select_n3A_814 = arith.select %eq3A_808, %broadcast_in_dim3A_813, %select_n3A_772 : vector<16xi1>, vector<16xf32>
      %add3A_815 = arith.constant 128 : i32
      %add3A_816 = arith.addi %add3A_815, %mul3A_145 : i32
      %swap3A = arith.index_cast %add3A_816 : i32 to index
      %swap3A_817 = tpu.vector_load %arg12[%swap3A] {strides = array<i32>} : memref<512xf32, #tpu.memory_space<vmem>>, vector<16xf32>,
      tpu.vector_store %arg12[%swap3A], %select_n3A_814 {strides = array<i32>} : memref<512xf32, #tpu.memory_space<vmem>>, vector<16xf32>,
      %scan3A_818 = arith.constant 0 : i32
      scf.yield %scan3A_818 : i32
    }
    %scan3A_85 = arith.constant 8 : i32
    %dma_start3A_86 = arith.constant 3 : i32
    %dma_start3A_87 = arith.constant 0 : i32
    %dma_start3A_88 = tpu.memref_slice %arg6[%dma_start3A_86, %dma_start3A_87] : memref<4x128xi32, #tpu.memory_space<vmem>> -> memref<1x128xi32, #tpu.memory_space<vmem>>
    %dma_start3A_89 = tpu.memref_squeeze %dma_start3A_88 : memref<1x128xi32, #tpu.memory_space<vmem>> -> memref<128xi32, #tpu.memory_space<vmem>>
    %dma_start3A_90 = arith.constant 0 : i32
    %dma_start3A_91 = arith.constant 0 : i32
    %dma_start3A_92 = tpu.memref_slice %arg4[%dma_start3A_90, %dma_start3A_91] : memref<100000x128xf32, #tpu.memory_space<hbm>> -> memref<100000x128xf32, #tpu.memory_space<hbm>>
    tpu.enqueue_indirect_dma source(%dma_start3A_92 : memref<100000x128xf32, #tpu.memory_space<hbm>>) target(%arg10 : memref<128x128xf32, #tpu.memory_space<vmem>>) offsets(%dma_start3A_89 : memref<128xi32, #tpu.memory_space<vmem>>) semaphore(%arg15 : memref<!tpu.dma_semaphore, #tpu.memory_space<semaphore_mem>>)
    %dma_start3A_93 = arith.constant 3 : i32
    %dma_start3A_94 = arith.constant 0 : i32
    %dma_start3A_95 = tpu.memref_slice %arg7[%dma_start3A_93, %dma_start3A_94] : memref<4x128xi32, #tpu.memory_space<vmem>> -> memref<1x128xi32, #tpu.memory_space<vmem>>
    %dma_start3A_96 = tpu.memref_squeeze %dma_start3A_95 : memref<1x128xi32, #tpu.memory_space<vmem>> -> memref<128xi32, #tpu.memory_space<vmem>>
    %dma_start3A_97 = arith.constant 0 : i32
    %dma_start3A_98 = arith.constant 0 : i32
    %dma_start3A_99 = tpu.memref_slice %arg4[%dma_start3A_97, %dma_start3A_98] : memref<100000x128xf32, #tpu.memory_space<hbm>> -> memref<100000x128xf32, #tpu.memory_space<hbm>>
    tpu.enqueue_indirect_dma source(%dma_start3A_99 : memref<100000x128xf32, #tpu.memory_space<hbm>>) target(%arg11 : memref<128x128xf32, #tpu.memory_space<vmem>>) offsets(%dma_start3A_96 : memref<128xi32, #tpu.memory_space<vmem>>) semaphore(%arg16 : memref<!tpu.dma_semaphore, #tpu.memory_space<semaphore_mem>>)
    %dma_wait3A_100 = arith.constant 2 : i32
    %dma_wait3A_101 = arith.constant 0 : i32
    %dma_wait3A_102 = tpu.memref_slice %arg6[%dma_wait3A_100, %dma_wait3A_101] : memref<4x128xi32, #tpu.memory_space<vmem>> -> memref<1x128xi32, #tpu.memory_space<vmem>>
    %dma_wait3A_103 = tpu.memref_squeeze %dma_wait3A_102 : memref<1x128xi32, #tpu.memory_space<vmem>> -> memref<128xi32, #tpu.memory_space<vmem>>
    %dma_wait3A_104 = arith.constant 0 : i32
    %dma_wait3A_105 = arith.constant 0 : i32
    %dma_wait3A_106 = tpu.memref_slice %arg4[%dma_wait3A_104, %dma_wait3A_105] : memref<100000x128xf32, #tpu.memory_space<hbm>> -> memref<100000x128xf32, #tpu.memory_space<hbm>>
    tpu.wait_indirect_dma semaphore(%arg13 : memref<!tpu.dma_semaphore, #tpu.memory_space<semaphore_mem>>) src(%dma_wait3A_106 : memref<100000x128xf32, #tpu.memory_space<hbm>>) dst(%arg8 : memref<128x128xf32, #tpu.memory_space<vmem>>)
    %dma_wait3A_107 = arith.constant 2 : i32
    %dma_wait3A_108 = arith.constant 0 : i32
    %dma_wait3A_109 = tpu.memref_slice %arg7[%dma_wait3A_107, %dma_wait3A_108] : memref<4x128xi32, #tpu.memory_space<vmem>> -> memref<1x128xi32, #tpu.memory_space<vmem>>
    %dma_wait3A_110 = tpu.memref_squeeze %dma_wait3A_109 : memref<1x128xi32, #tpu.memory_space<vmem>> -> memref<128xi32, #tpu.memory_space<vmem>>
    %dma_wait3A_111 = arith.constant 0 : i32
    %dma_wait3A_112 = arith.constant 0 : i32
    %dma_wait3A_113 = tpu.memref_slice %arg4[%dma_wait3A_111, %dma_wait3A_112] : memref<100000x128xf32, #tpu.memory_space<hbm>> -> memref<100000x128xf32, #tpu.memory_space<hbm>>
    tpu.wait_indirect_dma semaphore(%arg14 : memref<!tpu.dma_semaphore, #tpu.memory_space<semaphore_mem>>) src(%dma_wait3A_113 : memref<100000x128xf32, #tpu.memory_space<hbm>>) dst(%arg9 : memref<128x128xf32, #tpu.memory_space<vmem>>)
    %scan3A_114 = arith.constant 0 : i32
    %scan3A_115 = arith.constant 0 : i32
    %scan3A_116 = arith.constant 8 : i32
    %scan3A_117 = arith.addi %scan3A_115, %scan3A_116 : i32
    %scan3A_118 = arith.constant 1 : i32
    %scan3A_119 = scf.for %scan3A_142 = %scan3A_115 to %scan3A_117 step %scan3A_118 iter_args(%scan3A_143 = %scan3A_114) -> (i32)  : i32 {
      %mul3A_144 = arith.constant 16 : i32
      %mul3A_145 = arith.muli %scan3A_142, %mul3A_144 : i32
      %broadcast_in_dim3A = arith.constant 0.000000e+00 : f32
      %broadcast_in_dim3A_146 = vector.broadcast %broadcast_in_dim3A : f32 to vector<16xf32>
      %add3A_147 = arith.constant 0 : i32
      %add3A_148 = arith.addi %mul3A_145, %add3A_147 : i32
      %get3A = arith.index_cast %add3A_148 : i32 to index
      %get3A_149 = arith.constant 0 : index
      %get3A_150 = tpu.vector_load %arg8[%get3A, %get3A_149] {strides = array<i32>} : memref<128x128xf32, #tpu.memory_space<vmem>>, vector<16xf32>,
      %get3A_151 = arith.index_cast %add3A_148 : i32 to index
      %get3A_152 = arith.constant 0 : index
      %get3A_153 = tpu.vector_load %arg9[%get3A_151, %get3A_152] {strides = array<i32>} : memref<128x128xf32, #tpu.memory_space<vmem>>, vector<16xf32>,
      %mul3A_154 = arith.mulf %get3A_150, %get3A_153 : vector<16xf32>
      %get3A_155 = arith.index_cast %add3A_148 : i32 to index
      %get3A_156 = arith.constant 16 : index
      %get3A_157 = tpu.vector_load %arg8[%get3A_155, %get3A_156] {strides = array<i32>} : memref<128x128xf32, #tpu.memory_space<vmem>>, vector<16xf32>,
      %get3A_158 = arith.index_cast %add3A_148 : i32 to index
      %get3A_159 = arith.constant 16 : index
      %get3A_160 = tpu.vector_load %arg9[%get3A_158, %get3A_159] {strides = array<i32>} : memref<128x128xf32, #tpu.memory_space<vmem>>, vector<16xf32>,
      %mul3A_161 = arith.mulf %get3A_157, %get3A_160 : vector<16xf32>
      %add3A_162 = arith.addf %mul3A_154, %mul3A_161 : vector<16xf32>
      %get3A_163 = arith.index_cast %add3A_148 : i32 to index
      %get3A_164 = arith.constant 32 : index
      %get3A_165 = tpu.vector_load %arg8[%get3A_163, %get3A_164] {strides = array<i32>} : memref<128x128xf32, #tpu.memory_space<vmem>>, vector<16xf32>,
      %get3A_166 = arith.index_cast %add3A_148 : i32 to index
      %get3A_167 = arith.constant 32 : index
      %get3A_168 = tpu.vector_load %arg9[%get3A_166, %get3A_167] {strides = array<i32>} : memref<128x128xf32, #tpu.memory_space<vmem>>, vector<16xf32>,
      %mul3A_169 = arith.mulf %get3A_165, %get3A_168 : vector<16xf32>
      %add3A_170 = arith.addf %add3A_162, %mul3A_169 : vector<16xf32>
      %get3A_171 = arith.index_cast %add3A_148 : i32 to index
      %get3A_172 = arith.constant 48 : index
      %get3A_173 = tpu.vector_load %arg8[%get3A_171, %get3A_172] {strides = array<i32>} : memref<128x128xf32, #tpu.memory_space<vmem>>, vector<16xf32>,
      %get3A_174 = arith.index_cast %add3A_148 : i32 to index
      %get3A_175 = arith.constant 48 : index
      %get3A_176 = tpu.vector_load %arg9[%get3A_174, %get3A_175] {strides = array<i32>} : memref<128x128xf32, #tpu.memory_space<vmem>>, vector<16xf32>,
      %mul3A_177 = arith.mulf %get3A_173, %get3A_176 : vector<16xf32>
      %add3A_178 = arith.addf %add3A_170, %mul3A_177 : vector<16xf32>
      %eq3A = arith.constant 0 : i32
      %eq3A_179 = vector.broadcast %eq3A : i32 to vector<16xi32>
      %eq3A_180 = arith.cmpi eq, %iota3A, %eq3A_179 : vector<16xi32>
      %reduce_sum3A = arith.constant true
      %reduce_sum3A_181 = vector.broadcast %reduce_sum3A : i1 to vector<16xi1>
      %reduce_sum3A_182 = tpu.scan <sum>, %add3A_178 masked %reduce_sum3A_181 : vector<16xf32>, vector<16xi1> -> vector<16xf32>
      %reduce_sum3A_183 = vector.extract %reduce_sum3A_182[15] : f32 from vector<16xf32>
      %broadcast_in_dim3A_184 = vector.broadcast %reduce_sum3A_183 : f32 to vector<16xf32>
      %select_n3A = arith.select %eq3A_180, %broadcast_in_dim3A_184, %broadcast_in_dim3A_146 : vector<16xi1>, vector<16xf32>
      %add3A_185 = arith.constant 1 : i32
      %add3A_186 = arith.addi %mul3A_145, %add3A_185 : i32
      %get3A_187 = arith.index_cast %add3A_186 : i32 to index
      %get3A_188 = arith.constant 0 : index
      %get3A_189 = tpu.vector_load %arg8[%get3A_187, %get3A_188] {strides = array<i32>} : memref<128x128xf32, #tpu.memory_space<vmem>>, vector<16xf32>,
      %get3A_190 = arith.index_cast %add3A_186 : i32 to index
      %get3A_191 = arith.constant 0 : index
      %get3A_192 = tpu.vector_load %arg9[%get3A_190, %get3A_191] {strides = array<i32>} : memref<128x128xf32, #tpu.memory_space<vmem>>, vector<16xf32>,
      %mul3A_193 = arith.mulf %get3A_189, %get3A_192 : vector<16xf32>
      %get3A_194 = arith.index_cast %add3A_186 : i32 to index
      %get3A_195 = arith.constant 16 : index
      %get3A_196 = tpu.vector_load %arg8[%get3A_194, %get3A_195] {strides = array<i32>} : memref<128x128xf32, #tpu.memory_space<vmem>>, vector<16xf32>,
      %get3A_197 = arith.index_cast %add3A_186 : i32 to index
      %get3A_198 = arith.constant 16 : index
      %get3A_199 = tpu.vector_load %arg9[%get3A_197, %get3A_198] {strides = array<i32>} : memref<128x128xf32, #tpu.memory_space<vmem>>, vector<16xf32>,
      %mul3A_200 = arith.mulf %get3A_196, %get3A_199 : vector<16xf32>
      %add3A_201 = arith.addf %mul3A_193, %mul3A_200 : vector<16xf32>
      %get3A_202 = arith.index_cast %add3A_186 : i32 to index
      %get3A_203 = arith.constant 32 : index
      %get3A_204 = tpu.vector_load %arg8[%get3A_202, %get3A_203] {strides = array<i32>} : memref<128x128xf32, #tpu.memory_space<vmem>>, vector<16xf32>,
      %get3A_205 = arith.index_cast %add3A_186 : i32 to index
      %get3A_206 = arith.constant 32 : index
      %get3A_207 = tpu.vector_load %arg9[%get3A_205, %get3A_206] {strides = array<i32>} : memref<128x128xf32, #tpu.memory_space<vmem>>, vector<16xf32>,
      %mul3A_208 = arith.mulf %get3A_204, %get3A_207 : vector<16xf32>
      %add3A_209 = arith.addf %add3A_201, %mul3A_208 : vector<16xf32>
      %get3A_210 = arith.index_cast %add3A_186 : i32 to index
      %get3A_211 = arith.constant 48 : index
      %get3A_212 = tpu.vector_load %arg8[%get3A_210, %get3A_211] {strides = array<i32>} : memref<128x128xf32, #tpu.memory_space<vmem>>, vector<16xf32>,
      %get3A_213 = arith.index_cast %add3A_186 : i32 to index
      %get3A_214 = arith.constant 48 : index
      %get3A_215 = tpu.vector_load %arg9[%get3A_213, %get3A_214] {strides = array<i32>} : memref<128x128xf32, #tpu.memory_space<vmem>>, vector<16xf32>,
      %mul3A_216 = arith.mulf %get3A_212, %get3A_215 : vector<16xf32>
      %add3A_217 = arith.addf %add3A_209, %mul3A_216 : vector<16xf32>
      %eq3A_218 = arith.constant 1 : i32
      %eq3A_219 = vector.broadcast %eq3A_218 : i32 to vector<16xi32>
      %eq3A_220 = arith.cmpi eq, %iota3A, %eq3A_219 : vector<16xi32>
      %reduce_sum3A_221 = arith.constant true
      %reduce_sum3A_222 = vector.broadcast %reduce_sum3A_221 : i1 to vector<16xi1>
      %reduce_sum3A_223 = tpu.scan <sum>, %add3A_217 masked %reduce_sum3A_222 : vector<16xf32>, vector<16xi1> -> vector<16xf32>
      %reduce_sum3A_224 = vector.extract %reduce_sum3A_223[15] : f32 from vector<16xf32>
      %broadcast_in_dim3A_225 = vector.broadcast %reduce_sum3A_224 : f32 to vector<16xf32>
      %select_n3A_226 = arith.select %eq3A_220, %broadcast_in_dim3A_225, %select_n3A : vector<16xi1>, vector<16xf32>
      %add3A_227 = arith.constant 2 : i32
      %add3A_228 = arith.addi %mul3A_145, %add3A_227 : i32
      %get3A_229 = arith.index_cast %add3A_228 : i32 to index
      %get3A_230 = arith.constant 0 : index
      %get3A_231 = tpu.vector_load %arg8[%get3A_229, %get3A_230] {strides = array<i32>} : memref<128x128xf32, #tpu.memory_space<vmem>>, vector<16xf32>,
      %get3A_232 = arith.index_cast %add3A_228 : i32 to index
      %get3A_233 = arith.constant 0 : index
      %get3A_234 = tpu.vector_load %arg9[%get3A_232, %get3A_233] {strides = array<i32>} : memref<128x128xf32, #tpu.memory_space<vmem>>, vector<16xf32>,
      %mul3A_235 = arith.mulf %get3A_231, %get3A_234 : vector<16xf32>
      %get3A_236 = arith.index_cast %add3A_228 : i32 to index
      %get3A_237 = arith.constant 16 : index
      %get3A_238 = tpu.vector_load %arg8[%get3A_236, %get3A_237] {strides = array<i32>} : memref<128x128xf32, #tpu.memory_space<vmem>>, vector<16xf32>,
      %get3A_239 = arith.index_cast %add3A_228 : i32 to index
      %get3A_240 = arith.constant 16 : index
      %get3A_241 = tpu.vector_load %arg9[%get3A_239, %get3A_240] {strides = array<i32>} : memref<128x128xf32, #tpu.memory_space<vmem>>, vector<16xf32>,
      %mul3A_242 = arith.mulf %get3A_238, %get3A_241 : vector<16xf32>
      %add3A_243 = arith.addf %mul3A_235, %mul3A_242 : vector<16xf32>
      %get3A_244 = arith.index_cast %add3A_228 : i32 to index
      %get3A_245 = arith.constant 32 : index
      %get3A_246 = tpu.vector_load %arg8[%get3A_244, %get3A_245] {strides = array<i32>} : memref<128x128xf32, #tpu.memory_space<vmem>>, vector<16xf32>,
      %get3A_247 = arith.index_cast %add3A_228 : i32 to index
      %get3A_248 = arith.constant 32 : index
      %get3A_249 = tpu.vector_load %arg9[%get3A_247, %get3A_248] {strides = array<i32>} : memref<128x128xf32, #tpu.memory_space<vmem>>, vector<16xf32>,
      %mul3A_250 = arith.mulf %get3A_246, %get3A_249 : vector<16xf32>
      %add3A_251 = arith.addf %add3A_243, %mul3A_250 : vector<16xf32>
      %get3A_252 = arith.index_cast %add3A_228 : i32 to index
      %get3A_253 = arith.constant 48 : index
      %get3A_254 = tpu.vector_load %arg8[%get3A_252, %get3A_253] {strides = array<i32>} : memref<128x128xf32, #tpu.memory_space<vmem>>, vector<16xf32>,
      %get3A_255 = arith.index_cast %add3A_228 : i32 to index
      %get3A_256 = arith.constant 48 : index
      %get3A_257 = tpu.vector_load %arg9[%get3A_255, %get3A_256] {strides = array<i32>} : memref<128x128xf32, #tpu.memory_space<vmem>>, vector<16xf32>,
      %mul3A_258 = arith.mulf %get3A_254, %get3A_257 : vector<16xf32>
      %add3A_259 = arith.addf %add3A_251, %mul3A_258 : vector<16xf32>
      %eq3A_260 = arith.constant 2 : i32
      %eq3A_261 = vector.broadcast %eq3A_260 : i32 to vector<16xi32>
      %eq3A_262 = arith.cmpi eq, %iota3A, %eq3A_261 : vector<16xi32>
      %reduce_sum3A_263 = arith.constant true
      %reduce_sum3A_264 = vector.broadcast %reduce_sum3A_263 : i1 to vector<16xi1>
      %reduce_sum3A_265 = tpu.scan <sum>, %add3A_259 masked %reduce_sum3A_264 : vector<16xf32>, vector<16xi1> -> vector<16xf32>
      %reduce_sum3A_266 = vector.extract %reduce_sum3A_265[15] : f32 from vector<16xf32>
      %broadcast_in_dim3A_267 = vector.broadcast %reduce_sum3A_266 : f32 to vector<16xf32>
      %select_n3A_268 = arith.select %eq3A_262, %broadcast_in_dim3A_267, %select_n3A_226 : vector<16xi1>, vector<16xf32>
      %add3A_269 = arith.constant 3 : i32
      %add3A_270 = arith.addi %mul3A_145, %add3A_269 : i32
      %get3A_271 = arith.index_cast %add3A_270 : i32 to index
      %get3A_272 = arith.constant 0 : index
      %get3A_273 = tpu.vector_load %arg8[%get3A_271, %get3A_272] {strides = array<i32>} : memref<128x128xf32, #tpu.memory_space<vmem>>, vector<16xf32>,
      %get3A_274 = arith.index_cast %add3A_270 : i32 to index
      %get3A_275 = arith.constant 0 : index
      %get3A_276 = tpu.vector_load %arg9[%get3A_274, %get3A_275] {strides = array<i32>} : memref<128x128xf32, #tpu.memory_space<vmem>>, vector<16xf32>,
      %mul3A_277 = arith.mulf %get3A_273, %get3A_276 : vector<16xf32>
      %get3A_278 = arith.index_cast %add3A_270 : i32 to index
      %get3A_279 = arith.constant 16 : index
      %get3A_280 = tpu.vector_load %arg8[%get3A_278, %get3A_279] {strides = array<i32>} : memref<128x128xf32, #tpu.memory_space<vmem>>, vector<16xf32>,
      %get3A_281 = arith.index_cast %add3A_270 : i32 to index
      %get3A_282 = arith.constant 16 : index
      %get3A_283 = tpu.vector_load %arg9[%get3A_281, %get3A_282] {strides = array<i32>} : memref<128x128xf32, #tpu.memory_space<vmem>>, vector<16xf32>,
      %mul3A_284 = arith.mulf %get3A_280, %get3A_283 : vector<16xf32>
      %add3A_285 = arith.addf %mul3A_277, %mul3A_284 : vector<16xf32>
      %get3A_286 = arith.index_cast %add3A_270 : i32 to index
      %get3A_287 = arith.constant 32 : index
      %get3A_288 = tpu.vector_load %arg8[%get3A_286, %get3A_287] {strides = array<i32>} : memref<128x128xf32, #tpu.memory_space<vmem>>, vector<16xf32>,
      %get3A_289 = arith.index_cast %add3A_270 : i32 to index
      %get3A_290 = arith.constant 32 : index
      %get3A_291 = tpu.vector_load %arg9[%get3A_289, %get3A_290] {strides = array<i32>} : memref<128x128xf32, #tpu.memory_space<vmem>>, vector<16xf32>,
      %mul3A_292 = arith.mulf %get3A_288, %get3A_291 : vector<16xf32>
      %add3A_293 = arith.addf %add3A_285, %mul3A_292 : vector<16xf32>
      %get3A_294 = arith.index_cast %add3A_270 : i32 to index
      %get3A_295 = arith.constant 48 : index
      %get3A_296 = tpu.vector_load %arg8[%get3A_294, %get3A_295] {strides = array<i32>} : memref<128x128xf32, #tpu.memory_space<vmem>>, vector<16xf32>,
      %get3A_297 = arith.index_cast %add3A_270 : i32 to index
      %get3A_298 = arith.constant 48 : index
      %get3A_299 = tpu.vector_load %arg9[%get3A_297, %get3A_298] {strides = array<i32>} : memref<128x128xf32, #tpu.memory_space<vmem>>, vector<16xf32>,
      %mul3A_300 = arith.mulf %get3A_296, %get3A_299 : vector<16xf32>
      %add3A_301 = arith.addf %add3A_293, %mul3A_300 : vector<16xf32>
      %eq3A_302 = arith.constant 3 : i32
      %eq3A_303 = vector.broadcast %eq3A_302 : i32 to vector<16xi32>
      %eq3A_304 = arith.cmpi eq, %iota3A, %eq3A_303 : vector<16xi32>
      %reduce_sum3A_305 = arith.constant true
      %reduce_sum3A_306 = vector.broadcast %reduce_sum3A_305 : i1 to vector<16xi1>
      %reduce_sum3A_307 = tpu.scan <sum>, %add3A_301 masked %reduce_sum3A_306 : vector<16xf32>, vector<16xi1> -> vector<16xf32>
      %reduce_sum3A_308 = vector.extract %reduce_sum3A_307[15] : f32 from vector<16xf32>
      %broadcast_in_dim3A_309 = vector.broadcast %reduce_sum3A_308 : f32 to vector<16xf32>
      %select_n3A_310 = arith.select %eq3A_304, %broadcast_in_dim3A_309, %select_n3A_268 : vector<16xi1>, vector<16xf32>
      %add3A_311 = arith.constant 4 : i32
      %add3A_312 = arith.addi %mul3A_145, %add3A_311 : i32
      %get3A_313 = arith.index_cast %add3A_312 : i32 to index
      %get3A_314 = arith.constant 0 : index
      %get3A_315 = tpu.vector_load %arg8[%get3A_313, %get3A_314] {strides = array<i32>} : memref<128x128xf32, #tpu.memory_space<vmem>>, vector<16xf32>,
      %get3A_316 = arith.index_cast %add3A_312 : i32 to index
      %get3A_317 = arith.constant 0 : index
      %get3A_318 = tpu.vector_load %arg9[%get3A_316, %get3A_317] {strides = array<i32>} : memref<128x128xf32, #tpu.memory_space<vmem>>, vector<16xf32>,
      %mul3A_319 = arith.mulf %get3A_315, %get3A_318 : vector<16xf32>
      %get3A_320 = arith.index_cast %add3A_312 : i32 to index
      %get3A_321 = arith.constant 16 : index
      %get3A_322 = tpu.vector_load %arg8[%get3A_320, %get3A_321] {strides = array<i32>} : memref<128x128xf32, #tpu.memory_space<vmem>>, vector<16xf32>,
      %get3A_323 = arith.index_cast %add3A_312 : i32 to index
      %get3A_324 = arith.constant 16 : index
      %get3A_325 = tpu.vector_load %arg9[%get3A_323, %get3A_324] {strides = array<i32>} : memref<128x128xf32, #tpu.memory_space<vmem>>, vector<16xf32>,
      %mul3A_326 = arith.mulf %get3A_322, %get3A_325 : vector<16xf32>
      %add3A_327 = arith.addf %mul3A_319, %mul3A_326 : vector<16xf32>
      %get3A_328 = arith.index_cast %add3A_312 : i32 to index
      %get3A_329 = arith.constant 32 : index
      %get3A_330 = tpu.vector_load %arg8[%get3A_328, %get3A_329] {strides = array<i32>} : memref<128x128xf32, #tpu.memory_space<vmem>>, vector<16xf32>,
      %get3A_331 = arith.index_cast %add3A_312 : i32 to index
      %get3A_332 = arith.constant 32 : index
      %get3A_333 = tpu.vector_load %arg9[%get3A_331, %get3A_332] {strides = array<i32>} : memref<128x128xf32, #tpu.memory_space<vmem>>, vector<16xf32>,
      %mul3A_334 = arith.mulf %get3A_330, %get3A_333 : vector<16xf32>
      %add3A_335 = arith.addf %add3A_327, %mul3A_334 : vector<16xf32>
      %get3A_336 = arith.index_cast %add3A_312 : i32 to index
      %get3A_337 = arith.constant 48 : index
      %get3A_338 = tpu.vector_load %arg8[%get3A_336, %get3A_337] {strides = array<i32>} : memref<128x128xf32, #tpu.memory_space<vmem>>, vector<16xf32>,
      %get3A_339 = arith.index_cast %add3A_312 : i32 to index
      %get3A_340 = arith.constant 48 : index
      %get3A_341 = tpu.vector_load %arg9[%get3A_339, %get3A_340] {strides = array<i32>} : memref<128x128xf32, #tpu.memory_space<vmem>>, vector<16xf32>,
      %mul3A_342 = arith.mulf %get3A_338, %get3A_341 : vector<16xf32>
      %add3A_343 = arith.addf %add3A_335, %mul3A_342 : vector<16xf32>
      %eq3A_344 = arith.constant 4 : i32
      %eq3A_345 = vector.broadcast %eq3A_344 : i32 to vector<16xi32>
      %eq3A_346 = arith.cmpi eq, %iota3A, %eq3A_345 : vector<16xi32>
      %reduce_sum3A_347 = arith.constant true
      %reduce_sum3A_348 = vector.broadcast %reduce_sum3A_347 : i1 to vector<16xi1>
      %reduce_sum3A_349 = tpu.scan <sum>, %add3A_343 masked %reduce_sum3A_348 : vector<16xf32>, vector<16xi1> -> vector<16xf32>
      %reduce_sum3A_350 = vector.extract %reduce_sum3A_349[15] : f32 from vector<16xf32>
      %broadcast_in_dim3A_351 = vector.broadcast %reduce_sum3A_350 : f32 to vector<16xf32>
      %select_n3A_352 = arith.select %eq3A_346, %broadcast_in_dim3A_351, %select_n3A_310 : vector<16xi1>, vector<16xf32>
      %add3A_353 = arith.constant 5 : i32
      %add3A_354 = arith.addi %mul3A_145, %add3A_353 : i32
      %get3A_355 = arith.index_cast %add3A_354 : i32 to index
      %get3A_356 = arith.constant 0 : index
      %get3A_357 = tpu.vector_load %arg8[%get3A_355, %get3A_356] {strides = array<i32>} : memref<128x128xf32, #tpu.memory_space<vmem>>, vector<16xf32>,
      %get3A_358 = arith.index_cast %add3A_354 : i32 to index
      %get3A_359 = arith.constant 0 : index
      %get3A_360 = tpu.vector_load %arg9[%get3A_358, %get3A_359] {strides = array<i32>} : memref<128x128xf32, #tpu.memory_space<vmem>>, vector<16xf32>,
      %mul3A_361 = arith.mulf %get3A_357, %get3A_360 : vector<16xf32>
      %get3A_362 = arith.index_cast %add3A_354 : i32 to index
      %get3A_363 = arith.constant 16 : index
      %get3A_364 = tpu.vector_load %arg8[%get3A_362, %get3A_363] {strides = array<i32>} : memref<128x128xf32, #tpu.memory_space<vmem>>, vector<16xf32>,
      %get3A_365 = arith.index_cast %add3A_354 : i32 to index
      %get3A_366 = arith.constant 16 : index
      %get3A_367 = tpu.vector_load %arg9[%get3A_365, %get3A_366] {strides = array<i32>} : memref<128x128xf32, #tpu.memory_space<vmem>>, vector<16xf32>,
      %mul3A_368 = arith.mulf %get3A_364, %get3A_367 : vector<16xf32>
      %add3A_369 = arith.addf %mul3A_361, %mul3A_368 : vector<16xf32>
      %get3A_370 = arith.index_cast %add3A_354 : i32 to index
      %get3A_371 = arith.constant 32 : index
      %get3A_372 = tpu.vector_load %arg8[%get3A_370, %get3A_371] {strides = array<i32>} : memref<128x128xf32, #tpu.memory_space<vmem>>, vector<16xf32>,
      %get3A_373 = arith.index_cast %add3A_354 : i32 to index
      %get3A_374 = arith.constant 32 : index
      %get3A_375 = tpu.vector_load %arg9[%get3A_373, %get3A_374] {strides = array<i32>} : memref<128x128xf32, #tpu.memory_space<vmem>>, vector<16xf32>,
      %mul3A_376 = arith.mulf %get3A_372, %get3A_375 : vector<16xf32>
      %add3A_377 = arith.addf %add3A_369, %mul3A_376 : vector<16xf32>
      %get3A_378 = arith.index_cast %add3A_354 : i32 to index
      %get3A_379 = arith.constant 48 : index
      %get3A_380 = tpu.vector_load %arg8[%get3A_378, %get3A_379] {strides = array<i32>} : memref<128x128xf32, #tpu.memory_space<vmem>>, vector<16xf32>,
      %get3A_381 = arith.index_cast %add3A_354 : i32 to index
      %get3A_382 = arith.constant 48 : index
      %get3A_383 = tpu.vector_load %arg9[%get3A_381, %get3A_382] {strides = array<i32>} : memref<128x128xf32, #tpu.memory_space<vmem>>, vector<16xf32>,
      %mul3A_384 = arith.mulf %get3A_380, %get3A_383 : vector<16xf32>
      %add3A_385 = arith.addf %add3A_377, %mul3A_384 : vector<16xf32>
      %eq3A_386 = arith.constant 5 : i32
      %eq3A_387 = vector.broadcast %eq3A_386 : i32 to vector<16xi32>
      %eq3A_388 = arith.cmpi eq, %iota3A, %eq3A_387 : vector<16xi32>
      %reduce_sum3A_389 = arith.constant true
      %reduce_sum3A_390 = vector.broadcast %reduce_sum3A_389 : i1 to vector<16xi1>
      %reduce_sum3A_391 = tpu.scan <sum>, %add3A_385 masked %reduce_sum3A_390 : vector<16xf32>, vector<16xi1> -> vector<16xf32>
      %reduce_sum3A_392 = vector.extract %reduce_sum3A_391[15] : f32 from vector<16xf32>
      %broadcast_in_dim3A_393 = vector.broadcast %reduce_sum3A_392 : f32 to vector<16xf32>
      %select_n3A_394 = arith.select %eq3A_388, %broadcast_in_dim3A_393, %select_n3A_352 : vector<16xi1>, vector<16xf32>
      %add3A_395 = arith.constant 6 : i32
      %add3A_396 = arith.addi %mul3A_145, %add3A_395 : i32
      %get3A_397 = arith.index_cast %add3A_396 : i32 to index
      %get3A_398 = arith.constant 0 : index
      %get3A_399 = tpu.vector_load %arg8[%get3A_397, %get3A_398] {strides = array<i32>} : memref<128x128xf32, #tpu.memory_space<vmem>>, vector<16xf32>,
      %get3A_400 = arith.index_cast %add3A_396 : i32 to index
      %get3A_401 = arith.constant 0 : index
      %get3A_402 = tpu.vector_load %arg9[%get3A_400, %get3A_401] {strides = array<i32>} : memref<128x128xf32, #tpu.memory_space<vmem>>, vector<16xf32>,
      %mul3A_403 = arith.mulf %get3A_399, %get3A_402 : vector<16xf32>
      %get3A_404 = arith.index_cast %add3A_396 : i32 to index
      %get3A_405 = arith.constant 16 : index
      %get3A_406 = tpu.vector_load %arg8[%get3A_404, %get3A_405] {strides = array<i32>} : memref<128x128xf32, #tpu.memory_space<vmem>>, vector<16xf32>,
      %get3A_407 = arith.index_cast %add3A_396 : i32 to index
      %get3A_408 = arith.constant 16 : index
      %get3A_409 = tpu.vector_load %arg9[%get3A_407, %get3A_408] {strides = array<i32>} : memref<128x128xf32, #tpu.memory_space<vmem>>, vector<16xf32>,
      %mul3A_410 = arith.mulf %get3A_406, %get3A_409 : vector<16xf32>
      %add3A_411 = arith.addf %mul3A_403, %mul3A_410 : vector<16xf32>
      %get3A_412 = arith.index_cast %add3A_396 : i32 to index
      %get3A_413 = arith.constant 32 : index
      %get3A_414 = tpu.vector_load %arg8[%get3A_412, %get3A_413] {strides = array<i32>} : memref<128x128xf32, #tpu.memory_space<vmem>>, vector<16xf32>,
      %get3A_415 = arith.index_cast %add3A_396 : i32 to index
      %get3A_416 = arith.constant 32 : index
      %get3A_417 = tpu.vector_load %arg9[%get3A_415, %get3A_416] {strides = array<i32>} : memref<128x128xf32, #tpu.memory_space<vmem>>, vector<16xf32>,
      %mul3A_418 = arith.mulf %get3A_414, %get3A_417 : vector<16xf32>
      %add3A_419 = arith.addf %add3A_411, %mul3A_418 : vector<16xf32>
      %get3A_420 = arith.index_cast %add3A_396 : i32 to index
      %get3A_421 = arith.constant 48 : index
      %get3A_422 = tpu.vector_load %arg8[%get3A_420, %get3A_421] {strides = array<i32>} : memref<128x128xf32, #tpu.memory_space<vmem>>, vector<16xf32>,
      %get3A_423 = arith.index_cast %add3A_396 : i32 to index
      %get3A_424 = arith.constant 48 : index
      %get3A_425 = tpu.vector_load %arg9[%get3A_423, %get3A_424] {strides = array<i32>} : memref<128x128xf32, #tpu.memory_space<vmem>>, vector<16xf32>,
      %mul3A_426 = arith.mulf %get3A_422, %get3A_425 : vector<16xf32>
      %add3A_427 = arith.addf %add3A_419, %mul3A_426 : vector<16xf32>
      %eq3A_428 = arith.constant 6 : i32
      %eq3A_429 = vector.broadcast %eq3A_428 : i32 to vector<16xi32>
      %eq3A_430 = arith.cmpi eq, %iota3A, %eq3A_429 : vector<16xi32>
      %reduce_sum3A_431 = arith.constant true
      %reduce_sum3A_432 = vector.broadcast %reduce_sum3A_431 : i1 to vector<16xi1>
      %reduce_sum3A_433 = tpu.scan <sum>, %add3A_427 masked %reduce_sum3A_432 : vector<16xf32>, vector<16xi1> -> vector<16xf32>
      %reduce_sum3A_434 = vector.extract %reduce_sum3A_433[15] : f32 from vector<16xf32>
      %broadcast_in_dim3A_435 = vector.broadcast %reduce_sum3A_434 : f32 to vector<16xf32>
      %select_n3A_436 = arith.select %eq3A_430, %broadcast_in_dim3A_435, %select_n3A_394 : vector<16xi1>, vector<16xf32>
      %add3A_437 = arith.constant 7 : i32
      %add3A_438 = arith.addi %mul3A_145, %add3A_437 : i32
      %get3A_439 = arith.index_cast %add3A_438 : i32 to index
      %get3A_440 = arith.constant 0 : index
      %get3A_441 = tpu.vector_load %arg8[%get3A_439, %get3A_440] {strides = array<i32>} : memref<128x128xf32, #tpu.memory_space<vmem>>, vector<16xf32>,
      %get3A_442 = arith.index_cast %add3A_438 : i32 to index
      %get3A_443 = arith.constant 0 : index
      %get3A_444 = tpu.vector_load %arg9[%get3A_442, %get3A_443] {strides = array<i32>} : memref<128x128xf32, #tpu.memory_space<vmem>>, vector<16xf32>,
      %mul3A_445 = arith.mulf %get3A_441, %get3A_444 : vector<16xf32>
      %get3A_446 = arith.index_cast %add3A_438 : i32 to index
      %get3A_447 = arith.constant 16 : index
      %get3A_448 = tpu.vector_load %arg8[%get3A_446, %get3A_447] {strides = array<i32>} : memref<128x128xf32, #tpu.memory_space<vmem>>, vector<16xf32>,
      %get3A_449 = arith.index_cast %add3A_438 : i32 to index
      %get3A_450 = arith.constant 16 : index
      %get3A_451 = tpu.vector_load %arg9[%get3A_449, %get3A_450] {strides = array<i32>} : memref<128x128xf32, #tpu.memory_space<vmem>>, vector<16xf32>,
      %mul3A_452 = arith.mulf %get3A_448, %get3A_451 : vector<16xf32>
      %add3A_453 = arith.addf %mul3A_445, %mul3A_452 : vector<16xf32>
      %get3A_454 = arith.index_cast %add3A_438 : i32 to index
      %get3A_455 = arith.constant 32 : index
      %get3A_456 = tpu.vector_load %arg8[%get3A_454, %get3A_455] {strides = array<i32>} : memref<128x128xf32, #tpu.memory_space<vmem>>, vector<16xf32>,
      %get3A_457 = arith.index_cast %add3A_438 : i32 to index
      %get3A_458 = arith.constant 32 : index
      %get3A_459 = tpu.vector_load %arg9[%get3A_457, %get3A_458] {strides = array<i32>} : memref<128x128xf32, #tpu.memory_space<vmem>>, vector<16xf32>,
      %mul3A_460 = arith.mulf %get3A_456, %get3A_459 : vector<16xf32>
      %add3A_461 = arith.addf %add3A_453, %mul3A_460 : vector<16xf32>
      %get3A_462 = arith.index_cast %add3A_438 : i32 to index
      %get3A_463 = arith.constant 48 : index
      %get3A_464 = tpu.vector_load %arg8[%get3A_462, %get3A_463] {strides = array<i32>} : memref<128x128xf32, #tpu.memory_space<vmem>>, vector<16xf32>,
      %get3A_465 = arith.index_cast %add3A_438 : i32 to index
      %get3A_466 = arith.constant 48 : index
      %get3A_467 = tpu.vector_load %arg9[%get3A_465, %get3A_466] {strides = array<i32>} : memref<128x128xf32, #tpu.memory_space<vmem>>, vector<16xf32>,
      %mul3A_468 = arith.mulf %get3A_464, %get3A_467 : vector<16xf32>
      %add3A_469 = arith.addf %add3A_461, %mul3A_468 : vector<16xf32>
      %eq3A_470 = arith.constant 7 : i32
      %eq3A_471 = vector.broadcast %eq3A_470 : i32 to vector<16xi32>
      %eq3A_472 = arith.cmpi eq, %iota3A, %eq3A_471 : vector<16xi32>
      %reduce_sum3A_473 = arith.constant true
      %reduce_sum3A_474 = vector.broadcast %reduce_sum3A_473 : i1 to vector<16xi1>
      %reduce_sum3A_475 = tpu.scan <sum>, %add3A_469 masked %reduce_sum3A_474 : vector<16xf32>, vector<16xi1> -> vector<16xf32>
      %reduce_sum3A_476 = vector.extract %reduce_sum3A_475[15] : f32 from vector<16xf32>
      %broadcast_in_dim3A_477 = vector.broadcast %reduce_sum3A_476 : f32 to vector<16xf32>
      %select_n3A_478 = arith.select %eq3A_472, %broadcast_in_dim3A_477, %select_n3A_436 : vector<16xi1>, vector<16xf32>
      %add3A_479 = arith.constant 8 : i32
      %add3A_480 = arith.addi %mul3A_145, %add3A_479 : i32
      %get3A_481 = arith.index_cast %add3A_480 : i32 to index
      %get3A_482 = arith.constant 0 : index
      %get3A_483 = tpu.vector_load %arg8[%get3A_481, %get3A_482] {strides = array<i32>} : memref<128x128xf32, #tpu.memory_space<vmem>>, vector<16xf32>,
      %get3A_484 = arith.index_cast %add3A_480 : i32 to index
      %get3A_485 = arith.constant 0 : index
      %get3A_486 = tpu.vector_load %arg9[%get3A_484, %get3A_485] {strides = array<i32>} : memref<128x128xf32, #tpu.memory_space<vmem>>, vector<16xf32>,
      %mul3A_487 = arith.mulf %get3A_483, %get3A_486 : vector<16xf32>
      %get3A_488 = arith.index_cast %add3A_480 : i32 to index
      %get3A_489 = arith.constant 16 : index
      %get3A_490 = tpu.vector_load %arg8[%get3A_488, %get3A_489] {strides = array<i32>} : memref<128x128xf32, #tpu.memory_space<vmem>>, vector<16xf32>,
      %get3A_491 = arith.index_cast %add3A_480 : i32 to index
      %get3A_492 = arith.constant 16 : index
      %get3A_493 = tpu.vector_load %arg9[%get3A_491, %get3A_492] {strides = array<i32>} : memref<128x128xf32, #tpu.memory_space<vmem>>, vector<16xf32>,
      %mul3A_494 = arith.mulf %get3A_490, %get3A_493 : vector<16xf32>
      %add3A_495 = arith.addf %mul3A_487, %mul3A_494 : vector<16xf32>
      %get3A_496 = arith.index_cast %add3A_480 : i32 to index
      %get3A_497 = arith.constant 32 : index
      %get3A_498 = tpu.vector_load %arg8[%get3A_496, %get3A_497] {strides = array<i32>} : memref<128x128xf32, #tpu.memory_space<vmem>>, vector<16xf32>,
      %get3A_499 = arith.index_cast %add3A_480 : i32 to index
      %get3A_500 = arith.constant 32 : index
      %get3A_501 = tpu.vector_load %arg9[%get3A_499, %get3A_500] {strides = array<i32>} : memref<128x128xf32, #tpu.memory_space<vmem>>, vector<16xf32>,
      %mul3A_502 = arith.mulf %get3A_498, %get3A_501 : vector<16xf32>
      %add3A_503 = arith.addf %add3A_495, %mul3A_502 : vector<16xf32>
      %get3A_504 = arith.index_cast %add3A_480 : i32 to index
      %get3A_505 = arith.constant 48 : index
      %get3A_506 = tpu.vector_load %arg8[%get3A_504, %get3A_505] {strides = array<i32>} : memref<128x128xf32, #tpu.memory_space<vmem>>, vector<16xf32>,
      %get3A_507 = arith.index_cast %add3A_480 : i32 to index
      %get3A_508 = arith.constant 48 : index
      %get3A_509 = tpu.vector_load %arg9[%get3A_507, %get3A_508] {strides = array<i32>} : memref<128x128xf32, #tpu.memory_space<vmem>>, vector<16xf32>,
      %mul3A_510 = arith.mulf %get3A_506, %get3A_509 : vector<16xf32>
      %add3A_511 = arith.addf %add3A_503, %mul3A_510 : vector<16xf32>
      %eq3A_512 = arith.constant 8 : i32
      %eq3A_513 = vector.broadcast %eq3A_512 : i32 to vector<16xi32>
      %eq3A_514 = arith.cmpi eq, %iota3A, %eq3A_513 : vector<16xi32>
      %reduce_sum3A_515 = arith.constant true
      %reduce_sum3A_516 = vector.broadcast %reduce_sum3A_515 : i1 to vector<16xi1>
      %reduce_sum3A_517 = tpu.scan <sum>, %add3A_511 masked %reduce_sum3A_516 : vector<16xf32>, vector<16xi1> -> vector<16xf32>
      %reduce_sum3A_518 = vector.extract %reduce_sum3A_517[15] : f32 from vector<16xf32>
      %broadcast_in_dim3A_519 = vector.broadcast %reduce_sum3A_518 : f32 to vector<16xf32>
      %select_n3A_520 = arith.select %eq3A_514, %broadcast_in_dim3A_519, %select_n3A_478 : vector<16xi1>, vector<16xf32>
      %add3A_521 = arith.constant 9 : i32
      %add3A_522 = arith.addi %mul3A_145, %add3A_521 : i32
      %get3A_523 = arith.index_cast %add3A_522 : i32 to index
      %get3A_524 = arith.constant 0 : index
      %get3A_525 = tpu.vector_load %arg8[%get3A_523, %get3A_524] {strides = array<i32>} : memref<128x128xf32, #tpu.memory_space<vmem>>, vector<16xf32>,
      %get3A_526 = arith.index_cast %add3A_522 : i32 to index
      %get3A_527 = arith.constant 0 : index
      %get3A_528 = tpu.vector_load %arg9[%get3A_526, %get3A_527] {strides = array<i32>} : memref<128x128xf32, #tpu.memory_space<vmem>>, vector<16xf32>,
      %mul3A_529 = arith.mulf %get3A_525, %get3A_528 : vector<16xf32>
      %get3A_530 = arith.index_cast %add3A_522 : i32 to index
      %get3A_531 = arith.constant 16 : index
      %get3A_532 = tpu.vector_load %arg8[%get3A_530, %get3A_531] {strides = array<i32>} : memref<128x128xf32, #tpu.memory_space<vmem>>, vector<16xf32>,
      %get3A_533 = arith.index_cast %add3A_522 : i32 to index
      %get3A_534 = arith.constant 16 : index
      %get3A_535 = tpu.vector_load %arg9[%get3A_533, %get3A_534] {strides = array<i32>} : memref<128x128xf32, #tpu.memory_space<vmem>>, vector<16xf32>,
      %mul3A_536 = arith.mulf %get3A_532, %get3A_535 : vector<16xf32>
      %add3A_537 = arith.addf %mul3A_529, %mul3A_536 : vector<16xf32>
      %get3A_538 = arith.index_cast %add3A_522 : i32 to index
      %get3A_539 = arith.constant 32 : index
      %get3A_540 = tpu.vector_load %arg8[%get3A_538, %get3A_539] {strides = array<i32>} : memref<128x128xf32, #tpu.memory_space<vmem>>, vector<16xf32>,
      %get3A_541 = arith.index_cast %add3A_522 : i32 to index
      %get3A_542 = arith.constant 32 : index
      %get3A_543 = tpu.vector_load %arg9[%get3A_541, %get3A_542] {strides = array<i32>} : memref<128x128xf32, #tpu.memory_space<vmem>>, vector<16xf32>,
      %mul3A_544 = arith.mulf %get3A_540, %get3A_543 : vector<16xf32>
      %add3A_545 = arith.addf %add3A_537, %mul3A_544 : vector<16xf32>
      %get3A_546 = arith.index_cast %add3A_522 : i32 to index
      %get3A_547 = arith.constant 48 : index
      %get3A_548 = tpu.vector_load %arg8[%get3A_546, %get3A_547] {strides = array<i32>} : memref<128x128xf32, #tpu.memory_space<vmem>>, vector<16xf32>,
      %get3A_549 = arith.index_cast %add3A_522 : i32 to index
      %get3A_550 = arith.constant 48 : index
      %get3A_551 = tpu.vector_load %arg9[%get3A_549, %get3A_550] {strides = array<i32>} : memref<128x128xf32, #tpu.memory_space<vmem>>, vector<16xf32>,
      %mul3A_552 = arith.mulf %get3A_548, %get3A_551 : vector<16xf32>
      %add3A_553 = arith.addf %add3A_545, %mul3A_552 : vector<16xf32>
      %eq3A_554 = arith.constant 9 : i32
      %eq3A_555 = vector.broadcast %eq3A_554 : i32 to vector<16xi32>
      %eq3A_556 = arith.cmpi eq, %iota3A, %eq3A_555 : vector<16xi32>
      %reduce_sum3A_557 = arith.constant true
      %reduce_sum3A_558 = vector.broadcast %reduce_sum3A_557 : i1 to vector<16xi1>
      %reduce_sum3A_559 = tpu.scan <sum>, %add3A_553 masked %reduce_sum3A_558 : vector<16xf32>, vector<16xi1> -> vector<16xf32>
      %reduce_sum3A_560 = vector.extract %reduce_sum3A_559[15] : f32 from vector<16xf32>
      %broadcast_in_dim3A_561 = vector.broadcast %reduce_sum3A_560 : f32 to vector<16xf32>
      %select_n3A_562 = arith.select %eq3A_556, %broadcast_in_dim3A_561, %select_n3A_520 : vector<16xi1>, vector<16xf32>
      %add3A_563 = arith.constant 10 : i32
      %add3A_564 = arith.addi %mul3A_145, %add3A_563 : i32
      %get3A_565 = arith.index_cast %add3A_564 : i32 to index
      %get3A_566 = arith.constant 0 : index
      %get3A_567 = tpu.vector_load %arg8[%get3A_565, %get3A_566] {strides = array<i32>} : memref<128x128xf32, #tpu.memory_space<vmem>>, vector<16xf32>,
      %get3A_568 = arith.index_cast %add3A_564 : i32 to index
      %get3A_569 = arith.constant 0 : index
      %get3A_570 = tpu.vector_load %arg9[%get3A_568, %get3A_569] {strides = array<i32>} : memref<128x128xf32, #tpu.memory_space<vmem>>, vector<16xf32>,
      %mul3A_571 = arith.mulf %get3A_567, %get3A_570 : vector<16xf32>
      %get3A_572 = arith.index_cast %add3A_564 : i32 to index
      %get3A_573 = arith.constant 16 : index
      %get3A_574 = tpu.vector_load %arg8[%get3A_572, %get3A_573] {strides = array<i32>} : memref<128x128xf32, #tpu.memory_space<vmem>>, vector<16xf32>,
      %get3A_575 = arith.index_cast %add3A_564 : i32 to index
      %get3A_576 = arith.constant 16 : index
      %get3A_577 = tpu.vector_load %arg9[%get3A_575, %get3A_576] {strides = array<i32>} : memref<128x128xf32, #tpu.memory_space<vmem>>, vector<16xf32>,
      %mul3A_578 = arith.mulf %get3A_574, %get3A_577 : vector<16xf32>
      %add3A_579 = arith.addf %mul3A_571, %mul3A_578 : vector<16xf32>
      %get3A_580 = arith.index_cast %add3A_564 : i32 to index
      %get3A_581 = arith.constant 32 : index
      %get3A_582 = tpu.vector_load %arg8[%get3A_580, %get3A_581] {strides = array<i32>} : memref<128x128xf32, #tpu.memory_space<vmem>>, vector<16xf32>,
      %get3A_583 = arith.index_cast %add3A_564 : i32 to index
      %get3A_584 = arith.constant 32 : index
      %get3A_585 = tpu.vector_load %arg9[%get3A_583, %get3A_584] {strides = array<i32>} : memref<128x128xf32, #tpu.memory_space<vmem>>, vector<16xf32>,
      %mul3A_586 = arith.mulf %get3A_582, %get3A_585 : vector<16xf32>
      %add3A_587 = arith.addf %add3A_579, %mul3A_586 : vector<16xf32>
      %get3A_588 = arith.index_cast %add3A_564 : i32 to index
      %get3A_589 = arith.constant 48 : index
      %get3A_590 = tpu.vector_load %arg8[%get3A_588, %get3A_589] {strides = array<i32>} : memref<128x128xf32, #tpu.memory_space<vmem>>, vector<16xf32>,
      %get3A_591 = arith.index_cast %add3A_564 : i32 to index
      %get3A_592 = arith.constant 48 : index
      %get3A_593 = tpu.vector_load %arg9[%get3A_591, %get3A_592] {strides = array<i32>} : memref<128x128xf32, #tpu.memory_space<vmem>>, vector<16xf32>,
      %mul3A_594 = arith.mulf %get3A_590, %get3A_593 : vector<16xf32>
      %add3A_595 = arith.addf %add3A_587, %mul3A_594 : vector<16xf32>
      %eq3A_596 = arith.constant 10 : i32
      %eq3A_597 = vector.broadcast %eq3A_596 : i32 to vector<16xi32>
      %eq3A_598 = arith.cmpi eq, %iota3A, %eq3A_597 : vector<16xi32>
      %reduce_sum3A_599 = arith.constant true
      %reduce_sum3A_600 = vector.broadcast %reduce_sum3A_599 : i1 to vector<16xi1>
      %reduce_sum3A_601 = tpu.scan <sum>, %add3A_595 masked %reduce_sum3A_600 : vector<16xf32>, vector<16xi1> -> vector<16xf32>
      %reduce_sum3A_602 = vector.extract %reduce_sum3A_601[15] : f32 from vector<16xf32>
      %broadcast_in_dim3A_603 = vector.broadcast %reduce_sum3A_602 : f32 to vector<16xf32>
      %select_n3A_604 = arith.select %eq3A_598, %broadcast_in_dim3A_603, %select_n3A_562 : vector<16xi1>, vector<16xf32>
      %add3A_605 = arith.constant 11 : i32
      %add3A_606 = arith.addi %mul3A_145, %add3A_605 : i32
      %get3A_607 = arith.index_cast %add3A_606 : i32 to index
      %get3A_608 = arith.constant 0 : index
      %get3A_609 = tpu.vector_load %arg8[%get3A_607, %get3A_608] {strides = array<i32>} : memref<128x128xf32, #tpu.memory_space<vmem>>, vector<16xf32>,
      %get3A_610 = arith.index_cast %add3A_606 : i32 to index
      %get3A_611 = arith.constant 0 : index
      %get3A_612 = tpu.vector_load %arg9[%get3A_610, %get3A_611] {strides = array<i32>} : memref<128x128xf32, #tpu.memory_space<vmem>>, vector<16xf32>,
      %mul3A_613 = arith.mulf %get3A_609, %get3A_612 : vector<16xf32>
      %get3A_614 = arith.index_cast %add3A_606 : i32 to index
      %get3A_615 = arith.constant 16 : index
      %get3A_616 = tpu.vector_load %arg8[%get3A_614, %get3A_615] {strides = array<i32>} : memref<128x128xf32, #tpu.memory_space<vmem>>, vector<16xf32>,
      %get3A_617 = arith.index_cast %add3A_606 : i32 to index
      %get3A_618 = arith.constant 16 : index
      %get3A_619 = tpu.vector_load %arg9[%get3A_617, %get3A_618] {strides = array<i32>} : memref<128x128xf32, #tpu.memory_space<vmem>>, vector<16xf32>,
      %mul3A_620 = arith.mulf %get3A_616, %get3A_619 : vector<16xf32>
      %add3A_621 = arith.addf %mul3A_613, %mul3A_620 : vector<16xf32>
      %get3A_622 = arith.index_cast %add3A_606 : i32 to index
      %get3A_623 = arith.constant 32 : index
      %get3A_624 = tpu.vector_load %arg8[%get3A_622, %get3A_623] {strides = array<i32>} : memref<128x128xf32, #tpu.memory_space<vmem>>, vector<16xf32>,
      %get3A_625 = arith.index_cast %add3A_606 : i32 to index
      %get3A_626 = arith.constant 32 : index
      %get3A_627 = tpu.vector_load %arg9[%get3A_625, %get3A_626] {strides = array<i32>} : memref<128x128xf32, #tpu.memory_space<vmem>>, vector<16xf32>,
      %mul3A_628 = arith.mulf %get3A_624, %get3A_627 : vector<16xf32>
      %add3A_629 = arith.addf %add3A_621, %mul3A_628 : vector<16xf32>
      %get3A_630 = arith.index_cast %add3A_606 : i32 to index
      %get3A_631 = arith.constant 48 : index
      %get3A_632 = tpu.vector_load %arg8[%get3A_630, %get3A_631] {strides = array<i32>} : memref<128x128xf32, #tpu.memory_space<vmem>>, vector<16xf32>,
      %get3A_633 = arith.index_cast %add3A_606 : i32 to index
      %get3A_634 = arith.constant 48 : index
      %get3A_635 = tpu.vector_load %arg9[%get3A_633, %get3A_634] {strides = array<i32>} : memref<128x128xf32, #tpu.memory_space<vmem>>, vector<16xf32>,
      %mul3A_636 = arith.mulf %get3A_632, %get3A_635 : vector<16xf32>
      %add3A_637 = arith.addf %add3A_629, %mul3A_636 : vector<16xf32>
      %eq3A_638 = arith.constant 11 : i32
      %eq3A_639 = vector.broadcast %eq3A_638 : i32 to vector<16xi32>
      %eq3A_640 = arith.cmpi eq, %iota3A, %eq3A_639 : vector<16xi32>
      %reduce_sum3A_641 = arith.constant true
      %reduce_sum3A_642 = vector.broadcast %reduce_sum3A_641 : i1 to vector<16xi1>
      %reduce_sum3A_643 = tpu.scan <sum>, %add3A_637 masked %reduce_sum3A_642 : vector<16xf32>, vector<16xi1> -> vector<16xf32>
      %reduce_sum3A_644 = vector.extract %reduce_sum3A_643[15] : f32 from vector<16xf32>
      %broadcast_in_dim3A_645 = vector.broadcast %reduce_sum3A_644 : f32 to vector<16xf32>
      %select_n3A_646 = arith.select %eq3A_640, %broadcast_in_dim3A_645, %select_n3A_604 : vector<16xi1>, vector<16xf32>
      %add3A_647 = arith.constant 12 : i32
      %add3A_648 = arith.addi %mul3A_145, %add3A_647 : i32
      %get3A_649 = arith.index_cast %add3A_648 : i32 to index
      %get3A_650 = arith.constant 0 : index
      %get3A_651 = tpu.vector_load %arg8[%get3A_649, %get3A_650] {strides = array<i32>} : memref<128x128xf32, #tpu.memory_space<vmem>>, vector<16xf32>,
      %get3A_652 = arith.index_cast %add3A_648 : i32 to index
      %get3A_653 = arith.constant 0 : index
      %get3A_654 = tpu.vector_load %arg9[%get3A_652, %get3A_653] {strides = array<i32>} : memref<128x128xf32, #tpu.memory_space<vmem>>, vector<16xf32>,
      %mul3A_655 = arith.mulf %get3A_651, %get3A_654 : vector<16xf32>
      %get3A_656 = arith.index_cast %add3A_648 : i32 to index
      %get3A_657 = arith.constant 16 : index
      %get3A_658 = tpu.vector_load %arg8[%get3A_656, %get3A_657] {strides = array<i32>} : memref<128x128xf32, #tpu.memory_space<vmem>>, vector<16xf32>,
      %get3A_659 = arith.index_cast %add3A_648 : i32 to index
      %get3A_660 = arith.constant 16 : index
      %get3A_661 = tpu.vector_load %arg9[%get3A_659, %get3A_660] {strides = array<i32>} : memref<128x128xf32, #tpu.memory_space<vmem>>, vector<16xf32>,
      %mul3A_662 = arith.mulf %get3A_658, %get3A_661 : vector<16xf32>
      %add3A_663 = arith.addf %mul3A_655, %mul3A_662 : vector<16xf32>
      %get3A_664 = arith.index_cast %add3A_648 : i32 to index
      %get3A_665 = arith.constant 32 : index
      %get3A_666 = tpu.vector_load %arg8[%get3A_664, %get3A_665] {strides = array<i32>} : memref<128x128xf32, #tpu.memory_space<vmem>>, vector<16xf32>,
      %get3A_667 = arith.index_cast %add3A_648 : i32 to index
      %get3A_668 = arith.constant 32 : index
      %get3A_669 = tpu.vector_load %arg9[%get3A_667, %get3A_668] {strides = array<i32>} : memref<128x128xf32, #tpu.memory_space<vmem>>, vector<16xf32>,
      %mul3A_670 = arith.mulf %get3A_666, %get3A_669 : vector<16xf32>
      %add3A_671 = arith.addf %add3A_663, %mul3A_670 : vector<16xf32>
      %get3A_672 = arith.index_cast %add3A_648 : i32 to index
      %get3A_673 = arith.constant 48 : index
      %get3A_674 = tpu.vector_load %arg8[%get3A_672, %get3A_673] {strides = array<i32>} : memref<128x128xf32, #tpu.memory_space<vmem>>, vector<16xf32>,
      %get3A_675 = arith.index_cast %add3A_648 : i32 to index
      %get3A_676 = arith.constant 48 : index
      %get3A_677 = tpu.vector_load %arg9[%get3A_675, %get3A_676] {strides = array<i32>} : memref<128x128xf32, #tpu.memory_space<vmem>>, vector<16xf32>,
      %mul3A_678 = arith.mulf %get3A_674, %get3A_677 : vector<16xf32>
      %add3A_679 = arith.addf %add3A_671, %mul3A_678 : vector<16xf32>
      %eq3A_680 = arith.constant 12 : i32
      %eq3A_681 = vector.broadcast %eq3A_680 : i32 to vector<16xi32>
      %eq3A_682 = arith.cmpi eq, %iota3A, %eq3A_681 : vector<16xi32>
      %reduce_sum3A_683 = arith.constant true
      %reduce_sum3A_684 = vector.broadcast %reduce_sum3A_683 : i1 to vector<16xi1>
      %reduce_sum3A_685 = tpu.scan <sum>, %add3A_679 masked %reduce_sum3A_684 : vector<16xf32>, vector<16xi1> -> vector<16xf32>
      %reduce_sum3A_686 = vector.extract %reduce_sum3A_685[15] : f32 from vector<16xf32>
      %broadcast_in_dim3A_687 = vector.broadcast %reduce_sum3A_686 : f32 to vector<16xf32>
      %select_n3A_688 = arith.select %eq3A_682, %broadcast_in_dim3A_687, %select_n3A_646 : vector<16xi1>, vector<16xf32>
      %add3A_689 = arith.constant 13 : i32
      %add3A_690 = arith.addi %mul3A_145, %add3A_689 : i32
      %get3A_691 = arith.index_cast %add3A_690 : i32 to index
      %get3A_692 = arith.constant 0 : index
      %get3A_693 = tpu.vector_load %arg8[%get3A_691, %get3A_692] {strides = array<i32>} : memref<128x128xf32, #tpu.memory_space<vmem>>, vector<16xf32>,
      %get3A_694 = arith.index_cast %add3A_690 : i32 to index
      %get3A_695 = arith.constant 0 : index
      %get3A_696 = tpu.vector_load %arg9[%get3A_694, %get3A_695] {strides = array<i32>} : memref<128x128xf32, #tpu.memory_space<vmem>>, vector<16xf32>,
      %mul3A_697 = arith.mulf %get3A_693, %get3A_696 : vector<16xf32>
      %get3A_698 = arith.index_cast %add3A_690 : i32 to index
      %get3A_699 = arith.constant 16 : index
      %get3A_700 = tpu.vector_load %arg8[%get3A_698, %get3A_699] {strides = array<i32>} : memref<128x128xf32, #tpu.memory_space<vmem>>, vector<16xf32>,
      %get3A_701 = arith.index_cast %add3A_690 : i32 to index
      %get3A_702 = arith.constant 16 : index
      %get3A_703 = tpu.vector_load %arg9[%get3A_701, %get3A_702] {strides = array<i32>} : memref<128x128xf32, #tpu.memory_space<vmem>>, vector<16xf32>,
      %mul3A_704 = arith.mulf %get3A_700, %get3A_703 : vector<16xf32>
      %add3A_705 = arith.addf %mul3A_697, %mul3A_704 : vector<16xf32>
      %get3A_706 = arith.index_cast %add3A_690 : i32 to index
      %get3A_707 = arith.constant 32 : index
      %get3A_708 = tpu.vector_load %arg8[%get3A_706, %get3A_707] {strides = array<i32>} : memref<128x128xf32, #tpu.memory_space<vmem>>, vector<16xf32>,
      %get3A_709 = arith.index_cast %add3A_690 : i32 to index
      %get3A_710 = arith.constant 32 : index
      %get3A_711 = tpu.vector_load %arg9[%get3A_709, %get3A_710] {strides = array<i32>} : memref<128x128xf32, #tpu.memory_space<vmem>>, vector<16xf32>,
      %mul3A_712 = arith.mulf %get3A_708, %get3A_711 : vector<16xf32>
      %add3A_713 = arith.addf %add3A_705, %mul3A_712 : vector<16xf32>
      %get3A_714 = arith.index_cast %add3A_690 : i32 to index
      %get3A_715 = arith.constant 48 : index
      %get3A_716 = tpu.vector_load %arg8[%get3A_714, %get3A_715] {strides = array<i32>} : memref<128x128xf32, #tpu.memory_space<vmem>>, vector<16xf32>,
      %get3A_717 = arith.index_cast %add3A_690 : i32 to index
      %get3A_718 = arith.constant 48 : index
      %get3A_719 = tpu.vector_load %arg9[%get3A_717, %get3A_718] {strides = array<i32>} : memref<128x128xf32, #tpu.memory_space<vmem>>, vector<16xf32>,
      %mul3A_720 = arith.mulf %get3A_716, %get3A_719 : vector<16xf32>
      %add3A_721 = arith.addf %add3A_713, %mul3A_720 : vector<16xf32>
      %eq3A_722 = arith.constant 13 : i32
      %eq3A_723 = vector.broadcast %eq3A_722 : i32 to vector<16xi32>
      %eq3A_724 = arith.cmpi eq, %iota3A, %eq3A_723 : vector<16xi32>
      %reduce_sum3A_725 = arith.constant true
      %reduce_sum3A_726 = vector.broadcast %reduce_sum3A_725 : i1 to vector<16xi1>
      %reduce_sum3A_727 = tpu.scan <sum>, %add3A_721 masked %reduce_sum3A_726 : vector<16xf32>, vector<16xi1> -> vector<16xf32>
      %reduce_sum3A_728 = vector.extract %reduce_sum3A_727[15] : f32 from vector<16xf32>
      %broadcast_in_dim3A_729 = vector.broadcast %reduce_sum3A_728 : f32 to vector<16xf32>
      %select_n3A_730 = arith.select %eq3A_724, %broadcast_in_dim3A_729, %select_n3A_688 : vector<16xi1>, vector<16xf32>
      %add3A_731 = arith.constant 14 : i32
      %add3A_732 = arith.addi %mul3A_145, %add3A_731 : i32
      %get3A_733 = arith.index_cast %add3A_732 : i32 to index
      %get3A_734 = arith.constant 0 : index
      %get3A_735 = tpu.vector_load %arg8[%get3A_733, %get3A_734] {strides = array<i32>} : memref<128x128xf32, #tpu.memory_space<vmem>>, vector<16xf32>,
      %get3A_736 = arith.index_cast %add3A_732 : i32 to index
      %get3A_737 = arith.constant 0 : index
      %get3A_738 = tpu.vector_load %arg9[%get3A_736, %get3A_737] {strides = array<i32>} : memref<128x128xf32, #tpu.memory_space<vmem>>, vector<16xf32>,
      %mul3A_739 = arith.mulf %get3A_735, %get3A_738 : vector<16xf32>
      %get3A_740 = arith.index_cast %add3A_732 : i32 to index
      %get3A_741 = arith.constant 16 : index
      %get3A_742 = tpu.vector_load %arg8[%get3A_740, %get3A_741] {strides = array<i32>} : memref<128x128xf32, #tpu.memory_space<vmem>>, vector<16xf32>,
      %get3A_743 = arith.index_cast %add3A_732 : i32 to index
      %get3A_744 = arith.constant 16 : index
      %get3A_745 = tpu.vector_load %arg9[%get3A_743, %get3A_744] {strides = array<i32>} : memref<128x128xf32, #tpu.memory_space<vmem>>, vector<16xf32>,
      %mul3A_746 = arith.mulf %get3A_742, %get3A_745 : vector<16xf32>
      %add3A_747 = arith.addf %mul3A_739, %mul3A_746 : vector<16xf32>
      %get3A_748 = arith.index_cast %add3A_732 : i32 to index
      %get3A_749 = arith.constant 32 : index
      %get3A_750 = tpu.vector_load %arg8[%get3A_748, %get3A_749] {strides = array<i32>} : memref<128x128xf32, #tpu.memory_space<vmem>>, vector<16xf32>,
      %get3A_751 = arith.index_cast %add3A_732 : i32 to index
      %get3A_752 = arith.constant 32 : index
      %get3A_753 = tpu.vector_load %arg9[%get3A_751, %get3A_752] {strides = array<i32>} : memref<128x128xf32, #tpu.memory_space<vmem>>, vector<16xf32>,
      %mul3A_754 = arith.mulf %get3A_750, %get3A_753 : vector<16xf32>
      %add3A_755 = arith.addf %add3A_747, %mul3A_754 : vector<16xf32>
      %get3A_756 = arith.index_cast %add3A_732 : i32 to index
      %get3A_757 = arith.constant 48 : index
      %get3A_758 = tpu.vector_load %arg8[%get3A_756, %get3A_757] {strides = array<i32>} : memref<128x128xf32, #tpu.memory_space<vmem>>, vector<16xf32>,
      %get3A_759 = arith.index_cast %add3A_732 : i32 to index
      %get3A_760 = arith.constant 48 : index
      %get3A_761 = tpu.vector_load %arg9[%get3A_759, %get3A_760] {strides = array<i32>} : memref<128x128xf32, #tpu.memory_space<vmem>>, vector<16xf32>,
      %mul3A_762 = arith.mulf %get3A_758, %get3A_761 : vector<16xf32>
      %add3A_763 = arith.addf %add3A_755, %mul3A_762 : vector<16xf32>
      %eq3A_764 = arith.constant 14 : i32
      %eq3A_765 = vector.broadcast %eq3A_764 : i32 to vector<16xi32>
      %eq3A_766 = arith.cmpi eq, %iota3A, %eq3A_765 : vector<16xi32>
      %reduce_sum3A_767 = arith.constant true
      %reduce_sum3A_768 = vector.broadcast %reduce_sum3A_767 : i1 to vector<16xi1>
      %reduce_sum3A_769 = tpu.scan <sum>, %add3A_763 masked %reduce_sum3A_768 : vector<16xf32>, vector<16xi1> -> vector<16xf32>
      %reduce_sum3A_770 = vector.extract %reduce_sum3A_769[15] : f32 from vector<16xf32>
      %broadcast_in_dim3A_771 = vector.broadcast %reduce_sum3A_770 : f32 to vector<16xf32>
      %select_n3A_772 = arith.select %eq3A_766, %broadcast_in_dim3A_771, %select_n3A_730 : vector<16xi1>, vector<16xf32>
      %add3A_773 = arith.constant 15 : i32
      %add3A_774 = arith.addi %mul3A_145, %add3A_773 : i32
      %get3A_775 = arith.index_cast %add3A_774 : i32 to index
      %get3A_776 = arith.constant 0 : index
      %get3A_777 = tpu.vector_load %arg8[%get3A_775, %get3A_776] {strides = array<i32>} : memref<128x128xf32, #tpu.memory_space<vmem>>, vector<16xf32>,
      %get3A_778 = arith.index_cast %add3A_774 : i32 to index
      %get3A_779 = arith.constant 0 : index
      %get3A_780 = tpu.vector_load %arg9[%get3A_778, %get3A_779] {strides = array<i32>} : memref<128x128xf32, #tpu.memory_space<vmem>>, vector<16xf32>,
      %mul3A_781 = arith.mulf %get3A_777, %get3A_780 : vector<16xf32>
      %get3A_782 = arith.index_cast %add3A_774 : i32 to index
      %get3A_783 = arith.constant 16 : index
      %get3A_784 = tpu.vector_load %arg8[%get3A_782, %get3A_783] {strides = array<i32>} : memref<128x128xf32, #tpu.memory_space<vmem>>, vector<16xf32>,
      %get3A_785 = arith.index_cast %add3A_774 : i32 to index
      %get3A_786 = arith.constant 16 : index
      %get3A_787 = tpu.vector_load %arg9[%get3A_785, %get3A_786] {strides = array<i32>} : memref<128x128xf32, #tpu.memory_space<vmem>>, vector<16xf32>,
      %mul3A_788 = arith.mulf %get3A_784, %get3A_787 : vector<16xf32>
      %add3A_789 = arith.addf %mul3A_781, %mul3A_788 : vector<16xf32>
      %get3A_790 = arith.index_cast %add3A_774 : i32 to index
      %get3A_791 = arith.constant 32 : index
      %get3A_792 = tpu.vector_load %arg8[%get3A_790, %get3A_791] {strides = array<i32>} : memref<128x128xf32, #tpu.memory_space<vmem>>, vector<16xf32>,
      %get3A_793 = arith.index_cast %add3A_774 : i32 to index
      %get3A_794 = arith.constant 32 : index
      %get3A_795 = tpu.vector_load %arg9[%get3A_793, %get3A_794] {strides = array<i32>} : memref<128x128xf32, #tpu.memory_space<vmem>>, vector<16xf32>,
      %mul3A_796 = arith.mulf %get3A_792, %get3A_795 : vector<16xf32>
      %add3A_797 = arith.addf %add3A_789, %mul3A_796 : vector<16xf32>
      %get3A_798 = arith.index_cast %add3A_774 : i32 to index
      %get3A_799 = arith.constant 48 : index
      %get3A_800 = tpu.vector_load %arg8[%get3A_798, %get3A_799] {strides = array<i32>} : memref<128x128xf32, #tpu.memory_space<vmem>>, vector<16xf32>,
      %get3A_801 = arith.index_cast %add3A_774 : i32 to index
      %get3A_802 = arith.constant 48 : index
      %get3A_803 = tpu.vector_load %arg9[%get3A_801, %get3A_802] {strides = array<i32>} : memref<128x128xf32, #tpu.memory_space<vmem>>, vector<16xf32>,
      %mul3A_804 = arith.mulf %get3A_800, %get3A_803 : vector<16xf32>
      %add3A_805 = arith.addf %add3A_797, %mul3A_804 : vector<16xf32>
      %eq3A_806 = arith.constant 15 : i32
      %eq3A_807 = vector.broadcast %eq3A_806 : i32 to vector<16xi32>
      %eq3A_808 = arith.cmpi eq, %iota3A, %eq3A_807 : vector<16xi32>
      %reduce_sum3A_809 = arith.constant true
      %reduce_sum3A_810 = vector.broadcast %reduce_sum3A_809 : i1 to vector<16xi1>
      %reduce_sum3A_811 = tpu.scan <sum>, %add3A_805 masked %reduce_sum3A_810 : vector<16xf32>, vector<16xi1> -> vector<16xf32>
      %reduce_sum3A_812 = vector.extract %reduce_sum3A_811[15] : f32 from vector<16xf32>
      %broadcast_in_dim3A_813 = vector.broadcast %reduce_sum3A_812 : f32 to vector<16xf32>
      %select_n3A_814 = arith.select %eq3A_808, %broadcast_in_dim3A_813, %select_n3A_772 : vector<16xi1>, vector<16xf32>
      %add3A_815 = arith.constant 256 : i32
      %add3A_816 = arith.addi %add3A_815, %mul3A_145 : i32
      %swap3A = arith.index_cast %add3A_816 : i32 to index
      %swap3A_817 = tpu.vector_load %arg12[%swap3A] {strides = array<i32>} : memref<512xf32, #tpu.memory_space<vmem>>, vector<16xf32>,
      tpu.vector_store %arg12[%swap3A], %select_n3A_814 {strides = array<i32>} : memref<512xf32, #tpu.memory_space<vmem>>, vector<16xf32>,
      %scan3A_818 = arith.constant 0 : i32
      scf.yield %scan3A_818 : i32
    }
    %scan3A_120 = arith.constant 8 : i32
    %dma_wait3A_121 = arith.constant 3 : i32
    %dma_wait3A_122 = arith.constant 0 : i32
    %dma_wait3A_123 = tpu.memref_slice %arg6[%dma_wait3A_121, %dma_wait3A_122] : memref<4x128xi32, #tpu.memory_space<vmem>> -> memref<1x128xi32, #tpu.memory_space<vmem>>
    %dma_wait3A_124 = tpu.memref_squeeze %dma_wait3A_123 : memref<1x128xi32, #tpu.memory_space<vmem>> -> memref<128xi32, #tpu.memory_space<vmem>>
    %dma_wait3A_125 = arith.constant 0 : i32
    %dma_wait3A_126 = arith.constant 0 : i32
    %dma_wait3A_127 = tpu.memref_slice %arg4[%dma_wait3A_125, %dma_wait3A_126] : memref<100000x128xf32, #tpu.memory_space<hbm>> -> memref<100000x128xf32, #tpu.memory_space<hbm>>
    tpu.wait_indirect_dma semaphore(%arg15 : memref<!tpu.dma_semaphore, #tpu.memory_space<semaphore_mem>>) src(%dma_wait3A_127 : memref<100000x128xf32, #tpu.memory_space<hbm>>) dst(%arg10 : memref<128x128xf32, #tpu.memory_space<vmem>>)
    %dma_wait3A_128 = arith.constant 3 : i32
    %dma_wait3A_129 = arith.constant 0 : i32
    %dma_wait3A_130 = tpu.memref_slice %arg7[%dma_wait3A_128, %dma_wait3A_129] : memref<4x128xi32, #tpu.memory_space<vmem>> -> memref<1x128xi32, #tpu.memory_space<vmem>>
    %dma_wait3A_131 = tpu.memref_squeeze %dma_wait3A_130 : memref<1x128xi32, #tpu.memory_space<vmem>> -> memref<128xi32, #tpu.memory_space<vmem>>
    %dma_wait3A_132 = arith.constant 0 : i32
    %dma_wait3A_133 = arith.constant 0 : i32
    %dma_wait3A_134 = tpu.memref_slice %arg4[%dma_wait3A_132, %dma_wait3A_133] : memref<100000x128xf32, #tpu.memory_space<hbm>> -> memref<100000x128xf32, #tpu.memory_space<hbm>>
    tpu.wait_indirect_dma semaphore(%arg16 : memref<!tpu.dma_semaphore, #tpu.memory_space<semaphore_mem>>) src(%dma_wait3A_134 : memref<100000x128xf32, #tpu.memory_space<hbm>>) dst(%arg11 : memref<128x128xf32, #tpu.memory_space<vmem>>)
    %scan3A_135 = arith.constant 0 : i32
    %scan3A_136 = arith.constant 0 : i32
    %scan3A_137 = arith.constant 8 : i32
    %scan3A_138 = arith.addi %scan3A_136, %scan3A_137 : i32
    %scan3A_139 = arith.constant 1 : i32
    %scan3A_140 = scf.for %scan3A_142 = %scan3A_136 to %scan3A_138 step %scan3A_139 iter_args(%scan3A_143 = %scan3A_135) -> (i32)  : i32 {
      %mul3A_144 = arith.constant 16 : i32
      %mul3A_145 = arith.muli %scan3A_142, %mul3A_144 : i32
      %broadcast_in_dim3A = arith.constant 0.000000e+00 : f32
      %broadcast_in_dim3A_146 = vector.broadcast %broadcast_in_dim3A : f32 to vector<16xf32>
      %add3A_147 = arith.constant 0 : i32
      %add3A_148 = arith.addi %mul3A_145, %add3A_147 : i32
      %get3A = arith.index_cast %add3A_148 : i32 to index
      %get3A_149 = arith.constant 0 : index
      %get3A_150 = tpu.vector_load %arg10[%get3A, %get3A_149] {strides = array<i32>} : memref<128x128xf32, #tpu.memory_space<vmem>>, vector<16xf32>,
      %get3A_151 = arith.index_cast %add3A_148 : i32 to index
      %get3A_152 = arith.constant 0 : index
      %get3A_153 = tpu.vector_load %arg11[%get3A_151, %get3A_152] {strides = array<i32>} : memref<128x128xf32, #tpu.memory_space<vmem>>, vector<16xf32>,
      %mul3A_154 = arith.mulf %get3A_150, %get3A_153 : vector<16xf32>
      %get3A_155 = arith.index_cast %add3A_148 : i32 to index
      %get3A_156 = arith.constant 16 : index
      %get3A_157 = tpu.vector_load %arg10[%get3A_155, %get3A_156] {strides = array<i32>} : memref<128x128xf32, #tpu.memory_space<vmem>>, vector<16xf32>,
      %get3A_158 = arith.index_cast %add3A_148 : i32 to index
      %get3A_159 = arith.constant 16 : index
      %get3A_160 = tpu.vector_load %arg11[%get3A_158, %get3A_159] {strides = array<i32>} : memref<128x128xf32, #tpu.memory_space<vmem>>, vector<16xf32>,
      %mul3A_161 = arith.mulf %get3A_157, %get3A_160 : vector<16xf32>
      %add3A_162 = arith.addf %mul3A_154, %mul3A_161 : vector<16xf32>
      %get3A_163 = arith.index_cast %add3A_148 : i32 to index
      %get3A_164 = arith.constant 32 : index
      %get3A_165 = tpu.vector_load %arg10[%get3A_163, %get3A_164] {strides = array<i32>} : memref<128x128xf32, #tpu.memory_space<vmem>>, vector<16xf32>,
      %get3A_166 = arith.index_cast %add3A_148 : i32 to index
      %get3A_167 = arith.constant 32 : index
      %get3A_168 = tpu.vector_load %arg11[%get3A_166, %get3A_167] {strides = array<i32>} : memref<128x128xf32, #tpu.memory_space<vmem>>, vector<16xf32>,
      %mul3A_169 = arith.mulf %get3A_165, %get3A_168 : vector<16xf32>
      %add3A_170 = arith.addf %add3A_162, %mul3A_169 : vector<16xf32>
      %get3A_171 = arith.index_cast %add3A_148 : i32 to index
      %get3A_172 = arith.constant 48 : index
      %get3A_173 = tpu.vector_load %arg10[%get3A_171, %get3A_172] {strides = array<i32>} : memref<128x128xf32, #tpu.memory_space<vmem>>, vector<16xf32>,
      %get3A_174 = arith.index_cast %add3A_148 : i32 to index
      %get3A_175 = arith.constant 48 : index
      %get3A_176 = tpu.vector_load %arg11[%get3A_174, %get3A_175] {strides = array<i32>} : memref<128x128xf32, #tpu.memory_space<vmem>>, vector<16xf32>,
      %mul3A_177 = arith.mulf %get3A_173, %get3A_176 : vector<16xf32>
      %add3A_178 = arith.addf %add3A_170, %mul3A_177 : vector<16xf32>
      %eq3A = arith.constant 0 : i32
      %eq3A_179 = vector.broadcast %eq3A : i32 to vector<16xi32>
      %eq3A_180 = arith.cmpi eq, %iota3A, %eq3A_179 : vector<16xi32>
      %reduce_sum3A = arith.constant true
      %reduce_sum3A_181 = vector.broadcast %reduce_sum3A : i1 to vector<16xi1>
      %reduce_sum3A_182 = tpu.scan <sum>, %add3A_178 masked %reduce_sum3A_181 : vector<16xf32>, vector<16xi1> -> vector<16xf32>
      %reduce_sum3A_183 = vector.extract %reduce_sum3A_182[15] : f32 from vector<16xf32>
      %broadcast_in_dim3A_184 = vector.broadcast %reduce_sum3A_183 : f32 to vector<16xf32>
      %select_n3A = arith.select %eq3A_180, %broadcast_in_dim3A_184, %broadcast_in_dim3A_146 : vector<16xi1>, vector<16xf32>
      %add3A_185 = arith.constant 1 : i32
      %add3A_186 = arith.addi %mul3A_145, %add3A_185 : i32
      %get3A_187 = arith.index_cast %add3A_186 : i32 to index
      %get3A_188 = arith.constant 0 : index
      %get3A_189 = tpu.vector_load %arg10[%get3A_187, %get3A_188] {strides = array<i32>} : memref<128x128xf32, #tpu.memory_space<vmem>>, vector<16xf32>,
      %get3A_190 = arith.index_cast %add3A_186 : i32 to index
      %get3A_191 = arith.constant 0 : index
      %get3A_192 = tpu.vector_load %arg11[%get3A_190, %get3A_191] {strides = array<i32>} : memref<128x128xf32, #tpu.memory_space<vmem>>, vector<16xf32>,
      %mul3A_193 = arith.mulf %get3A_189, %get3A_192 : vector<16xf32>
      %get3A_194 = arith.index_cast %add3A_186 : i32 to index
      %get3A_195 = arith.constant 16 : index
      %get3A_196 = tpu.vector_load %arg10[%get3A_194, %get3A_195] {strides = array<i32>} : memref<128x128xf32, #tpu.memory_space<vmem>>, vector<16xf32>,
      %get3A_197 = arith.index_cast %add3A_186 : i32 to index
      %get3A_198 = arith.constant 16 : index
      %get3A_199 = tpu.vector_load %arg11[%get3A_197, %get3A_198] {strides = array<i32>} : memref<128x128xf32, #tpu.memory_space<vmem>>, vector<16xf32>,
      %mul3A_200 = arith.mulf %get3A_196, %get3A_199 : vector<16xf32>
      %add3A_201 = arith.addf %mul3A_193, %mul3A_200 : vector<16xf32>
      %get3A_202 = arith.index_cast %add3A_186 : i32 to index
      %get3A_203 = arith.constant 32 : index
      %get3A_204 = tpu.vector_load %arg10[%get3A_202, %get3A_203] {strides = array<i32>} : memref<128x128xf32, #tpu.memory_space<vmem>>, vector<16xf32>,
      %get3A_205 = arith.index_cast %add3A_186 : i32 to index
      %get3A_206 = arith.constant 32 : index
      %get3A_207 = tpu.vector_load %arg11[%get3A_205, %get3A_206] {strides = array<i32>} : memref<128x128xf32, #tpu.memory_space<vmem>>, vector<16xf32>,
      %mul3A_208 = arith.mulf %get3A_204, %get3A_207 : vector<16xf32>
      %add3A_209 = arith.addf %add3A_201, %mul3A_208 : vector<16xf32>
      %get3A_210 = arith.index_cast %add3A_186 : i32 to index
      %get3A_211 = arith.constant 48 : index
      %get3A_212 = tpu.vector_load %arg10[%get3A_210, %get3A_211] {strides = array<i32>} : memref<128x128xf32, #tpu.memory_space<vmem>>, vector<16xf32>,
      %get3A_213 = arith.index_cast %add3A_186 : i32 to index
      %get3A_214 = arith.constant 48 : index
      %get3A_215 = tpu.vector_load %arg11[%get3A_213, %get3A_214] {strides = array<i32>} : memref<128x128xf32, #tpu.memory_space<vmem>>, vector<16xf32>,
      %mul3A_216 = arith.mulf %get3A_212, %get3A_215 : vector<16xf32>
      %add3A_217 = arith.addf %add3A_209, %mul3A_216 : vector<16xf32>
      %eq3A_218 = arith.constant 1 : i32
      %eq3A_219 = vector.broadcast %eq3A_218 : i32 to vector<16xi32>
      %eq3A_220 = arith.cmpi eq, %iota3A, %eq3A_219 : vector<16xi32>
      %reduce_sum3A_221 = arith.constant true
      %reduce_sum3A_222 = vector.broadcast %reduce_sum3A_221 : i1 to vector<16xi1>
      %reduce_sum3A_223 = tpu.scan <sum>, %add3A_217 masked %reduce_sum3A_222 : vector<16xf32>, vector<16xi1> -> vector<16xf32>
      %reduce_sum3A_224 = vector.extract %reduce_sum3A_223[15] : f32 from vector<16xf32>
      %broadcast_in_dim3A_225 = vector.broadcast %reduce_sum3A_224 : f32 to vector<16xf32>
      %select_n3A_226 = arith.select %eq3A_220, %broadcast_in_dim3A_225, %select_n3A : vector<16xi1>, vector<16xf32>
      %add3A_227 = arith.constant 2 : i32
      %add3A_228 = arith.addi %mul3A_145, %add3A_227 : i32
      %get3A_229 = arith.index_cast %add3A_228 : i32 to index
      %get3A_230 = arith.constant 0 : index
      %get3A_231 = tpu.vector_load %arg10[%get3A_229, %get3A_230] {strides = array<i32>} : memref<128x128xf32, #tpu.memory_space<vmem>>, vector<16xf32>,
      %get3A_232 = arith.index_cast %add3A_228 : i32 to index
      %get3A_233 = arith.constant 0 : index
      %get3A_234 = tpu.vector_load %arg11[%get3A_232, %get3A_233] {strides = array<i32>} : memref<128x128xf32, #tpu.memory_space<vmem>>, vector<16xf32>,
      %mul3A_235 = arith.mulf %get3A_231, %get3A_234 : vector<16xf32>
      %get3A_236 = arith.index_cast %add3A_228 : i32 to index
      %get3A_237 = arith.constant 16 : index
      %get3A_238 = tpu.vector_load %arg10[%get3A_236, %get3A_237] {strides = array<i32>} : memref<128x128xf32, #tpu.memory_space<vmem>>, vector<16xf32>,
      %get3A_239 = arith.index_cast %add3A_228 : i32 to index
      %get3A_240 = arith.constant 16 : index
      %get3A_241 = tpu.vector_load %arg11[%get3A_239, %get3A_240] {strides = array<i32>} : memref<128x128xf32, #tpu.memory_space<vmem>>, vector<16xf32>,
      %mul3A_242 = arith.mulf %get3A_238, %get3A_241 : vector<16xf32>
      %add3A_243 = arith.addf %mul3A_235, %mul3A_242 : vector<16xf32>
      %get3A_244 = arith.index_cast %add3A_228 : i32 to index
      %get3A_245 = arith.constant 32 : index
      %get3A_246 = tpu.vector_load %arg10[%get3A_244, %get3A_245] {strides = array<i32>} : memref<128x128xf32, #tpu.memory_space<vmem>>, vector<16xf32>,
      %get3A_247 = arith.index_cast %add3A_228 : i32 to index
      %get3A_248 = arith.constant 32 : index
      %get3A_249 = tpu.vector_load %arg11[%get3A_247, %get3A_248] {strides = array<i32>} : memref<128x128xf32, #tpu.memory_space<vmem>>, vector<16xf32>,
      %mul3A_250 = arith.mulf %get3A_246, %get3A_249 : vector<16xf32>
      %add3A_251 = arith.addf %add3A_243, %mul3A_250 : vector<16xf32>
      %get3A_252 = arith.index_cast %add3A_228 : i32 to index
      %get3A_253 = arith.constant 48 : index
      %get3A_254 = tpu.vector_load %arg10[%get3A_252, %get3A_253] {strides = array<i32>} : memref<128x128xf32, #tpu.memory_space<vmem>>, vector<16xf32>,
      %get3A_255 = arith.index_cast %add3A_228 : i32 to index
      %get3A_256 = arith.constant 48 : index
      %get3A_257 = tpu.vector_load %arg11[%get3A_255, %get3A_256] {strides = array<i32>} : memref<128x128xf32, #tpu.memory_space<vmem>>, vector<16xf32>,
      %mul3A_258 = arith.mulf %get3A_254, %get3A_257 : vector<16xf32>
      %add3A_259 = arith.addf %add3A_251, %mul3A_258 : vector<16xf32>
      %eq3A_260 = arith.constant 2 : i32
      %eq3A_261 = vector.broadcast %eq3A_260 : i32 to vector<16xi32>
      %eq3A_262 = arith.cmpi eq, %iota3A, %eq3A_261 : vector<16xi32>
      %reduce_sum3A_263 = arith.constant true
      %reduce_sum3A_264 = vector.broadcast %reduce_sum3A_263 : i1 to vector<16xi1>
      %reduce_sum3A_265 = tpu.scan <sum>, %add3A_259 masked %reduce_sum3A_264 : vector<16xf32>, vector<16xi1> -> vector<16xf32>
      %reduce_sum3A_266 = vector.extract %reduce_sum3A_265[15] : f32 from vector<16xf32>
      %broadcast_in_dim3A_267 = vector.broadcast %reduce_sum3A_266 : f32 to vector<16xf32>
      %select_n3A_268 = arith.select %eq3A_262, %broadcast_in_dim3A_267, %select_n3A_226 : vector<16xi1>, vector<16xf32>
      %add3A_269 = arith.constant 3 : i32
      %add3A_270 = arith.addi %mul3A_145, %add3A_269 : i32
      %get3A_271 = arith.index_cast %add3A_270 : i32 to index
      %get3A_272 = arith.constant 0 : index
      %get3A_273 = tpu.vector_load %arg10[%get3A_271, %get3A_272] {strides = array<i32>} : memref<128x128xf32, #tpu.memory_space<vmem>>, vector<16xf32>,
      %get3A_274 = arith.index_cast %add3A_270 : i32 to index
      %get3A_275 = arith.constant 0 : index
      %get3A_276 = tpu.vector_load %arg11[%get3A_274, %get3A_275] {strides = array<i32>} : memref<128x128xf32, #tpu.memory_space<vmem>>, vector<16xf32>,
      %mul3A_277 = arith.mulf %get3A_273, %get3A_276 : vector<16xf32>
      %get3A_278 = arith.index_cast %add3A_270 : i32 to index
      %get3A_279 = arith.constant 16 : index
      %get3A_280 = tpu.vector_load %arg10[%get3A_278, %get3A_279] {strides = array<i32>} : memref<128x128xf32, #tpu.memory_space<vmem>>, vector<16xf32>,
      %get3A_281 = arith.index_cast %add3A_270 : i32 to index
      %get3A_282 = arith.constant 16 : index
      %get3A_283 = tpu.vector_load %arg11[%get3A_281, %get3A_282] {strides = array<i32>} : memref<128x128xf32, #tpu.memory_space<vmem>>, vector<16xf32>,
      %mul3A_284 = arith.mulf %get3A_280, %get3A_283 : vector<16xf32>
      %add3A_285 = arith.addf %mul3A_277, %mul3A_284 : vector<16xf32>
      %get3A_286 = arith.index_cast %add3A_270 : i32 to index
      %get3A_287 = arith.constant 32 : index
      %get3A_288 = tpu.vector_load %arg10[%get3A_286, %get3A_287] {strides = array<i32>} : memref<128x128xf32, #tpu.memory_space<vmem>>, vector<16xf32>,
      %get3A_289 = arith.index_cast %add3A_270 : i32 to index
      %get3A_290 = arith.constant 32 : index
      %get3A_291 = tpu.vector_load %arg11[%get3A_289, %get3A_290] {strides = array<i32>} : memref<128x128xf32, #tpu.memory_space<vmem>>, vector<16xf32>,
      %mul3A_292 = arith.mulf %get3A_288, %get3A_291 : vector<16xf32>
      %add3A_293 = arith.addf %add3A_285, %mul3A_292 : vector<16xf32>
      %get3A_294 = arith.index_cast %add3A_270 : i32 to index
      %get3A_295 = arith.constant 48 : index
      %get3A_296 = tpu.vector_load %arg10[%get3A_294, %get3A_295] {strides = array<i32>} : memref<128x128xf32, #tpu.memory_space<vmem>>, vector<16xf32>,
      %get3A_297 = arith.index_cast %add3A_270 : i32 to index
      %get3A_298 = arith.constant 48 : index
      %get3A_299 = tpu.vector_load %arg11[%get3A_297, %get3A_298] {strides = array<i32>} : memref<128x128xf32, #tpu.memory_space<vmem>>, vector<16xf32>,
      %mul3A_300 = arith.mulf %get3A_296, %get3A_299 : vector<16xf32>
      %add3A_301 = arith.addf %add3A_293, %mul3A_300 : vector<16xf32>
      %eq3A_302 = arith.constant 3 : i32
      %eq3A_303 = vector.broadcast %eq3A_302 : i32 to vector<16xi32>
      %eq3A_304 = arith.cmpi eq, %iota3A, %eq3A_303 : vector<16xi32>
      %reduce_sum3A_305 = arith.constant true
      %reduce_sum3A_306 = vector.broadcast %reduce_sum3A_305 : i1 to vector<16xi1>
      %reduce_sum3A_307 = tpu.scan <sum>, %add3A_301 masked %reduce_sum3A_306 : vector<16xf32>, vector<16xi1> -> vector<16xf32>
      %reduce_sum3A_308 = vector.extract %reduce_sum3A_307[15] : f32 from vector<16xf32>
      %broadcast_in_dim3A_309 = vector.broadcast %reduce_sum3A_308 : f32 to vector<16xf32>
      %select_n3A_310 = arith.select %eq3A_304, %broadcast_in_dim3A_309, %select_n3A_268 : vector<16xi1>, vector<16xf32>
      %add3A_311 = arith.constant 4 : i32
      %add3A_312 = arith.addi %mul3A_145, %add3A_311 : i32
      %get3A_313 = arith.index_cast %add3A_312 : i32 to index
      %get3A_314 = arith.constant 0 : index
      %get3A_315 = tpu.vector_load %arg10[%get3A_313, %get3A_314] {strides = array<i32>} : memref<128x128xf32, #tpu.memory_space<vmem>>, vector<16xf32>,
      %get3A_316 = arith.index_cast %add3A_312 : i32 to index
      %get3A_317 = arith.constant 0 : index
      %get3A_318 = tpu.vector_load %arg11[%get3A_316, %get3A_317] {strides = array<i32>} : memref<128x128xf32, #tpu.memory_space<vmem>>, vector<16xf32>,
      %mul3A_319 = arith.mulf %get3A_315, %get3A_318 : vector<16xf32>
      %get3A_320 = arith.index_cast %add3A_312 : i32 to index
      %get3A_321 = arith.constant 16 : index
      %get3A_322 = tpu.vector_load %arg10[%get3A_320, %get3A_321] {strides = array<i32>} : memref<128x128xf32, #tpu.memory_space<vmem>>, vector<16xf32>,
      %get3A_323 = arith.index_cast %add3A_312 : i32 to index
      %get3A_324 = arith.constant 16 : index
      %get3A_325 = tpu.vector_load %arg11[%get3A_323, %get3A_324] {strides = array<i32>} : memref<128x128xf32, #tpu.memory_space<vmem>>, vector<16xf32>,
      %mul3A_326 = arith.mulf %get3A_322, %get3A_325 : vector<16xf32>
      %add3A_327 = arith.addf %mul3A_319, %mul3A_326 : vector<16xf32>
      %get3A_328 = arith.index_cast %add3A_312 : i32 to index
      %get3A_329 = arith.constant 32 : index
      %get3A_330 = tpu.vector_load %arg10[%get3A_328, %get3A_329] {strides = array<i32>} : memref<128x128xf32, #tpu.memory_space<vmem>>, vector<16xf32>,
      %get3A_331 = arith.index_cast %add3A_312 : i32 to index
      %get3A_332 = arith.constant 32 : index
      %get3A_333 = tpu.vector_load %arg11[%get3A_331, %get3A_332] {strides = array<i32>} : memref<128x128xf32, #tpu.memory_space<vmem>>, vector<16xf32>,
      %mul3A_334 = arith.mulf %get3A_330, %get3A_333 : vector<16xf32>
      %add3A_335 = arith.addf %add3A_327, %mul3A_334 : vector<16xf32>
      %get3A_336 = arith.index_cast %add3A_312 : i32 to index
      %get3A_337 = arith.constant 48 : index
      %get3A_338 = tpu.vector_load %arg10[%get3A_336, %get3A_337] {strides = array<i32>} : memref<128x128xf32, #tpu.memory_space<vmem>>, vector<16xf32>,
      %get3A_339 = arith.index_cast %add3A_312 : i32 to index
      %get3A_340 = arith.constant 48 : index
      %get3A_341 = tpu.vector_load %arg11[%get3A_339, %get3A_340] {strides = array<i32>} : memref<128x128xf32, #tpu.memory_space<vmem>>, vector<16xf32>,
      %mul3A_342 = arith.mulf %get3A_338, %get3A_341 : vector<16xf32>
      %add3A_343 = arith.addf %add3A_335, %mul3A_342 : vector<16xf32>
      %eq3A_344 = arith.constant 4 : i32
      %eq3A_345 = vector.broadcast %eq3A_344 : i32 to vector<16xi32>
      %eq3A_346 = arith.cmpi eq, %iota3A, %eq3A_345 : vector<16xi32>
      %reduce_sum3A_347 = arith.constant true
      %reduce_sum3A_348 = vector.broadcast %reduce_sum3A_347 : i1 to vector<16xi1>
      %reduce_sum3A_349 = tpu.scan <sum>, %add3A_343 masked %reduce_sum3A_348 : vector<16xf32>, vector<16xi1> -> vector<16xf32>
      %reduce_sum3A_350 = vector.extract %reduce_sum3A_349[15] : f32 from vector<16xf32>
      %broadcast_in_dim3A_351 = vector.broadcast %reduce_sum3A_350 : f32 to vector<16xf32>
      %select_n3A_352 = arith.select %eq3A_346, %broadcast_in_dim3A_351, %select_n3A_310 : vector<16xi1>, vector<16xf32>
      %add3A_353 = arith.constant 5 : i32
      %add3A_354 = arith.addi %mul3A_145, %add3A_353 : i32
      %get3A_355 = arith.index_cast %add3A_354 : i32 to index
      %get3A_356 = arith.constant 0 : index
      %get3A_357 = tpu.vector_load %arg10[%get3A_355, %get3A_356] {strides = array<i32>} : memref<128x128xf32, #tpu.memory_space<vmem>>, vector<16xf32>,
      %get3A_358 = arith.index_cast %add3A_354 : i32 to index
      %get3A_359 = arith.constant 0 : index
      %get3A_360 = tpu.vector_load %arg11[%get3A_358, %get3A_359] {strides = array<i32>} : memref<128x128xf32, #tpu.memory_space<vmem>>, vector<16xf32>,
      %mul3A_361 = arith.mulf %get3A_357, %get3A_360 : vector<16xf32>
      %get3A_362 = arith.index_cast %add3A_354 : i32 to index
      %get3A_363 = arith.constant 16 : index
      %get3A_364 = tpu.vector_load %arg10[%get3A_362, %get3A_363] {strides = array<i32>} : memref<128x128xf32, #tpu.memory_space<vmem>>, vector<16xf32>,
      %get3A_365 = arith.index_cast %add3A_354 : i32 to index
      %get3A_366 = arith.constant 16 : index
      %get3A_367 = tpu.vector_load %arg11[%get3A_365, %get3A_366] {strides = array<i32>} : memref<128x128xf32, #tpu.memory_space<vmem>>, vector<16xf32>,
      %mul3A_368 = arith.mulf %get3A_364, %get3A_367 : vector<16xf32>
      %add3A_369 = arith.addf %mul3A_361, %mul3A_368 : vector<16xf32>
      %get3A_370 = arith.index_cast %add3A_354 : i32 to index
      %get3A_371 = arith.constant 32 : index
      %get3A_372 = tpu.vector_load %arg10[%get3A_370, %get3A_371] {strides = array<i32>} : memref<128x128xf32, #tpu.memory_space<vmem>>, vector<16xf32>,
      %get3A_373 = arith.index_cast %add3A_354 : i32 to index
      %get3A_374 = arith.constant 32 : index
      %get3A_375 = tpu.vector_load %arg11[%get3A_373, %get3A_374] {strides = array<i32>} : memref<128x128xf32, #tpu.memory_space<vmem>>, vector<16xf32>,
      %mul3A_376 = arith.mulf %get3A_372, %get3A_375 : vector<16xf32>
      %add3A_377 = arith.addf %add3A_369, %mul3A_376 : vector<16xf32>
      %get3A_378 = arith.index_cast %add3A_354 : i32 to index
      %get3A_379 = arith.constant 48 : index
      %get3A_380 = tpu.vector_load %arg10[%get3A_378, %get3A_379] {strides = array<i32>} : memref<128x128xf32, #tpu.memory_space<vmem>>, vector<16xf32>,
      %get3A_381 = arith.index_cast %add3A_354 : i32 to index
      %get3A_382 = arith.constant 48 : index
      %get3A_383 = tpu.vector_load %arg11[%get3A_381, %get3A_382] {strides = array<i32>} : memref<128x128xf32, #tpu.memory_space<vmem>>, vector<16xf32>,
      %mul3A_384 = arith.mulf %get3A_380, %get3A_383 : vector<16xf32>
      %add3A_385 = arith.addf %add3A_377, %mul3A_384 : vector<16xf32>
      %eq3A_386 = arith.constant 5 : i32
      %eq3A_387 = vector.broadcast %eq3A_386 : i32 to vector<16xi32>
      %eq3A_388 = arith.cmpi eq, %iota3A, %eq3A_387 : vector<16xi32>
      %reduce_sum3A_389 = arith.constant true
      %reduce_sum3A_390 = vector.broadcast %reduce_sum3A_389 : i1 to vector<16xi1>
      %reduce_sum3A_391 = tpu.scan <sum>, %add3A_385 masked %reduce_sum3A_390 : vector<16xf32>, vector<16xi1> -> vector<16xf32>
      %reduce_sum3A_392 = vector.extract %reduce_sum3A_391[15] : f32 from vector<16xf32>
      %broadcast_in_dim3A_393 = vector.broadcast %reduce_sum3A_392 : f32 to vector<16xf32>
      %select_n3A_394 = arith.select %eq3A_388, %broadcast_in_dim3A_393, %select_n3A_352 : vector<16xi1>, vector<16xf32>
      %add3A_395 = arith.constant 6 : i32
      %add3A_396 = arith.addi %mul3A_145, %add3A_395 : i32
      %get3A_397 = arith.index_cast %add3A_396 : i32 to index
      %get3A_398 = arith.constant 0 : index
      %get3A_399 = tpu.vector_load %arg10[%get3A_397, %get3A_398] {strides = array<i32>} : memref<128x128xf32, #tpu.memory_space<vmem>>, vector<16xf32>,
      %get3A_400 = arith.index_cast %add3A_396 : i32 to index
      %get3A_401 = arith.constant 0 : index
      %get3A_402 = tpu.vector_load %arg11[%get3A_400, %get3A_401] {strides = array<i32>} : memref<128x128xf32, #tpu.memory_space<vmem>>, vector<16xf32>,
      %mul3A_403 = arith.mulf %get3A_399, %get3A_402 : vector<16xf32>
      %get3A_404 = arith.index_cast %add3A_396 : i32 to index
      %get3A_405 = arith.constant 16 : index
      %get3A_406 = tpu.vector_load %arg10[%get3A_404, %get3A_405] {strides = array<i32>} : memref<128x128xf32, #tpu.memory_space<vmem>>, vector<16xf32>,
      %get3A_407 = arith.index_cast %add3A_396 : i32 to index
      %get3A_408 = arith.constant 16 : index
      %get3A_409 = tpu.vector_load %arg11[%get3A_407, %get3A_408] {strides = array<i32>} : memref<128x128xf32, #tpu.memory_space<vmem>>, vector<16xf32>,
      %mul3A_410 = arith.mulf %get3A_406, %get3A_409 : vector<16xf32>
      %add3A_411 = arith.addf %mul3A_403, %mul3A_410 : vector<16xf32>
      %get3A_412 = arith.index_cast %add3A_396 : i32 to index
      %get3A_413 = arith.constant 32 : index
      %get3A_414 = tpu.vector_load %arg10[%get3A_412, %get3A_413] {strides = array<i32>} : memref<128x128xf32, #tpu.memory_space<vmem>>, vector<16xf32>,
      %get3A_415 = arith.index_cast %add3A_396 : i32 to index
      %get3A_416 = arith.constant 32 : index
      %get3A_417 = tpu.vector_load %arg11[%get3A_415, %get3A_416] {strides = array<i32>} : memref<128x128xf32, #tpu.memory_space<vmem>>, vector<16xf32>,
      %mul3A_418 = arith.mulf %get3A_414, %get3A_417 : vector<16xf32>
      %add3A_419 = arith.addf %add3A_411, %mul3A_418 : vector<16xf32>
      %get3A_420 = arith.index_cast %add3A_396 : i32 to index
      %get3A_421 = arith.constant 48 : index
      %get3A_422 = tpu.vector_load %arg10[%get3A_420, %get3A_421] {strides = array<i32>} : memref<128x128xf32, #tpu.memory_space<vmem>>, vector<16xf32>,
      %get3A_423 = arith.index_cast %add3A_396 : i32 to index
      %get3A_424 = arith.constant 48 : index
      %get3A_425 = tpu.vector_load %arg11[%get3A_423, %get3A_424] {strides = array<i32>} : memref<128x128xf32, #tpu.memory_space<vmem>>, vector<16xf32>,
      %mul3A_426 = arith.mulf %get3A_422, %get3A_425 : vector<16xf32>
      %add3A_427 = arith.addf %add3A_419, %mul3A_426 : vector<16xf32>
      %eq3A_428 = arith.constant 6 : i32
      %eq3A_429 = vector.broadcast %eq3A_428 : i32 to vector<16xi32>
      %eq3A_430 = arith.cmpi eq, %iota3A, %eq3A_429 : vector<16xi32>
      %reduce_sum3A_431 = arith.constant true
      %reduce_sum3A_432 = vector.broadcast %reduce_sum3A_431 : i1 to vector<16xi1>
      %reduce_sum3A_433 = tpu.scan <sum>, %add3A_427 masked %reduce_sum3A_432 : vector<16xf32>, vector<16xi1> -> vector<16xf32>
      %reduce_sum3A_434 = vector.extract %reduce_sum3A_433[15] : f32 from vector<16xf32>
      %broadcast_in_dim3A_435 = vector.broadcast %reduce_sum3A_434 : f32 to vector<16xf32>
      %select_n3A_436 = arith.select %eq3A_430, %broadcast_in_dim3A_435, %select_n3A_394 : vector<16xi1>, vector<16xf32>
      %add3A_437 = arith.constant 7 : i32
      %add3A_438 = arith.addi %mul3A_145, %add3A_437 : i32
      %get3A_439 = arith.index_cast %add3A_438 : i32 to index
      %get3A_440 = arith.constant 0 : index
      %get3A_441 = tpu.vector_load %arg10[%get3A_439, %get3A_440] {strides = array<i32>} : memref<128x128xf32, #tpu.memory_space<vmem>>, vector<16xf32>,
      %get3A_442 = arith.index_cast %add3A_438 : i32 to index
      %get3A_443 = arith.constant 0 : index
      %get3A_444 = tpu.vector_load %arg11[%get3A_442, %get3A_443] {strides = array<i32>} : memref<128x128xf32, #tpu.memory_space<vmem>>, vector<16xf32>,
      %mul3A_445 = arith.mulf %get3A_441, %get3A_444 : vector<16xf32>
      %get3A_446 = arith.index_cast %add3A_438 : i32 to index
      %get3A_447 = arith.constant 16 : index
      %get3A_448 = tpu.vector_load %arg10[%get3A_446, %get3A_447] {strides = array<i32>} : memref<128x128xf32, #tpu.memory_space<vmem>>, vector<16xf32>,
      %get3A_449 = arith.index_cast %add3A_438 : i32 to index
      %get3A_450 = arith.constant 16 : index
      %get3A_451 = tpu.vector_load %arg11[%get3A_449, %get3A_450] {strides = array<i32>} : memref<128x128xf32, #tpu.memory_space<vmem>>, vector<16xf32>,
      %mul3A_452 = arith.mulf %get3A_448, %get3A_451 : vector<16xf32>
      %add3A_453 = arith.addf %mul3A_445, %mul3A_452 : vector<16xf32>
      %get3A_454 = arith.index_cast %add3A_438 : i32 to index
      %get3A_455 = arith.constant 32 : index
      %get3A_456 = tpu.vector_load %arg10[%get3A_454, %get3A_455] {strides = array<i32>} : memref<128x128xf32, #tpu.memory_space<vmem>>, vector<16xf32>,
      %get3A_457 = arith.index_cast %add3A_438 : i32 to index
      %get3A_458 = arith.constant 32 : index
      %get3A_459 = tpu.vector_load %arg11[%get3A_457, %get3A_458] {strides = array<i32>} : memref<128x128xf32, #tpu.memory_space<vmem>>, vector<16xf32>,
      %mul3A_460 = arith.mulf %get3A_456, %get3A_459 : vector<16xf32>
      %add3A_461 = arith.addf %add3A_453, %mul3A_460 : vector<16xf32>
      %get3A_462 = arith.index_cast %add3A_438 : i32 to index
      %get3A_463 = arith.constant 48 : index
      %get3A_464 = tpu.vector_load %arg10[%get3A_462, %get3A_463] {strides = array<i32>} : memref<128x128xf32, #tpu.memory_space<vmem>>, vector<16xf32>,
      %get3A_465 = arith.index_cast %add3A_438 : i32 to index
      %get3A_466 = arith.constant 48 : index
      %get3A_467 = tpu.vector_load %arg11[%get3A_465, %get3A_466] {strides = array<i32>} : memref<128x128xf32, #tpu.memory_space<vmem>>, vector<16xf32>,
      %mul3A_468 = arith.mulf %get3A_464, %get3A_467 : vector<16xf32>
      %add3A_469 = arith.addf %add3A_461, %mul3A_468 : vector<16xf32>
      %eq3A_470 = arith.constant 7 : i32
      %eq3A_471 = vector.broadcast %eq3A_470 : i32 to vector<16xi32>
      %eq3A_472 = arith.cmpi eq, %iota3A, %eq3A_471 : vector<16xi32>
      %reduce_sum3A_473 = arith.constant true
      %reduce_sum3A_474 = vector.broadcast %reduce_sum3A_473 : i1 to vector<16xi1>
      %reduce_sum3A_475 = tpu.scan <sum>, %add3A_469 masked %reduce_sum3A_474 : vector<16xf32>, vector<16xi1> -> vector<16xf32>
      %reduce_sum3A_476 = vector.extract %reduce_sum3A_475[15] : f32 from vector<16xf32>
      %broadcast_in_dim3A_477 = vector.broadcast %reduce_sum3A_476 : f32 to vector<16xf32>
      %select_n3A_478 = arith.select %eq3A_472, %broadcast_in_dim3A_477, %select_n3A_436 : vector<16xi1>, vector<16xf32>
      %add3A_479 = arith.constant 8 : i32
      %add3A_480 = arith.addi %mul3A_145, %add3A_479 : i32
      %get3A_481 = arith.index_cast %add3A_480 : i32 to index
      %get3A_482 = arith.constant 0 : index
      %get3A_483 = tpu.vector_load %arg10[%get3A_481, %get3A_482] {strides = array<i32>} : memref<128x128xf32, #tpu.memory_space<vmem>>, vector<16xf32>,
      %get3A_484 = arith.index_cast %add3A_480 : i32 to index
      %get3A_485 = arith.constant 0 : index
      %get3A_486 = tpu.vector_load %arg11[%get3A_484, %get3A_485] {strides = array<i32>} : memref<128x128xf32, #tpu.memory_space<vmem>>, vector<16xf32>,
      %mul3A_487 = arith.mulf %get3A_483, %get3A_486 : vector<16xf32>
      %get3A_488 = arith.index_cast %add3A_480 : i32 to index
      %get3A_489 = arith.constant 16 : index
      %get3A_490 = tpu.vector_load %arg10[%get3A_488, %get3A_489] {strides = array<i32>} : memref<128x128xf32, #tpu.memory_space<vmem>>, vector<16xf32>,
      %get3A_491 = arith.index_cast %add3A_480 : i32 to index
      %get3A_492 = arith.constant 16 : index
      %get3A_493 = tpu.vector_load %arg11[%get3A_491, %get3A_492] {strides = array<i32>} : memref<128x128xf32, #tpu.memory_space<vmem>>, vector<16xf32>,
      %mul3A_494 = arith.mulf %get3A_490, %get3A_493 : vector<16xf32>
      %add3A_495 = arith.addf %mul3A_487, %mul3A_494 : vector<16xf32>
      %get3A_496 = arith.index_cast %add3A_480 : i32 to index
      %get3A_497 = arith.constant 32 : index
      %get3A_498 = tpu.vector_load %arg10[%get3A_496, %get3A_497] {strides = array<i32>} : memref<128x128xf32, #tpu.memory_space<vmem>>, vector<16xf32>,
      %get3A_499 = arith.index_cast %add3A_480 : i32 to index
      %get3A_500 = arith.constant 32 : index
      %get3A_501 = tpu.vector_load %arg11[%get3A_499, %get3A_500] {strides = array<i32>} : memref<128x128xf32, #tpu.memory_space<vmem>>, vector<16xf32>,
      %mul3A_502 = arith.mulf %get3A_498, %get3A_501 : vector<16xf32>
      %add3A_503 = arith.addf %add3A_495, %mul3A_502 : vector<16xf32>
      %get3A_504 = arith.index_cast %add3A_480 : i32 to index
      %get3A_505 = arith.constant 48 : index
      %get3A_506 = tpu.vector_load %arg10[%get3A_504, %get3A_505] {strides = array<i32>} : memref<128x128xf32, #tpu.memory_space<vmem>>, vector<16xf32>,
      %get3A_507 = arith.index_cast %add3A_480 : i32 to index
      %get3A_508 = arith.constant 48 : index
      %get3A_509 = tpu.vector_load %arg11[%get3A_507, %get3A_508] {strides = array<i32>} : memref<128x128xf32, #tpu.memory_space<vmem>>, vector<16xf32>,
      %mul3A_510 = arith.mulf %get3A_506, %get3A_509 : vector<16xf32>
      %add3A_511 = arith.addf %add3A_503, %mul3A_510 : vector<16xf32>
      %eq3A_512 = arith.constant 8 : i32
      %eq3A_513 = vector.broadcast %eq3A_512 : i32 to vector<16xi32>
      %eq3A_514 = arith.cmpi eq, %iota3A, %eq3A_513 : vector<16xi32>
      %reduce_sum3A_515 = arith.constant true
      %reduce_sum3A_516 = vector.broadcast %reduce_sum3A_515 : i1 to vector<16xi1>
      %reduce_sum3A_517 = tpu.scan <sum>, %add3A_511 masked %reduce_sum3A_516 : vector<16xf32>, vector<16xi1> -> vector<16xf32>
      %reduce_sum3A_518 = vector.extract %reduce_sum3A_517[15] : f32 from vector<16xf32>
      %broadcast_in_dim3A_519 = vector.broadcast %reduce_sum3A_518 : f32 to vector<16xf32>
      %select_n3A_520 = arith.select %eq3A_514, %broadcast_in_dim3A_519, %select_n3A_478 : vector<16xi1>, vector<16xf32>
      %add3A_521 = arith.constant 9 : i32
      %add3A_522 = arith.addi %mul3A_145, %add3A_521 : i32
      %get3A_523 = arith.index_cast %add3A_522 : i32 to index
      %get3A_524 = arith.constant 0 : index
      %get3A_525 = tpu.vector_load %arg10[%get3A_523, %get3A_524] {strides = array<i32>} : memref<128x128xf32, #tpu.memory_space<vmem>>, vector<16xf32>,
      %get3A_526 = arith.index_cast %add3A_522 : i32 to index
      %get3A_527 = arith.constant 0 : index
      %get3A_528 = tpu.vector_load %arg11[%get3A_526, %get3A_527] {strides = array<i32>} : memref<128x128xf32, #tpu.memory_space<vmem>>, vector<16xf32>,
      %mul3A_529 = arith.mulf %get3A_525, %get3A_528 : vector<16xf32>
      %get3A_530 = arith.index_cast %add3A_522 : i32 to index
      %get3A_531 = arith.constant 16 : index
      %get3A_532 = tpu.vector_load %arg10[%get3A_530, %get3A_531] {strides = array<i32>} : memref<128x128xf32, #tpu.memory_space<vmem>>, vector<16xf32>,
      %get3A_533 = arith.index_cast %add3A_522 : i32 to index
      %get3A_534 = arith.constant 16 : index
      %get3A_535 = tpu.vector_load %arg11[%get3A_533, %get3A_534] {strides = array<i32>} : memref<128x128xf32, #tpu.memory_space<vmem>>, vector<16xf32>,
      %mul3A_536 = arith.mulf %get3A_532, %get3A_535 : vector<16xf32>
      %add3A_537 = arith.addf %mul3A_529, %mul3A_536 : vector<16xf32>
      %get3A_538 = arith.index_cast %add3A_522 : i32 to index
      %get3A_539 = arith.constant 32 : index
      %get3A_540 = tpu.vector_load %arg10[%get3A_538, %get3A_539] {strides = array<i32>} : memref<128x128xf32, #tpu.memory_space<vmem>>, vector<16xf32>,
      %get3A_541 = arith.index_cast %add3A_522 : i32 to index
      %get3A_542 = arith.constant 32 : index
      %get3A_543 = tpu.vector_load %arg11[%get3A_541, %get3A_542] {strides = array<i32>} : memref<128x128xf32, #tpu.memory_space<vmem>>, vector<16xf32>,
      %mul3A_544 = arith.mulf %get3A_540, %get3A_543 : vector<16xf32>
      %add3A_545 = arith.addf %add3A_537, %mul3A_544 : vector<16xf32>
      %get3A_546 = arith.index_cast %add3A_522 : i32 to index
      %get3A_547 = arith.constant 48 : index
      %get3A_548 = tpu.vector_load %arg10[%get3A_546, %get3A_547] {strides = array<i32>} : memref<128x128xf32, #tpu.memory_space<vmem>>, vector<16xf32>,
      %get3A_549 = arith.index_cast %add3A_522 : i32 to index
      %get3A_550 = arith.constant 48 : index
      %get3A_551 = tpu.vector_load %arg11[%get3A_549, %get3A_550] {strides = array<i32>} : memref<128x128xf32, #tpu.memory_space<vmem>>, vector<16xf32>,
      %mul3A_552 = arith.mulf %get3A_548, %get3A_551 : vector<16xf32>
      %add3A_553 = arith.addf %add3A_545, %mul3A_552 : vector<16xf32>
      %eq3A_554 = arith.constant 9 : i32
      %eq3A_555 = vector.broadcast %eq3A_554 : i32 to vector<16xi32>
      %eq3A_556 = arith.cmpi eq, %iota3A, %eq3A_555 : vector<16xi32>
      %reduce_sum3A_557 = arith.constant true
      %reduce_sum3A_558 = vector.broadcast %reduce_sum3A_557 : i1 to vector<16xi1>
      %reduce_sum3A_559 = tpu.scan <sum>, %add3A_553 masked %reduce_sum3A_558 : vector<16xf32>, vector<16xi1> -> vector<16xf32>
      %reduce_sum3A_560 = vector.extract %reduce_sum3A_559[15] : f32 from vector<16xf32>
      %broadcast_in_dim3A_561 = vector.broadcast %reduce_sum3A_560 : f32 to vector<16xf32>
      %select_n3A_562 = arith.select %eq3A_556, %broadcast_in_dim3A_561, %select_n3A_520 : vector<16xi1>, vector<16xf32>
      %add3A_563 = arith.constant 10 : i32
      %add3A_564 = arith.addi %mul3A_145, %add3A_563 : i32
      %get3A_565 = arith.index_cast %add3A_564 : i32 to index
      %get3A_566 = arith.constant 0 : index
      %get3A_567 = tpu.vector_load %arg10[%get3A_565, %get3A_566] {strides = array<i32>} : memref<128x128xf32, #tpu.memory_space<vmem>>, vector<16xf32>,
      %get3A_568 = arith.index_cast %add3A_564 : i32 to index
      %get3A_569 = arith.constant 0 : index
      %get3A_570 = tpu.vector_load %arg11[%get3A_568, %get3A_569] {strides = array<i32>} : memref<128x128xf32, #tpu.memory_space<vmem>>, vector<16xf32>,
      %mul3A_571 = arith.mulf %get3A_567, %get3A_570 : vector<16xf32>
      %get3A_572 = arith.index_cast %add3A_564 : i32 to index
      %get3A_573 = arith.constant 16 : index
      %get3A_574 = tpu.vector_load %arg10[%get3A_572, %get3A_573] {strides = array<i32>} : memref<128x128xf32, #tpu.memory_space<vmem>>, vector<16xf32>,
      %get3A_575 = arith.index_cast %add3A_564 : i32 to index
      %get3A_576 = arith.constant 16 : index
      %get3A_577 = tpu.vector_load %arg11[%get3A_575, %get3A_576] {strides = array<i32>} : memref<128x128xf32, #tpu.memory_space<vmem>>, vector<16xf32>,
      %mul3A_578 = arith.mulf %get3A_574, %get3A_577 : vector<16xf32>
      %add3A_579 = arith.addf %mul3A_571, %mul3A_578 : vector<16xf32>
      %get3A_580 = arith.index_cast %add3A_564 : i32 to index
      %get3A_581 = arith.constant 32 : index
      %get3A_582 = tpu.vector_load %arg10[%get3A_580, %get3A_581] {strides = array<i32>} : memref<128x128xf32, #tpu.memory_space<vmem>>, vector<16xf32>,
      %get3A_583 = arith.index_cast %add3A_564 : i32 to index
      %get3A_584 = arith.constant 32 : index
      %get3A_585 = tpu.vector_load %arg11[%get3A_583, %get3A_584] {strides = array<i32>} : memref<128x128xf32, #tpu.memory_space<vmem>>, vector<16xf32>,
      %mul3A_586 = arith.mulf %get3A_582, %get3A_585 : vector<16xf32>
      %add3A_587 = arith.addf %add3A_579, %mul3A_586 : vector<16xf32>
      %get3A_588 = arith.index_cast %add3A_564 : i32 to index
      %get3A_589 = arith.constant 48 : index
      %get3A_590 = tpu.vector_load %arg10[%get3A_588, %get3A_589] {strides = array<i32>} : memref<128x128xf32, #tpu.memory_space<vmem>>, vector<16xf32>,
      %get3A_591 = arith.index_cast %add3A_564 : i32 to index
      %get3A_592 = arith.constant 48 : index
      %get3A_593 = tpu.vector_load %arg11[%get3A_591, %get3A_592] {strides = array<i32>} : memref<128x128xf32, #tpu.memory_space<vmem>>, vector<16xf32>,
      %mul3A_594 = arith.mulf %get3A_590, %get3A_593 : vector<16xf32>
      %add3A_595 = arith.addf %add3A_587, %mul3A_594 : vector<16xf32>
      %eq3A_596 = arith.constant 10 : i32
      %eq3A_597 = vector.broadcast %eq3A_596 : i32 to vector<16xi32>
      %eq3A_598 = arith.cmpi eq, %iota3A, %eq3A_597 : vector<16xi32>
      %reduce_sum3A_599 = arith.constant true
      %reduce_sum3A_600 = vector.broadcast %reduce_sum3A_599 : i1 to vector<16xi1>
      %reduce_sum3A_601 = tpu.scan <sum>, %add3A_595 masked %reduce_sum3A_600 : vector<16xf32>, vector<16xi1> -> vector<16xf32>
      %reduce_sum3A_602 = vector.extract %reduce_sum3A_601[15] : f32 from vector<16xf32>
      %broadcast_in_dim3A_603 = vector.broadcast %reduce_sum3A_602 : f32 to vector<16xf32>
      %select_n3A_604 = arith.select %eq3A_598, %broadcast_in_dim3A_603, %select_n3A_562 : vector<16xi1>, vector<16xf32>
      %add3A_605 = arith.constant 11 : i32
      %add3A_606 = arith.addi %mul3A_145, %add3A_605 : i32
      %get3A_607 = arith.index_cast %add3A_606 : i32 to index
      %get3A_608 = arith.constant 0 : index
      %get3A_609 = tpu.vector_load %arg10[%get3A_607, %get3A_608] {strides = array<i32>} : memref<128x128xf32, #tpu.memory_space<vmem>>, vector<16xf32>,
      %get3A_610 = arith.index_cast %add3A_606 : i32 to index
      %get3A_611 = arith.constant 0 : index
      %get3A_612 = tpu.vector_load %arg11[%get3A_610, %get3A_611] {strides = array<i32>} : memref<128x128xf32, #tpu.memory_space<vmem>>, vector<16xf32>,
      %mul3A_613 = arith.mulf %get3A_609, %get3A_612 : vector<16xf32>
      %get3A_614 = arith.index_cast %add3A_606 : i32 to index
      %get3A_615 = arith.constant 16 : index
      %get3A_616 = tpu.vector_load %arg10[%get3A_614, %get3A_615] {strides = array<i32>} : memref<128x128xf32, #tpu.memory_space<vmem>>, vector<16xf32>,
      %get3A_617 = arith.index_cast %add3A_606 : i32 to index
      %get3A_618 = arith.constant 16 : index
      %get3A_619 = tpu.vector_load %arg11[%get3A_617, %get3A_618] {strides = array<i32>} : memref<128x128xf32, #tpu.memory_space<vmem>>, vector<16xf32>,
      %mul3A_620 = arith.mulf %get3A_616, %get3A_619 : vector<16xf32>
      %add3A_621 = arith.addf %mul3A_613, %mul3A_620 : vector<16xf32>
      %get3A_622 = arith.index_cast %add3A_606 : i32 to index
      %get3A_623 = arith.constant 32 : index
      %get3A_624 = tpu.vector_load %arg10[%get3A_622, %get3A_623] {strides = array<i32>} : memref<128x128xf32, #tpu.memory_space<vmem>>, vector<16xf32>,
      %get3A_625 = arith.index_cast %add3A_606 : i32 to index
      %get3A_626 = arith.constant 32 : index
      %get3A_627 = tpu.vector_load %arg11[%get3A_625, %get3A_626] {strides = array<i32>} : memref<128x128xf32, #tpu.memory_space<vmem>>, vector<16xf32>,
      %mul3A_628 = arith.mulf %get3A_624, %get3A_627 : vector<16xf32>
      %add3A_629 = arith.addf %add3A_621, %mul3A_628 : vector<16xf32>
      %get3A_630 = arith.index_cast %add3A_606 : i32 to index
      %get3A_631 = arith.constant 48 : index
      %get3A_632 = tpu.vector_load %arg10[%get3A_630, %get3A_631] {strides = array<i32>} : memref<128x128xf32, #tpu.memory_space<vmem>>, vector<16xf32>,
      %get3A_633 = arith.index_cast %add3A_606 : i32 to index
      %get3A_634 = arith.constant 48 : index
      %get3A_635 = tpu.vector_load %arg11[%get3A_633, %get3A_634] {strides = array<i32>} : memref<128x128xf32, #tpu.memory_space<vmem>>, vector<16xf32>,
      %mul3A_636 = arith.mulf %get3A_632, %get3A_635 : vector<16xf32>
      %add3A_637 = arith.addf %add3A_629, %mul3A_636 : vector<16xf32>
      %eq3A_638 = arith.constant 11 : i32
      %eq3A_639 = vector.broadcast %eq3A_638 : i32 to vector<16xi32>
      %eq3A_640 = arith.cmpi eq, %iota3A, %eq3A_639 : vector<16xi32>
      %reduce_sum3A_641 = arith.constant true
      %reduce_sum3A_642 = vector.broadcast %reduce_sum3A_641 : i1 to vector<16xi1>
      %reduce_sum3A_643 = tpu.scan <sum>, %add3A_637 masked %reduce_sum3A_642 : vector<16xf32>, vector<16xi1> -> vector<16xf32>
      %reduce_sum3A_644 = vector.extract %reduce_sum3A_643[15] : f32 from vector<16xf32>
      %broadcast_in_dim3A_645 = vector.broadcast %reduce_sum3A_644 : f32 to vector<16xf32>
      %select_n3A_646 = arith.select %eq3A_640, %broadcast_in_dim3A_645, %select_n3A_604 : vector<16xi1>, vector<16xf32>
      %add3A_647 = arith.constant 12 : i32
      %add3A_648 = arith.addi %mul3A_145, %add3A_647 : i32
      %get3A_649 = arith.index_cast %add3A_648 : i32 to index
      %get3A_650 = arith.constant 0 : index
      %get3A_651 = tpu.vector_load %arg10[%get3A_649, %get3A_650] {strides = array<i32>} : memref<128x128xf32, #tpu.memory_space<vmem>>, vector<16xf32>,
      %get3A_652 = arith.index_cast %add3A_648 : i32 to index
      %get3A_653 = arith.constant 0 : index
      %get3A_654 = tpu.vector_load %arg11[%get3A_652, %get3A_653] {strides = array<i32>} : memref<128x128xf32, #tpu.memory_space<vmem>>, vector<16xf32>,
      %mul3A_655 = arith.mulf %get3A_651, %get3A_654 : vector<16xf32>
      %get3A_656 = arith.index_cast %add3A_648 : i32 to index
      %get3A_657 = arith.constant 16 : index
      %get3A_658 = tpu.vector_load %arg10[%get3A_656, %get3A_657] {strides = array<i32>} : memref<128x128xf32, #tpu.memory_space<vmem>>, vector<16xf32>,
      %get3A_659 = arith.index_cast %add3A_648 : i32 to index
      %get3A_660 = arith.constant 16 : index
      %get3A_661 = tpu.vector_load %arg11[%get3A_659, %get3A_660] {strides = array<i32>} : memref<128x128xf32, #tpu.memory_space<vmem>>, vector<16xf32>,
      %mul3A_662 = arith.mulf %get3A_658, %get3A_661 : vector<16xf32>
      %add3A_663 = arith.addf %mul3A_655, %mul3A_662 : vector<16xf32>
      %get3A_664 = arith.index_cast %add3A_648 : i32 to index
      %get3A_665 = arith.constant 32 : index
      %get3A_666 = tpu.vector_load %arg10[%get3A_664, %get3A_665] {strides = array<i32>} : memref<128x128xf32, #tpu.memory_space<vmem>>, vector<16xf32>,
      %get3A_667 = arith.index_cast %add3A_648 : i32 to index
      %get3A_668 = arith.constant 32 : index
      %get3A_669 = tpu.vector_load %arg11[%get3A_667, %get3A_668] {strides = array<i32>} : memref<128x128xf32, #tpu.memory_space<vmem>>, vector<16xf32>,
      %mul3A_670 = arith.mulf %get3A_666, %get3A_669 : vector<16xf32>
      %add3A_671 = arith.addf %add3A_663, %mul3A_670 : vector<16xf32>
      %get3A_672 = arith.index_cast %add3A_648 : i32 to index
      %get3A_673 = arith.constant 48 : index
      %get3A_674 = tpu.vector_load %arg10[%get3A_672, %get3A_673] {strides = array<i32>} : memref<128x128xf32, #tpu.memory_space<vmem>>, vector<16xf32>,
      %get3A_675 = arith.index_cast %add3A_648 : i32 to index
      %get3A_676 = arith.constant 48 : index
      %get3A_677 = tpu.vector_load %arg11[%get3A_675, %get3A_676] {strides = array<i32>} : memref<128x128xf32, #tpu.memory_space<vmem>>, vector<16xf32>,
      %mul3A_678 = arith.mulf %get3A_674, %get3A_677 : vector<16xf32>
      %add3A_679 = arith.addf %add3A_671, %mul3A_678 : vector<16xf32>
      %eq3A_680 = arith.constant 12 : i32
      %eq3A_681 = vector.broadcast %eq3A_680 : i32 to vector<16xi32>
      %eq3A_682 = arith.cmpi eq, %iota3A, %eq3A_681 : vector<16xi32>
      %reduce_sum3A_683 = arith.constant true
      %reduce_sum3A_684 = vector.broadcast %reduce_sum3A_683 : i1 to vector<16xi1>
      %reduce_sum3A_685 = tpu.scan <sum>, %add3A_679 masked %reduce_sum3A_684 : vector<16xf32>, vector<16xi1> -> vector<16xf32>
      %reduce_sum3A_686 = vector.extract %reduce_sum3A_685[15] : f32 from vector<16xf32>
      %broadcast_in_dim3A_687 = vector.broadcast %reduce_sum3A_686 : f32 to vector<16xf32>
      %select_n3A_688 = arith.select %eq3A_682, %broadcast_in_dim3A_687, %select_n3A_646 : vector<16xi1>, vector<16xf32>
      %add3A_689 = arith.constant 13 : i32
      %add3A_690 = arith.addi %mul3A_145, %add3A_689 : i32
      %get3A_691 = arith.index_cast %add3A_690 : i32 to index
      %get3A_692 = arith.constant 0 : index
      %get3A_693 = tpu.vector_load %arg10[%get3A_691, %get3A_692] {strides = array<i32>} : memref<128x128xf32, #tpu.memory_space<vmem>>, vector<16xf32>,
      %get3A_694 = arith.index_cast %add3A_690 : i32 to index
      %get3A_695 = arith.constant 0 : index
      %get3A_696 = tpu.vector_load %arg11[%get3A_694, %get3A_695] {strides = array<i32>} : memref<128x128xf32, #tpu.memory_space<vmem>>, vector<16xf32>,
      %mul3A_697 = arith.mulf %get3A_693, %get3A_696 : vector<16xf32>
      %get3A_698 = arith.index_cast %add3A_690 : i32 to index
      %get3A_699 = arith.constant 16 : index
      %get3A_700 = tpu.vector_load %arg10[%get3A_698, %get3A_699] {strides = array<i32>} : memref<128x128xf32, #tpu.memory_space<vmem>>, vector<16xf32>,
      %get3A_701 = arith.index_cast %add3A_690 : i32 to index
      %get3A_702 = arith.constant 16 : index
      %get3A_703 = tpu.vector_load %arg11[%get3A_701, %get3A_702] {strides = array<i32>} : memref<128x128xf32, #tpu.memory_space<vmem>>, vector<16xf32>,
      %mul3A_704 = arith.mulf %get3A_700, %get3A_703 : vector<16xf32>
      %add3A_705 = arith.addf %mul3A_697, %mul3A_704 : vector<16xf32>
      %get3A_706 = arith.index_cast %add3A_690 : i32 to index
      %get3A_707 = arith.constant 32 : index
      %get3A_708 = tpu.vector_load %arg10[%get3A_706, %get3A_707] {strides = array<i32>} : memref<128x128xf32, #tpu.memory_space<vmem>>, vector<16xf32>,
      %get3A_709 = arith.index_cast %add3A_690 : i32 to index
      %get3A_710 = arith.constant 32 : index
      %get3A_711 = tpu.vector_load %arg11[%get3A_709, %get3A_710] {strides = array<i32>} : memref<128x128xf32, #tpu.memory_space<vmem>>, vector<16xf32>,
      %mul3A_712 = arith.mulf %get3A_708, %get3A_711 : vector<16xf32>
      %add3A_713 = arith.addf %add3A_705, %mul3A_712 : vector<16xf32>
      %get3A_714 = arith.index_cast %add3A_690 : i32 to index
      %get3A_715 = arith.constant 48 : index
      %get3A_716 = tpu.vector_load %arg10[%get3A_714, %get3A_715] {strides = array<i32>} : memref<128x128xf32, #tpu.memory_space<vmem>>, vector<16xf32>,
      %get3A_717 = arith.index_cast %add3A_690 : i32 to index
      %get3A_718 = arith.constant 48 : index
      %get3A_719 = tpu.vector_load %arg11[%get3A_717, %get3A_718] {strides = array<i32>} : memref<128x128xf32, #tpu.memory_space<vmem>>, vector<16xf32>,
      %mul3A_720 = arith.mulf %get3A_716, %get3A_719 : vector<16xf32>
      %add3A_721 = arith.addf %add3A_713, %mul3A_720 : vector<16xf32>
      %eq3A_722 = arith.constant 13 : i32
      %eq3A_723 = vector.broadcast %eq3A_722 : i32 to vector<16xi32>
      %eq3A_724 = arith.cmpi eq, %iota3A, %eq3A_723 : vector<16xi32>
      %reduce_sum3A_725 = arith.constant true
      %reduce_sum3A_726 = vector.broadcast %reduce_sum3A_725 : i1 to vector<16xi1>
      %reduce_sum3A_727 = tpu.scan <sum>, %add3A_721 masked %reduce_sum3A_726 : vector<16xf32>, vector<16xi1> -> vector<16xf32>
      %reduce_sum3A_728 = vector.extract %reduce_sum3A_727[15] : f32 from vector<16xf32>
      %broadcast_in_dim3A_729 = vector.broadcast %reduce_sum3A_728 : f32 to vector<16xf32>
      %select_n3A_730 = arith.select %eq3A_724, %broadcast_in_dim3A_729, %select_n3A_688 : vector<16xi1>, vector<16xf32>
      %add3A_731 = arith.constant 14 : i32
      %add3A_732 = arith.addi %mul3A_145, %add3A_731 : i32
      %get3A_733 = arith.index_cast %add3A_732 : i32 to index
      %get3A_734 = arith.constant 0 : index
      %get3A_735 = tpu.vector_load %arg10[%get3A_733, %get3A_734] {strides = array<i32>} : memref<128x128xf32, #tpu.memory_space<vmem>>, vector<16xf32>,
      %get3A_736 = arith.index_cast %add3A_732 : i32 to index
      %get3A_737 = arith.constant 0 : index
      %get3A_738 = tpu.vector_load %arg11[%get3A_736, %get3A_737] {strides = array<i32>} : memref<128x128xf32, #tpu.memory_space<vmem>>, vector<16xf32>,
      %mul3A_739 = arith.mulf %get3A_735, %get3A_738 : vector<16xf32>
      %get3A_740 = arith.index_cast %add3A_732 : i32 to index
      %get3A_741 = arith.constant 16 : index
      %get3A_742 = tpu.vector_load %arg10[%get3A_740, %get3A_741] {strides = array<i32>} : memref<128x128xf32, #tpu.memory_space<vmem>>, vector<16xf32>,
      %get3A_743 = arith.index_cast %add3A_732 : i32 to index
      %get3A_744 = arith.constant 16 : index
      %get3A_745 = tpu.vector_load %arg11[%get3A_743, %get3A_744] {strides = array<i32>} : memref<128x128xf32, #tpu.memory_space<vmem>>, vector<16xf32>,
      %mul3A_746 = arith.mulf %get3A_742, %get3A_745 : vector<16xf32>
      %add3A_747 = arith.addf %mul3A_739, %mul3A_746 : vector<16xf32>
      %get3A_748 = arith.index_cast %add3A_732 : i32 to index
      %get3A_749 = arith.constant 32 : index
      %get3A_750 = tpu.vector_load %arg10[%get3A_748, %get3A_749] {strides = array<i32>} : memref<128x128xf32, #tpu.memory_space<vmem>>, vector<16xf32>,
      %get3A_751 = arith.index_cast %add3A_732 : i32 to index
      %get3A_752 = arith.constant 32 : index
      %get3A_753 = tpu.vector_load %arg11[%get3A_751, %get3A_752] {strides = array<i32>} : memref<128x128xf32, #tpu.memory_space<vmem>>, vector<16xf32>,
      %mul3A_754 = arith.mulf %get3A_750, %get3A_753 : vector<16xf32>
      %add3A_755 = arith.addf %add3A_747, %mul3A_754 : vector<16xf32>
      %get3A_756 = arith.index_cast %add3A_732 : i32 to index
      %get3A_757 = arith.constant 48 : index
      %get3A_758 = tpu.vector_load %arg10[%get3A_756, %get3A_757] {strides = array<i32>} : memref<128x128xf32, #tpu.memory_space<vmem>>, vector<16xf32>,
      %get3A_759 = arith.index_cast %add3A_732 : i32 to index
      %get3A_760 = arith.constant 48 : index
      %get3A_761 = tpu.vector_load %arg11[%get3A_759, %get3A_760] {strides = array<i32>} : memref<128x128xf32, #tpu.memory_space<vmem>>, vector<16xf32>,
      %mul3A_762 = arith.mulf %get3A_758, %get3A_761 : vector<16xf32>
      %add3A_763 = arith.addf %add3A_755, %mul3A_762 : vector<16xf32>
      %eq3A_764 = arith.constant 14 : i32
      %eq3A_765 = vector.broadcast %eq3A_764 : i32 to vector<16xi32>
      %eq3A_766 = arith.cmpi eq, %iota3A, %eq3A_765 : vector<16xi32>
      %reduce_sum3A_767 = arith.constant true
      %reduce_sum3A_768 = vector.broadcast %reduce_sum3A_767 : i1 to vector<16xi1>
      %reduce_sum3A_769 = tpu.scan <sum>, %add3A_763 masked %reduce_sum3A_768 : vector<16xf32>, vector<16xi1> -> vector<16xf32>
      %reduce_sum3A_770 = vector.extract %reduce_sum3A_769[15] : f32 from vector<16xf32>
      %broadcast_in_dim3A_771 = vector.broadcast %reduce_sum3A_770 : f32 to vector<16xf32>
      %select_n3A_772 = arith.select %eq3A_766, %broadcast_in_dim3A_771, %select_n3A_730 : vector<16xi1>, vector<16xf32>
      %add3A_773 = arith.constant 15 : i32
      %add3A_774 = arith.addi %mul3A_145, %add3A_773 : i32
      %get3A_775 = arith.index_cast %add3A_774 : i32 to index
      %get3A_776 = arith.constant 0 : index
      %get3A_777 = tpu.vector_load %arg10[%get3A_775, %get3A_776] {strides = array<i32>} : memref<128x128xf32, #tpu.memory_space<vmem>>, vector<16xf32>,
      %get3A_778 = arith.index_cast %add3A_774 : i32 to index
      %get3A_779 = arith.constant 0 : index
      %get3A_780 = tpu.vector_load %arg11[%get3A_778, %get3A_779] {strides = array<i32>} : memref<128x128xf32, #tpu.memory_space<vmem>>, vector<16xf32>,
      %mul3A_781 = arith.mulf %get3A_777, %get3A_780 : vector<16xf32>
      %get3A_782 = arith.index_cast %add3A_774 : i32 to index
      %get3A_783 = arith.constant 16 : index
      %get3A_784 = tpu.vector_load %arg10[%get3A_782, %get3A_783] {strides = array<i32>} : memref<128x128xf32, #tpu.memory_space<vmem>>, vector<16xf32>,
      %get3A_785 = arith.index_cast %add3A_774 : i32 to index
      %get3A_786 = arith.constant 16 : index
      %get3A_787 = tpu.vector_load %arg11[%get3A_785, %get3A_786] {strides = array<i32>} : memref<128x128xf32, #tpu.memory_space<vmem>>, vector<16xf32>,
      %mul3A_788 = arith.mulf %get3A_784, %get3A_787 : vector<16xf32>
      %add3A_789 = arith.addf %mul3A_781, %mul3A_788 : vector<16xf32>
      %get3A_790 = arith.index_cast %add3A_774 : i32 to index
      %get3A_791 = arith.constant 32 : index
      %get3A_792 = tpu.vector_load %arg10[%get3A_790, %get3A_791] {strides = array<i32>} : memref<128x128xf32, #tpu.memory_space<vmem>>, vector<16xf32>,
      %get3A_793 = arith.index_cast %add3A_774 : i32 to index
      %get3A_794 = arith.constant 32 : index
      %get3A_795 = tpu.vector_load %arg11[%get3A_793, %get3A_794] {strides = array<i32>} : memref<128x128xf32, #tpu.memory_space<vmem>>, vector<16xf32>,
      %mul3A_796 = arith.mulf %get3A_792, %get3A_795 : vector<16xf32>
      %add3A_797 = arith.addf %add3A_789, %mul3A_796 : vector<16xf32>
      %get3A_798 = arith.index_cast %add3A_774 : i32 to index
      %get3A_799 = arith.constant 48 : index
      %get3A_800 = tpu.vector_load %arg10[%get3A_798, %get3A_799] {strides = array<i32>} : memref<128x128xf32, #tpu.memory_space<vmem>>, vector<16xf32>,
      %get3A_801 = arith.index_cast %add3A_774 : i32 to index
      %get3A_802 = arith.constant 48 : index
      %get3A_803 = tpu.vector_load %arg11[%get3A_801, %get3A_802] {strides = array<i32>} : memref<128x128xf32, #tpu.memory_space<vmem>>, vector<16xf32>,
      %mul3A_804 = arith.mulf %get3A_800, %get3A_803 : vector<16xf32>
      %add3A_805 = arith.addf %add3A_797, %mul3A_804 : vector<16xf32>
      %eq3A_806 = arith.constant 15 : i32
      %eq3A_807 = vector.broadcast %eq3A_806 : i32 to vector<16xi32>
      %eq3A_808 = arith.cmpi eq, %iota3A, %eq3A_807 : vector<16xi32>
      %reduce_sum3A_809 = arith.constant true
      %reduce_sum3A_810 = vector.broadcast %reduce_sum3A_809 : i1 to vector<16xi1>
      %reduce_sum3A_811 = tpu.scan <sum>, %add3A_805 masked %reduce_sum3A_810 : vector<16xf32>, vector<16xi1> -> vector<16xf32>
      %reduce_sum3A_812 = vector.extract %reduce_sum3A_811[15] : f32 from vector<16xf32>
      %broadcast_in_dim3A_813 = vector.broadcast %reduce_sum3A_812 : f32 to vector<16xf32>
      %select_n3A_814 = arith.select %eq3A_808, %broadcast_in_dim3A_813, %select_n3A_772 : vector<16xi1>, vector<16xf32>
      %add3A_815 = arith.constant 384 : i32
      %add3A_816 = arith.addi %add3A_815, %mul3A_145 : i32
      %swap3A = arith.index_cast %add3A_816 : i32 to index
      %swap3A_817 = tpu.vector_load %arg12[%swap3A] {strides = array<i32>} : memref<512xf32, #tpu.memory_space<vmem>>, vector<16xf32>,
      tpu.vector_store %arg12[%swap3A], %select_n3A_814 {strides = array<i32>} : memref<512xf32, #tpu.memory_space<vmem>>, vector<16xf32>,
      %scan3A_818 = arith.constant 0 : i32
      scf.yield %scan3A_818 : i32
    }
    %scan3A_141 = arith.constant 8 : i32
    "tpu.region"() ({
      %run_scoped3A = tpu.sem_alloc : memref<!tpu.dma_semaphore, #tpu.memory_space<semaphore_mem>>
      %dma_start3A_142 = tpu.memref_slice %arg5[%mul3A_2] : memref<16384xf32, #tpu.memory_space<hbm>> -> memref<512xf32, #tpu.memory_space<hbm>>
      %dma_start3A_143 = tpu.memref_slice %arg5[%mul3A_2] : memref<16384xf32, #tpu.memory_space<hbm>> -> memref<512xf32, #tpu.memory_space<hbm>>
      tpu.enqueue_dma source(%arg12 : memref<512xf32, #tpu.memory_space<vmem>>) target(%dma_start3A_143 : memref<512xf32, #tpu.memory_space<hbm>>) target_semaphore(%run_scoped3A : memref<!tpu.dma_semaphore, #tpu.memory_space<semaphore_mem>>)
      %dma_wait3A_144 = tpu.memref_slice %arg5[%mul3A_2] : memref<16384xf32, #tpu.memory_space<hbm>> -> memref<512xf32, #tpu.memory_space<hbm>>
      %dma_wait3A_145 = tpu.memref_slice %arg5[%mul3A_2] : memref<16384xf32, #tpu.memory_space<hbm>> -> memref<512xf32, #tpu.memory_space<hbm>>
      tpu.wait_dma2 semaphore(%run_scoped3A : memref<!tpu.dma_semaphore, #tpu.memory_space<semaphore_mem>>) src(%arg12 : memref<512xf32, #tpu.memory_space<vmem>>) dst(%dma_wait3A_145 : memref<512xf32, #tpu.memory_space<hbm>>)
      tpu.yield
    }) : () -> ()
    return
  }
}

</mosaic_0001>

<sc_bundles>
// kernel: _w2v_scores.3.cloned.1.call-start
scs
__scs_entry_jumppad:
0x0: {  	(pc) =	sbr.rel $0x88, $3  }
0x1: {  	(tag) =	ssettag $0x0;
	lr =	simm.s32 $0x1  }
0x2: {  	[smem:$0x3F9E] =	sst lr;
	_ =	strace $0xD0000000  }
0x3: {  	_ = 	snop  }
0x4: {  	_ = 	snop  }
0x5: {  	_ = 	snop  }
0x6: {  	_ = 	snop  }
0x7: {  	_ = 	snop  }
__scs_overlays_trampoline_lowered:
0x8: {  	[smem:$0x3FAD] =	sst s0  }
0x9: {  	[smem:$0x3FAE] =	sst s1  }
0xa: {  	[smem:$0x3FAF] =	sst s2  }
0xb: {  	[smem:$0x3FB0] =	sst s3  }
0xc: {  	[smem:$0x3FB1] =	sst s4  }
0xd: {  	[smem:$0x3FB2] =	sst s5  }
0xe: {  	[smem:$0x3FB3] =	sst s6  }
0xf: {  	[smem:$0x3FB4] =	sst s7  }
0x10: {  	[smem:$0x3FB5] =	sst s8  }
0x11: {  	[smem:$0x3FB6] =	sst s9;
	s0 =	simm.s32 @!p0 $0x0  }
0x12: {  	s1 =	sld [smem:$0x3F9C];
	s0 =	simm.s32 @p0 $0x1  }
0x13: {  	[smem:$0x3FB7] =	sst s0;
	s0 =	simm.s32 @!p1 $0x0  }
0x14: {  	s2 =	sld [smem:$0x3F9B];
	s0 =	simm.s32 @p1 $0x1  }
0x15: {  	[smem:$0x3FB8] =	sst s0;
	s0 =	simm.s32 @!p2 $0x0  }
0x16: {  	s3 =	sld [smem:$0x3FDB];
	s0 =	simm.s32 @p2 $0x1  }
0x17: {  	s4 =	simm.s32 $0x1BF5;
	[smem:$0x3FBA] =	sst s0  }
0x18: {  	s0 =	sld [smem:$0x3F9D];
	_ =	swait.ge [sflag:s4], $0x0  }
0x19: {  	s7 =	sld [smem:$0x3F9E]  }
0x1a: {  	s8 =	sadd.s32 $0xFFFFE003, lr  }
0x1b: {  	s9 =	sadd.s32 $0xFFFFFEF7, lr;
	s5 =	simm.s32 $0xFFFFFFFF;
	p2 =	slt.u32 s8, $0xFFFFF086  }
0x1c: {  	p1 =	slt.u32 s9, $0xF7A;
	s5 =	simm.s32 @!p2 $0x0  }
0x1d: {  	s5 =	simm.s32 @p1 $0x1;
	p0 =	seq.s32 s7, s2  }
0x1e: {  	s7 =	smul.u32 @!p0 $0xF7A, s2;
	p2 =	seq.s32 @!p0 s5, $0x0  }
0x1f: {  	s9 =	smul.u32 $0xF7A, s1;
	s8 =	simm.s32 @!p0 $0x1BF5;
	p2 =	por !p2, p0  }
0x20: {  	[sflag:s8] =	ssyncset.s32 @!p0 $0xFFFFF086;
	s6 =	sadd.s32 @!p0 s3, s7;
	s7 =	simm.s32 @!p0 $0x108  }
0x21: {  	s3 =	sadd.s32 s3, s9;
	s6 =	sadd.s32 @!p0 $0x88, s6;
	s7 =	simm.s32 @p2 $0x1082  }
0x22: {  	[simem:s7], [sflag:s8] =	dma.local @!p0 [hbm:s6], $0xF7A  }
0x23: {  	s9 =	sor.u32 $0xD0000000, s2;
	s6 =	simm.s32 $0x108;
	_ =	swait.ge @!p0 [sflag:s8], $0x0  }
0x24: {  	s3 =	sadd.s32 $0x88, s3;
	s6 =	simm.s32 @!p1 $0x1082;
	[sflag:s4] =	ssyncset.s32 $0xFFFFF086  }
0x25: {  	[simem:s6], [sflag:s4] =	dma.local [hbm:s3], $0xF7A  }
0x26: {  	[smem:$0x3F9E] =	sst s1;
	(tag) =	ssettag s2;
	_ =	strace s9  }
0x27: {  	s1 =	sld [smem:$0x3FAE]  }
0x28: {  	s2 =	sld [smem:$0x3FAF]  }
0x29: {  	s4 =	sld [smem:$0x3FB1]  }
0x2a: {  	p0 =	seq.s32 s5, $0x0;
	s5 =	sld [smem:$0x3FB2]  }
0x2b: {  	s6 =	sld [smem:$0x3FB3]  }
0x2c: {  	s7 =	sld [smem:$0x3FB4]  }
0x2d: {  	s3 =	simm.s32 $0x108;
	s8 =	sld [smem:$0x3FB5]  }
0x2e: {  	s3 =	simm.s32 @!p0 $0x1082;
	s9 =	sld [smem:$0x3FB6]  }
0x2f: {  	lr =	sadd.s32 s0, s3;
	s0 =	sld [smem:$0x3FAD]  }
0x30: {  	s3 =	sld [smem:$0x3FB0]  }
0x31: {  	[smem:$0x3FB9] =	sst s10  }
0x32: {  	s10 =	sld [smem:$0x3FB7];
	_ =	sdelay $0x3  }
0x33: {  	p0 =	seq.s32 s10, $0x1;
	s10 =	sld [smem:$0x3FB9];
	_ =	sdelay $0x3  }
0x34: {  	[smem:$0x3FB9] =	sst s10  }
0x35: {  	s10 =	sld [smem:$0x3FB8];
	_ =	sdelay $0x3  }
0x36: {  	p1 =	seq.s32 s10, $0x1;
	s10 =	sld [smem:$0x3FB9];
	_ =	sdelay $0x3  }
0x37: {  	[smem:$0x3FB9] =	sst s10  }
0x38: {  	s10 =	sld [smem:$0x3FBA]  }
0x39: {  	_ = 	snop;
	(pc) =	sbr.ind lr, $3  }
0x3a: {  	_ = 	snop  }
0x3b: {  	_ = 	snop  }
0x3c: {  	p2 =	seq.s32 s10, $0x1;
	s10 =	sld [smem:$0x3FB9]  }
0x3d: {  	_ =	shalt  }
0x3e: {  	_ =	shalt  }
0x3f: {  	_ =	shalt  }
0x40: {  	_ =	shalt  }
0x41: {  	_ =	shalt  }
0x42: {  	_ =	shalt  }
0x43: {  	_ =	shalt  }
0x44: {  	_ =	shalt  }
0x45: {  	_ =	shalt  }
0x46: {  	_ =	shalt  }
0x47: {  	_ =	shalt  }
0x48: {  	_ =	shalt  }
0x49: {  	_ =	shalt  }
0x4a: {  	_ =	shalt  }
0x4b: {  	_ =	shalt  }
0x4c: {  	_ =	shalt  }
0x4d: {  	_ =	shalt  }
0x4e: {  	_ =	shalt  }
0x4f: {  	_ =	shalt  }
0x50: {  	_ =	shalt  }
0x51: {  	_ =	shalt  }
0x52: {  	_ =	shalt  }
0x53: {  	_ =	shalt  }
0x54: {  	_ =	shalt  }
0x55: {  	_ =	shalt  }
0x56: {  	_ =	shalt  }
0x57: {  	_ =	shalt  }
0x58: {  	_ =	shalt  }
0x59: {  	_ =	shalt  }
0x5a: {  	_ =	shalt  }
0x5b: {  	_ =	shalt  }
0x5c: {  	_ =	shalt  }
0x5d: {  	_ =	shalt  }
0x5e: {  	_ =	shalt  }
0x5f: {  	_ =	shalt  }
0x60: {  	_ =	shalt  }
0x61: {  	_ =	shalt  }
0x62: {  	_ =	shalt  }
0x63: {  	_ =	shalt  }
0x64: {  	_ =	shalt  }
0x65: {  	_ =	shalt  }
0x66: {  	_ =	shalt  }
0x67: {  	_ =	shalt  }
0x68: {  	_ =	shalt  }
0x69: {  	_ =	shalt  }
0x6a: {  	_ =	shalt  }
0x6b: {  	_ =	shalt  }
0x6c: {  	_ =	shalt  }
0x6d: {  	_ =	shalt  }
0x6e: {  	_ =	shalt  }
0x6f: {  	_ =	shalt  }
0x70: {  	_ =	shalt  }
0x71: {  	_ =	shalt  }
0x72: {  	_ =	shalt  }
0x73: {  	_ =	shalt  }
0x74: {  	_ =	shalt  }
0x75: {  	_ =	shalt  }
0x76: {  	_ =	shalt  }
0x77: {  	_ =	shalt  }
0x78: {  	_ =	shalt  }
0x79: {  	_ =	shalt  }
0x7a: {  	_ =	shalt  }
0x7b: {  	_ =	shalt  }
0x7c: {  	_ =	shalt  }
0x7d: {  	_ =	shalt  }
0x7e: {  	_ =	shalt  }
0x7f: {  	_ =	shalt  }
0x80: {  	_ =	shalt  }
0x81: {  	_ =	shalt  }
0x82: {  	_ =	shalt  }
0x83: {  	_ =	shalt  }
0x84: {  	_ =	shalt  }
0x85: {  	_ =	shalt  }
0x86: {  	_ =	shalt  }
0x87: {  	_ =	shalt  }
.Lfunc_end0:
.L_simem_size_0:
called_computation_lowered:
.L_overlay_start_0:
0x88: {  	s2 =	sld [smem:$0x3FD9]  }
0x89: {  	s3 =	sld [smem:$0x3FFE];
	_ =	sdelay $0x1  }
0x8a: {  	s1 =	srdreg.scid  }
0x8b: {  	s0 =	sand.u32 $0x1, s1  }
0x8c: {  	s18 =	sshll.u32 s0, $0xA;
	s2 =	sadd.s32 s3, s2  }
0x8d: {  	s2 =	sadd.s32 s2, s18  }
0x8e: {  	[smem:$0x3FC5] =	sst s2  }
0x8f: {  	_ = 	snop  }
0x90: {  	s2 =	sld [smem:$0x3FC9]  }
0x91: {  	s19 =	sld [smem:$0x3FC8]  }
0x92: {  	s4 =	sld [smem:$0x3FC7]  }
0x93: {  	s5 =	sld [smem:$0x3FD0];
	(tm) =	ssettm $0x1  }
0x94: {  	s6 =	sld [smem:$0x3FFB];
	_ =	sdelay $0x3  }
0x95: {  	_ =	strace s6  }
0x96: {  	s6 =	sld [smem:$0x3FFC];
	_ =	sdelay $0x3  }
0x97: {  	_ =	strace s6  }
0x98: {  	s6 =	sld [smem:$0x3FFD];
	_ =	sdelay $0x3  }
0x99: {  	_ =	strace s6  }
0x9a: {  	_ =	strace $0x8FFFFFFF  }
0x9b: {  	s20 =	sld [smem:$0x3FDB];
	_ =	sdelay $0x1  }
0x9c: {  	s7 =	simm.s32 $_scs_section_size  }
0x9d: {  	s8 =	simm.s32 $_size__tile_overlayer_lowered;
	s9 =	simm.s32 $_tile_overlayer_lowered  }
0x9e: {  	s23 =	simm.s32 $0x1BFF;
	s22 =	sshll.u32 s9, $0x1;
	s6 =	sadd.s32 s7, s20  }
0x9f: {  	s10 =	simm.s32 $0x0;
	s21 =	sshll.u32 s8, $0x1;
	s8 =	sadd.s32 s22, s6  }
0xa0: {  	[timem:s10], [sflag:s23] =	dma.local [hbm:s8], s21  }
0xa1: {  	_ =	swait.ge [sflag:s23], s21  }
0xa2: {  	s7 =	ssub.s32 $0x0, s21;
	[sflag:s23] =	ssyncset.done $0x0  }
0xa3: {  	[sflag:s23] =	ssyncadd.s32 s7;
	_ =	sdelay $0x1  }
0xa4: {  	s24 =	simm.s32 $0x1B8B  }
0xa5: {  	_ =	swait.ge [sflag:s24], $0x1  }
0xa6: {  	[sflag:s24] =	ssyncset.done $0x0  }
0xa7: {  	s25 =	simm.s32 $0x1B8E;
	[sflag:s24] =	ssyncadd.s32 $0xFFFFFFFF  }
0xa8: {  	s26 =	simm.s32 $execute0_lowered;
	[smem:$0x3FD2] =	sst s25  }
0xa9: {  	s7 =	sshll.u32 s26, $0x1;
	_ =	strace $0x80000046;
	[dreg:$0x1] =	wrdreg $0xFFFFFFFF  }
0xaa: {  	s28 =	simm.s32 $_size_execute0_lowered;
	s6 =	sadd.s32 s6, s7;
	[dreg:$0x0] =	wrdreg $0x0  }
0xab: {  	s7 =	sshll.u32 s28, $0x1;
	[dreg:$0x2] =	wrdreg s6  }
0xac: {  	[dreg:$0x3] =	wrdreg s7  }
0xad: {  	[dreg:$0x4] =	wrdreg $0xC0  }
0xae: {  	_ =	task [dreg:s10], $0x5FFFF  }
0xaf: {  	[dreg:$0x1] =	wrdreg $0xFFFFFFFF  }
0xb0: {  	[dreg:$0x0] =	wrdreg $0x60  }
0xb1: {  	[dreg:$0x2] =	wrdreg s2  }
0xb2: {  	[dreg:$0x3] =	wrdreg s19  }
0xb3: {  	[dreg:$0x4] =	wrdreg s4  }
0xb4: {  	[dreg:$0x5] =	wrdreg s5  }
0xb5: {  	[dreg:$0x6] =	wrdreg $0x9  }
0xb6: {  	_ =	task.clear_ibuf [dreg:s10], $0x7FFFF;
	_ =	strace $0x90000046  }
0xb7: {  	s29 =	simm.s32 $0x9;
	_ =	strace $0x80000048  }
0xb8: {  	_ =	swait.ge [sflag:s29], $0x1  }
0xb9: {  	[sflag:s29] =	ssyncadd.s32 $0xFFFFFFFF  }
0xba: {  	_ =	strace $0x90000048  }
0xbb: {  	_ =	sfence  }
0xbc: {  	s30 =	sld [smem:$0x0];
	_ =	sdelay $0x2  }
0xbd: {  	s31 =	sshll.u32 s1, $0xD;
	s1 =	sshrl.u32 s1, $0x2  }
0xbe: {  	s3 =	sand.u32 $0x4000, s31;
	s1 =	sadd.s32 s1, s30  }
0xbf: {  	s0 =	sor.u32 s3, s0;
	s1 =	sshll.u32 s1, $0x11  }
0xc0: {  	s0 =	sor.u32 s1, s0  }
0xc1: {  	s0 =	sadd.s32 $0x8F2B, s0  }
0xc2: {  	[sflag:s0] =	ssyncadd.remote.s32 $0x1  }
0xc3: {  	_ =	sfence.sel $0xFFFF  }
0xc4: {  	[dreg:$0x0] =	wrdreg $0xFFFFFFFF;
	(pc) =	sbr.abs _section_cstart, $3  }
0xc5: {  	[dreg:$0x1] =	wrdreg $0xFFFFFFFF  }
0xc6: {  	_ =	task.clear_ibuf [dreg:s10], $0x2FFFF;
	_ =	strace $0x9FFFFFFF  }
0xc7: {  	(tm) =	ssettm $0x7FFFFFFF  }
tec
execute0_lowered:
.L_overlay_start_1:
0x0: {  	(tag) =	ssettag $0x1  }
0x1: {  	s4 =	rddreg [dreg:$0x0]  }
0x2: {  	s5 =	rddreg [dreg:$0x1]  }
0x3: {  	s1 =	rddreg [dreg:$0x2]  }
0x4: {  	s6 =	rddreg [dreg:$0x3]  }
0x5: {  	s0 =	rddreg [dreg:$0x4];
	s3 =	simm.s32 $0x0;
	s7 =	srdreg.scid  }
0x6: {  	s2 =	stileid.u32;
	s12 =	simm.s32 $0x4400;
	s13 =	simm.s32 $0x8400  }
0x7: {  	s14 =	simm.s32 $0x280;
	s15 =	simm.s32 $0xC400;
	s16 =	simm.s32 $0x1  }
0x8: {  	s17 =	simm.s32 $0x2;
	s18 =	simm.s32 $0x100;
	s19 =	simm.s32 $0x300  }
0x9: {  	s20 =	simm.s32 $0x3;
	s21 =	simm.s32 $0x4;
	s22 =	simm.s32 $0x180  }
0xa: {  	s23 =	simm.s32 $0x380;
	s24 =	simm.s32 $0x10400;
	s25 =	simm.s32 $0x0  }
0xb: {  	[smem:$0x7FF] =	sst s3;
	s7 =	sand.u32 $0x1, s7;
	s9 =	sshll.u32 s2, $0x7  }
0xc: {  	vm0 =	vmmov $0x1;
	vm1 =	vmmov $0x3;
	vm2 =	vmmov $0x7;
	s8 =	ssub.s32 $0x2, s7;
	s7 =	sshll.u32 s7, $0x6;
	_ =	strace $0x80000047  }
0xd: {  	vm3 =	vmmov $0xf;
	vm4 =	vmmov $0x1f;
	vm5 =	vmmov $0x3f;
	s10 =	sshrl.u32 s8, $0x1;
	s11 =	sor.u32 s7, s9;
	s6 =	sadd.s32 s6, s7  }
0xe: {  	vm6 =	vmmov $0x7f;
	vm7 =	vmmov $0xff;
	vm8 =	vmmov $0x1ff;
	s8 =	ssub.s32 s8, s10;
	s4 =	sadd.s32 s4, s11;
	s5 =	sadd.s32 s5, s11  }
0xf: {  	vm9 =	vmmov $0x3ff;
	vm10 =	vmmov $0x7ff;
	vm11 =	vmmov $0xfff;
	s6 =	sadd.s32 s9, s6;
	s9 =	simm.s32 $0x200;
	s10 =	simm.s32 $0x80  }
0x10: {  	vm12 =	vmmov $0x1fff;
	vm13 =	vmmov $0x3fff;
	vm14 =	vmmov $0x7fff;
	s11 =	simm.s32 $0x400;
	s7 =	smax.u32 s8, $0x1;
	s8 =	simm.s32 $0x5  }
.LBB2_1:
0x11: {  	[tilespmem:s3], [sflag:$0x5] =	stream.linear.gather [hbm4b:s4+s3], $0x200, $0x38;
	[tilespmem:$0x10600] =	vst v63  }
0x12: {  	_ =	swait.ge [sflag:s8], $0x200  }
0x13: {  	[sflag:s8] =	ssyncset.done $0x0  }
0x14: {  	[sflag:s8] =	ssyncadd.s32 $0xFFFFFE00  }
0x15: {  	[tilespmem:s9], [sflag:$0x5] =	stream.linear.gather [hbm4b:s5+s3], $0x200, $0x38;
	[tilespmem:$0x10600] =	vst v63  }
0x16: {  	_ =	swait.ge [sflag:s8], $0x200  }
0x17: {  	[sflag:s8] =	ssyncset.done $0x0  }
0x18: {  	[sflag:s8] =	ssyncadd.s32 $0xFFFFFE00  }
0x19: {  	[tilespmem:s11], [sflag:$0x1] =	stream.indirect.gather [hbm4b:s1+s10], $0x80, s3, s10, $0xb8;
	[tilespmem:$0x10600] =	vst v63  }
0x1a: {  	_ = 	snop  }
0x1b: {  	[tilespmem:s12], [sflag:$0x2] =	stream.indirect.gather [hbm4b:s1+s10], $0x80, s9, s10, $0xb8;
	[tilespmem:$0x10600] =	vst v63  }
0x1c: {  	_ = 	snop  }
0x1d: {  	[tilespmem:s13], [sflag:$0x3] =	stream.indirect.gather [hbm4b:s1+s10], $0x80, s10, s10, $0xb8;
	[tilespmem:$0x10600] =	vst v63  }
0x1e: {  	_ = 	snop  }
0x1f: {  	[tilespmem:s15], [sflag:$0x4] =	stream.indirect.gather [hbm4b:s1+s10], $0x80, s14, s10, $0xb8;
	[tilespmem:$0x10600] =	vst v63  }
0x20: {  	_ =	swait.ge [sflag:s16], $0x4000  }
0x21: {  	[sflag:s16] =	ssyncset.done $0x0  }
0x22: {  	[sflag:s16] =	ssyncadd.s32 $0xFFFFC000  }
0x23: {  	_ =	swait.ge [sflag:s17], $0x4000  }
0x24: {  	[sflag:s17] =	ssyncset.done $0x0  }
0x25: {  	s26 =	simm.s32 $0x0;
	[sflag:s17] =	ssyncadd.s32 $0xFFFFC000  }
0x26: {  	v20 =	vld [tilespmem:s26+$0xB30]  }
0x27: {  	v21 =	vld [tilespmem:s26+$0x4B30]  }
0x28: {  	v0 =	vld [tilespmem:s26+$0xB80]  }
0x29: {  	v51 =	vld [tilespmem:s26+$0x4B80]  }
0x2a: {  	v52 =	vld [tilespmem:s26+$0xB90]  }
0x2b: {  	v53 =	vld [tilespmem:s26+$0x4B90]  }
0x2c: {  	v22 =	vld [tilespmem:s26+$0xB20]  }
0x2d: {  	v23 =	vld [tilespmem:s26+$0x4B20]  }
0x2e: {  	v24 =	vld [tilespmem:s26+$0xA30]  }
0x2f: {  	v25 =	vld [tilespmem:s26+$0x4A30]  }
0x30: {  	v54 =	vld [tilespmem:s26+$0xAA0]  }
0x31: {  	v26 =	vld [tilespmem:s26+$0xB00]  }
0x32: {  	v27 =	vld [tilespmem:s26+$0x4B00]  }
0x33: {  	v28 =	vld [tilespmem:s26+$0xB10]  }
0x34: {  	v29 =	vld [tilespmem:s26+$0x4B10]  }
0x35: {  	v55 =	vld [tilespmem:s26+$0x9B0]  }
0x36: {  	v56 =	vld [tilespmem:s26+$0x49B0]  }
0x37: {  	v32 =	vld [tilespmem:s26+$0xA20]  }
0x38: {  	v33 =	vld [tilespmem:s26+$0x4A20]  }
0x39: {  	v57 =	vld [tilespmem:s26+$0xA80]  }
0x3a: {  	v58 =	vld [tilespmem:s26+$0x4A80]  }
0x3b: {  	v59 =	vld [tilespmem:s26+$0xA90]  }
0x3c: {  	v60 =	vld [tilespmem:s26+$0x4A90]  }
0x3d: {  	v34 =	vld [tilespmem:s26+$0x9A0]  }
0x3e: {  	v35 =	vld [tilespmem:s26+$0x49A0]  }
0x3f: {  	v36 =	vld [tilespmem:s26+$0xA00]  }
0x40: {  	v37 =	vld [tilespmem:s26+$0x4A00]  }
0x41: {  	v38 =	vld [tilespmem:s26+$0xA10]  }
0x42: {  	v39 =	vld [tilespmem:s26+$0x4A10]  }
0x43: {  	v40 =	vld [tilespmem:s26+$0x8B0]  }
0x44: {  	v41 =	vld [tilespmem:s26+$0x48B0]  }
0x45: {  	v61 =	vld [tilespmem:s26+$0x920]  }
0x46: {  	v42 =	vld [tilespmem:s26+$0x980]  }
0x47: {  	v43 =	vld [tilespmem:s26+$0x4980]  }
0x48: {  	v44 =	vld [tilespmem:s26+$0x990]  }
0x49: {  	v45 =	vld [tilespmem:s26+$0x4990]  }
0x4a: {  	v46 =	vld [tilespmem:s26+$0x830]  }
0x4b: {  	v47 =	vld [tilespmem:s26+$0x4830]  }
0x4c: {  	v48 =	vld [tilespmem:s26+$0x8A0]  }
0x4d: {  	v49 =	vld [tilespmem:s26+$0x48A0]  }
0x4e: {  	v62 =	vld [tilespmem:s26+$0x900]  }
0x4f: {  	v63 =	vld [tilespmem:s26+$0x4900]  }
0x50: {  	v4 =	vld [tilespmem:s26+$0x910]  }
0x51: {  	v5 =	vld [tilespmem:s26+$0x4910]  }
0x52: {  	v50 =	vld [tilespmem:s26+$0x820]  }
0x53: {  	v6 =	vld [tilespmem:s26+$0x7A0]  }
0x54: {  	v13 =	vld [tilespmem:s26+$0x720]  }
0x55: {  	v10 =	vld [tilespmem:s26+$0x4720]  }
0x56: {  	v7 =	vld [tilespmem:s26+$0x780]  }
0x57: {  	v8 =	vld [tilespmem:s26+$0x4780]  }
0x58: {  	v9 =	vld [tilespmem:s26+$0x790]  }
0x59: {  	v11 =	vld [tilespmem:s26+$0x4790]  }
0x5a: {  	v15 =	vld [tilespmem:s26+$0x6A0]  }
0x5b: {  	v14 =	vld [tilespmem:s26+$0x46A0]  }
0x5c: {  	v3 =	vld [tilespmem:s26+$0x700]  }
0x5d: {  	v2 =	vld [tilespmem:s26+$0x4700]  }
0x5e: {  	v1 =	vld [tilespmem:s26+$0x710]  }
0x5f: {  	v17 =	vld [tilespmem:s26+$0x5B0]  }
0x60: {  	v16 =	vld [tilespmem:s26+$0x45B0]  }
0x61: {  	v31 =	vld [tilespmem:s26+$0x530]  }
0x62: {  	v30 =	vld [tilespmem:s26+$0x4530]  }
0x63: {  	v19 =	vld [tilespmem:s26+$0x430]  }
0x64: {  	v18 =	vld [tilespmem:s26+$0x4430]  }
0x65: {  	v12 =	vld [tilespmem:s26+$0x520]  }
0x66: {  	[tilespmem:$0x1FE70] =	vst v51;
	v51 =	vld [tilespmem:s26+$0x4820]  }
0x67: {  	[tilespmem:$0x1FE80] =	vst v52;
	v52 =	vld [tilespmem:s26+$0x880]  }
0x68: {  	[tilespmem:$0x1FE90] =	vst v53;
	v53 =	vld [tilespmem:s26+$0x4880]  }
0x69: {  	[tilespmem:$0x1FE50] =	vst v54;
	v54 =	vld [tilespmem:s26+$0x890]  }
0x6a: {  	[tilespmem:$0x1FD00] =	vst v55;
	v55 =	vld [tilespmem:s26+$0x4890]  }
0x6b: {  	[tilespmem:$0x1FD10] =	vst v56;
	v56 =	vld [tilespmem:s26+$0x730]  }
0x6c: {  	[tilespmem:$0x1FE10] =	vst v57;
	v57 =	vld [tilespmem:s26+$0x4730]  }
0x6d: {  	[tilespmem:$0x1FE20] =	vst v58;
	v58 =	vld [tilespmem:s26+$0x800]  }
0x6e: {  	[tilespmem:$0x1FE30] =	vst v59;
	v59 =	vld [tilespmem:s26+$0x4800]  }
0x6f: {  	[tilespmem:$0x1FE40] =	vst v60;
	v60 =	vld [tilespmem:s26+$0x810]  }
0x70: {  	[tilespmem:$0x1FE00] =	vst v61;
	v61 =	vld [tilespmem:s26+$0x4810]  }
0x71: {  	[tilespmem:$0x1FDC0] =	vst v62;
	v62 =	vld [tilespmem:s26+$0x6B0]  }
0x72: {  	[tilespmem:$0x1FDD0] =	vst v63;
	v63 =	vld [tilespmem:s26+$0x46B0]  }
0x73: {  	[tilespmem:$0x1FE60] =	vst v0;
	v0 =	vld [tilespmem:s26+$0x4710]  }
0x74: {  	[tilespmem:$0x1FDE0] =	vst v4;
	v4 =	vld [tilespmem:s26+$0x620]  }
0x75: {  	[tilespmem:$0x1FD70] =	vst v7;
	v7 =	vld [tilespmem:s26+$0x680]  }
0x76: {  	[tilespmem:$0x1FDB0] =	vst v6;
	v6 =	vld [tilespmem:s26+$0x4680]  }
0x77: {  	[tilespmem:$0x1FDF0] =	vst v5;
	v5 =	vld [tilespmem:s26+$0x690]  }
0x78: {  	[tilespmem:$0x1FD90] =	vst v9;
	v9 =	vld [tilespmem:s26+$0x5A0]  }
0x79: {  	[tilespmem:$0x1FD80] =	vst v8;
	v8 =	vld [tilespmem:s26+$0x45A0]  }
0x7a: {  	[tilespmem:$0x1FDA0] =	vst v11;
	v11 =	vld [tilespmem:s26+$0x600]  }
0x7b: {  	v26 =	vmul.f32 v27, v26;
	v27 =	vmul.f32 v29, v28;
	v28 =	vld [tilespmem:s26+$0x580]  }
0x7c: {  	v29 =	vmul.f32 v37, v36;
	v37 =	vld [tilespmem:s26+$0x4580]  }
0x7d: {  	v22 =	vmul.f32 v23, v22;
	v23 =	vld [tilespmem:s26+$0x590]  }
0x7e: {  	v24 =	vmul.f32 v25, v24;
	v25 =	vld [tilespmem:s26+$0x4420]  }
0x7f: {  	v36 =	vmul.f32 v39, v38;
	v39 =	vld [tilespmem:$0x1FD70]  }
0x80: {  	v20 =	vmul.f32 v21, v20;
	v40 =	vmul.f32 v41, v40;
	v41 =	vld [tilespmem:$0x1FD90]  }
0x81: {  	v26 =	vadd.f32 v27, v26;
	v21 =	vadd.f32 v36, v29;
	v27 =	vmul.f32 v33, v32;
	v29 =	vld [tilespmem:s26+$0x4590]  }
0x82: {  	v33 =	vld [tilespmem:s26+$0x420]  }
0x83: {  	v21 =	vadd.f32 v27, v21;
	v27 =	vld [tilespmem:s26+$0x500]  }
0x84: {  	[tilespmem:$0x1FD60] =	vst v4;
	v4 =	vld [tilespmem:s26+$0x4690]  }
0x85: {  	[tilespmem:$0x1FD20] =	vst v11;
	v11 =	vld [tilespmem:s26+$0x4600]  }
0x86: {  	v22 =	vadd.f32 v22, v26;
	v26 =	vmul.f32 v43, v42;
	v43 =	vmul.f32 v53, v52;
	v52 =	vld [tilespmem:s26+$0x510]  }
0x87: {  	v53 =	vld [tilespmem:$0x1FD00]  }
0x88: {  	v42 =	vmul.f32 v45, v44;
	v44 =	vmul.f32 v55, v54;
	v54 =	vld [tilespmem:$0x1FD10]  }
0x89: {  	v45 =	vmul.f32 v61, v60;
	v60 =	vld [tilespmem:s26+$0x4400]  }
0x8a: {  	v61 =	vld [tilespmem:s26+$0x400]  }
0x8b: {  	v55 =	vmul.f32 v49, v48;
	v48 =	vmul.f32 v14, v15;
	v14 =	vld [tilespmem:s26+$0x490]  }
0x8c: {  	v49 =	vld [tilespmem:s26+$0x4490]  }
0x8d: {  	v21 =	vadd.f32 v24, v21;
	v24 =	vld [tilespmem:s26+$0x4500]  }
0x8e: {  	v20 =	vadd.f32 v20, v22;
	v22 =	vadd.f32 v42, v26;
	v42 =	vld [tilespmem:s26+$0x410]  }
0x8f: {  	v15 =	vmul.f32 v63, v62;
	v62 =	vld [tilespmem:$0x1FD20]  }
0x90: {  	v26 =	vmul.f32 v35, v34;
	v35 =	vld [tilespmem:s26+$0x7B0]  }
0x91: {  	v36 =	vld [tilespmem:$0x1FD60]  }
0x92: {  	v32 =	vadd.f32 v44, v43;
	v43 =	vmul.f32 v10, v13;
	v44 =	vld [tilespmem:s26+$0x4410]  }
0x93: {  	v13 =	vmul.f32 v29, v23;
	v23 =	vmul.f32 v57, v56;
	v56 =	vld [tilespmem:s26+$0x4620]  }
0x94: {  	[tilespmem:$0x1FD30] =	vst v11;
	v11 =	vld [tilespmem:s26+$0x610]  }
0x95: {  	v22 =	vadd.f32 v26, v22;
	v26 =	vmul.f32 v59, v58;
	v58 =	vld [tilespmem:s26+$0x4510]  }
0x96: {  	v59 =	vmul.f32 v51, v50;
	v51 =	vmul.f32 v16, v17;
	v16 =	vld [tilespmem:s26+$0x44A0]  }
0x97: {  	v32 =	vadd.f32 v55, v32;
	v55 =	vmul.f32 v49, v14;
	v14 =	vld [tilespmem:s26+$0x4630]  }
0x98: {  	v38 =	vmul.f32 v54, v53;
	v26 =	vadd.f32 v45, v26;
	v50 =	vmul.f32 v24, v27;
	v24 =	vld [tilespmem:s26+$0x4A0]  }
0x99: {  	v6 =	vmul.f32 v6, v7;
	v4 =	vmul.f32 v4, v5;
	v32 =	vadd.f32 v40, v32;
	[tilespmem:$0x1FD40] =	vst v11;
	v11 =	vld [tilespmem:s26+$0x4610]  }
0x9a: {  	(xrf2) =	vadd.scan.msk.f32 $0xffff, v20;
	v40 =	vld [tilespmem:$0x1FD80];
	v38 =	vadd.f32 v38, v22;
	v22 =	vadd.f32 v59, v26;
	v26 =	vmul.f32 v47, v46  }
0x9b: {  	(xrf2) =	vadd.scan.msk.f32 $0xffff, v21;
	v46 =	vld [tilespmem:s26+$0x480];
	v4 =	vadd.f32 v4, v6  }
0x9c: {  	v2 =	vmul.f32 v2, v3;
	v0 =	vmul.f32 v0, v1;
	v45 =	vadd.f32 v26, v22;
	v22 =	vld [tilespmem:s26+$0x4480];
	(xrf2) =	vadd.scan.msk.f32 $0xffff, v38  }
0x9d: {  	v4 =	vadd.f32 v48, v4;
	(xrf2) =	vadd.scan.msk.f32 $0xffff, v32;
	v32 =	vld [tilespmem:$0x1FD40]  }
0x9e: {  	v0 =	vadd.f32 v0, v2;
	[tilespmem:$0x1FD50] =	vst v11;
	v11 =	vld [tilespmem:s26+$0x4520]  }
0x9f: {  	v47 =	vmul.f32 v37, v28;
	v4 =	vadd.f32 v15, v4;
	v15 =	vld [tilespmem:$0x1FD50]  }
0xa0: {  	v0 =	vadd.f32 v43, v0;
	v37 =	vld [tilespmem:s26+$0x47B0]  }
0xa1: {  	v10 =	vmul.f32 v44, v42;
	v42 =	vld [tilespmem:$0x1FDA0];
	v2 =	vadd.f32 v13, v47;
	v13 =	vmul.f32 v58, v52  }
0xa2: {  	v1 =	vmul.f32 v60, v61;
	v0 =	vadd.f32 v23, v0;
	v47 =	vld [tilespmem:$0x1FDB0]  }
0xa3: {  	v6 =	vadd.f32 v13, v50;
	v13 =	vld [tilespmem:s26+$0x630];
	v54 =	vmul.f32 v22, v46;
	v11 =	vmul.f32 v11, v12  }
0xa4: {  	v1 =	vadd.f32 v10, v1;
	v58 =	vmul.f32 v25, v33;
	v10 =	vmul.f32 v15, v32;
	v15 =	vld [tilespmem:s26+$0x47A0]  }
0xa5: {  	v52 =	vld [tilespmem:s26+$0x44B0];
	(xrf2) =	vadd.scan.msk.f32 $0xffff, v45;
	v60 =	vmul.f32 v16, v24;
	v53 =	vadd.f32 v11, v6;
	v6 =	vadd.f32 v55, v54  }
0xa6: {  	v61 =	vadd.f32 v58, v1;
	(xrf2) =	vadd.scan.msk.f32 $0xffff, v0;
	v12 =	vld [tilespmem:s26+$0x4B0]  }
0xa7: {  	v58 =	vld [tilespmem:$0x1FE10];
	(xrf2) =	vadd.scan.msk.f32 $0xffff, v4;
	v4 =	vmul.f32 v40, v39;
	v33 =	vadd.f32 v60, v6;
	v6 =	vmul.f32 v42, v41  }
0xa8: {  	v45 =	vmul.f32 v14, v13;
	v14 =	vld [tilespmem:$0x1FE20]  }
0xa9: {  	v17 =	vld [tilespmem:$0x1FE70];
	v4 =	vadd.f32 v6, v4;
	v6 =	vmul.f32 v15, v47  }
0xaa: {  	v63 =	vld [tilespmem:$0x1FD30]  }
0xab: {  	v5 =	vmul.f32 v37, v35;
	v34 =	vmul.f32 v52, v12;
	v52 =	vld [tilespmem:$0x1FDE0];
	v4 =	vadd.f32 v6, v4  }
0xac: {  	v15 =	vld [tilespmem:$0x1FE40]  }
0xad: {  	v4 =	vadd.f32 v5, v4;
	v5 =	vmul.f32 v14, v58;
	v14 =	vld [tilespmem:$0x1FE30]  }
0xae: {  	v8 =	vmul.f32 v8, v9;
	v12 =	vld [tilespmem:$0x1FDF0]  }
0xaf: {  	v43 =	vld [tilespmem:s26+$0x4920]  }
0xb0: {  	v48 =	vld [tilespmem:s26+$0x4930];
	v2 =	vadd.f32 v8, v2  }
0xb1: {  	v57 =	vmul.f32 v30, v31;
	v50 =	vld [tilespmem:$0x1FDC0]  }
0xb2: {  	v59 =	vmul.f32 v18, v19;
	v2 =	vadd.f32 v51, v2;
	v51 =	vld [tilespmem:$0x1FDD0];
	v14 =	vmul.f32 v15, v14  }
0xb3: {  	v1 =	vmul.f32 v63, v62;
	v11 =	vmul.f32 v12, v52;
	v12 =	vld [tilespmem:s26+$0x4AA0]  }
0xb4: {  	v3 =	vadd.f32 v57, v53;
	v5 =	vadd.f32 v14, v5;
	v14 =	vld [tilespmem:$0x1FE50]  }
0xb5: {  	v0 =	vadd.f32 v59, v61;
	(xrf2) =	vadd.scan.msk.f32 $0xffff, v2;
	v2 =	vmul.f32 v56, v36;
	v55 =	vld [tilespmem:$0x1FE00];
	v1 =	vadd.f32 v10, v1  }
0xb6: {  	v62 =	vld [tilespmem:$0x1FE60];
	(xrf2) =	vadd.scan.msk.f32 $0xffff, v3;
	v38 =	vadd.f32 v34, v33  }
0xb7: {  	v46 =	vld [tilespmem:s26+$0x930];
	v44 =	vadd.f32 v2, v1;
	(xrf2) =	vadd.scan.msk.f32 $0xffff, v0  }
0xb8: {  	v63 =	vld [tilespmem:$0x1FE80];
	v9, _, _ =	vpop (xrf2);
	v1 =	vmul.f32 v51, v50;
	(xrf2) =	vadd.scan.msk.f32 $0xffff, v38  }
0xb9: {  	v49, _, _ =	vpop (xrf2);
	v56 =	vld [tilespmem:s26+$0x4AB0];
	v0 =	vadd.f32 v45, v44;
	v12 =	vmul.f32 v12, v14  }
0xba: {  	v13, _, _ =	vpop (xrf2);
	v53 =	vld [tilespmem:s26+$0xAB0];
	v8 =	vmul.f32 v43, v55;
	v1 =	vadd.f32 v11, v1  }
0xbb: {  	v54, _, _ =	vpop (xrf2);
	(xrf2) =	vadd.scan.msk.f32 $0xffff, v0;
	v5 =	vadd.f32 v12, v5;
	v12 =	vld [tilespmem:$0x1FE90]  }
0xbc: {  	v59 =	vld [tilespmem:s26+$0x4BA0];
	v57, _, _ =	vpop (xrf2);
	v2 =	vmul.f32 v48, v46;
	v1 =	vadd.f32 v8, v1  }
0xbd: {  	v16, _, _ =	vpop (xrf2);
	v15 =	vld [tilespmem:s26+$0xBA0]  }
0xbe: {  	v60, _, _ =	vpop (xrf2);
	(xrf2) =	vadd.scan.msk.f32 $0xffff, v4;
	v1 =	vadd.f32 v2, v1;
	v2 =	vmul.f32 v17, v62;
	v17 =	vld [tilespmem:s26+$0x4BB0]  }
0xbf: {  	v61, _, _ =	vpop (xrf2);
	v14 =	vld [tilespmem:s26+$0xBB0]  }
0xc0: {  	v6 =	vmul.f32 v56, v53;
	v18, _, _ =	vpop (xrf2);
	v11 =	vmul.f32 v12, v63  }
0xc1: {  	(xrf2) =	vadd.scan.msk.f32 $0xffff, v1;
	v12, _, _ =	vpop (xrf2)  }
0xc2: {  	v33 =	vmul.f32 v59, v15;
	v32 =	vadd.f32 v6, v5;
	v34, _, _ =	vpop (xrf2);
	v2 =	vadd.f32 v11, v2  }
0xc3: {  	v35 =	vbroadcast v12, $0xF;
	v6 =	vbroadcast v34, $0xF  }
0xc4: {  	v36 =	vbroadcast v18, $0xF;
	v37 =	vmul.f32 v17, v14;
	(xrf2) =	vadd.scan.msk.f32 $0xffff, v32;
	v2 =	vadd.f32 v33, v2  }
0xc5: {  	v4 =	vbroadcast v61, $0xF;
	v39, _, _ =	vpop (xrf2);
	v38 =	vsel vm0, v35, v6  }
0xc6: {  	v6 =	vbroadcast v39, $0xF;
	v1 =	vsel vm1, v38, v36;
	v2 =	vadd.f32 v37, v2  }
0xc7: {  	v40 =	vbroadcast v60, $0xF;
	v1 =	vsel vm2, v1, v4  }
0xc8: {  	v41 =	vbroadcast v16, $0xF;
	v42, _, _ =	vpop (xrf2);
	v1 =	vsel vm3, v1, v6;
	(xrf2) =	vadd.scan.msk.f32 $0xffff, v2  }
0xc9: {  	v43 =	vbroadcast v42, $0xF;
	v1 =	vsel vm4, v1, v40  }
0xca: {  	v0 =	vbroadcast v57, $0xF;
	v1 =	vsel vm5, v1, v41  }
0xcb: {  	v44 =	vbroadcast v54, $0xF;
	v45, _, _ =	vpop (xrf2);
	v1 =	vsel vm6, v1, v43  }
0xcc: {  	v46 =	vbroadcast v45, $0xF;
	v0 =	vsel vm7, v1, v0  }
0xcd: {  	v47 =	vbroadcast v13, $0xF;
	v0 =	vsel vm8, v0, v44  }
0xce: {  	v48 =	vbroadcast v49, $0xF;
	v49, _, _ =	vpop (xrf2);
	v0 =	vsel vm9, v0, v46  }
0xcf: {  	v50 =	vbroadcast v49, $0xF;
	v0 =	vsel vm10, v0, v47  }
0xd0: {  	v51 =	vbroadcast v9, $0xF;
	v0 =	vsel vm11, v0, v48  }
0xd1: {  	v0 =	vsel vm12, v0, v50  }
0xd2: {  	v0 =	vsel vm13, v0, v51;
	v52, _, _ =	vpop (xrf2)  }
0xd3: {  	v0 =	vsel vm14, v0, v52  }
0xd4: {  	s26 =	simm.s32 $0x800;
	[tilespmem:s24+$0x0] =	vst v0  }
0xd5: {  	v6 =	vld [tilespmem:s26+$0xB30]  }
0xd6: {  	v9 =	vld [tilespmem:s26+$0x4B30]  }
0xd7: {  	v0 =	vld [tilespmem:s26+$0xB80]  }
0xd8: {  	v53 =	vld [tilespmem:s26+$0x4B80]  }
0xd9: {  	v54 =	vld [tilespmem:s26+$0xB90]  }
0xda: {  	v55 =	vld [tilespmem:s26+$0x4B90]  }
0xdb: {  	v56 =	vld [tilespmem:s26+$0xB20]  }
0xdc: {  	v31 =	vld [tilespmem:s26+$0x4B20]  }
0xdd: {  	v11 =	vld [tilespmem:s26+$0xA30]  }
0xde: {  	v12 =	vld [tilespmem:s26+$0x4A30]  }
0xdf: {  	v57 =	vld [tilespmem:s26+$0xAA0]  }
0xe0: {  	v26 =	vld [tilespmem:s26+$0xB00]  }
0xe1: {  	v32 =	vld [tilespmem:s26+$0x4B00]  }
0xe2: {  	v33 =	vld [tilespmem:s26+$0xB10]  }
0xe3: {  	v34 =	vld [tilespmem:s26+$0x4B10]  }
0xe4: {  	v14 =	vld [tilespmem:s26+$0x9B0]  }
0xe5: {  	v23 =	vld [tilespmem:s26+$0x49B0]  }
0xe6: {  	v58 =	vld [tilespmem:s26+$0xA20]  }
0xe7: {  	v63 =	vld [tilespmem:s26+$0x4A20]  }
0xe8: {  	v59 =	vld [tilespmem:s26+$0xA80]  }
0xe9: {  	v60 =	vld [tilespmem:s26+$0x4A80]  }
0xea: {  	v61 =	vld [tilespmem:s26+$0xA90]  }
0xeb: {  	v62 =	vld [tilespmem:s26+$0x4A90]  }
0xec: {  	v36 =	vld [tilespmem:s26+$0x9A0]  }
0xed: {  	v35 =	vld [tilespmem:s26+$0x49A0]  }
0xee: {  	v43 =	vld [tilespmem:s26+$0xA00]  }
0xef: {  	v44 =	vld [tilespmem:s26+$0x4A00]  }
0xf0: {  	v45 =	vld [tilespmem:s26+$0xA10]  }
0xf1: {  	v46 =	vld [tilespmem:s26+$0x4A10]  }
0xf2: {  	v5 =	vld [tilespmem:s26+$0x8B0]  }
0xf3: {  	v7 =	vld [tilespmem:s26+$0x48B0]  }
0xf4: {  	v4 =	vld [tilespmem:s26+$0x920]  }
0xf5: {  	v49 =	vld [tilespmem:s26+$0x980]  }
0xf6: {  	v1 =	vld [tilespmem:s26+$0x4980]  }
0xf7: {  	v2 =	vld [tilespmem:s26+$0x990]  }
0xf8: {  	v52 =	vld [tilespmem:s26+$0x4990]  }
0xf9: {  	v3 =	vld [tilespmem:s26+$0x830]  }
0xfa: {  	v8 =	vld [tilespmem:s26+$0x900]  }
0xfb: {  	v10 =	vld [tilespmem:s26+$0x4900]  }
0xfc: {  	v37 =	vld [tilespmem:s26+$0x910]  }
0xfd: {  	v38 =	vld [tilespmem:s26+$0x4910]  }
0xfe: {  	v50 =	vld [tilespmem:s26+$0x820]  }
0xff: {  	v39 =	vld [tilespmem:s26+$0x4820]  }
0x100: {  	v13 =	vld [tilespmem:s26+$0x730]  }
0x101: {  	v20 =	vld [tilespmem:s26+$0x4730]  }
0x102: {  	v40 =	vld [tilespmem:s26+$0x7A0]  }
0x103: {  	v48 =	vld [tilespmem:s26+$0x4800]  }
0x104: {  	v47 =	vld [tilespmem:s26+$0x4810]  }
0x105: {  	v15 =	vld [tilespmem:s26+$0x780]  }
0x106: {  	v16 =	vld [tilespmem:s26+$0x4780]  }
0x107: {  	v17 =	vld [tilespmem:s26+$0x790]  }
0x108: {  	v18 =	vld [tilespmem:s26+$0x4790]  }
0x109: {  	v41 =	vld [tilespmem:s26+$0x6A0]  }
0x10a: {  	v42 =	vld [tilespmem:s26+$0x46A0]  }
0x10b: {  	v22 =	vld [tilespmem:s26+$0x4700]  }
0x10c: {  	v21 =	vld [tilespmem:s26+$0x4710]  }
0x10d: {  	v29 =	vld [tilespmem:s26+$0x5B0]  }
0x10e: {  	v30 =	vld [tilespmem:s26+$0x45B0]  }
0x10f: {  	v19 =	vld [tilespmem:s26+$0x620]  }
0x110: {  	v27 =	vld [tilespmem:s26+$0x530]  }
0x111: {  	v28 =	vld [tilespmem:s26+$0x4530]  }
0x112: {  	v51 =	vld [tilespmem:s26+$0x5A0]  }
0x113: {  	v24 =	vld [tilespmem:s26+$0x4600]  }
0x114: {  	v25 =	vld [tilespmem:s26+$0x610]  }
0x115: {  	[tilespmem:$0x1FF30] =	vst v4;
	v4 =	vld [tilespmem:s26+$0x4830]  }
0x116: {  	[tilespmem:$0x1FFA0] =	vst v58;
	v58 =	vld [tilespmem:s26+$0x8A0]  }
0x117: {  	[tilespmem:$0x1FEE0] =	vst v57;
	v57 =	vld [tilespmem:s26+$0x48A0]  }
0x118: {  	[tilespmem:$0x1FEF0] =	vst v59;
	v59 =	vld [tilespmem:s26+$0x880]  }
0x119: {  	[tilespmem:$0x1FF00] =	vst v60;
	v60 =	vld [tilespmem:s26+$0x4880]  }
0x11a: {  	[tilespmem:$0x1FF10] =	vst v61;
	v61 =	vld [tilespmem:s26+$0x890]  }
0x11b: {  	[tilespmem:$0x1FF20] =	vst v62;
	v62 =	vld [tilespmem:s26+$0x4890]  }
0x11c: {  	[tilespmem:$0x1FEC0] =	vst v54;
	v54 =	vld [tilespmem:s26+$0x800]  }
0x11d: {  	[tilespmem:$0x1FEB0] =	vst v53;
	v53 =	vld [tilespmem:s26+$0x810]  }
0x11e: {  	[tilespmem:$0x1FF40] =	vst v8;
	v8 =	vld [tilespmem:s26+$0x6B0]  }
0x11f: {  	[tilespmem:$0x1FF50] =	vst v10;
	v10 =	vld [tilespmem:s26+$0x46B0]  }
0x120: {  	[tilespmem:$0x1FF90] =	vst v56;
	v56 =	vld [tilespmem:s26+$0x720]  }
0x121: {  	[tilespmem:$0x1FED0] =	vst v55;
	v55 =	vld [tilespmem:s26+$0x4720]  }
0x122: {  	[tilespmem:$0x1FF70] =	vst v38;
	v38 =	vld [tilespmem:s26+$0x700]  }
0x123: {  	[tilespmem:$0x1FF60] =	vst v37;
	v37 =	vld [tilespmem:s26+$0x710]  }
0x124: {  	[tilespmem:$0x1FFD0] =	vst v42;
	v42 =	vld [tilespmem:s26+$0x680]  }
0x125: {  	[tilespmem:$0x1FF80] =	vst v40;
	v40 =	vld [tilespmem:s26+$0x4680]  }
0x126: {  	[tilespmem:$0x1FFC0] =	vst v41;
	v41 =	vld [tilespmem:s26+$0x690]  }
0x127: {  	[tilespmem:$0x1FFB0] =	vst v39;
	v39 =	vld [tilespmem:s26+$0x4690]  }
0x128: {  	[tilespmem:$0x1FFE0] =	vst v51;
	v51 =	vld [tilespmem:s26+$0x45A0]  }
0x129: {  	v32 =	vmul.f32 v32, v26;
	v26 =	vld [tilespmem:s26+$0x4610];
	v43 =	vmul.f32 v44, v43  }
0x12a: {  	v44 =	vmul.f32 v46, v45;
	v45 =	vmul.f32 v1, v49;
	v49 =	vld [tilespmem:s26+$0x590]  }
0x12b: {  	v1 =	vld [tilespmem:s26+$0x500]  }
0x12c: {  	v33 =	vmul.f32 v34, v33;
	v34 =	vld [tilespmem:$0x1FF90]  }
0x12d: {  	v46 =	vmul.f32 v52, v2;
	v52 =	vld [tilespmem:$0x1FFA0]  }
0x12e: {  	v5 =	vmul.f32 v7, v5;
	v7 =	vld [tilespmem:$0x1FFB0]  }
0x12f: {  	[tilespmem:$0x1FEA0] =	vst v0;
	v0 =	vadd.f32 v33, v32;
	v32 =	vld [tilespmem:s26+$0x4430]  }
0x130: {  	v33 =	vld [tilespmem:s26+$0x520]  }
0x131: {  	v45 =	vadd.f32 v46, v45;
	v46 =	vld [tilespmem:s26+$0x580]  }
0x132: {  	v43 =	vadd.f32 v44, v43;
	v44 =	vld [tilespmem:s26+$0x4580]  }
0x133: {  	v6 =	vmul.f32 v9, v6;
	v35 =	vmul.f32 v35, v36;
	[tilespmem:$0x1FFF0] =	vst v51;
	v51 =	vld [tilespmem:s26+$0x600]  }
0x134: {  	v21 =	vmul.f32 v21, v37;
	v37 =	vld [tilespmem:s26+$0x4400];
	v34 =	vmul.f32 v31, v34  }
0x135: {  	v22 =	vmul.f32 v22, v38;
	v38 =	vld [tilespmem:s26+$0x400];
	v2 =	vmul.f32 v63, v52  }
0x136: {  	v11 =	vmul.f32 v12, v11;
	v39 =	vmul.f32 v39, v41;
	v41 =	vld [tilespmem:s26+$0x4410];
	v0 =	vadd.f32 v34, v0  }
0x137: {  	v35 =	vadd.f32 v35, v45;
	v40 =	vmul.f32 v40, v42;
	v31 =	vld [tilespmem:s26+$0x430];
	v9 =	vadd.f32 v2, v43  }
0x138: {  	v52 =	vmul.f32 v23, v14;
	v63 =	vmul.f32 v57, v58;
	v57 =	vld [tilespmem:$0x1FFC0];
	v0 =	vadd.f32 v6, v0  }
0x139: {  	v58 =	vld [tilespmem:$0x1FFD0];
	v36 =	vadd.f32 v11, v9  }
0x13a: {  	v40 =	vadd.f32 v39, v40;
	v39 =	vld [tilespmem:s26+$0x410];
	v45 =	vadd.f32 v52, v35;
	(xrf2) =	vadd.scan.msk.f32 $0xffff, v0  }
0x13b: {  	v60 =	vmul.f32 v60, v59;
	v62 =	vmul.f32 v62, v61;
	v34 =	vld [tilespmem:s26+$0x4520];
	(xrf2) =	vadd.scan.msk.f32 $0xffff, v36  }
0x13c: {  	v48 =	vmul.f32 v48, v54;
	v47 =	vmul.f32 v47, v53;
	v43 =	vld [tilespmem:s26+$0x4590];
	(xrf2) =	vadd.scan.msk.f32 $0xffff, v45  }
0x13d: {  	v21 =	vadd.f32 v21, v22;
	v52 =	vld [tilespmem:s26+$0x4500]  }
0x13e: {  	v22 =	vmul.f32 v55, v56;
	v6 =	vadd.f32 v47, v48;
	v48 =	vld [tilespmem:s26+$0x510];
	v0 =	vadd.f32 v62, v60  }
0x13f: {  	v9 =	vmul.f32 v7, v50;
	v11 =	vld [tilespmem:s26+$0x4510]  }
0x140: {  	v21 =	vadd.f32 v22, v21;
	v22 =	vmul.f32 v20, v13;
	v62 =	vld [tilespmem:$0x1FFE0];
	v0 =	vadd.f32 v63, v0  }
0x141: {  	v56 =	vmul.f32 v4, v3;
	v55 =	vadd.f32 v9, v6;
	v63 =	vld [tilespmem:$0x1FFF0]  }
0x142: {  	v35 =	vld [tilespmem:s26+$0x420];
	v59 =	vmul.f32 v58, v57;
	v22 =	vadd.f32 v22, v21;
	v0 =	vadd.f32 v5, v0  }
0x143: {  	v44 =	vmul.f32 v44, v46;
	v36 =	vld [tilespmem:s26+$0x4420];
	v43 =	vmul.f32 v43, v49;
	v42 =	vadd.f32 v56, v55  }
0x144: {  	v61 =	vmul.f32 v10, v8;
	v60 =	vadd.f32 v59, v40;
	v40 =	vld [tilespmem:s26+$0x480];
	(xrf2) =	vadd.scan.msk.f32 $0xffff, v0;
	v54, _, _ =	vpop (xrf2)  }
0x145: {  	v47 =	vmul.f32 v52, v1;
	v45 =	vadd.f32 v43, v44;
	v43 =	vld [tilespmem:s26+$0x490];
	(xrf2) =	vadd.scan.msk.f32 $0xffff, v42;
	v21, _, _ =	vpop (xrf2)  }
0x146: {  	s29 =	simm.s32 $0x4000;
	s28 =	simm.s32 $0x10400;
	v48 =	vmul.f32 v11, v48;
	v44 =	vadd.f32 v61, v60;
	v46 =	vmul.f32 v63, v62;
	v42 =	vld [tilespmem:s26+$0x4480];
	(xrf2) =	vadd.scan.msk.f32 $0xffff, v22;
	v22, _, _ =	vpop (xrf2)  }
.LBB2_2:
0x147: {  	v49 =	vld [tilespmem:s26+$0x4490]  }
0x148: {  	v9 =	vld [tilespmem:s26+$0x44A0]  }
0x149: {  	v10 =	vld [tilespmem:s26+$0x4B0]  }
0x14a: {  	v50 =	vld [tilespmem:s26+$0x4630]  }
0x14b: {  	v15 =	vmul.f32 v16, v15;
	v16 =	vmul.f32 v18, v17;
	v17 =	vld [tilespmem:s26+$0x4920]  }
0x14c: {  	v52 =	vld [tilespmem:$0x1FF40]  }
0x14d: {  	v1 =	vld [tilespmem:$0x1FF50]  }
0x14e: {  	v53 =	vld [tilespmem:$0x1FF60]  }
0x14f: {  	v55 =	vld [tilespmem:$0x1FF70]  }
0x150: {  	v12 =	vld [tilespmem:s26+$0x4AA0]  }
0x151: {  	v56 =	vld [tilespmem:$0x1FF30]  }
0x152: {  	v57 =	vld [tilespmem:s26+$0x4AB0]  }
0x153: {  	v58 =	vld [tilespmem:$0x1FEF0]  }
0x154: {  	v59 =	vld [tilespmem:$0x1FF00]  }
0x155: {  	v60 =	vld [tilespmem:$0x1FF10]  }
0x156: {  	v61 =	vld [tilespmem:$0x1FF20]  }
0x157: {  	v62 =	vld [tilespmem:$0x1FEE0];
	v45 =	vadd.f32 v46, v45;
	v0 =	vmul.f32 v30, v29;
	v33 =	vmul.f32 v34, v33  }
0x158: {  	v6 =	vadd.f32 v48, v47;
	v30 =	vld [tilespmem:s26+$0x4A0];
	v7 =	vmul.f32 v37, v38;
	v8 =	vmul.f32 v41, v39  }
0x159: {  	(xrf2) =	vadd.scan.msk.f32 $0xffff, v44;
	v47 =	vld [tilespmem:s26+$0x4620];
	v15 =	vadd.f32 v16, v15;
	v27 =	vmul.f32 v28, v27;
	v11 =	vmul.f32 v36, v35  }
0x15a: {  	v44 =	vld [tilespmem:s26+$0x44B0];
	v31 =	vmul.f32 v32, v31;
	v0 =	vadd.f32 v0, v45;
	v33 =	vadd.f32 v33, v6  }
0x15b: {  	v48 =	vld [tilespmem:s26+$0x630];
	v46 =	vmul.f32 v49, v43;
	v28 =	vadd.f32 v8, v7;
	v45 =	vmul.f32 v42, v40  }
0x15c: {  	v16 =	vld [tilespmem:s26+$0x4930];
	v23 =	vmul.f32 v24, v51;
	v24 =	vmul.f32 v26, v25;
	v29, _, _ =	vpop (xrf2);
	(xrf2) =	vadd.scan.msk.f32 $0xffff, v0;
	v27 =	vadd.f32 v27, v33  }
0x15d: {  	v25 =	vld [tilespmem:s26+$0x47A0];
	v28 =	vadd.f32 v11, v28;
	v49 =	vadd.f32 v46, v45;
	v30 =	vmul.f32 v9, v30  }
0x15e: {  	v51 =	vld [tilespmem:$0x1FF80];
	v23 =	vadd.f32 v24, v23;
	v20 =	vmul.f32 v47, v19  }
0x15f: {  	v24 =	vld [tilespmem:s26+$0x47B0];
	v39, _, _ =	vpop (xrf2);
	(xrf2) =	vadd.scan.msk.f32 $0xffff, v27;
	v27 =	vadd.f32 v31, v28;
	v28 =	vadd.f32 v30, v49;
	v30 =	vmul.f32 v44, v10  }
0x160: {  	v31 =	vld [tilespmem:s26+$0x7B0]  }
0x161: {  	v32 =	vld [tilespmem:$0x1FEB0];
	v20 =	vadd.f32 v20, v23;
	v23 =	vmul.f32 v50, v48;
	v26, _, _ =	vpop (xrf2);
	(xrf2) =	vadd.scan.msk.f32 $0xffff, v27;
	v27 =	vadd.f32 v30, v28  }
0x162: {  	v35 =	vld [tilespmem:$0x1FEC0];
	v11 =	vmul.f32 v55, v53;
	v10 =	vmul.f32 v1, v52  }
0x163: {  	v14 =	vmul.f32 v25, v51;
	v18, _, _ =	vpop (xrf2);
	v28 =	vld [tilespmem:s26+$0x930];
	(xrf2) =	vadd.scan.msk.f32 $0xffff, v27  }
0x164: {  	v36 =	vld [tilespmem:$0x1FED0];
	v9 =	vmul.f32 v17, v56;
	v20 =	vadd.f32 v23, v20;
	v10 =	vadd.f32 v11, v10  }
0x165: {  	v23 =	vld [tilespmem:s26+$0xAB0];
	v14 =	vadd.f32 v14, v15;
	v15 =	vmul.f32 v24, v31  }
0x166: {  	v9 =	vadd.f32 v9, v10;
	v10 =	vld [tilespmem:$0x1FEA0];
	v13, _, _ =	vpop (xrf2);
	(xrf2) =	vadd.scan.msk.f32 $0xffff, v20  }
0x167: {  	v5 =	vmul.f32 v59, v58;
	v6 =	vmul.f32 v61, v60;
	v7 =	vld [tilespmem:s26+$0xBA0];
	v14 =	vadd.f32 v15, v14  }
0x168: {  	v15 =	vld [tilespmem:s26+$0x4BA0];
	v16 =	vmul.f32 v16, v28  }
0x169: {  	v63 =	vld [tilespmem:s26+$0xBB0];
	v4 =	vmul.f32 v12, v62;
	v5 =	vadd.f32 v6, v5;
	v8, _, _ =	vpop (xrf2);
	(xrf2) =	vadd.scan.msk.f32 $0xffff, v14  }
0x16a: {  	v3 =	vld [tilespmem:s26+$0x4BB0];
	v0 =	vmul.f32 v36, v35;
	v9 =	vadd.f32 v16, v9  }
0x16b: {  	v12 =	vadd.f32 v4, v5;
	v34 =	vmul.f32 v57, v23;
	v2 =	vmul.f32 v32, v10  }
0x16c: {  	v33, _, _ =	vpop (xrf2);
	(xrf2) =	vadd.scan.msk.f32 $0xffff, v9  }
0x16d: {  	v37 =	vadd.f32 v34, v12;
	v0 =	vadd.f32 v0, v2;
	v38 =	vmul.f32 v15, v7;
	v40, _, _ =	vpop (xrf2)  }
0x16e: {  	v41 =	vbroadcast v33, $0xF;
	v42 =	vbroadcast v40, $0xF  }
0x16f: {  	v44 =	vmul.f32 v3, v63;
	v43 =	vbroadcast v8, $0xF;
	v0 =	vadd.f32 v38, v0;
	(xrf2) =	vadd.scan.msk.f32 $0xffff, v37  }
0x170: {  	v46 =	vbroadcast v13, $0xF;
	v45 =	vsel vm0, v41, v42;
	v47, _, _ =	vpop (xrf2)  }
0x171: {  	v0 =	vadd.f32 v44, v0;
	v1 =	vsel vm1, v45, v43;
	v48 =	vbroadcast v47, $0xF  }
0x172: {  	v49 =	vbroadcast v18, $0xF;
	v1 =	vsel vm2, v1, v46  }
0x173: {  	v50 =	vbroadcast v26, $0xF;
	v51, _, _ =	vpop (xrf2);
	(xrf2) =	vadd.scan.msk.f32 $0xffff, v0;
	v1 =	vsel vm3, v1, v48  }
0x174: {  	v53 =	vbroadcast v51, $0xF;
	v52 =	vsel vm4, v1, v49  }
0x175: {  	v55 =	vbroadcast v39, $0xF;
	v0 =	vsel vm5, v52, v50  }
0x176: {  	v56 =	vbroadcast v29, $0xF;
	v57, _, _ =	vpop (xrf2);
	v0 =	vsel vm6, v0, v53  }
0x177: {  	v58 =	vbroadcast v57, $0xF;
	v0 =	vsel vm7, v0, v55  }
0x178: {  	v59 =	vbroadcast v22, $0xF;
	v0 =	vsel vm8, v0, v56  }
0x179: {  	v60 =	vbroadcast v21, $0xF;
	v61, _, _ =	vpop (xrf2);
	v0 =	vsel vm9, v0, v58  }
0x17a: {  	v3 =	vbroadcast v61, $0xF;
	v0 =	vsel vm10, v0, v59  }
0x17b: {  	v62 =	vbroadcast v54, $0xF;
	v0 =	vsel vm11, v0, v60  }
0x17c: {  	v0 =	vsel vm12, v0, v3  }
0x17d: {  	v63, _, _ =	vpop (xrf2);
	v0 =	vsel vm13, v0, v62  }
0x17e: {  	s28 =	sadd.s32 $0x10, s28;
	v0 =	vsel vm14, v0, v63  }
0x17f: {  	s26 =	sshra.s32 s29, $0x2;
	[tilespmem:s28+$0x0] =	vst v0  }
0x180: {  	v0 =	vld [tilespmem:s26+$0xB30]  }
0x181: {  	v21 =	vld [tilespmem:s26+$0x4B30]  }
0x182: {  	v4 =	vld [tilespmem:s26+$0xB80]  }
0x183: {  	v5 =	vld [tilespmem:s26+$0x4B80]  }
0x184: {  	v6 =	vld [tilespmem:s26+$0xB90]  }
0x185: {  	v7 =	vld [tilespmem:s26+$0x4B90]  }
0x186: {  	v26 =	vld [tilespmem:s26+$0xB20]  }
0x187: {  	v31 =	vld [tilespmem:s26+$0x4B20]  }
0x188: {  	v35 =	vld [tilespmem:s26+$0xA30]  }
0x189: {  	v37 =	vld [tilespmem:s26+$0x4A30]  }
0x18a: {  	v8 =	vld [tilespmem:s26+$0xAA0]  }
0x18b: {  	v24 =	vld [tilespmem:s26+$0xB00]  }
0x18c: {  	v25 =	vld [tilespmem:s26+$0x4B00]  }
0x18d: {  	v32 =	vld [tilespmem:s26+$0xB10]  }
0x18e: {  	v48 =	vld [tilespmem:s26+$0x4B10]  }
0x18f: {  	v9 =	vld [tilespmem:s26+$0x9B0]  }
0x190: {  	v22 =	vld [tilespmem:s26+$0x49B0]  }
0x191: {  	v33 =	vld [tilespmem:s26+$0xA20]  }
0x192: {  	v34 =	vld [tilespmem:s26+$0x4A20]  }
0x193: {  	v10 =	vld [tilespmem:s26+$0xA80]  }
0x194: {  	v11 =	vld [tilespmem:s26+$0x4A80]  }
0x195: {  	v36 =	vld [tilespmem:s26+$0xA90]  }
0x196: {  	v38 =	vld [tilespmem:s26+$0x4A90]  }
0x197: {  	v43 =	vld [tilespmem:s26+$0x9A0]  }
0x198: {  	v46 =	vld [tilespmem:s26+$0x49A0]  }
0x199: {  	v53 =	vld [tilespmem:s26+$0xA00]  }
0x19a: {  	v54 =	vld [tilespmem:s26+$0x4A00]  }
0x19b: {  	v55 =	vld [tilespmem:s26+$0xA10]  }
0x19c: {  	v56 =	vld [tilespmem:s26+$0x4A10]  }
0x19d: {  	v39 =	vld [tilespmem:s26+$0x8B0]  }
0x19e: {  	v41 =	vld [tilespmem:s26+$0x48B0]  }
0x19f: {  	v40 =	vld [tilespmem:s26+$0x920]  }
0x1a0: {  	v57 =	vld [tilespmem:s26+$0x980]  }
0x1a1: {  	v58 =	vld [tilespmem:s26+$0x4980]  }
0x1a2: {  	v59 =	vld [tilespmem:s26+$0x990]  }
0x1a3: {  	v60 =	vld [tilespmem:s26+$0x4990]  }
0x1a4: {  	v42 =	vld [tilespmem:s26+$0x830]  }
0x1a5: {  	v44 =	vld [tilespmem:s26+$0x4830]  }
0x1a6: {  	v52 =	vld [tilespmem:s26+$0x48A0]  }
0x1a7: {  	v45 =	vld [tilespmem:s26+$0x900]  }
0x1a8: {  	v47 =	vld [tilespmem:s26+$0x4900]  }
0x1a9: {  	v49 =	vld [tilespmem:s26+$0x910]  }
0x1aa: {  	v50 =	vld [tilespmem:s26+$0x4910]  }
0x1ab: {  	v61 =	vld [tilespmem:s26+$0x880]  }
0x1ac: {  	v62 =	vld [tilespmem:s26+$0x4880]  }
0x1ad: {  	v63 =	vld [tilespmem:s26+$0x890]  }
0x1ae: {  	v51 =	vld [tilespmem:s26+$0x7A0]  }
0x1af: {  	v1 =	vld [tilespmem:s26+$0x800]  }
0x1b0: {  	v2 =	vld [tilespmem:s26+$0x4800]  }
0x1b1: {  	v3 =	vld [tilespmem:s26+$0x810]  }
0x1b2: {  	v23 =	vld [tilespmem:s26+$0x4780]  }
0x1b3: {  	v12 =	vld [tilespmem:s26+$0x4710]  }
0x1b4: {  	v29 =	vld [tilespmem:s26+$0x5B0]  }
0x1b5: {  	v30 =	vld [tilespmem:s26+$0x45B0]  }
0x1b6: {  	v19 =	vld [tilespmem:s26+$0x620]  }
0x1b7: {  	v13 =	vld [tilespmem:s26+$0x680]  }
0x1b8: {  	v14 =	vld [tilespmem:s26+$0x4680]  }
0x1b9: {  	v15 =	vld [tilespmem:s26+$0x690]  }
0x1ba: {  	v16 =	vld [tilespmem:s26+$0x4690]  }
0x1bb: {  	v27 =	vld [tilespmem:s26+$0x530]  }
0x1bc: {  	v28 =	vld [tilespmem:s26+$0x4530]  }
0x1bd: {  	v17 =	vld [tilespmem:s26+$0x5A0]  }
0x1be: {  	v18 =	vld [tilespmem:s26+$0x45A0]  }
0x1bf: {  	[tilespmem:$0x1FF10] =	vst v36;
	v36 =	vld [tilespmem:s26+$0x8A0]  }
0x1c0: {  	[tilespmem:$0x1FF60] =	vst v49;
	v49 =	vld [tilespmem:s26+$0x820]  }
0x1c1: {  	[tilespmem:$0x1FF20] =	vst v38;
	v38 =	vld [tilespmem:s26+$0x4820]  }
0x1c2: {  	[tilespmem:$0x1FCB0] =	vst v0;
	v0 =	vld [tilespmem:s26+$0x4890]  }
0x1c3: {  	[tilespmem:$0x1FF30] =	vst v40;
	v40 =	vld [tilespmem:s26+$0x730]  }
0x1c4: {  	[tilespmem:$0x1FCD0] =	vst v39;
	v39 =	vld [tilespmem:s26+$0x4730]  }
0x1c5: {  	[tilespmem:$0x1FEA0] =	vst v4;
	v4 =	vld [tilespmem:s26+$0x4810]  }
0x1c6: {  	[tilespmem:$0x1FCE0] =	vst v42;
	v42 =	vld [tilespmem:s26+$0x6B0]  }
0x1c7: {  	[tilespmem:$0x1FF40] =	vst v45;
	v45 =	vld [tilespmem:s26+$0x46B0]  }
0x1c8: {  	[tilespmem:$0x1FEB0] =	vst v5;
	v5 =	vld [tilespmem:s26+$0x720]  }
0x1c9: {  	[tilespmem:$0x1FEC0] =	vst v6;
	v6 =	vld [tilespmem:s26+$0x4720]  }
0x1ca: {  	[tilespmem:$0x1FF70] =	vst v50;
	v50 =	vld [tilespmem:s26+$0x780]  }
0x1cb: {  	[tilespmem:$0x1FF50] =	vst v47;
	v47 =	vld [tilespmem:s26+$0x790]  }
0x1cc: {  	[tilespmem:$0x1FCF0] =	vst v44;
	v44 =	vld [tilespmem:s26+$0x4790]  }
0x1cd: {  	[tilespmem:$0x1FED0] =	vst v7;
	v7 =	vld [tilespmem:s26+$0x6A0]  }
0x1ce: {  	[tilespmem:$0x1FEE0] =	vst v8;
	v8 =	vld [tilespmem:s26+$0x46A0]  }
0x1cf: {  	[tilespmem:$0x1FCC0] =	vst v9;
	v9 =	vld [tilespmem:s26+$0x700]  }
0x1d0: {  	[tilespmem:$0x1FEF0] =	vst v10;
	v10 =	vld [tilespmem:s26+$0x4700]  }
0x1d1: {  	[tilespmem:$0x1FF00] =	vst v11;
	v11 =	vld [tilespmem:s26+$0x710]  }
0x1d2: {  	[tilespmem:$0x1FF80] =	vst v51;
	v51 =	vld [tilespmem:s26+$0x600]  }
0x1d3: {  	v20 =	vmul.f32 v25, v24;
	v24 =	vld [tilespmem:s26+$0x4600]  }
0x1d4: {  	v32 =	vmul.f32 v48, v32;
	v25 =	vld [tilespmem:s26+$0x610]  }
0x1d5: {  	v48 =	vmul.f32 v54, v53;
	v53 =	vmul.f32 v56, v55;
	v56 =	vld [tilespmem:$0x1FCB0]  }
0x1d6: {  	v60 =	vmul.f32 v60, v59;
	v59 =	vld [tilespmem:$0x1FCC0]  }
0x1d7: {  	v43 =	vmul.f32 v46, v43;
	v46 =	vld [tilespmem:$0x1FCF0]  }
0x1d8: {  	v20 =	vadd.f32 v32, v20;
	v32 =	vmul.f32 v31, v26;
	v26 =	vld [tilespmem:s26+$0x4610]  }
0x1d9: {  	v58 =	vmul.f32 v58, v57;
	v31 =	vld [tilespmem:s26+$0x430]  }
0x1da: {  	v48 =	vadd.f32 v53, v48;
	v53 =	vmul.f32 v34, v33;
	v33 =	vld [tilespmem:s26+$0x520]  }
0x1db: {  	v34 =	vld [tilespmem:s26+$0x4520];
	v57 =	vadd.f32 v60, v58  }
0x1dc: {  	v20 =	vadd.f32 v32, v20;
	v32 =	vld [tilespmem:s26+$0x4430]  }
0x1dd: {  	v35 =	vmul.f32 v37, v35;
	v37 =	vadd.f32 v43, v57;
	v43 =	vld [tilespmem:s26+$0x4590]  }
0x1de: {  	v60 =	vmul.f32 v52, v36;
	v36 =	vld [tilespmem:s26+$0x4420];
	v21 =	vmul.f32 v21, v56  }
0x1df: {  	v58 =	vmul.f32 v62, v61;
	v0 =	vmul.f32 v0, v63;
	v63 =	vld [tilespmem:$0x1FCD0]  }
0x1e0: {  	v61 =	vmul.f32 v4, v3;
	v3 =	vld [tilespmem:s26+$0x4500];
	v20 =	vadd.f32 v21, v20;
	v21 =	vadd.f32 v53, v48  }
0x1e1: {  	v22 =	vmul.f32 v22, v59;
	v59 =	vmul.f32 v39, v40;
	v39 =	vld [tilespmem:s26+$0x410]  }
0x1e2: {  	v40 =	vld [tilespmem:s26+$0x480];
	v21 =	vadd.f32 v35, v21  }
0x1e3: {  	v48 =	vld [tilespmem:s26+$0x580];
	v62 =	vadd.f32 v22, v37;
	(xrf2) =	vadd.scan.msk.f32 $0xffff, v20  }
0x1e4: {  	v53 =	vld [tilespmem:s26+$0x590];
	(xrf2) =	vadd.scan.msk.f32 $0xffff, v21  }
0x1e5: {  	v0 =	vadd.f32 v0, v58;
	v4 =	vmul.f32 v41, v63;
	v41 =	vld [tilespmem:$0x1FCE0];
	(xrf2) =	vadd.scan.msk.f32 $0xffff, v62  }
0x1e6: {  	v1 =	vmul.f32 v2, v1;
	v9 =	vmul.f32 v10, v9;
	v22 =	vld [tilespmem:s26+$0x500]  }
0x1e7: {  	v37 =	vmul.f32 v38, v49;
	v38 =	vmul.f32 v12, v11;
	v0 =	vadd.f32 v60, v0;
	v20 =	vld [tilespmem:s26+$0x4580]  }
0x1e8: {  	v57 =	vmul.f32 v16, v15;
	v5 =	vmul.f32 v6, v5;
	v1 =	vadd.f32 v61, v1;
	v11 =	vld [tilespmem:s26+$0x4510]  }
0x1e9: {  	v49 =	vmul.f32 v14, v13;
	v35 =	vld [tilespmem:s26+$0x420];
	v9 =	vadd.f32 v38, v9;
	v0 =	vadd.f32 v4, v0  }
0x1ea: {  	p0 =	sne.s32 s29, $0xE000;
	v16 =	vmovc v23;
	v60 =	vmul.f32 v8, v7;
	v1 =	vadd.f32 v37, v1;
	v4 =	vld [tilespmem:s26+$0x510];
	v2 =	vmul.f32 v46, v41  }
.Ltmp0:
0x1eb: {  	v37 =	vld [tilespmem:s26+$0x4400];
	v63 =	vmul.f32 v45, v42;
	v58 =	vadd.f32 v5, v9;
	(xrf2) =	vadd.scan.msk.f32 $0xffff, v0;
	v0 =	vadd.f32 v57, v49;
	(pc) =	sbr.rel @p0 .LBB2_2-.Ltmp0, $4  }
0x1ec: {  	v15 =	vmovc v50;
	v38 =	vld [tilespmem:s26+$0x400];
	v62 =	vmul.f32 v43, v53;
	v61 =	vmul.f32 v20, v48;
	v1 =	vadd.f32 v2, v1  }
0x1ed: {  	v42 =	vld [tilespmem:s26+$0x4480];
	v46 =	vmul.f32 v18, v17;
	v0 =	vadd.f32 v60, v0;
	v2 =	vadd.f32 v59, v58;
	v54, _, _ =	vpop (xrf2)  }
0x1ee: {  	v43 =	vld [tilespmem:s26+$0x490];
	v18 =	vmov v44;
	v17 =	vmov v47;
	v47 =	vmul.f32 v3, v22;
	(xrf2) =	vadd.scan.msk.f32 $0xffff, v1;
	v21, _, _ =	vpop (xrf2)  }
0x1ef: {  	s29 =	sadd.s32 $0x2000, s29;
	v41 =	vld [tilespmem:s26+$0x4410];
	v45 =	vadd.f32 v62, v61;
	v48 =	vmul.f32 v11, v4;
	v44 =	vadd.f32 v63, v0;
	(xrf2) =	vadd.scan.msk.f32 $0xffff, v2;
	v22, _, _ =	vpop (xrf2)  }
0x1f0: {  	v0 =	vld [tilespmem:s26+$0x4490]  }
0x1f1: {  	v1 =	vld [tilespmem:s26+$0x4A0]  }
0x1f2: {  	v4 =	vld [tilespmem:s26+$0x44A0]  }
0x1f3: {  	v7 =	vld [tilespmem:s26+$0x4B0]  }
0x1f4: {  	v10 =	vld [tilespmem:s26+$0x4620]  }
0x1f5: {  	v12 =	vld [tilespmem:s26+$0x630]  }
0x1f6: {  	v14 =	vld [tilespmem:s26+$0x47A0]  }
0x1f7: {  	v53 =	vld [tilespmem:s26+$0x7B0]  }
0x1f8: {  	v58 =	vld [tilespmem:s26+$0x47B0]  }
0x1f9: {  	v61 =	vld [tilespmem:s26+$0x4920]  }
0x1fa: {  	v63 =	vld [tilespmem:s26+$0x930]  }
0x1fb: {  	v13 =	vmul.f32 v32, v31;
	v32 =	vld [tilespmem:$0x1FF80]  }
0x1fc: {  	v6 =	vmul.f32 v34, v33;
	v33 =	vld [tilespmem:s26+$0x4930]  }
0x1fd: {  	v2 =	vadd.f32 v46, v45;
	v45 =	vld [tilespmem:s26+$0x44B0]  }
0x1fe: {  	v5 =	vadd.f32 v48, v47;
	v48 =	vld [tilespmem:s26+$0x4630]  }
0x1ff: {  	v47 =	vmul.f32 v36, v35;
	v35 =	vld [tilespmem:$0x1FF40]  }
0x200: {  	v36 =	vld [tilespmem:$0x1FF50]  }
0x201: {  	v8 =	vmul.f32 v37, v38;
	v37 =	vld [tilespmem:$0x1FF60]  }
0x202: {  	v50 =	vmul.f32 v24, v51;
	v51 =	vmul.f32 v26, v25;
	v38 =	vld [tilespmem:$0x1FF70]  }
0x203: {  	v46 =	vmul.f32 v42, v40;
	v40 =	vld [tilespmem:s26+$0xAB0];
	v9 =	vmul.f32 v41, v39  }
0x204: {  	v3 =	vmul.f32 v30, v29;
	v42 =	vld [tilespmem:$0x1FF30];
	v0 =	vmul.f32 v0, v43  }
0x205: {  	v11 =	vmul.f32 v28, v27;
	v56 =	vadd.f32 v51, v50;
	v51 =	vld [tilespmem:$0x1FEE0];
	v8 =	vadd.f32 v9, v8  }
0x206: {  	v5 =	vadd.f32 v6, v5;
	v39 =	vld [tilespmem:s26+$0x4AA0];
	v1 =	vmul.f32 v4, v1;
	v0 =	vadd.f32 v0, v46  }
0x207: {  	v2 =	vadd.f32 v3, v2;
	v43 =	vld [tilespmem:s26+$0x4AB0];
	v49 =	vadd.f32 v47, v8  }
0x208: {  	(xrf2) =	vadd.scan.msk.f32 $0xffff, v44;
	v5 =	vadd.f32 v11, v5;
	v52 =	vmul.f32 v45, v7;
	v45 =	vld [tilespmem:$0x1FEF0];
	v0 =	vadd.f32 v1, v0  }
0x209: {  	(xrf2) =	vadd.scan.msk.f32 $0xffff, v2;
	v57 =	vmul.f32 v10, v19;
	v4 =	vmul.f32 v48, v12;
	v12 =	vld [tilespmem:$0x1FF20];
	v55 =	vadd.f32 v13, v49  }
0x20a: {  	v59 =	vmul.f32 v16, v15;
	v60 =	vmul.f32 v18, v17;
	(xrf2) =	vadd.scan.msk.f32 $0xffff, v5;
	v46 =	vld [tilespmem:$0x1FF00];
	v0 =	vadd.f32 v52, v0  }
0x20b: {  	v62 =	vadd.f32 v57, v56;
	v47 =	vld [tilespmem:$0x1FF10];
	(xrf2) =	vadd.scan.msk.f32 $0xffff, v55  }
0x20c: {  	v5 =	vmul.f32 v14, v32;
	v14 =	vld [tilespmem:$0x1FEB0];
	v1 =	vadd.f32 v60, v59;
	(xrf2) =	vadd.scan.msk.f32 $0xffff, v0  }
0x20d: {  	v2 =	vmul.f32 v36, v35;
	v56 =	vld [tilespmem:$0x1FEC0];
	v34 =	vadd.f32 v4, v62;
	v4 =	vmul.f32 v38, v37  }
0x20e: {  	v3 =	vmul.f32 v58, v53;
	v1 =	vadd.f32 v5, v1;
	v55 =	vld [tilespmem:$0x1FEA0]  }
0x20f: {  	v41, _, _ =	vpop (xrf2);
	v57 =	vld [tilespmem:$0x1FED0];
	v2 =	vadd.f32 v4, v2;
	v4 =	vmul.f32 v61, v42;
	(xrf2) =	vadd.scan.msk.f32 $0xffff, v34  }
0x210: {  	v44, _, _ =	vpop (xrf2);
	v49 =	vld [tilespmem:s26+$0x4BA0];
	v1 =	vadd.f32 v3, v1;
	v3 =	vmul.f32 v46, v45;
	v11 =	vmul.f32 v12, v47  }
0x211: {  	v48 =	vmul.f32 v33, v63;
	v13, _, _ =	vpop (xrf2);
	v12 =	vld [tilespmem:s26+$0xBA0];
	v2 =	vadd.f32 v4, v2  }
0x212: {  	v10 =	vmul.f32 v39, v51;
	v50, _, _ =	vpop (xrf2);
	v52 =	vld [tilespmem:s26+$0xBB0];
	v3 =	vadd.f32 v11, v3;
	(xrf2) =	vadd.scan.msk.f32 $0xffff, v1  }
0x213: {  	v53, _, _ =	vpop (xrf2);
	v2 =	vadd.f32 v48, v2;
	v4 =	vmul.f32 v14, v55;
	v14 =	vld [tilespmem:s26+$0x4BB0]  }
0x214: {  	v5 =	vmul.f32 v43, v40;
	v9 =	vmul.f32 v57, v56;
	v15, _, _ =	vpop (xrf2);
	v3 =	vadd.f32 v10, v3  }
0x215: {  	(xrf2) =	vadd.scan.msk.f32 $0xffff, v2;
	v58, _, _ =	vpop (xrf2)  }
0x216: {  	v61 =	vmul.f32 v49, v12;
	v59 =	vadd.f32 v5, v3;
	v60 =	vadd.f32 v9, v4;
	v62, _, _ =	vpop (xrf2)  }
0x217: {  	v63 =	vbroadcast v58, $0xF;
	v5 =	vbroadcast v62, $0xF  }
0x218: {  	v32 =	vbroadcast v15, $0xF;
	v3 =	vadd.f32 v61, v60;
	(xrf2) =	vadd.scan.msk.f32 $0xffff, v59;
	v33 =	vmul.f32 v14, v52  }
0x219: {  	v1 =	vbroadcast v53, $0xF;
	v35, _, _ =	vpop (xrf2);
	v34 =	vsel vm0, v63, v5  }
0x21a: {  	v3 =	vadd.f32 v33, v3;
	v5 =	vbroadcast v35, $0xF;
	v2 =	vsel vm1, v34, v32  }
0x21b: {  	v36 =	vbroadcast v50, $0xF;
	v1 =	vsel vm2, v2, v1  }
0x21c: {  	v37 =	vbroadcast v13, $0xF;
	v38, _, _ =	vpop (xrf2);
	(xrf2) =	vadd.scan.msk.f32 $0xffff, v3;
	v1 =	vsel vm3, v1, v5  }
0x21d: {  	v39 =	vbroadcast v38, $0xF;
	v1 =	vsel vm4, v1, v36  }
0x21e: {  	v0 =	vbroadcast v44, $0xF;
	v1 =	vsel vm5, v1, v37  }
0x21f: {  	v40 =	vbroadcast v41, $0xF;
	v41, _, _ =	vpop (xrf2);
	v1 =	vsel vm6, v1, v39  }
0x220: {  	v42 =	vbroadcast v41, $0xF;
	v0 =	vsel vm7, v1, v0  }
0x221: {  	v43 =	vbroadcast v22, $0xF;
	v0 =	vsel vm8, v0, v40  }
0x222: {  	v44 =	vbroadcast v21, $0xF;
	v45, _, _ =	vpop (xrf2);
	v0 =	vsel vm9, v0, v42  }
0x223: {  	v46 =	vbroadcast v45, $0xF;
	v0 =	vsel vm10, v0, v43  }
0x224: {  	v47 =	vbroadcast v54, $0xF;
	v0 =	vsel vm11, v0, v44  }
0x225: {  	v0 =	vsel vm12, v0, v46  }
0x226: {  	v48, _, _ =	vpop (xrf2);
	v0 =	vsel vm13, v0, v47  }
0x227: {  	s30 =	sadd.s32 $0x10, s28;
	v0 =	vsel vm14, v0, v48  }
0x228: {  	[tilespmem:s30+$0x0] =	vst v0  }
0x229: {  	[tilespmem:s11], [sflag:$0x1] =	stream.indirect.gather [hbm4b:s1+s10], $0x80, s18, s10, $0xb8;
	[tilespmem:$0x10600] =	vst v63  }
0x22a: {  	_ = 	snop  }
0x22b: {  	[tilespmem:s12], [sflag:$0x2] =	stream.indirect.gather [hbm4b:s1+s10], $0x80, s19, s10, $0xb8;
	[tilespmem:$0x10600] =	vst v63  }
0x22c: {  	_ =	swait.ge [sflag:s20], $0x4000  }
0x22d: {  	[sflag:s20] =	ssyncset.done $0x0  }
0x22e: {  	[sflag:s20] =	ssyncadd.s32 $0xFFFFC000  }
0x22f: {  	_ =	swait.ge [sflag:s21], $0x4000  }
0x230: {  	[sflag:s21] =	ssyncset.done $0x0  }
0x231: {  	s31 =	simm.s32 $0x0;
	[sflag:s21] =	ssyncadd.s32 $0xFFFFC000  }
0x232: {  	v20 =	vld [tilespmem:s31+$0x8B30]  }
0x233: {  	v21 =	vld [tilespmem:s31+$0xCB30]  }
0x234: {  	v49 =	vld [tilespmem:s31+$0x8B80]  }
0x235: {  	v50 =	vld [tilespmem:s31+$0xCB80]  }
0x236: {  	v51 =	vld [tilespmem:s31+$0x8B90]  }
0x237: {  	v52 =	vld [tilespmem:s31+$0xCB90]  }
0x238: {  	v22 =	vld [tilespmem:s31+$0x8B20]  }
0x239: {  	v23 =	vld [tilespmem:s31+$0xCB20]  }
0x23a: {  	v24 =	vld [tilespmem:s31+$0x8A30]  }
0x23b: {  	v25 =	vld [tilespmem:s31+$0xCA30]  }
0x23c: {  	v53 =	vld [tilespmem:s31+$0x8AA0]  }
0x23d: {  	v26 =	vld [tilespmem:s31+$0x8B00]  }
0x23e: {  	v27 =	vld [tilespmem:s31+$0xCB00]  }
0x23f: {  	v28 =	vld [tilespmem:s31+$0x8B10]  }
0x240: {  	v29 =	vld [tilespmem:s31+$0xCB10]  }
0x241: {  	v54 =	vld [tilespmem:s31+$0x89B0]  }
0x242: {  	v55 =	vld [tilespmem:s31+$0xC9B0]  }
0x243: {  	v32 =	vld [tilespmem:s31+$0x8A20]  }
0x244: {  	v33 =	vld [tilespmem:s31+$0xCA20]  }
0x245: {  	v56 =	vld [tilespmem:s31+$0x8A80]  }
0x246: {  	v57 =	vld [tilespmem:s31+$0xCA80]  }
0x247: {  	v58 =	vld [tilespmem:s31+$0x8A90]  }
0x248: {  	v59 =	vld [tilespmem:s31+$0xCA90]  }
0x249: {  	v34 =	vld [tilespmem:s31+$0x89A0]  }
0x24a: {  	v35 =	vld [tilespmem:s31+$0xC9A0]  }
0x24b: {  	v36 =	vld [tilespmem:s31+$0x8A00]  }
0x24c: {  	v37 =	vld [tilespmem:s31+$0xCA00]  }
0x24d: {  	v38 =	vld [tilespmem:s31+$0x8A10]  }
0x24e: {  	v39 =	vld [tilespmem:s31+$0xCA10]  }
0x24f: {  	v40 =	vld [tilespmem:s31+$0x88B0]  }
0x250: {  	v41 =	vld [tilespmem:s31+$0xC8B0]  }
0x251: {  	v60 =	vld [tilespmem:s31+$0x8920]  }
0x252: {  	v42 =	vld [tilespmem:s31+$0x8980]  }
0x253: {  	v43 =	vld [tilespmem:s31+$0xC980]  }
0x254: {  	v44 =	vld [tilespmem:s31+$0x8990]  }
0x255: {  	v45 =	vld [tilespmem:s31+$0xC990]  }
0x256: {  	v46 =	vld [tilespmem:s31+$0x8830]  }
0x257: {  	v47 =	vld [tilespmem:s31+$0xC830]  }
0x258: {  	v48 =	vld [tilespmem:s31+$0x88A0]  }
0x259: {  	v61 =	vld [tilespmem:s31+$0x8900]  }
0x25a: {  	v62 =	vld [tilespmem:s31+$0xC900]  }
0x25b: {  	v63 =	vld [tilespmem:s31+$0x8910]  }
0x25c: {  	v4 =	vld [tilespmem:s31+$0xC910]  }
0x25d: {  	v5 =	vld [tilespmem:s31+$0x87A0]  }
0x25e: {  	v13 =	vld [tilespmem:s31+$0x8720]  }
0x25f: {  	v10 =	vld [tilespmem:s31+$0xC720]  }
0x260: {  	v6 =	vld [tilespmem:s31+$0x8780]  }
0x261: {  	v7 =	vld [tilespmem:s31+$0xC780]  }
0x262: {  	v8 =	vld [tilespmem:s31+$0x8790]  }
0x263: {  	v9 =	vld [tilespmem:s31+$0xC790]  }
0x264: {  	v15 =	vld [tilespmem:s31+$0x86A0]  }
0x265: {  	v14 =	vld [tilespmem:s31+$0xC6A0]  }
0x266: {  	v3 =	vld [tilespmem:s31+$0x8700]  }
0x267: {  	v2 =	vld [tilespmem:s31+$0xC700]  }
0x268: {  	v1 =	vld [tilespmem:s31+$0x8710]  }
0x269: {  	v0 =	vld [tilespmem:s31+$0xC710]  }
0x26a: {  	v17 =	vld [tilespmem:s31+$0x85B0]  }
0x26b: {  	v16 =	vld [tilespmem:s31+$0xC5B0]  }
0x26c: {  	v11 =	vld [tilespmem:s31+$0x8620]  }
0x26d: {  	v31 =	vld [tilespmem:s31+$0x8530]  }
0x26e: {  	v30 =	vld [tilespmem:s31+$0xC530]  }
0x26f: {  	v19 =	vld [tilespmem:s31+$0x8430]  }
0x270: {  	v18 =	vld [tilespmem:s31+$0xC430]  }
0x271: {  	v12 =	vld [tilespmem:s31+$0x8520]  }
0x272: {  	[tilespmem:$0x1FB10] =	vst v49;
	v49 =	vld [tilespmem:s31+$0xC8A0]  }
0x273: {  	[tilespmem:$0x1FB20] =	vst v50;
	v50 =	vld [tilespmem:s31+$0x8820]  }
0x274: {  	[tilespmem:$0x1FB30] =	vst v51;
	v51 =	vld [tilespmem:s31+$0xC820]  }
0x275: {  	[tilespmem:$0x1FB40] =	vst v52;
	v52 =	vld [tilespmem:s31+$0x8880]  }
0x276: {  	[tilespmem:$0x1FB00] =	vst v53;
	v53 =	vld [tilespmem:s31+$0xC880]  }
0x277: {  	[tilespmem:$0x1F9B0] =	vst v54;
	v54 =	vld [tilespmem:s31+$0x8890]  }
0x278: {  	[tilespmem:$0x1F9C0] =	vst v55;
	v55 =	vld [tilespmem:s31+$0xC890]  }
0x279: {  	[tilespmem:$0x1FAC0] =	vst v56;
	v56 =	vld [tilespmem:s31+$0x8730]  }
0x27a: {  	[tilespmem:$0x1FAD0] =	vst v57;
	v57 =	vld [tilespmem:s31+$0xC730]  }
0x27b: {  	[tilespmem:$0x1FAE0] =	vst v58;
	v58 =	vld [tilespmem:s31+$0x8800]  }
0x27c: {  	[tilespmem:$0x1FAF0] =	vst v59;
	v59 =	vld [tilespmem:s31+$0xC800]  }
0x27d: {  	[tilespmem:$0x1FAB0] =	vst v60;
	v60 =	vld [tilespmem:s31+$0x8810]  }
0x27e: {  	[tilespmem:$0x1FA70] =	vst v61;
	v61 =	vld [tilespmem:s31+$0xC810]  }
0x27f: {  	[tilespmem:$0x1FA80] =	vst v62;
	v62 =	vld [tilespmem:s31+$0x86B0]  }
0x280: {  	[tilespmem:$0x1FA90] =	vst v63;
	v63 =	vld [tilespmem:s31+$0xC6B0]  }
0x281: {  	[tilespmem:$0x1FA30] =	vst v7;
	v7 =	vld [tilespmem:s31+$0x8680]  }
0x282: {  	[tilespmem:$0x1FA20] =	vst v6;
	v6 =	vld [tilespmem:s31+$0xC680]  }
0x283: {  	[tilespmem:$0x1FA60] =	vst v5;
	v5 =	vld [tilespmem:s31+$0x8690]  }
0x284: {  	[tilespmem:$0x1FAA0] =	vst v4;
	v4 =	vld [tilespmem:s31+$0xC690]  }
0x285: {  	[tilespmem:$0x1FA50] =	vst v9;
	v9 =	vld [tilespmem:s31+$0x85A0]  }
0x286: {  	[tilespmem:$0x1FA40] =	vst v8;
	v8 =	vld [tilespmem:s31+$0xC5A0]  }
0x287: {  	[tilespmem:$0x1FA10] =	vst v11;
	v11 =	vld [tilespmem:s31+$0x8600]  }
0x288: {  	v26 =	vmul.f32 v27, v26;
	v27 =	vmul.f32 v29, v28;
	v28 =	vld [tilespmem:s31+$0x8580]  }
0x289: {  	v29 =	vmul.f32 v37, v36;
	v37 =	vld [tilespmem:s31+$0xC580]  }
0x28a: {  	v22 =	vmul.f32 v23, v22;
	v23 =	vld [tilespmem:s31+$0x8590]  }
0x28b: {  	v24 =	vmul.f32 v25, v24;
	v25 =	vld [tilespmem:s31+$0xC420]  }
0x28c: {  	v36 =	vmul.f32 v39, v38;
	v39 =	vld [tilespmem:$0x1FA20]  }
0x28d: {  	v40 =	vmul.f32 v41, v40;
	v41 =	vld [tilespmem:$0x1FA40]  }
0x28e: {  	v20 =	vmul.f32 v21, v20;
	v21 =	vadd.f32 v36, v29;
	v29 =	vld [tilespmem:s31+$0xC590]  }
0x28f: {  	v26 =	vadd.f32 v27, v26;
	v27 =	vmul.f32 v33, v32;
	v33 =	vld [tilespmem:s31+$0x8420]  }
0x290: {  	v36 =	vld [tilespmem:$0x1FA10]  }
0x291: {  	v21 =	vadd.f32 v27, v21;
	v27 =	vld [tilespmem:s31+$0x8500]  }
0x292: {  	[tilespmem:$0x1F9D0] =	vst v11;
	v11 =	vld [tilespmem:s31+$0xC600]  }
0x293: {  	v22 =	vadd.f32 v22, v26;
	v26 =	vmul.f32 v43, v42;
	v43 =	vmul.f32 v53, v52;
	v52 =	vld [tilespmem:s31+$0x8510]  }
0x294: {  	v53 =	vld [tilespmem:$0x1F9B0]  }
0x295: {  	v42 =	vmul.f32 v45, v44;
	v44 =	vmul.f32 v55, v54;
	v54 =	vld [tilespmem:$0x1F9C0]  }
0x296: {  	v45 =	vmul.f32 v61, v60;
	v60 =	vld [tilespmem:s31+$0xC400]  }
0x297: {  	v61 =	vld [tilespmem:s31+$0x8400]  }
0x298: {  	v55 =	vmul.f32 v49, v48;
	v48 =	vmul.f32 v14, v15;
	v14 =	vld [tilespmem:s31+$0x8490]  }
0x299: {  	v49 =	vld [tilespmem:s31+$0xC490]  }
0x29a: {  	v21 =	vadd.f32 v24, v21;
	v24 =	vld [tilespmem:s31+$0xC500]  }
0x29b: {  	v20 =	vadd.f32 v20, v22;
	v22 =	vadd.f32 v42, v26;
	v42 =	vld [tilespmem:s31+$0x8410]  }
0x29c: {  	v15 =	vmul.f32 v63, v62;
	v62 =	vld [tilespmem:$0x1F9D0]  }
0x29d: {  	v26 =	vmul.f32 v35, v34;
	v35 =	vld [tilespmem:s31+$0x87B0]  }
0x29e: {  	v32 =	vadd.f32 v44, v43;
	v43 =	vmul.f32 v10, v13;
	v44 =	vld [tilespmem:s31+$0xC410]  }
0x29f: {  	v13 =	vmul.f32 v29, v23;
	v23 =	vmul.f32 v57, v56;
	v56 =	vld [tilespmem:s31+$0xC620]  }
0x2a0: {  	[tilespmem:$0x1F9E0] =	vst v11;
	v11 =	vld [tilespmem:s31+$0x8610]  }
0x2a1: {  	v22 =	vadd.f32 v26, v22;
	v26 =	vmul.f32 v59, v58;
	v58 =	vld [tilespmem:s31+$0xC510]  }
0x2a2: {  	v59 =	vmul.f32 v51, v50;
	v51 =	vmul.f32 v16, v17;
	v16 =	vld [tilespmem:s31+$0xC4A0]  }
0x2a3: {  	v32 =	vadd.f32 v55, v32;
	v55 =	vmul.f32 v49, v14;
	v14 =	vld [tilespmem:s31+$0xC630]  }
0x2a4: {  	v38 =	vmul.f32 v54, v53;
	v26 =	vadd.f32 v45, v26;
	v50 =	vmul.f32 v24, v27;
	v24 =	vld [tilespmem:s31+$0x84A0]  }
0x2a5: {  	v6 =	vmul.f32 v6, v7;
	v4 =	vmul.f32 v4, v5;
	v32 =	vadd.f32 v40, v32;
	[tilespmem:$0x1F9F0] =	vst v11;
	v11 =	vld [tilespmem:s31+$0xC610]  }
0x2a6: {  	(xrf2) =	vadd.scan.msk.f32 $0xffff, v20;
	v40 =	vld [tilespmem:$0x1FA30];
	v38 =	vadd.f32 v38, v22;
	v22 =	vadd.f32 v59, v26;
	v26 =	vmul.f32 v47, v46  }
0x2a7: {  	v4 =	vadd.f32 v4, v6;
	(xrf2) =	vadd.scan.msk.f32 $0xffff, v21;
	v46 =	vld [tilespmem:s31+$0x8480]  }
0x2a8: {  	v2 =	vmul.f32 v2, v3;
	v0 =	vmul.f32 v0, v1;
	v45 =	vadd.f32 v26, v22;
	v22 =	vld [tilespmem:s31+$0xC480];
	(xrf2) =	vadd.scan.msk.f32 $0xffff, v38  }
0x2a9: {  	v4 =	vadd.f32 v48, v4;
	(xrf2) =	vadd.scan.msk.f32 $0xffff, v32;
	v32 =	vld [tilespmem:$0x1F9F0]  }
0x2aa: {  	v0 =	vadd.f32 v0, v2;
	[tilespmem:$0x1FA00] =	vst v11;
	v11 =	vld [tilespmem:s31+$0xC520]  }
0x2ab: {  	v4 =	vadd.f32 v15, v4;
	v47 =	vmul.f32 v37, v28;
	v15 =	vld [tilespmem:$0x1FA00]  }
0x2ac: {  	v0 =	vadd.f32 v43, v0;
	v37 =	vld [tilespmem:s31+$0xC7B0]  }
0x2ad: {  	v10 =	vmul.f32 v44, v42;
	v42 =	vld [tilespmem:$0x1FA50];
	v2 =	vadd.f32 v13, v47;
	v13 =	vmul.f32 v58, v52  }
0x2ae: {  	v1 =	vmul.f32 v60, v61;
	v0 =	vadd.f32 v23, v0;
	v47 =	vld [tilespmem:$0x1FA60]  }
0x2af: {  	v6 =	vadd.f32 v13, v50;
	v13 =	vld [tilespmem:s31+$0x8630];
	v54 =	vmul.f32 v22, v46;
	v11 =	vmul.f32 v11, v12  }
0x2b0: {  	v1 =	vadd.f32 v10, v1;
	v58 =	vmul.f32 v25, v33;
	v10 =	vmul.f32 v15, v32;
	v15 =	vld [tilespmem:s31+$0xC7A0]  }
0x2b1: {  	v52 =	vld [tilespmem:s31+$0xC4B0];
	(xrf2) =	vadd.scan.msk.f32 $0xffff, v45;
	v60 =	vmul.f32 v16, v24;
	v53 =	vadd.f32 v11, v6;
	v6 =	vadd.f32 v55, v54  }
0x2b2: {  	v61 =	vadd.f32 v58, v1;
	(xrf2) =	vadd.scan.msk.f32 $0xffff, v0;
	v12 =	vld [tilespmem:s31+$0x84B0]  }
0x2b3: {  	v58 =	vld [tilespmem:$0x1FAC0];
	(xrf2) =	vadd.scan.msk.f32 $0xffff, v4;
	v4 =	vmul.f32 v40, v39;
	v33 =	vadd.f32 v60, v6;
	v6 =	vmul.f32 v42, v41  }
0x2b4: {  	v45 =	vmul.f32 v14, v13;
	v14 =	vld [tilespmem:$0x1FAD0]  }
0x2b5: {  	v17 =	vld [tilespmem:$0x1FB20];
	v4 =	vadd.f32 v6, v4;
	v6 =	vmul.f32 v15, v47  }
0x2b6: {  	v63 =	vld [tilespmem:$0x1F9E0]  }
0x2b7: {  	v5 =	vmul.f32 v37, v35;
	v34 =	vmul.f32 v52, v12;
	v52 =	vld [tilespmem:$0x1FA90];
	v4 =	vadd.f32 v6, v4  }
0x2b8: {  	v15 =	vld [tilespmem:$0x1FAF0]  }
0x2b9: {  	v4 =	vadd.f32 v5, v4;
	v5 =	vmul.f32 v14, v58;
	v14 =	vld [tilespmem:$0x1FAE0]  }
0x2ba: {  	v8 =	vmul.f32 v8, v9;
	v12 =	vld [tilespmem:$0x1FAA0]  }
0x2bb: {  	v43 =	vld [tilespmem:s31+$0xC920]  }
0x2bc: {  	v48 =	vld [tilespmem:s31+$0xC930];
	v2 =	vadd.f32 v8, v2  }
0x2bd: {  	v57 =	vmul.f32 v30, v31;
	v50 =	vld [tilespmem:$0x1FA70]  }
0x2be: {  	v59 =	vmul.f32 v18, v19;
	v2 =	vadd.f32 v51, v2;
	v51 =	vld [tilespmem:$0x1FA80];
	v14 =	vmul.f32 v15, v14  }
0x2bf: {  	v1 =	vmul.f32 v63, v62;
	v11 =	vmul.f32 v12, v52;
	v12 =	vld [tilespmem:s31+$0xCAA0]  }
0x2c0: {  	v3 =	vadd.f32 v57, v53;
	v5 =	vadd.f32 v14, v5;
	v14 =	vld [tilespmem:$0x1FB00]  }
0x2c1: {  	v0 =	vadd.f32 v59, v61;
	(xrf2) =	vadd.scan.msk.f32 $0xffff, v2;
	v2 =	vmul.f32 v56, v36;
	v55 =	vld [tilespmem:$0x1FAB0];
	v1 =	vadd.f32 v10, v1  }
0x2c2: {  	v62 =	vld [tilespmem:$0x1FB10];
	(xrf2) =	vadd.scan.msk.f32 $0xffff, v3;
	v38 =	vadd.f32 v34, v33  }
0x2c3: {  	v46 =	vld [tilespmem:s31+$0x8930];
	v44 =	vadd.f32 v2, v1;
	(xrf2) =	vadd.scan.msk.f32 $0xffff, v0  }
0x2c4: {  	v63 =	vld [tilespmem:$0x1FB30];
	v9, _, _ =	vpop (xrf2);
	v1 =	vmul.f32 v51, v50;
	(xrf2) =	vadd.scan.msk.f32 $0xffff, v38  }
0x2c5: {  	v49, _, _ =	vpop (xrf2);
	v56 =	vld [tilespmem:s31+$0xCAB0];
	v0 =	vadd.f32 v45, v44;
	v12 =	vmul.f32 v12, v14  }
0x2c6: {  	v13, _, _ =	vpop (xrf2);
	v53 =	vld [tilespmem:s31+$0x8AB0];
	v8 =	vmul.f32 v43, v55;
	v1 =	vadd.f32 v11, v1  }
0x2c7: {  	v54, _, _ =	vpop (xrf2);
	(xrf2) =	vadd.scan.msk.f32 $0xffff, v0;
	v5 =	vadd.f32 v12, v5;
	v12 =	vld [tilespmem:$0x1FB40]  }
0x2c8: {  	v59 =	vld [tilespmem:s31+$0xCBA0];
	v57, _, _ =	vpop (xrf2);
	v2 =	vmul.f32 v48, v46;
	v1 =	vadd.f32 v8, v1  }
0x2c9: {  	v16, _, _ =	vpop (xrf2);
	v15 =	vld [tilespmem:s31+$0x8BA0]  }
0x2ca: {  	v60, _, _ =	vpop (xrf2);
	(xrf2) =	vadd.scan.msk.f32 $0xffff, v4;
	v1 =	vadd.f32 v2, v1;
	v2 =	vmul.f32 v17, v62;
	v17 =	vld [tilespmem:s31+$0xCBB0]  }
0x2cb: {  	v61, _, _ =	vpop (xrf2);
	v14 =	vld [tilespmem:s31+$0x8BB0]  }
0x2cc: {  	v6 =	vmul.f32 v56, v53;
	v18, _, _ =	vpop (xrf2);
	v11 =	vmul.f32 v12, v63  }
0x2cd: {  	(xrf2) =	vadd.scan.msk.f32 $0xffff, v1;
	v12, _, _ =	vpop (xrf2)  }
0x2ce: {  	v33 =	vmul.f32 v59, v15;
	v32 =	vadd.f32 v6, v5;
	v34, _, _ =	vpop (xrf2);
	v2 =	vadd.f32 v11, v2  }
0x2cf: {  	v35 =	vbroadcast v12, $0xF;
	v6 =	vbroadcast v34, $0xF  }
0x2d0: {  	v36 =	vbroadcast v18, $0xF;
	v37 =	vmul.f32 v17, v14;
	(xrf2) =	vadd.scan.msk.f32 $0xffff, v32;
	v2 =	vadd.f32 v33, v2  }
0x2d1: {  	v4 =	vbroadcast v61, $0xF;
	v39, _, _ =	vpop (xrf2);
	v38 =	vsel vm0, v35, v6  }
0x2d2: {  	v6 =	vbroadcast v39, $0xF;
	v1 =	vsel vm1, v38, v36;
	v2 =	vadd.f32 v37, v2  }
0x2d3: {  	v40 =	vbroadcast v60, $0xF;
	v1 =	vsel vm2, v1, v4  }
0x2d4: {  	v41 =	vbroadcast v16, $0xF;
	v42, _, _ =	vpop (xrf2);
	v1 =	vsel vm3, v1, v6;
	(xrf2) =	vadd.scan.msk.f32 $0xffff, v2  }
0x2d5: {  	v43 =	vbroadcast v42, $0xF;
	v1 =	vsel vm4, v1, v40  }
0x2d6: {  	v0 =	vbroadcast v57, $0xF;
	v1 =	vsel vm5, v1, v41  }
0x2d7: {  	v44 =	vbroadcast v54, $0xF;
	v45, _, _ =	vpop (xrf2);
	v1 =	vsel vm6, v1, v43  }
0x2d8: {  	v46 =	vbroadcast v45, $0xF;
	v0 =	vsel vm7, v1, v0  }
0x2d9: {  	v47 =	vbroadcast v13, $0xF;
	v0 =	vsel vm8, v0, v44  }
0x2da: {  	v48 =	vbroadcast v49, $0xF;
	v49, _, _ =	vpop (xrf2);
	v0 =	vsel vm9, v0, v46  }
0x2db: {  	v50 =	vbroadcast v49, $0xF;
	v0 =	vsel vm10, v0, v47  }
0x2dc: {  	v51 =	vbroadcast v9, $0xF;
	v0 =	vsel vm11, v0, v48  }
0x2dd: {  	v0 =	vsel vm12, v0, v50  }
0x2de: {  	v0 =	vsel vm13, v0, v51;
	v52, _, _ =	vpop (xrf2)  }
0x2df: {  	s26 =	simm.s32 $0x10480;
	v0 =	vsel vm14, v0, v52  }
0x2e0: {  	s28 =	simm.s32 $0x800;
	[tilespmem:s26+$0x0] =	vst v0  }
0x2e1: {  	v6 =	vld [tilespmem:s28+$0x8B30]  }
0x2e2: {  	v9 =	vld [tilespmem:s28+$0xCB30]  }
0x2e3: {  	v0 =	vld [tilespmem:s28+$0x8B80]  }
0x2e4: {  	v53 =	vld [tilespmem:s28+$0xCB80]  }
0x2e5: {  	v54 =	vld [tilespmem:s28+$0x8B90]  }
0x2e6: {  	v55 =	vld [tilespmem:s28+$0xCB90]  }
0x2e7: {  	v56 =	vld [tilespmem:s28+$0x8B20]  }
0x2e8: {  	v31 =	vld [tilespmem:s28+$0xCB20]  }
0x2e9: {  	v11 =	vld [tilespmem:s28+$0x8A30]  }
0x2ea: {  	v12 =	vld [tilespmem:s28+$0xCA30]  }
0x2eb: {  	v57 =	vld [tilespmem:s28+$0x8AA0]  }
0x2ec: {  	v26 =	vld [tilespmem:s28+$0x8B00]  }
0x2ed: {  	v32 =	vld [tilespmem:s28+$0xCB00]  }
0x2ee: {  	v33 =	vld [tilespmem:s28+$0x8B10]  }
0x2ef: {  	v35 =	vld [tilespmem:s28+$0xCB10]  }
0x2f0: {  	v14 =	vld [tilespmem:s28+$0x89B0]  }
0x2f1: {  	v23 =	vld [tilespmem:s28+$0xC9B0]  }
0x2f2: {  	v58 =	vld [tilespmem:s28+$0x8A20]  }
0x2f3: {  	v63 =	vld [tilespmem:s28+$0xCA20]  }
0x2f4: {  	v59 =	vld [tilespmem:s28+$0x8A80]  }
0x2f5: {  	v60 =	vld [tilespmem:s28+$0xCA80]  }
0x2f6: {  	v61 =	vld [tilespmem:s28+$0x8A90]  }
0x2f7: {  	v62 =	vld [tilespmem:s28+$0xCA90]  }
0x2f8: {  	v36 =	vld [tilespmem:s28+$0x89A0]  }
0x2f9: {  	v34 =	vld [tilespmem:s28+$0xC9A0]  }
0x2fa: {  	v43 =	vld [tilespmem:s28+$0x8A00]  }
0x2fb: {  	v44 =	vld [tilespmem:s28+$0xCA00]  }
0x2fc: {  	v45 =	vld [tilespmem:s28+$0x8A10]  }
0x2fd: {  	v46 =	vld [tilespmem:s28+$0xCA10]  }
0x2fe: {  	v5 =	vld [tilespmem:s28+$0x88B0]  }
0x2ff: {  	v7 =	vld [tilespmem:s28+$0xC8B0]  }
0x300: {  	v4 =	vld [tilespmem:s28+$0x8920]  }
0x301: {  	v49 =	vld [tilespmem:s28+$0x8980]  }
0x302: {  	v1 =	vld [tilespmem:s28+$0xC980]  }
0x303: {  	v2 =	vld [tilespmem:s28+$0x8990]  }
0x304: {  	v52 =	vld [tilespmem:s28+$0xC990]  }
0x305: {  	v3 =	vld [tilespmem:s28+$0x8830]  }
0x306: {  	v8 =	vld [tilespmem:s28+$0x8900]  }
0x307: {  	v10 =	vld [tilespmem:s28+$0xC900]  }
0x308: {  	v37 =	vld [tilespmem:s28+$0x8910]  }
0x309: {  	v38 =	vld [tilespmem:s28+$0xC910]  }
0x30a: {  	v50 =	vld [tilespmem:s28+$0x8820]  }
0x30b: {  	v39 =	vld [tilespmem:s28+$0xC820]  }
0x30c: {  	v13 =	vld [tilespmem:s28+$0x8730]  }
0x30d: {  	v20 =	vld [tilespmem:s28+$0xC730]  }
0x30e: {  	v40 =	vld [tilespmem:s28+$0x87A0]  }
0x30f: {  	v48 =	vld [tilespmem:s28+$0xC800]  }
0x310: {  	v47 =	vld [tilespmem:s28+$0xC810]  }
0x311: {  	v15 =	vld [tilespmem:s28+$0x8780]  }
0x312: {  	v16 =	vld [tilespmem:s28+$0xC780]  }
0x313: {  	v17 =	vld [tilespmem:s28+$0x8790]  }
0x314: {  	v18 =	vld [tilespmem:s28+$0xC790]  }
0x315: {  	v41 =	vld [tilespmem:s28+$0x86A0]  }
0x316: {  	v42 =	vld [tilespmem:s28+$0xC6A0]  }
0x317: {  	v22 =	vld [tilespmem:s28+$0xC700]  }
0x318: {  	v21 =	vld [tilespmem:s28+$0xC710]  }
0x319: {  	v29 =	vld [tilespmem:s28+$0x85B0]  }
0x31a: {  	v30 =	vld [tilespmem:s28+$0xC5B0]  }
0x31b: {  	v19 =	vld [tilespmem:s28+$0x8620]  }
0x31c: {  	v27 =	vld [tilespmem:s28+$0x8530]  }
0x31d: {  	v28 =	vld [tilespmem:s28+$0xC530]  }
0x31e: {  	v51 =	vld [tilespmem:s28+$0x85A0]  }
0x31f: {  	v24 =	vld [tilespmem:s28+$0xC600]  }
0x320: {  	v25 =	vld [tilespmem:s28+$0x8610]  }
0x321: {  	[tilespmem:$0x1FBE0] =	vst v4;
	v4 =	vld [tilespmem:s28+$0xC830]  }
0x322: {  	[tilespmem:$0x1FC50] =	vst v58;
	v58 =	vld [tilespmem:s28+$0x88A0]  }
0x323: {  	[tilespmem:$0x1FB90] =	vst v57;
	v57 =	vld [tilespmem:s28+$0xC8A0]  }
0x324: {  	[tilespmem:$0x1FBA0] =	vst v59;
	v59 =	vld [tilespmem:s28+$0x8880]  }
0x325: {  	[tilespmem:$0x1FBB0] =	vst v60;
	v60 =	vld [tilespmem:s28+$0xC880]  }
0x326: {  	[tilespmem:$0x1FBC0] =	vst v61;
	v61 =	vld [tilespmem:s28+$0x8890]  }
0x327: {  	[tilespmem:$0x1FBD0] =	vst v62;
	v62 =	vld [tilespmem:s28+$0xC890]  }
0x328: {  	[tilespmem:$0x1FB70] =	vst v54;
	v54 =	vld [tilespmem:s28+$0x8800]  }
0x329: {  	[tilespmem:$0x1FB60] =	vst v53;
	v53 =	vld [tilespmem:s28+$0x8810]  }
0x32a: {  	[tilespmem:$0x1FBF0] =	vst v8;
	v8 =	vld [tilespmem:s28+$0x86B0]  }
0x32b: {  	[tilespmem:$0x1FC00] =	vst v10;
	v10 =	vld [tilespmem:s28+$0xC6B0]  }
0x32c: {  	[tilespmem:$0x1FC40] =	vst v56;
	v56 =	vld [tilespmem:s28+$0x8720]  }
0x32d: {  	[tilespmem:$0x1FB80] =	vst v55;
	v55 =	vld [tilespmem:s28+$0xC720]  }
0x32e: {  	[tilespmem:$0x1FC20] =	vst v38;
	v38 =	vld [tilespmem:s28+$0x8700]  }
0x32f: {  	[tilespmem:$0x1FC10] =	vst v37;
	v37 =	vld [tilespmem:s28+$0x8710]  }
0x330: {  	[tilespmem:$0x1FC80] =	vst v42;
	v42 =	vld [tilespmem:s28+$0x8680]  }
0x331: {  	[tilespmem:$0x1FC30] =	vst v40;
	v40 =	vld [tilespmem:s28+$0xC680]  }
0x332: {  	[tilespmem:$0x1FC70] =	vst v41;
	v41 =	vld [tilespmem:s28+$0x8690]  }
0x333: {  	[tilespmem:$0x1FC60] =	vst v39;
	v39 =	vld [tilespmem:s28+$0xC690]  }
0x334: {  	[tilespmem:$0x1FC90] =	vst v51;
	v51 =	vld [tilespmem:s28+$0xC5A0]  }
0x335: {  	v32 =	vmul.f32 v32, v26;
	v26 =	vld [tilespmem:s28+$0xC610];
	v43 =	vmul.f32 v44, v43  }
0x336: {  	v44 =	vmul.f32 v46, v45;
	v45 =	vmul.f32 v1, v49;
	v49 =	vld [tilespmem:s28+$0x8590]  }
0x337: {  	v1 =	vld [tilespmem:s28+$0x8500]  }
0x338: {  	v33 =	vmul.f32 v35, v33;
	v35 =	vld [tilespmem:$0x1FC40]  }
0x339: {  	v46 =	vmul.f32 v52, v2;
	v52 =	vld [tilespmem:$0x1FC50]  }
0x33a: {  	v5 =	vmul.f32 v7, v5;
	v7 =	vld [tilespmem:$0x1FC60]  }
0x33b: {  	[tilespmem:$0x1FB50] =	vst v0;
	v0 =	vadd.f32 v33, v32;
	v32 =	vld [tilespmem:s28+$0xC430]  }
0x33c: {  	v33 =	vld [tilespmem:s28+$0x8520]  }
0x33d: {  	v45 =	vadd.f32 v46, v45;
	v46 =	vld [tilespmem:s28+$0x8580]  }
0x33e: {  	v43 =	vadd.f32 v44, v43;
	v44 =	vld [tilespmem:s28+$0xC580]  }
0x33f: {  	v6 =	vmul.f32 v9, v6;
	v34 =	vmul.f32 v34, v36;
	[tilespmem:$0x1FCA0] =	vst v51;
	v51 =	vld [tilespmem:s28+$0x8600]  }
0x340: {  	v21 =	vmul.f32 v21, v37;
	v37 =	vld [tilespmem:s28+$0xC400];
	v35 =	vmul.f32 v31, v35  }
0x341: {  	v22 =	vmul.f32 v22, v38;
	v38 =	vld [tilespmem:s28+$0x8400];
	v2 =	vmul.f32 v63, v52  }
0x342: {  	v11 =	vmul.f32 v12, v11;
	v39 =	vmul.f32 v39, v41;
	v41 =	vld [tilespmem:s28+$0xC410];
	v0 =	vadd.f32 v35, v0  }
0x343: {  	v34 =	vadd.f32 v34, v45;
	v40 =	vmul.f32 v40, v42;
	v31 =	vld [tilespmem:s28+$0x8430];
	v9 =	vadd.f32 v2, v43  }
0x344: {  	v52 =	vmul.f32 v23, v14;
	v63 =	vmul.f32 v57, v58;
	v57 =	vld [tilespmem:$0x1FC70];
	v0 =	vadd.f32 v6, v0  }
0x345: {  	v58 =	vld [tilespmem:$0x1FC80];
	v36 =	vadd.f32 v11, v9  }
0x346: {  	v40 =	vadd.f32 v39, v40;
	v39 =	vld [tilespmem:s28+$0x8410];
	v45 =	vadd.f32 v52, v34;
	(xrf2) =	vadd.scan.msk.f32 $0xffff, v0  }
0x347: {  	v60 =	vmul.f32 v60, v59;
	v62 =	vmul.f32 v62, v61;
	v35 =	vld [tilespmem:s28+$0xC520];
	(xrf2) =	vadd.scan.msk.f32 $0xffff, v36  }
0x348: {  	v48 =	vmul.f32 v48, v54;
	v47 =	vmul.f32 v47, v53;
	v43 =	vld [tilespmem:s28+$0xC590];
	(xrf2) =	vadd.scan.msk.f32 $0xffff, v45  }
0x349: {  	v21 =	vadd.f32 v21, v22;
	v52 =	vld [tilespmem:s28+$0xC500]  }
0x34a: {  	v22 =	vmul.f32 v55, v56;
	v6 =	vadd.f32 v47, v48;
	v48 =	vld [tilespmem:s28+$0x8510];
	v0 =	vadd.f32 v62, v60  }
0x34b: {  	v9 =	vmul.f32 v7, v50;
	v11 =	vld [tilespmem:s28+$0xC510]  }
0x34c: {  	v21 =	vadd.f32 v22, v21;
	v22 =	vmul.f32 v20, v13;
	v62 =	vld [tilespmem:$0x1FC90];
	v0 =	vadd.f32 v63, v0  }
0x34d: {  	v56 =	vmul.f32 v4, v3;
	v55 =	vadd.f32 v9, v6;
	v63 =	vld [tilespmem:$0x1FCA0]  }
0x34e: {  	v34 =	vld [tilespmem:s28+$0x8420];
	v59 =	vmul.f32 v58, v57;
	v22 =	vadd.f32 v22, v21;
	v0 =	vadd.f32 v5, v0  }
0x34f: {  	v44 =	vmul.f32 v44, v46;
	v36 =	vld [tilespmem:s28+$0xC420];
	v43 =	vmul.f32 v43, v49;
	v42 =	vadd.f32 v56, v55  }
0x350: {  	v61 =	vmul.f32 v10, v8;
	v60 =	vadd.f32 v59, v40;
	v40 =	vld [tilespmem:s28+$0x8480];
	(xrf2) =	vadd.scan.msk.f32 $0xffff, v0;
	v54, _, _ =	vpop (xrf2)  }
0x351: {  	v47 =	vmul.f32 v52, v1;
	v45 =	vadd.f32 v43, v44;
	v43 =	vld [tilespmem:s28+$0x8490];
	(xrf2) =	vadd.scan.msk.f32 $0xffff, v42;
	v21, _, _ =	vpop (xrf2)  }
0x352: {  	s29 =	simm.s32 $0x4000;
	v48 =	vmul.f32 v11, v48;
	v44 =	vadd.f32 v61, v60;
	v46 =	vmul.f32 v63, v62;
	v42 =	vld [tilespmem:s28+$0xC480];
	(xrf2) =	vadd.scan.msk.f32 $0xffff, v22;
	v22, _, _ =	vpop (xrf2)  }
.LBB2_4:
0x353: {  	v49 =	vld [tilespmem:s28+$0xC490]  }
0x354: {  	v10 =	vld [tilespmem:s28+$0xC4A0]  }
0x355: {  	v11 =	vld [tilespmem:s28+$0x84B0]  }
0x356: {  	v50 =	vld [tilespmem:s28+$0xC630]  }
0x357: {  	v15 =	vmul.f32 v16, v15;
	v16 =	vmul.f32 v18, v17;
	v17 =	vld [tilespmem:s28+$0xC920]  }
0x358: {  	v52 =	vld [tilespmem:$0x1FBF0]  }
0x359: {  	v1 =	vld [tilespmem:$0x1FC00]  }
0x35a: {  	v53 =	vld [tilespmem:$0x1FC10]  }
0x35b: {  	v55 =	vld [tilespmem:$0x1FC20]  }
0x35c: {  	v12 =	vld [tilespmem:s28+$0xCAA0]  }
0x35d: {  	v56 =	vld [tilespmem:$0x1FBE0]  }
0x35e: {  	v57 =	vld [tilespmem:s28+$0xCAB0]  }
0x35f: {  	v58 =	vld [tilespmem:$0x1FBA0]  }
0x360: {  	v59 =	vld [tilespmem:$0x1FBB0]  }
0x361: {  	v60 =	vld [tilespmem:$0x1FBC0]  }
0x362: {  	v61 =	vld [tilespmem:$0x1FBD0]  }
0x363: {  	v62 =	vld [tilespmem:$0x1FB90];
	v45 =	vadd.f32 v46, v45;
	v0 =	vmul.f32 v30, v29;
	v33 =	vmul.f32 v35, v33  }
0x364: {  	v7 =	vadd.f32 v48, v47;
	v30 =	vld [tilespmem:s28+$0x84A0];
	v8 =	vmul.f32 v37, v38;
	v9 =	vmul.f32 v41, v39  }
0x365: {  	(xrf2) =	vadd.scan.msk.f32 $0xffff, v44;
	v47 =	vld [tilespmem:s28+$0xC620];
	v15 =	vadd.f32 v16, v15;
	v27 =	vmul.f32 v28, v27;
	v34 =	vmul.f32 v36, v34  }
0x366: {  	v44 =	vld [tilespmem:s28+$0xC4B0];
	v31 =	vmul.f32 v32, v31;
	v0 =	vadd.f32 v0, v45;
	v33 =	vadd.f32 v33, v7  }
0x367: {  	v48 =	vld [tilespmem:s28+$0x8630];
	v46 =	vmul.f32 v49, v43;
	v28 =	vadd.f32 v9, v8;
	v45 =	vmul.f32 v42, v40  }
0x368: {  	v16 =	vld [tilespmem:s28+$0xC930];
	v23 =	vmul.f32 v24, v51;
	v24 =	vmul.f32 v26, v25;
	v29, _, _ =	vpop (xrf2);
	(xrf2) =	vadd.scan.msk.f32 $0xffff, v0;
	v27 =	vadd.f32 v27, v33  }
0x369: {  	v25 =	vld [tilespmem:s28+$0xC7A0];
	v28 =	vadd.f32 v34, v28;
	v49 =	vadd.f32 v46, v45;
	v30 =	vmul.f32 v10, v30  }
0x36a: {  	v51 =	vld [tilespmem:$0x1FC30];
	v23 =	vadd.f32 v24, v23;
	v20 =	vmul.f32 v47, v19  }
0x36b: {  	v24 =	vld [tilespmem:s28+$0xC7B0];
	v39, _, _ =	vpop (xrf2);
	(xrf2) =	vadd.scan.msk.f32 $0xffff, v27;
	v27 =	vadd.f32 v31, v28;
	v28 =	vadd.f32 v30, v49;
	v30 =	vmul.f32 v44, v11  }
0x36c: {  	v31 =	vld [tilespmem:s28+$0x87B0]  }
0x36d: {  	v32 =	vld [tilespmem:$0x1FB60];
	v20 =	vadd.f32 v20, v23;
	v23 =	vmul.f32 v50, v48;
	v26, _, _ =	vpop (xrf2);
	(xrf2) =	vadd.scan.msk.f32 $0xffff, v27;
	v27 =	vadd.f32 v30, v28  }
0x36e: {  	v35 =	vld [tilespmem:$0x1FB70];
	v10 =	vmul.f32 v1, v52;
	v11 =	vmul.f32 v55, v53  }
0x36f: {  	v14 =	vmul.f32 v25, v51;
	v18, _, _ =	vpop (xrf2);
	v28 =	vld [tilespmem:s28+$0x8930];
	(xrf2) =	vadd.scan.msk.f32 $0xffff, v27  }
0x370: {  	v36 =	vld [tilespmem:$0x1FB80];
	v9 =	vmul.f32 v17, v56;
	v20 =	vadd.f32 v23, v20;
	v10 =	vadd.f32 v11, v10  }
0x371: {  	v23 =	vld [tilespmem:s28+$0x8AB0];
	v14 =	vadd.f32 v14, v15;
	v15 =	vmul.f32 v24, v31  }
0x372: {  	v9 =	vadd.f32 v9, v10;
	v10 =	vld [tilespmem:$0x1FB50];
	v13, _, _ =	vpop (xrf2);
	(xrf2) =	vadd.scan.msk.f32 $0xffff, v20  }
0x373: {  	v5 =	vmul.f32 v59, v58;
	v6 =	vmul.f32 v61, v60;
	v7 =	vld [tilespmem:s28+$0x8BA0];
	v14 =	vadd.f32 v15, v14  }
0x374: {  	v15 =	vld [tilespmem:s28+$0xCBA0];
	v16 =	vmul.f32 v16, v28  }
0x375: {  	v63 =	vld [tilespmem:s28+$0x8BB0];
	v4 =	vmul.f32 v12, v62;
	v5 =	vadd.f32 v6, v5;
	v8, _, _ =	vpop (xrf2);
	(xrf2) =	vadd.scan.msk.f32 $0xffff, v14  }
0x376: {  	v3 =	vld [tilespmem:s28+$0xCBB0];
	v0 =	vmul.f32 v36, v35;
	v9 =	vadd.f32 v16, v9  }
0x377: {  	v12 =	vadd.f32 v4, v5;
	v34 =	vmul.f32 v57, v23;
	v2 =	vmul.f32 v32, v10  }
0x378: {  	v33, _, _ =	vpop (xrf2);
	(xrf2) =	vadd.scan.msk.f32 $0xffff, v9  }
0x379: {  	v37 =	vadd.f32 v34, v12;
	v0 =	vadd.f32 v0, v2;
	v38 =	vmul.f32 v15, v7;
	v40, _, _ =	vpop (xrf2)  }
0x37a: {  	v41 =	vbroadcast v33, $0xF;
	v42 =	vbroadcast v40, $0xF  }
0x37b: {  	v44 =	vmul.f32 v3, v63;
	v43 =	vbroadcast v8, $0xF;
	v0 =	vadd.f32 v38, v0;
	(xrf2) =	vadd.scan.msk.f32 $0xffff, v37  }
0x37c: {  	v46 =	vbroadcast v13, $0xF;
	v45 =	vsel vm0, v41, v42;
	v47, _, _ =	vpop (xrf2)  }
0x37d: {  	v0 =	vadd.f32 v44, v0;
	v1 =	vsel vm1, v45, v43;
	v48 =	vbroadcast v47, $0xF  }
0x37e: {  	v49 =	vbroadcast v18, $0xF;
	v1 =	vsel vm2, v1, v46  }
0x37f: {  	v50 =	vbroadcast v26, $0xF;
	v51, _, _ =	vpop (xrf2);
	(xrf2) =	vadd.scan.msk.f32 $0xffff, v0;
	v1 =	vsel vm3, v1, v48  }
0x380: {  	v53 =	vbroadcast v51, $0xF;
	v52 =	vsel vm4, v1, v49  }
0x381: {  	v55 =	vbroadcast v39, $0xF;
	v0 =	vsel vm5, v52, v50  }
0x382: {  	v56 =	vbroadcast v29, $0xF;
	v57, _, _ =	vpop (xrf2);
	v0 =	vsel vm6, v0, v53  }
0x383: {  	v58 =	vbroadcast v57, $0xF;
	v0 =	vsel vm7, v0, v55  }
0x384: {  	v59 =	vbroadcast v22, $0xF;
	v0 =	vsel vm8, v0, v56  }
0x385: {  	v60 =	vbroadcast v21, $0xF;
	v61, _, _ =	vpop (xrf2);
	v0 =	vsel vm9, v0, v58  }
0x386: {  	v3 =	vbroadcast v61, $0xF;
	v0 =	vsel vm10, v0, v59  }
0x387: {  	v62 =	vbroadcast v54, $0xF;
	v0 =	vsel vm11, v0, v60  }
0x388: {  	v0 =	vsel vm12, v0, v3  }
0x389: {  	v63, _, _ =	vpop (xrf2);
	v0 =	vsel vm13, v0, v62  }
0x38a: {  	s26 =	sadd.s32 $0x10, s26;
	v0 =	vsel vm14, v0, v63  }
0x38b: {  	s28 =	sshra.s32 s29, $0x2;
	[tilespmem:s26+$0x0] =	vst v0  }
0x38c: {  	v0 =	vld [tilespmem:s28+$0x8B30]  }
0x38d: {  	v21 =	vld [tilespmem:s28+$0xCB30]  }
0x38e: {  	v4 =	vld [tilespmem:s28+$0x8B80]  }
0x38f: {  	v5 =	vld [tilespmem:s28+$0xCB80]  }
0x390: {  	v6 =	vld [tilespmem:s28+$0x8B90]  }
0x391: {  	v7 =	vld [tilespmem:s28+$0xCB90]  }
0x392: {  	v26 =	vld [tilespmem:s28+$0x8B20]  }
0x393: {  	v31 =	vld [tilespmem:s28+$0xCB20]  }
0x394: {  	v34 =	vld [tilespmem:s28+$0x8A30]  }
0x395: {  	v37 =	vld [tilespmem:s28+$0xCA30]  }
0x396: {  	v8 =	vld [tilespmem:s28+$0x8AA0]  }
0x397: {  	v24 =	vld [tilespmem:s28+$0x8B00]  }
0x398: {  	v25 =	vld [tilespmem:s28+$0xCB00]  }
0x399: {  	v32 =	vld [tilespmem:s28+$0x8B10]  }
0x39a: {  	v48 =	vld [tilespmem:s28+$0xCB10]  }
0x39b: {  	v9 =	vld [tilespmem:s28+$0x89B0]  }
0x39c: {  	v22 =	vld [tilespmem:s28+$0xC9B0]  }
0x39d: {  	v33 =	vld [tilespmem:s28+$0x8A20]  }
0x39e: {  	v35 =	vld [tilespmem:s28+$0xCA20]  }
0x39f: {  	v10 =	vld [tilespmem:s28+$0x8A80]  }
0x3a0: {  	v11 =	vld [tilespmem:s28+$0xCA80]  }
0x3a1: {  	v36 =	vld [tilespmem:s28+$0x8A90]  }
0x3a2: {  	v38 =	vld [tilespmem:s28+$0xCA90]  }
0x3a3: {  	v43 =	vld [tilespmem:s28+$0x89A0]  }
0x3a4: {  	v46 =	vld [tilespmem:s28+$0xC9A0]  }
0x3a5: {  	v53 =	vld [tilespmem:s28+$0x8A00]  }
0x3a6: {  	v54 =	vld [tilespmem:s28+$0xCA00]  }
0x3a7: {  	v55 =	vld [tilespmem:s28+$0x8A10]  }
0x3a8: {  	v56 =	vld [tilespmem:s28+$0xCA10]  }
0x3a9: {  	v39 =	vld [tilespmem:s28+$0x88B0]  }
0x3aa: {  	v41 =	vld [tilespmem:s28+$0xC8B0]  }
0x3ab: {  	v40 =	vld [tilespmem:s28+$0x8920]  }
0x3ac: {  	v57 =	vld [tilespmem:s28+$0x8980]  }
0x3ad: {  	v58 =	vld [tilespmem:s28+$0xC980]  }
0x3ae: {  	v59 =	vld [tilespmem:s28+$0x8990]  }
0x3af: {  	v60 =	vld [tilespmem:s28+$0xC990]  }
0x3b0: {  	v42 =	vld [tilespmem:s28+$0x8830]  }
0x3b1: {  	v44 =	vld [tilespmem:s28+$0xC830]  }
0x3b2: {  	v52 =	vld [tilespmem:s28+$0xC8A0]  }
0x3b3: {  	v45 =	vld [tilespmem:s28+$0x8900]  }
0x3b4: {  	v47 =	vld [tilespmem:s28+$0xC900]  }
0x3b5: {  	v49 =	vld [tilespmem:s28+$0x8910]  }
0x3b6: {  	v50 =	vld [tilespmem:s28+$0xC910]  }
0x3b7: {  	v61 =	vld [tilespmem:s28+$0x8880]  }
0x3b8: {  	v62 =	vld [tilespmem:s28+$0xC880]  }
0x3b9: {  	v63 =	vld [tilespmem:s28+$0x8890]  }
0x3ba: {  	v51 =	vld [tilespmem:s28+$0x87A0]  }
0x3bb: {  	v1 =	vld [tilespmem:s28+$0x8800]  }
0x3bc: {  	v2 =	vld [tilespmem:s28+$0xC800]  }
0x3bd: {  	v3 =	vld [tilespmem:s28+$0x8810]  }
0x3be: {  	v23 =	vld [tilespmem:s28+$0xC780]  }
0x3bf: {  	v12 =	vld [tilespmem:s28+$0xC710]  }
0x3c0: {  	v29 =	vld [tilespmem:s28+$0x85B0]  }
0x3c1: {  	v30 =	vld [tilespmem:s28+$0xC5B0]  }
0x3c2: {  	v19 =	vld [tilespmem:s28+$0x8620]  }
0x3c3: {  	v13 =	vld [tilespmem:s28+$0x8680]  }
0x3c4: {  	v14 =	vld [tilespmem:s28+$0xC680]  }
0x3c5: {  	v15 =	vld [tilespmem:s28+$0x8690]  }
0x3c6: {  	v16 =	vld [tilespmem:s28+$0xC690]  }
0x3c7: {  	v27 =	vld [tilespmem:s28+$0x8530]  }
0x3c8: {  	v28 =	vld [tilespmem:s28+$0xC530]  }
0x3c9: {  	v17 =	vld [tilespmem:s28+$0x85A0]  }
0x3ca: {  	v18 =	vld [tilespmem:s28+$0xC5A0]  }
0x3cb: {  	[tilespmem:$0x1FBC0] =	vst v36;
	v36 =	vld [tilespmem:s28+$0x88A0]  }
0x3cc: {  	[tilespmem:$0x1FC10] =	vst v49;
	v49 =	vld [tilespmem:s28+$0x8820]  }
0x3cd: {  	[tilespmem:$0x1FBD0] =	vst v38;
	v38 =	vld [tilespmem:s28+$0xC820]  }
0x3ce: {  	[tilespmem:$0x1F960] =	vst v0;
	v0 =	vld [tilespmem:s28+$0xC890]  }
0x3cf: {  	[tilespmem:$0x1FBE0] =	vst v40;
	v40 =	vld [tilespmem:s28+$0x8730]  }
0x3d0: {  	[tilespmem:$0x1F980] =	vst v39;
	v39 =	vld [tilespmem:s28+$0xC730]  }
0x3d1: {  	[tilespmem:$0x1FB50] =	vst v4;
	v4 =	vld [tilespmem:s28+$0xC810]  }
0x3d2: {  	[tilespmem:$0x1F990] =	vst v42;
	v42 =	vld [tilespmem:s28+$0x86B0]  }
0x3d3: {  	[tilespmem:$0x1FBF0] =	vst v45;
	v45 =	vld [tilespmem:s28+$0xC6B0]  }
0x3d4: {  	[tilespmem:$0x1FB60] =	vst v5;
	v5 =	vld [tilespmem:s28+$0x8720]  }
0x3d5: {  	[tilespmem:$0x1FB70] =	vst v6;
	v6 =	vld [tilespmem:s28+$0xC720]  }
0x3d6: {  	[tilespmem:$0x1FC20] =	vst v50;
	v50 =	vld [tilespmem:s28+$0x8780]  }
0x3d7: {  	[tilespmem:$0x1FC00] =	vst v47;
	v47 =	vld [tilespmem:s28+$0x8790]  }
0x3d8: {  	[tilespmem:$0x1F9A0] =	vst v44;
	v44 =	vld [tilespmem:s28+$0xC790]  }
0x3d9: {  	[tilespmem:$0x1FB80] =	vst v7;
	v7 =	vld [tilespmem:s28+$0x86A0]  }
0x3da: {  	[tilespmem:$0x1FB90] =	vst v8;
	v8 =	vld [tilespmem:s28+$0xC6A0]  }
0x3db: {  	[tilespmem:$0x1F970] =	vst v9;
	v9 =	vld [tilespmem:s28+$0x8700]  }
0x3dc: {  	[tilespmem:$0x1FBA0] =	vst v10;
	v10 =	vld [tilespmem:s28+$0xC700]  }
0x3dd: {  	[tilespmem:$0x1FBB0] =	vst v11;
	v11 =	vld [tilespmem:s28+$0x8710]  }
0x3de: {  	[tilespmem:$0x1FC30] =	vst v51;
	v51 =	vld [tilespmem:s28+$0x8600]  }
0x3df: {  	v20 =	vmul.f32 v25, v24;
	v24 =	vld [tilespmem:s28+$0xC600]  }
0x3e0: {  	v32 =	vmul.f32 v48, v32;
	v25 =	vld [tilespmem:s28+$0x8610]  }
0x3e1: {  	v48 =	vmul.f32 v54, v53;
	v53 =	vmul.f32 v56, v55;
	v56 =	vld [tilespmem:$0x1F960]  }
0x3e2: {  	v60 =	vmul.f32 v60, v59;
	v59 =	vld [tilespmem:$0x1F970]  }
0x3e3: {  	v43 =	vmul.f32 v46, v43;
	v46 =	vld [tilespmem:$0x1F9A0]  }
0x3e4: {  	v20 =	vadd.f32 v32, v20;
	v32 =	vmul.f32 v31, v26;
	v26 =	vld [tilespmem:s28+$0xC610]  }
0x3e5: {  	v58 =	vmul.f32 v58, v57;
	v31 =	vld [tilespmem:s28+$0x8430]  }
0x3e6: {  	v48 =	vadd.f32 v53, v48;
	v53 =	vmul.f32 v35, v33;
	v33 =	vld [tilespmem:s28+$0x8520]  }
0x3e7: {  	v35 =	vld [tilespmem:s28+$0xC520];
	v57 =	vadd.f32 v60, v58  }
0x3e8: {  	v20 =	vadd.f32 v32, v20;
	v32 =	vld [tilespmem:s28+$0xC430]  }
0x3e9: {  	v34 =	vmul.f32 v37, v34;
	v37 =	vadd.f32 v43, v57;
	v43 =	vld [tilespmem:s28+$0xC590]  }
0x3ea: {  	v60 =	vmul.f32 v52, v36;
	v36 =	vld [tilespmem:s28+$0xC420];
	v21 =	vmul.f32 v21, v56  }
0x3eb: {  	v58 =	vmul.f32 v62, v61;
	v0 =	vmul.f32 v0, v63;
	v63 =	vld [tilespmem:$0x1F980]  }
0x3ec: {  	v61 =	vmul.f32 v4, v3;
	v3 =	vld [tilespmem:s28+$0xC500];
	v20 =	vadd.f32 v21, v20;
	v21 =	vadd.f32 v53, v48  }
0x3ed: {  	v22 =	vmul.f32 v22, v59;
	v59 =	vmul.f32 v39, v40;
	v39 =	vld [tilespmem:s28+$0x8410]  }
0x3ee: {  	v40 =	vld [tilespmem:s28+$0x8480];
	v21 =	vadd.f32 v34, v21  }
0x3ef: {  	v48 =	vld [tilespmem:s28+$0x8580];
	v62 =	vadd.f32 v22, v37;
	(xrf2) =	vadd.scan.msk.f32 $0xffff, v20  }
0x3f0: {  	v53 =	vld [tilespmem:s28+$0x8590];
	(xrf2) =	vadd.scan.msk.f32 $0xffff, v21  }
0x3f1: {  	v0 =	vadd.f32 v0, v58;
	v4 =	vmul.f32 v41, v63;
	v41 =	vld [tilespmem:$0x1F990];
	(xrf2) =	vadd.scan.msk.f32 $0xffff, v62  }
0x3f2: {  	v1 =	vmul.f32 v2, v1;
	v9 =	vmul.f32 v10, v9;
	v22 =	vld [tilespmem:s28+$0x8500]  }
0x3f3: {  	v37 =	vmul.f32 v38, v49;
	v38 =	vmul.f32 v12, v11;
	v0 =	vadd.f32 v60, v0;
	v20 =	vld [tilespmem:s28+$0xC580]  }
0x3f4: {  	v57 =	vmul.f32 v16, v15;
	v5 =	vmul.f32 v6, v5;
	v1 =	vadd.f32 v61, v1;
	v11 =	vld [tilespmem:s28+$0xC510]  }
0x3f5: {  	v49 =	vmul.f32 v14, v13;
	v34 =	vld [tilespmem:s28+$0x8420];
	v9 =	vadd.f32 v38, v9;
	v0 =	vadd.f32 v4, v0  }
0x3f6: {  	p0 =	sne.s32 s29, $0xE000;
	v16 =	vmovc v23;
	v60 =	vmul.f32 v8, v7;
	v1 =	vadd.f32 v37, v1;
	v4 =	vld [tilespmem:s28+$0x8510];
	v2 =	vmul.f32 v46, v41  }
.Ltmp1:
0x3f7: {  	v37 =	vld [tilespmem:s28+$0xC400];
	v63 =	vmul.f32 v45, v42;
	v58 =	vadd.f32 v5, v9;
	(xrf2) =	vadd.scan.msk.f32 $0xffff, v0;
	v0 =	vadd.f32 v57, v49;
	(pc) =	sbr.rel @p0 .LBB2_4-.Ltmp1, $4  }
0x3f8: {  	v15 =	vmovc v50;
	v38 =	vld [tilespmem:s28+$0x8400];
	v62 =	vmul.f32 v43, v53;
	v61 =	vmul.f32 v20, v48;
	v1 =	vadd.f32 v2, v1  }
0x3f9: {  	v42 =	vld [tilespmem:s28+$0xC480];
	v46 =	vmul.f32 v18, v17;
	v0 =	vadd.f32 v60, v0;
	v2 =	vadd.f32 v59, v58;
	v54, _, _ =	vpop (xrf2)  }
0x3fa: {  	v43 =	vld [tilespmem:s28+$0x8490];
	v18 =	vmov v44;
	v17 =	vmov v47;
	v47 =	vmul.f32 v3, v22;
	(xrf2) =	vadd.scan.msk.f32 $0xffff, v1;
	v21, _, _ =	vpop (xrf2)  }
0x3fb: {  	s29 =	sadd.s32 $0x2000, s29;
	v41 =	vld [tilespmem:s28+$0xC410];
	v45 =	vadd.f32 v62, v61;
	v48 =	vmul.f32 v11, v4;
	v44 =	vadd.f32 v63, v0;
	(xrf2) =	vadd.scan.msk.f32 $0xffff, v2;
	v22, _, _ =	vpop (xrf2)  }
0x3fc: {  	v0 =	vld [tilespmem:s28+$0xC490]  }
0x3fd: {  	v1 =	vld [tilespmem:s28+$0x84A0]  }
0x3fe: {  	v4 =	vld [tilespmem:s28+$0xC4A0]  }
0x3ff: {  	v7 =	vld [tilespmem:s28+$0x84B0]  }
0x400: {  	v10 =	vld [tilespmem:s28+$0xC620]  }
0x401: {  	v12 =	vld [tilespmem:s28+$0x8630]  }
0x402: {  	v14 =	vld [tilespmem:s28+$0xC7A0]  }
0x403: {  	v53 =	vld [tilespmem:s28+$0x87B0]  }
0x404: {  	v58 =	vld [tilespmem:s28+$0xC7B0]  }
0x405: {  	v61 =	vld [tilespmem:s28+$0xC920]  }
0x406: {  	v63 =	vld [tilespmem:s28+$0x8930]  }
0x407: {  	v13 =	vmul.f32 v32, v31;
	v32 =	vld [tilespmem:$0x1FC30]  }
0x408: {  	v6 =	vmul.f32 v35, v33;
	v33 =	vld [tilespmem:s28+$0xC930]  }
0x409: {  	v35 =	vld [tilespmem:$0x1FBF0]  }
0x40a: {  	v2 =	vadd.f32 v46, v45;
	v45 =	vld [tilespmem:s28+$0xC4B0]  }
0x40b: {  	v5 =	vadd.f32 v48, v47;
	v48 =	vld [tilespmem:s28+$0xC630]  }
0x40c: {  	v47 =	vmul.f32 v36, v34;
	v36 =	vld [tilespmem:$0x1FC00]  }
0x40d: {  	v8 =	vmul.f32 v37, v38;
	v37 =	vld [tilespmem:$0x1FC10]  }
0x40e: {  	v50 =	vmul.f32 v24, v51;
	v51 =	vmul.f32 v26, v25;
	v38 =	vld [tilespmem:$0x1FC20]  }
0x40f: {  	v46 =	vmul.f32 v42, v40;
	v40 =	vld [tilespmem:s28+$0x8AB0];
	v9 =	vmul.f32 v41, v39  }
0x410: {  	v3 =	vmul.f32 v30, v29;
	v42 =	vld [tilespmem:$0x1FBE0];
	v0 =	vmul.f32 v0, v43  }
0x411: {  	v11 =	vmul.f32 v28, v27;
	v56 =	vadd.f32 v51, v50;
	v51 =	vld [tilespmem:$0x1FB90];
	v8 =	vadd.f32 v9, v8  }
0x412: {  	v5 =	vadd.f32 v6, v5;
	v39 =	vld [tilespmem:s28+$0xCAA0];
	v1 =	vmul.f32 v4, v1;
	v0 =	vadd.f32 v0, v46  }
0x413: {  	v2 =	vadd.f32 v3, v2;
	v43 =	vld [tilespmem:s28+$0xCAB0];
	v49 =	vadd.f32 v47, v8  }
0x414: {  	(xrf2) =	vadd.scan.msk.f32 $0xffff, v44;
	v5 =	vadd.f32 v11, v5;
	v52 =	vmul.f32 v45, v7;
	v45 =	vld [tilespmem:$0x1FBA0];
	v0 =	vadd.f32 v1, v0  }
0x415: {  	(xrf2) =	vadd.scan.msk.f32 $0xffff, v2;
	v57 =	vmul.f32 v10, v19;
	v4 =	vmul.f32 v48, v12;
	v12 =	vld [tilespmem:$0x1FBD0];
	v55 =	vadd.f32 v13, v49  }
0x416: {  	v59 =	vmul.f32 v16, v15;
	v60 =	vmul.f32 v18, v17;
	(xrf2) =	vadd.scan.msk.f32 $0xffff, v5;
	v46 =	vld [tilespmem:$0x1FBB0];
	v0 =	vadd.f32 v52, v0  }
0x417: {  	v62 =	vadd.f32 v57, v56;
	v47 =	vld [tilespmem:$0x1FBC0];
	(xrf2) =	vadd.scan.msk.f32 $0xffff, v55  }
0x418: {  	v5 =	vmul.f32 v14, v32;
	v14 =	vld [tilespmem:$0x1FB60];
	v1 =	vadd.f32 v60, v59;
	(xrf2) =	vadd.scan.msk.f32 $0xffff, v0  }
0x419: {  	v2 =	vmul.f32 v36, v35;
	v56 =	vld [tilespmem:$0x1FB70];
	v34 =	vadd.f32 v4, v62;
	v4 =	vmul.f32 v38, v37  }
0x41a: {  	v3 =	vmul.f32 v58, v53;
	v1 =	vadd.f32 v5, v1;
	v55 =	vld [tilespmem:$0x1FB50]  }
0x41b: {  	v41, _, _ =	vpop (xrf2);
	v57 =	vld [tilespmem:$0x1FB80];
	v2 =	vadd.f32 v4, v2;
	v4 =	vmul.f32 v61, v42;
	(xrf2) =	vadd.scan.msk.f32 $0xffff, v34  }
0x41c: {  	v44, _, _ =	vpop (xrf2);
	v49 =	vld [tilespmem:s28+$0xCBA0];
	v1 =	vadd.f32 v3, v1;
	v3 =	vmul.f32 v46, v45;
	v11 =	vmul.f32 v12, v47  }
0x41d: {  	v48 =	vmul.f32 v33, v63;
	v13, _, _ =	vpop (xrf2);
	v12 =	vld [tilespmem:s28+$0x8BA0];
	v2 =	vadd.f32 v4, v2  }
0x41e: {  	v10 =	vmul.f32 v39, v51;
	v50, _, _ =	vpop (xrf2);
	v52 =	vld [tilespmem:s28+$0x8BB0];
	v3 =	vadd.f32 v11, v3;
	(xrf2) =	vadd.scan.msk.f32 $0xffff, v1  }
0x41f: {  	v53, _, _ =	vpop (xrf2);
	v2 =	vadd.f32 v48, v2;
	v4 =	vmul.f32 v14, v55;
	v14 =	vld [tilespmem:s28+$0xCBB0]  }
0x420: {  	v5 =	vmul.f32 v43, v40;
	v9 =	vmul.f32 v57, v56;
	v15, _, _ =	vpop (xrf2);
	v3 =	vadd.f32 v10, v3  }
0x421: {  	(xrf2) =	vadd.scan.msk.f32 $0xffff, v2;
	v58, _, _ =	vpop (xrf2)  }
0x422: {  	v61 =	vmul.f32 v49, v12;
	v59 =	vadd.f32 v5, v3;
	v60 =	vadd.f32 v9, v4;
	v62, _, _ =	vpop (xrf2)  }
0x423: {  	v63 =	vbroadcast v58, $0xF;
	v5 =	vbroadcast v62, $0xF  }
0x424: {  	v32 =	vbroadcast v15, $0xF;
	v3 =	vadd.f32 v61, v60;
	(xrf2) =	vadd.scan.msk.f32 $0xffff, v59;
	v33 =	vmul.f32 v14, v52  }
0x425: {  	v1 =	vbroadcast v53, $0xF;
	v35, _, _ =	vpop (xrf2);
	v34 =	vsel vm0, v63, v5  }
0x426: {  	v3 =	vadd.f32 v33, v3;
	v5 =	vbroadcast v35, $0xF;
	v2 =	vsel vm1, v34, v32  }
0x427: {  	v36 =	vbroadcast v50, $0xF;
	v1 =	vsel vm2, v2, v1  }
0x428: {  	v37 =	vbroadcast v13, $0xF;
	v38, _, _ =	vpop (xrf2);
	(xrf2) =	vadd.scan.msk.f32 $0xffff, v3;
	v1 =	vsel vm3, v1, v5  }
0x429: {  	v39 =	vbroadcast v38, $0xF;
	v1 =	vsel vm4, v1, v36  }
0x42a: {  	v0 =	vbroadcast v44, $0xF;
	v1 =	vsel vm5, v1, v37  }
0x42b: {  	v40 =	vbroadcast v41, $0xF;
	v41, _, _ =	vpop (xrf2);
	v1 =	vsel vm6, v1, v39  }
0x42c: {  	v42 =	vbroadcast v41, $0xF;
	v0 =	vsel vm7, v1, v0  }
0x42d: {  	v43 =	vbroadcast v22, $0xF;
	v0 =	vsel vm8, v0, v40  }
0x42e: {  	v44 =	vbroadcast v21, $0xF;
	v45, _, _ =	vpop (xrf2);
	v0 =	vsel vm9, v0, v42  }
0x42f: {  	v46 =	vbroadcast v45, $0xF;
	v0 =	vsel vm10, v0, v43  }
0x430: {  	v47 =	vbroadcast v54, $0xF;
	v0 =	vsel vm11, v0, v44  }
0x431: {  	v0 =	vsel vm12, v0, v46  }
0x432: {  	v48, _, _ =	vpop (xrf2);
	v0 =	vsel vm13, v0, v47  }
0x433: {  	s26 =	sadd.s32 $0x10, s26;
	v0 =	vsel vm14, v0, v48  }
0x434: {  	[tilespmem:s26+$0x0] =	vst v0  }
0x435: {  	[tilespmem:s13], [sflag:$0x3] =	stream.indirect.gather [hbm4b:s1+s10], $0x80, s22, s10, $0xb8;
	[tilespmem:$0x10600] =	vst v63  }
0x436: {  	_ = 	snop  }
0x437: {  	[tilespmem:s15], [sflag:$0x4] =	stream.indirect.gather [hbm4b:s1+s10], $0x80, s23, s10, $0xb8;
	[tilespmem:$0x10600] =	vst v63  }
0x438: {  	_ =	swait.ge [sflag:s16], $0x4000  }
0x439: {  	[sflag:s16] =	ssyncset.done $0x0  }
0x43a: {  	[sflag:s16] =	ssyncadd.s32 $0xFFFFC000  }
0x43b: {  	_ =	swait.ge [sflag:s17], $0x4000  }
0x43c: {  	[sflag:s17] =	ssyncset.done $0x0  }
0x43d: {  	s31 =	simm.s32 $0x0;
	[sflag:s17] =	ssyncadd.s32 $0xFFFFC000  }
0x43e: {  	v20 =	vld [tilespmem:s31+$0xB30]  }
0x43f: {  	v21 =	vld [tilespmem:s31+$0x4B30]  }
0x440: {  	v49 =	vld [tilespmem:s31+$0xB80]  }
0x441: {  	v50 =	vld [tilespmem:s31+$0x4B80]  }
0x442: {  	v51 =	vld [tilespmem:s31+$0xB90]  }
0x443: {  	v52 =	vld [tilespmem:s31+$0x4B90]  }
0x444: {  	v22 =	vld [tilespmem:s31+$0xB20]  }
0x445: {  	v23 =	vld [tilespmem:s31+$0x4B20]  }
0x446: {  	v24 =	vld [tilespmem:s31+$0xA30]  }
0x447: {  	v25 =	vld [tilespmem:s31+$0x4A30]  }
0x448: {  	v53 =	vld [tilespmem:s31+$0xAA0]  }
0x449: {  	v26 =	vld [tilespmem:s31+$0xB00]  }
0x44a: {  	v27 =	vld [tilespmem:s31+$0x4B00]  }
0x44b: {  	v28 =	vld [tilespmem:s31+$0xB10]  }
0x44c: {  	v29 =	vld [tilespmem:s31+$0x4B10]  }
0x44d: {  	v54 =	vld [tilespmem:s31+$0x9B0]  }
0x44e: {  	v55 =	vld [tilespmem:s31+$0x49B0]  }
0x44f: {  	v32 =	vld [tilespmem:s31+$0xA20]  }
0x450: {  	v33 =	vld [tilespmem:s31+$0x4A20]  }
0x451: {  	v56 =	vld [tilespmem:s31+$0xA80]  }
0x452: {  	v57 =	vld [tilespmem:s31+$0x4A80]  }
0x453: {  	v58 =	vld [tilespmem:s31+$0xA90]  }
0x454: {  	v59 =	vld [tilespmem:s31+$0x4A90]  }
0x455: {  	v34 =	vld [tilespmem:s31+$0x9A0]  }
0x456: {  	v35 =	vld [tilespmem:s31+$0x49A0]  }
0x457: {  	v36 =	vld [tilespmem:s31+$0xA00]  }
0x458: {  	v37 =	vld [tilespmem:s31+$0x4A00]  }
0x459: {  	v38 =	vld [tilespmem:s31+$0xA10]  }
0x45a: {  	v39 =	vld [tilespmem:s31+$0x4A10]  }
0x45b: {  	v40 =	vld [tilespmem:s31+$0x8B0]  }
0x45c: {  	v41 =	vld [tilespmem:s31+$0x48B0]  }
0x45d: {  	v60 =	vld [tilespmem:s31+$0x920]  }
0x45e: {  	v42 =	vld [tilespmem:s31+$0x980]  }
0x45f: {  	v43 =	vld [tilespmem:s31+$0x4980]  }
0x460: {  	v44 =	vld [tilespmem:s31+$0x990]  }
0x461: {  	v45 =	vld [tilespmem:s31+$0x4990]  }
0x462: {  	v46 =	vld [tilespmem:s31+$0x830]  }
0x463: {  	v47 =	vld [tilespmem:s31+$0x4830]  }
0x464: {  	v48 =	vld [tilespmem:s31+$0x8A0]  }
0x465: {  	v61 =	vld [tilespmem:s31+$0x900]  }
0x466: {  	v62 =	vld [tilespmem:s31+$0x4900]  }
0x467: {  	v63 =	vld [tilespmem:s31+$0x910]  }
0x468: {  	v4 =	vld [tilespmem:s31+$0x4910]  }
0x469: {  	v5 =	vld [tilespmem:s31+$0x7A0]  }
0x46a: {  	v13 =	vld [tilespmem:s31+$0x720]  }
0x46b: {  	v10 =	vld [tilespmem:s31+$0x4720]  }
0x46c: {  	v6 =	vld [tilespmem:s31+$0x780]  }
0x46d: {  	v7 =	vld [tilespmem:s31+$0x4780]  }
0x46e: {  	v8 =	vld [tilespmem:s31+$0x790]  }
0x46f: {  	v9 =	vld [tilespmem:s31+$0x4790]  }
0x470: {  	v15 =	vld [tilespmem:s31+$0x6A0]  }
0x471: {  	v14 =	vld [tilespmem:s31+$0x46A0]  }
0x472: {  	v3 =	vld [tilespmem:s31+$0x700]  }
0x473: {  	v2 =	vld [tilespmem:s31+$0x4700]  }
0x474: {  	v1 =	vld [tilespmem:s31+$0x710]  }
0x475: {  	v0 =	vld [tilespmem:s31+$0x4710]  }
0x476: {  	v17 =	vld [tilespmem:s31+$0x5B0]  }
0x477: {  	v16 =	vld [tilespmem:s31+$0x45B0]  }
0x478: {  	v11 =	vld [tilespmem:s31+$0x620]  }
0x479: {  	v31 =	vld [tilespmem:s31+$0x530]  }
0x47a: {  	v30 =	vld [tilespmem:s31+$0x4530]  }
0x47b: {  	v19 =	vld [tilespmem:s31+$0x430]  }
0x47c: {  	v18 =	vld [tilespmem:s31+$0x4430]  }
0x47d: {  	v12 =	vld [tilespmem:s31+$0x520]  }
0x47e: {  	[tilespmem:$0x1F7C0] =	vst v49;
	v49 =	vld [tilespmem:s31+$0x48A0]  }
0x47f: {  	[tilespmem:$0x1F7D0] =	vst v50;
	v50 =	vld [tilespmem:s31+$0x820]  }
0x480: {  	[tilespmem:$0x1F7E0] =	vst v51;
	v51 =	vld [tilespmem:s31+$0x4820]  }
0x481: {  	[tilespmem:$0x1F7F0] =	vst v52;
	v52 =	vld [tilespmem:s31+$0x880]  }
0x482: {  	[tilespmem:$0x1F7B0] =	vst v53;
	v53 =	vld [tilespmem:s31+$0x4880]  }
0x483: {  	[tilespmem:$0x1F660] =	vst v54;
	v54 =	vld [tilespmem:s31+$0x890]  }
0x484: {  	[tilespmem:$0x1F670] =	vst v55;
	v55 =	vld [tilespmem:s31+$0x4890]  }
0x485: {  	[tilespmem:$0x1F770] =	vst v56;
	v56 =	vld [tilespmem:s31+$0x730]  }
0x486: {  	[tilespmem:$0x1F780] =	vst v57;
	v57 =	vld [tilespmem:s31+$0x4730]  }
0x487: {  	[tilespmem:$0x1F790] =	vst v58;
	v58 =	vld [tilespmem:s31+$0x800]  }
0x488: {  	[tilespmem:$0x1F7A0] =	vst v59;
	v59 =	vld [tilespmem:s31+$0x4800]  }
0x489: {  	[tilespmem:$0x1F760] =	vst v60;
	v60 =	vld [tilespmem:s31+$0x810]  }
0x48a: {  	[tilespmem:$0x1F720] =	vst v61;
	v61 =	vld [tilespmem:s31+$0x4810]  }
0x48b: {  	[tilespmem:$0x1F730] =	vst v62;
	v62 =	vld [tilespmem:s31+$0x6B0]  }
0x48c: {  	[tilespmem:$0x1F740] =	vst v63;
	v63 =	vld [tilespmem:s31+$0x46B0]  }
0x48d: {  	[tilespmem:$0x1F6E0] =	vst v7;
	v7 =	vld [tilespmem:s31+$0x680]  }
0x48e: {  	[tilespmem:$0x1F6D0] =	vst v6;
	v6 =	vld [tilespmem:s31+$0x4680]  }
0x48f: {  	[tilespmem:$0x1F710] =	vst v5;
	v5 =	vld [tilespmem:s31+$0x690]  }
0x490: {  	[tilespmem:$0x1F750] =	vst v4;
	v4 =	vld [tilespmem:s31+$0x4690]  }
0x491: {  	[tilespmem:$0x1F700] =	vst v9;
	v9 =	vld [tilespmem:s31+$0x5A0]  }
0x492: {  	[tilespmem:$0x1F6F0] =	vst v8;
	v8 =	vld [tilespmem:s31+$0x45A0]  }
0x493: {  	[tilespmem:$0x1F6C0] =	vst v11;
	v11 =	vld [tilespmem:s31+$0x600]  }
0x494: {  	v26 =	vmul.f32 v27, v26;
	v27 =	vmul.f32 v29, v28;
	v28 =	vld [tilespmem:s31+$0x580]  }
0x495: {  	v29 =	vmul.f32 v37, v36;
	v37 =	vld [tilespmem:s31+$0x4580]  }
0x496: {  	v22 =	vmul.f32 v23, v22;
	v23 =	vld [tilespmem:s31+$0x590]  }
0x497: {  	v24 =	vmul.f32 v25, v24;
	v25 =	vld [tilespmem:s31+$0x4420]  }
0x498: {  	v36 =	vmul.f32 v39, v38;
	v39 =	vld [tilespmem:$0x1F6D0]  }
0x499: {  	v40 =	vmul.f32 v41, v40;
	v41 =	vld [tilespmem:$0x1F6F0]  }
0x49a: {  	v20 =	vmul.f32 v21, v20;
	v21 =	vadd.f32 v36, v29;
	v29 =	vld [tilespmem:s31+$0x4590]  }
0x49b: {  	v26 =	vadd.f32 v27, v26;
	v27 =	vmul.f32 v33, v32;
	v33 =	vld [tilespmem:s31+$0x420]  }
0x49c: {  	v36 =	vld [tilespmem:$0x1F6C0]  }
0x49d: {  	v21 =	vadd.f32 v27, v21;
	v27 =	vld [tilespmem:s31+$0x500]  }
0x49e: {  	[tilespmem:$0x1F680] =	vst v11;
	v11 =	vld [tilespmem:s31+$0x4600]  }
0x49f: {  	v22 =	vadd.f32 v22, v26;
	v26 =	vmul.f32 v43, v42;
	v43 =	vmul.f32 v53, v52;
	v52 =	vld [tilespmem:s31+$0x510]  }
0x4a0: {  	v53 =	vld [tilespmem:$0x1F660]  }
0x4a1: {  	v42 =	vmul.f32 v45, v44;
	v44 =	vmul.f32 v55, v54;
	v54 =	vld [tilespmem:$0x1F670]  }
0x4a2: {  	v45 =	vmul.f32 v61, v60;
	v60 =	vld [tilespmem:s31+$0x4400]  }
0x4a3: {  	v61 =	vld [tilespmem:s31+$0x400]  }
0x4a4: {  	v55 =	vmul.f32 v49, v48;
	v48 =	vmul.f32 v14, v15;
	v14 =	vld [tilespmem:s31+$0x490]  }
0x4a5: {  	v49 =	vld [tilespmem:s31+$0x4490]  }
0x4a6: {  	v21 =	vadd.f32 v24, v21;
	v24 =	vld [tilespmem:s31+$0x4500]  }
0x4a7: {  	v20 =	vadd.f32 v20, v22;
	v22 =	vadd.f32 v42, v26;
	v42 =	vld [tilespmem:s31+$0x410]  }
0x4a8: {  	v15 =	vmul.f32 v63, v62;
	v62 =	vld [tilespmem:$0x1F680]  }
0x4a9: {  	v26 =	vmul.f32 v35, v34;
	v35 =	vld [tilespmem:s31+$0x7B0]  }
0x4aa: {  	v32 =	vadd.f32 v44, v43;
	v43 =	vmul.f32 v10, v13;
	v44 =	vld [tilespmem:s31+$0x4410]  }
0x4ab: {  	v13 =	vmul.f32 v29, v23;
	v23 =	vmul.f32 v57, v56;
	v56 =	vld [tilespmem:s31+$0x4620]  }
0x4ac: {  	[tilespmem:$0x1F690] =	vst v11;
	v11 =	vld [tilespmem:s31+$0x610]  }
0x4ad: {  	v22 =	vadd.f32 v26, v22;
	v26 =	vmul.f32 v59, v58;
	v58 =	vld [tilespmem:s31+$0x4510]  }
0x4ae: {  	v59 =	vmul.f32 v51, v50;
	v51 =	vmul.f32 v16, v17;
	v16 =	vld [tilespmem:s31+$0x44A0]  }
0x4af: {  	v32 =	vadd.f32 v55, v32;
	v55 =	vmul.f32 v49, v14;
	v14 =	vld [tilespmem:s31+$0x4630]  }
0x4b0: {  	v38 =	vmul.f32 v54, v53;
	v26 =	vadd.f32 v45, v26;
	v50 =	vmul.f32 v24, v27;
	v24 =	vld [tilespmem:s31+$0x4A0]  }
0x4b1: {  	v6 =	vmul.f32 v6, v7;
	v4 =	vmul.f32 v4, v5;
	v32 =	vadd.f32 v40, v32;
	[tilespmem:$0x1F6A0] =	vst v11;
	v11 =	vld [tilespmem:s31+$0x4610]  }
0x4b2: {  	(xrf2) =	vadd.scan.msk.f32 $0xffff, v20;
	v40 =	vld [tilespmem:$0x1F6E0];
	v38 =	vadd.f32 v38, v22;
	v22 =	vadd.f32 v59, v26;
	v26 =	vmul.f32 v47, v46  }
0x4b3: {  	v4 =	vadd.f32 v4, v6;
	(xrf2) =	vadd.scan.msk.f32 $0xffff, v21;
	v46 =	vld [tilespmem:s31+$0x480]  }
0x4b4: {  	v2 =	vmul.f32 v2, v3;
	v0 =	vmul.f32 v0, v1;
	v45 =	vadd.f32 v26, v22;
	v22 =	vld [tilespmem:s31+$0x4480];
	(xrf2) =	vadd.scan.msk.f32 $0xffff, v38  }
0x4b5: {  	v4 =	vadd.f32 v48, v4;
	(xrf2) =	vadd.scan.msk.f32 $0xffff, v32;
	v32 =	vld [tilespmem:$0x1F6A0]  }
0x4b6: {  	v0 =	vadd.f32 v0, v2;
	[tilespmem:$0x1F6B0] =	vst v11;
	v11 =	vld [tilespmem:s31+$0x4520]  }
0x4b7: {  	v4 =	vadd.f32 v15, v4;
	v47 =	vmul.f32 v37, v28;
	v15 =	vld [tilespmem:$0x1F6B0]  }
0x4b8: {  	v0 =	vadd.f32 v43, v0;
	v37 =	vld [tilespmem:s31+$0x47B0]  }
0x4b9: {  	v10 =	vmul.f32 v44, v42;
	v42 =	vld [tilespmem:$0x1F700];
	v2 =	vadd.f32 v13, v47;
	v13 =	vmul.f32 v58, v52  }
0x4ba: {  	v1 =	vmul.f32 v60, v61;
	v0 =	vadd.f32 v23, v0;
	v47 =	vld [tilespmem:$0x1F710]  }
0x4bb: {  	v6 =	vadd.f32 v13, v50;
	v13 =	vld [tilespmem:s31+$0x630];
	v54 =	vmul.f32 v22, v46;
	v11 =	vmul.f32 v11, v12  }
0x4bc: {  	v1 =	vadd.f32 v10, v1;
	v58 =	vmul.f32 v25, v33;
	v10 =	vmul.f32 v15, v32;
	v15 =	vld [tilespmem:s31+$0x47A0]  }
0x4bd: {  	v52 =	vld [tilespmem:s31+$0x44B0];
	(xrf2) =	vadd.scan.msk.f32 $0xffff, v45;
	v60 =	vmul.f32 v16, v24;
	v53 =	vadd.f32 v11, v6;
	v6 =	vadd.f32 v55, v54  }
0x4be: {  	v61 =	vadd.f32 v58, v1;
	(xrf2) =	vadd.scan.msk.f32 $0xffff, v0;
	v12 =	vld [tilespmem:s31+$0x4B0]  }
0x4bf: {  	v58 =	vld [tilespmem:$0x1F770];
	(xrf2) =	vadd.scan.msk.f32 $0xffff, v4;
	v4 =	vmul.f32 v40, v39;
	v33 =	vadd.f32 v60, v6;
	v6 =	vmul.f32 v42, v41  }
0x4c0: {  	v45 =	vmul.f32 v14, v13;
	v14 =	vld [tilespmem:$0x1F780]  }
0x4c1: {  	v17 =	vld [tilespmem:$0x1F7D0];
	v4 =	vadd.f32 v6, v4;
	v6 =	vmul.f32 v15, v47  }
0x4c2: {  	v63 =	vld [tilespmem:$0x1F690]  }
0x4c3: {  	v5 =	vmul.f32 v37, v35;
	v34 =	vmul.f32 v52, v12;
	v52 =	vld [tilespmem:$0x1F740];
	v4 =	vadd.f32 v6, v4  }
0x4c4: {  	v15 =	vld [tilespmem:$0x1F7A0]  }
0x4c5: {  	v4 =	vadd.f32 v5, v4;
	v5 =	vmul.f32 v14, v58;
	v14 =	vld [tilespmem:$0x1F790]  }
0x4c6: {  	v8 =	vmul.f32 v8, v9;
	v12 =	vld [tilespmem:$0x1F750]  }
0x4c7: {  	v43 =	vld [tilespmem:s31+$0x4920]  }
0x4c8: {  	v48 =	vld [tilespmem:s31+$0x4930];
	v2 =	vadd.f32 v8, v2  }
0x4c9: {  	v57 =	vmul.f32 v30, v31;
	v50 =	vld [tilespmem:$0x1F720]  }
0x4ca: {  	v59 =	vmul.f32 v18, v19;
	v2 =	vadd.f32 v51, v2;
	v51 =	vld [tilespmem:$0x1F730];
	v14 =	vmul.f32 v15, v14  }
0x4cb: {  	v1 =	vmul.f32 v63, v62;
	v11 =	vmul.f32 v12, v52;
	v12 =	vld [tilespmem:s31+$0x4AA0]  }
0x4cc: {  	v3 =	vadd.f32 v57, v53;
	v5 =	vadd.f32 v14, v5;
	v14 =	vld [tilespmem:$0x1F7B0]  }
0x4cd: {  	v0 =	vadd.f32 v59, v61;
	(xrf2) =	vadd.scan.msk.f32 $0xffff, v2;
	v2 =	vmul.f32 v56, v36;
	v55 =	vld [tilespmem:$0x1F760];
	v1 =	vadd.f32 v10, v1  }
0x4ce: {  	v62 =	vld [tilespmem:$0x1F7C0];
	(xrf2) =	vadd.scan.msk.f32 $0xffff, v3;
	v38 =	vadd.f32 v34, v33  }
0x4cf: {  	v46 =	vld [tilespmem:s31+$0x930];
	v44 =	vadd.f32 v2, v1;
	(xrf2) =	vadd.scan.msk.f32 $0xffff, v0  }
0x4d0: {  	v63 =	vld [tilespmem:$0x1F7E0];
	v9, _, _ =	vpop (xrf2);
	v1 =	vmul.f32 v51, v50;
	(xrf2) =	vadd.scan.msk.f32 $0xffff, v38  }
0x4d1: {  	v49, _, _ =	vpop (xrf2);
	v56 =	vld [tilespmem:s31+$0x4AB0];
	v0 =	vadd.f32 v45, v44;
	v12 =	vmul.f32 v12, v14  }
0x4d2: {  	v13, _, _ =	vpop (xrf2);
	v53 =	vld [tilespmem:s31+$0xAB0];
	v8 =	vmul.f32 v43, v55;
	v1 =	vadd.f32 v11, v1  }
0x4d3: {  	v54, _, _ =	vpop (xrf2);
	(xrf2) =	vadd.scan.msk.f32 $0xffff, v0;
	v5 =	vadd.f32 v12, v5;
	v12 =	vld [tilespmem:$0x1F7F0]  }
0x4d4: {  	v59 =	vld [tilespmem:s31+$0x4BA0];
	v57, _, _ =	vpop (xrf2);
	v2 =	vmul.f32 v48, v46;
	v1 =	vadd.f32 v8, v1  }
0x4d5: {  	v16, _, _ =	vpop (xrf2);
	v15 =	vld [tilespmem:s31+$0xBA0]  }
0x4d6: {  	v60, _, _ =	vpop (xrf2);
	(xrf2) =	vadd.scan.msk.f32 $0xffff, v4;
	v1 =	vadd.f32 v2, v1;
	v2 =	vmul.f32 v17, v62;
	v17 =	vld [tilespmem:s31+$0x4BB0]  }
0x4d7: {  	v61, _, _ =	vpop (xrf2);
	v14 =	vld [tilespmem:s31+$0xBB0]  }
0x4d8: {  	v6 =	vmul.f32 v56, v53;
	v18, _, _ =	vpop (xrf2);
	v11 =	vmul.f32 v12, v63  }
0x4d9: {  	(xrf2) =	vadd.scan.msk.f32 $0xffff, v1;
	v12, _, _ =	vpop (xrf2)  }
0x4da: {  	v33 =	vmul.f32 v59, v15;
	v32 =	vadd.f32 v6, v5;
	v34, _, _ =	vpop (xrf2);
	v2 =	vadd.f32 v11, v2  }
0x4db: {  	v35 =	vbroadcast v12, $0xF;
	v6 =	vbroadcast v34, $0xF  }
0x4dc: {  	v36 =	vbroadcast v18, $0xF;
	v37 =	vmul.f32 v17, v14;
	(xrf2) =	vadd.scan.msk.f32 $0xffff, v32;
	v2 =	vadd.f32 v33, v2  }
0x4dd: {  	v4 =	vbroadcast v61, $0xF;
	v39, _, _ =	vpop (xrf2);
	v38 =	vsel vm0, v35, v6  }
0x4de: {  	v6 =	vbroadcast v39, $0xF;
	v1 =	vsel vm1, v38, v36;
	v2 =	vadd.f32 v37, v2  }
0x4df: {  	v40 =	vbroadcast v60, $0xF;
	v1 =	vsel vm2, v1, v4  }
0x4e0: {  	v41 =	vbroadcast v16, $0xF;
	v42, _, _ =	vpop (xrf2);
	v1 =	vsel vm3, v1, v6;
	(xrf2) =	vadd.scan.msk.f32 $0xffff, v2  }
0x4e1: {  	v43 =	vbroadcast v42, $0xF;
	v1 =	vsel vm4, v1, v40  }
0x4e2: {  	v0 =	vbroadcast v57, $0xF;
	v1 =	vsel vm5, v1, v41  }
0x4e3: {  	v44 =	vbroadcast v54, $0xF;
	v45, _, _ =	vpop (xrf2);
	v1 =	vsel vm6, v1, v43  }
0x4e4: {  	v46 =	vbroadcast v45, $0xF;
	v0 =	vsel vm7, v1, v0  }
0x4e5: {  	v47 =	vbroadcast v13, $0xF;
	v0 =	vsel vm8, v0, v44  }
0x4e6: {  	v48 =	vbroadcast v49, $0xF;
	v49, _, _ =	vpop (xrf2);
	v0 =	vsel vm9, v0, v46  }
0x4e7: {  	v50 =	vbroadcast v49, $0xF;
	v0 =	vsel vm10, v0, v47  }
0x4e8: {  	v51 =	vbroadcast v9, $0xF;
	v0 =	vsel vm11, v0, v48  }
0x4e9: {  	v0 =	vsel vm12, v0, v50  }
0x4ea: {  	v0 =	vsel vm13, v0, v51;
	v52, _, _ =	vpop (xrf2)  }
0x4eb: {  	s26 =	simm.s32 $0x10500;
	v0 =	vsel vm14, v0, v52  }
0x4ec: {  	s28 =	simm.s32 $0x800;
	[tilespmem:s26+$0x0] =	vst v0  }
0x4ed: {  	v6 =	vld [tilespmem:s28+$0xB30]  }
0x4ee: {  	v9 =	vld [tilespmem:s28+$0x4B30]  }
0x4ef: {  	v0 =	vld [tilespmem:s28+$0xB80]  }
0x4f0: {  	v53 =	vld [tilespmem:s28+$0x4B80]  }
0x4f1: {  	v54 =	vld [tilespmem:s28+$0xB90]  }
0x4f2: {  	v55 =	vld [tilespmem:s28+$0x4B90]  }
0x4f3: {  	v56 =	vld [tilespmem:s28+$0xB20]  }
0x4f4: {  	v31 =	vld [tilespmem:s28+$0x4B20]  }
0x4f5: {  	v11 =	vld [tilespmem:s28+$0xA30]  }
0x4f6: {  	v12 =	vld [tilespmem:s28+$0x4A30]  }
0x4f7: {  	v57 =	vld [tilespmem:s28+$0xAA0]  }
0x4f8: {  	v26 =	vld [tilespmem:s28+$0xB00]  }
0x4f9: {  	v32 =	vld [tilespmem:s28+$0x4B00]  }
0x4fa: {  	v33 =	vld [tilespmem:s28+$0xB10]  }
0x4fb: {  	v35 =	vld [tilespmem:s28+$0x4B10]  }
0x4fc: {  	v14 =	vld [tilespmem:s28+$0x9B0]  }
0x4fd: {  	v23 =	vld [tilespmem:s28+$0x49B0]  }
0x4fe: {  	v58 =	vld [tilespmem:s28+$0xA20]  }
0x4ff: {  	v63 =	vld [tilespmem:s28+$0x4A20]  }
0x500: {  	v59 =	vld [tilespmem:s28+$0xA80]  }
0x501: {  	v60 =	vld [tilespmem:s28+$0x4A80]  }
0x502: {  	v61 =	vld [tilespmem:s28+$0xA90]  }
0x503: {  	v62 =	vld [tilespmem:s28+$0x4A90]  }
0x504: {  	v36 =	vld [tilespmem:s28+$0x9A0]  }
0x505: {  	v34 =	vld [tilespmem:s28+$0x49A0]  }
0x506: {  	v43 =	vld [tilespmem:s28+$0xA00]  }
0x507: {  	v44 =	vld [tilespmem:s28+$0x4A00]  }
0x508: {  	v45 =	vld [tilespmem:s28+$0xA10]  }
0x509: {  	v46 =	vld [tilespmem:s28+$0x4A10]  }
0x50a: {  	v5 =	vld [tilespmem:s28+$0x8B0]  }
0x50b: {  	v7 =	vld [tilespmem:s28+$0x48B0]  }
0x50c: {  	v4 =	vld [tilespmem:s28+$0x920]  }
0x50d: {  	v49 =	vld [tilespmem:s28+$0x980]  }
0x50e: {  	v1 =	vld [tilespmem:s28+$0x4980]  }
0x50f: {  	v2 =	vld [tilespmem:s28+$0x990]  }
0x510: {  	v52 =	vld [tilespmem:s28+$0x4990]  }
0x511: {  	v3 =	vld [tilespmem:s28+$0x830]  }
0x512: {  	v8 =	vld [tilespmem:s28+$0x900]  }
0x513: {  	v10 =	vld [tilespmem:s28+$0x4900]  }
0x514: {  	v37 =	vld [tilespmem:s28+$0x910]  }
0x515: {  	v38 =	vld [tilespmem:s28+$0x4910]  }
0x516: {  	v50 =	vld [tilespmem:s28+$0x820]  }
0x517: {  	v39 =	vld [tilespmem:s28+$0x4820]  }
0x518: {  	v13 =	vld [tilespmem:s28+$0x730]  }
0x519: {  	v20 =	vld [tilespmem:s28+$0x4730]  }
0x51a: {  	v40 =	vld [tilespmem:s28+$0x7A0]  }
0x51b: {  	v48 =	vld [tilespmem:s28+$0x4800]  }
0x51c: {  	v47 =	vld [tilespmem:s28+$0x4810]  }
0x51d: {  	v15 =	vld [tilespmem:s28+$0x780]  }
0x51e: {  	v16 =	vld [tilespmem:s28+$0x4780]  }
0x51f: {  	v17 =	vld [tilespmem:s28+$0x790]  }
0x520: {  	v18 =	vld [tilespmem:s28+$0x4790]  }
0x521: {  	v41 =	vld [tilespmem:s28+$0x6A0]  }
0x522: {  	v42 =	vld [tilespmem:s28+$0x46A0]  }
0x523: {  	v22 =	vld [tilespmem:s28+$0x4700]  }
0x524: {  	v21 =	vld [tilespmem:s28+$0x4710]  }
0x525: {  	v29 =	vld [tilespmem:s28+$0x5B0]  }
0x526: {  	v30 =	vld [tilespmem:s28+$0x45B0]  }
0x527: {  	v19 =	vld [tilespmem:s28+$0x620]  }
0x528: {  	v27 =	vld [tilespmem:s28+$0x530]  }
0x529: {  	v28 =	vld [tilespmem:s28+$0x4530]  }
0x52a: {  	v51 =	vld [tilespmem:s28+$0x5A0]  }
0x52b: {  	v24 =	vld [tilespmem:s28+$0x4600]  }
0x52c: {  	v25 =	vld [tilespmem:s28+$0x610]  }
0x52d: {  	[tilespmem:$0x1F890] =	vst v4;
	v4 =	vld [tilespmem:s28+$0x4830]  }
0x52e: {  	[tilespmem:$0x1F900] =	vst v58;
	v58 =	vld [tilespmem:s28+$0x8A0]  }
0x52f: {  	[tilespmem:$0x1F840] =	vst v57;
	v57 =	vld [tilespmem:s28+$0x48A0]  }
0x530: {  	[tilespmem:$0x1F850] =	vst v59;
	v59 =	vld [tilespmem:s28+$0x880]  }
0x531: {  	[tilespmem:$0x1F860] =	vst v60;
	v60 =	vld [tilespmem:s28+$0x4880]  }
0x532: {  	[tilespmem:$0x1F870] =	vst v61;
	v61 =	vld [tilespmem:s28+$0x890]  }
0x533: {  	[tilespmem:$0x1F880] =	vst v62;
	v62 =	vld [tilespmem:s28+$0x4890]  }
0x534: {  	[tilespmem:$0x1F820] =	vst v54;
	v54 =	vld [tilespmem:s28+$0x800]  }
0x535: {  	[tilespmem:$0x1F810] =	vst v53;
	v53 =	vld [tilespmem:s28+$0x810]  }
0x536: {  	[tilespmem:$0x1F8A0] =	vst v8;
	v8 =	vld [tilespmem:s28+$0x6B0]  }
0x537: {  	[tilespmem:$0x1F8B0] =	vst v10;
	v10 =	vld [tilespmem:s28+$0x46B0]  }
0x538: {  	[tilespmem:$0x1F8F0] =	vst v56;
	v56 =	vld [tilespmem:s28+$0x720]  }
0x539: {  	[tilespmem:$0x1F830] =	vst v55;
	v55 =	vld [tilespmem:s28+$0x4720]  }
0x53a: {  	[tilespmem:$0x1F8D0] =	vst v38;
	v38 =	vld [tilespmem:s28+$0x700]  }
0x53b: {  	[tilespmem:$0x1F8C0] =	vst v37;
	v37 =	vld [tilespmem:s28+$0x710]  }
0x53c: {  	[tilespmem:$0x1F930] =	vst v42;
	v42 =	vld [tilespmem:s28+$0x680]  }
0x53d: {  	[tilespmem:$0x1F8E0] =	vst v40;
	v40 =	vld [tilespmem:s28+$0x4680]  }
0x53e: {  	[tilespmem:$0x1F920] =	vst v41;
	v41 =	vld [tilespmem:s28+$0x690]  }
0x53f: {  	[tilespmem:$0x1F910] =	vst v39;
	v39 =	vld [tilespmem:s28+$0x4690]  }
0x540: {  	[tilespmem:$0x1F940] =	vst v51;
	v51 =	vld [tilespmem:s28+$0x45A0]  }
0x541: {  	v32 =	vmul.f32 v32, v26;
	v26 =	vld [tilespmem:s28+$0x4610];
	v43 =	vmul.f32 v44, v43  }
0x542: {  	v44 =	vmul.f32 v46, v45;
	v45 =	vmul.f32 v1, v49;
	v49 =	vld [tilespmem:s28+$0x590]  }
0x543: {  	v1 =	vld [tilespmem:s28+$0x500]  }
0x544: {  	v33 =	vmul.f32 v35, v33;
	v35 =	vld [tilespmem:$0x1F8F0]  }
0x545: {  	v46 =	vmul.f32 v52, v2;
	v52 =	vld [tilespmem:$0x1F900]  }
0x546: {  	v5 =	vmul.f32 v7, v5;
	v7 =	vld [tilespmem:$0x1F910]  }
0x547: {  	[tilespmem:$0x1F800] =	vst v0;
	v0 =	vadd.f32 v33, v32;
	v32 =	vld [tilespmem:s28+$0x4430]  }
0x548: {  	v33 =	vld [tilespmem:s28+$0x520]  }
0x549: {  	v45 =	vadd.f32 v46, v45;
	v46 =	vld [tilespmem:s28+$0x580]  }
0x54a: {  	v43 =	vadd.f32 v44, v43;
	v44 =	vld [tilespmem:s28+$0x4580]  }
0x54b: {  	v6 =	vmul.f32 v9, v6;
	v34 =	vmul.f32 v34, v36;
	[tilespmem:$0x1F950] =	vst v51;
	v51 =	vld [tilespmem:s28+$0x600]  }
0x54c: {  	v21 =	vmul.f32 v21, v37;
	v37 =	vld [tilespmem:s28+$0x4400];
	v35 =	vmul.f32 v31, v35  }
0x54d: {  	v22 =	vmul.f32 v22, v38;
	v38 =	vld [tilespmem:s28+$0x400];
	v2 =	vmul.f32 v63, v52  }
0x54e: {  	v11 =	vmul.f32 v12, v11;
	v39 =	vmul.f32 v39, v41;
	v41 =	vld [tilespmem:s28+$0x4410];
	v0 =	vadd.f32 v35, v0  }
0x54f: {  	v34 =	vadd.f32 v34, v45;
	v40 =	vmul.f32 v40, v42;
	v31 =	vld [tilespmem:s28+$0x430];
	v9 =	vadd.f32 v2, v43  }
0x550: {  	v52 =	vmul.f32 v23, v14;
	v63 =	vmul.f32 v57, v58;
	v57 =	vld [tilespmem:$0x1F920];
	v0 =	vadd.f32 v6, v0  }
0x551: {  	v58 =	vld [tilespmem:$0x1F930];
	v36 =	vadd.f32 v11, v9  }
0x552: {  	v40 =	vadd.f32 v39, v40;
	v39 =	vld [tilespmem:s28+$0x410];
	v45 =	vadd.f32 v52, v34;
	(xrf2) =	vadd.scan.msk.f32 $0xffff, v0  }
0x553: {  	v60 =	vmul.f32 v60, v59;
	v62 =	vmul.f32 v62, v61;
	v35 =	vld [tilespmem:s28+$0x4520];
	(xrf2) =	vadd.scan.msk.f32 $0xffff, v36  }
0x554: {  	v48 =	vmul.f32 v48, v54;
	v47 =	vmul.f32 v47, v53;
	v43 =	vld [tilespmem:s28+$0x4590];
	(xrf2) =	vadd.scan.msk.f32 $0xffff, v45  }
0x555: {  	v21 =	vadd.f32 v21, v22;
	v52 =	vld [tilespmem:s28+$0x4500]  }
0x556: {  	v22 =	vmul.f32 v55, v56;
	v6 =	vadd.f32 v47, v48;
	v48 =	vld [tilespmem:s28+$0x510];
	v0 =	vadd.f32 v62, v60  }
0x557: {  	v9 =	vmul.f32 v7, v50;
	v11 =	vld [tilespmem:s28+$0x4510]  }
0x558: {  	v21 =	vadd.f32 v22, v21;
	v22 =	vmul.f32 v20, v13;
	v62 =	vld [tilespmem:$0x1F940];
	v0 =	vadd.f32 v63, v0  }
0x559: {  	v56 =	vmul.f32 v4, v3;
	v55 =	vadd.f32 v9, v6;
	v63 =	vld [tilespmem:$0x1F950]  }
0x55a: {  	v34 =	vld [tilespmem:s28+$0x420];
	v59 =	vmul.f32 v58, v57;
	v22 =	vadd.f32 v22, v21;
	v0 =	vadd.f32 v5, v0  }
0x55b: {  	v44 =	vmul.f32 v44, v46;
	v36 =	vld [tilespmem:s28+$0x4420];
	v43 =	vmul.f32 v43, v49;
	v42 =	vadd.f32 v56, v55  }
0x55c: {  	v61 =	vmul.f32 v10, v8;
	v60 =	vadd.f32 v59, v40;
	v40 =	vld [tilespmem:s28+$0x480];
	(xrf2) =	vadd.scan.msk.f32 $0xffff, v0;
	v54, _, _ =	vpop (xrf2)  }
0x55d: {  	v47 =	vmul.f32 v52, v1;
	v45 =	vadd.f32 v43, v44;
	v43 =	vld [tilespmem:s28+$0x490];
	(xrf2) =	vadd.scan.msk.f32 $0xffff, v42;
	v21, _, _ =	vpop (xrf2)  }
0x55e: {  	s29 =	simm.s32 $0x4000;
	v48 =	vmul.f32 v11, v48;
	v44 =	vadd.f32 v61, v60;
	v46 =	vmul.f32 v63, v62;
	v42 =	vld [tilespmem:s28+$0x4480];
	(xrf2) =	vadd.scan.msk.f32 $0xffff, v22;
	v22, _, _ =	vpop (xrf2)  }
.LBB2_6:
0x55f: {  	v49 =	vld [tilespmem:s28+$0x4490]  }
0x560: {  	v10 =	vld [tilespmem:s28+$0x44A0]  }
0x561: {  	v11 =	vld [tilespmem:s28+$0x4B0]  }
0x562: {  	v50 =	vld [tilespmem:s28+$0x4630]  }
0x563: {  	v15 =	vmul.f32 v16, v15;
	v16 =	vmul.f32 v18, v17;
	v17 =	vld [tilespmem:s28+$0x4920]  }
0x564: {  	v52 =	vld [tilespmem:$0x1F8A0]  }
0x565: {  	v1 =	vld [tilespmem:$0x1F8B0]  }
0x566: {  	v53 =	vld [tilespmem:$0x1F8C0]  }
0x567: {  	v55 =	vld [tilespmem:$0x1F8D0]  }
0x568: {  	v12 =	vld [tilespmem:s28+$0x4AA0]  }
0x569: {  	v56 =	vld [tilespmem:$0x1F890]  }
0x56a: {  	v57 =	vld [tilespmem:s28+$0x4AB0]  }
0x56b: {  	v58 =	vld [tilespmem:$0x1F850]  }
0x56c: {  	v59 =	vld [tilespmem:$0x1F860]  }
0x56d: {  	v60 =	vld [tilespmem:$0x1F870]  }
0x56e: {  	v61 =	vld [tilespmem:$0x1F880]  }
0x56f: {  	v62 =	vld [tilespmem:$0x1F840];
	v45 =	vadd.f32 v46, v45;
	v0 =	vmul.f32 v30, v29;
	v33 =	vmul.f32 v35, v33  }
0x570: {  	v7 =	vadd.f32 v48, v47;
	v30 =	vld [tilespmem:s28+$0x4A0];
	v8 =	vmul.f32 v37, v38;
	v9 =	vmul.f32 v41, v39  }
0x571: {  	(xrf2) =	vadd.scan.msk.f32 $0xffff, v44;
	v47 =	vld [tilespmem:s28+$0x4620];
	v15 =	vadd.f32 v16, v15;
	v27 =	vmul.f32 v28, v27;
	v34 =	vmul.f32 v36, v34  }
0x572: {  	v44 =	vld [tilespmem:s28+$0x44B0];
	v31 =	vmul.f32 v32, v31;
	v0 =	vadd.f32 v0, v45;
	v33 =	vadd.f32 v33, v7  }
0x573: {  	v48 =	vld [tilespmem:s28+$0x630];
	v46 =	vmul.f32 v49, v43;
	v28 =	vadd.f32 v9, v8;
	v45 =	vmul.f32 v42, v40  }
0x574: {  	v16 =	vld [tilespmem:s28+$0x4930];
	v23 =	vmul.f32 v24, v51;
	v24 =	vmul.f32 v26, v25;
	v29, _, _ =	vpop (xrf2);
	(xrf2) =	vadd.scan.msk.f32 $0xffff, v0;
	v27 =	vadd.f32 v27, v33  }
0x575: {  	v25 =	vld [tilespmem:s28+$0x47A0];
	v28 =	vadd.f32 v34, v28;
	v49 =	vadd.f32 v46, v45;
	v30 =	vmul.f32 v10, v30  }
0x576: {  	v51 =	vld [tilespmem:$0x1F8E0];
	v23 =	vadd.f32 v24, v23;
	v20 =	vmul.f32 v47, v19  }
0x577: {  	v24 =	vld [tilespmem:s28+$0x47B0];
	v39, _, _ =	vpop (xrf2);
	(xrf2) =	vadd.scan.msk.f32 $0xffff, v27;
	v27 =	vadd.f32 v31, v28;
	v28 =	vadd.f32 v30, v49;
	v30 =	vmul.f32 v44, v11  }
0x578: {  	v31 =	vld [tilespmem:s28+$0x7B0]  }
0x579: {  	v32 =	vld [tilespmem:$0x1F810];
	v20 =	vadd.f32 v20, v23;
	v23 =	vmul.f32 v50, v48;
	v26, _, _ =	vpop (xrf2);
	(xrf2) =	vadd.scan.msk.f32 $0xffff, v27;
	v27 =	vadd.f32 v30, v28  }
0x57a: {  	v35 =	vld [tilespmem:$0x1F820];
	v10 =	vmul.f32 v1, v52;
	v11 =	vmul.f32 v55, v53  }
0x57b: {  	v14 =	vmul.f32 v25, v51;
	v18, _, _ =	vpop (xrf2);
	v28 =	vld [tilespmem:s28+$0x930];
	(xrf2) =	vadd.scan.msk.f32 $0xffff, v27  }
0x57c: {  	v36 =	vld [tilespmem:$0x1F830];
	v9 =	vmul.f32 v17, v56;
	v20 =	vadd.f32 v23, v20;
	v10 =	vadd.f32 v11, v10  }
0x57d: {  	v23 =	vld [tilespmem:s28+$0xAB0];
	v14 =	vadd.f32 v14, v15;
	v15 =	vmul.f32 v24, v31  }
0x57e: {  	v9 =	vadd.f32 v9, v10;
	v10 =	vld [tilespmem:$0x1F800];
	v13, _, _ =	vpop (xrf2);
	(xrf2) =	vadd.scan.msk.f32 $0xffff, v20  }
0x57f: {  	v5 =	vmul.f32 v59, v58;
	v6 =	vmul.f32 v61, v60;
	v7 =	vld [tilespmem:s28+$0xBA0];
	v14 =	vadd.f32 v15, v14  }
0x580: {  	v15 =	vld [tilespmem:s28+$0x4BA0];
	v16 =	vmul.f32 v16, v28  }
0x581: {  	v63 =	vld [tilespmem:s28+$0xBB0];
	v4 =	vmul.f32 v12, v62;
	v5 =	vadd.f32 v6, v5;
	v8, _, _ =	vpop (xrf2);
	(xrf2) =	vadd.scan.msk.f32 $0xffff, v14  }
0x582: {  	v3 =	vld [tilespmem:s28+$0x4BB0];
	v0 =	vmul.f32 v36, v35;
	v9 =	vadd.f32 v16, v9  }
0x583: {  	v12 =	vadd.f32 v4, v5;
	v34 =	vmul.f32 v57, v23;
	v2 =	vmul.f32 v32, v10  }
0x584: {  	v33, _, _ =	vpop (xrf2);
	(xrf2) =	vadd.scan.msk.f32 $0xffff, v9  }
0x585: {  	v37 =	vadd.f32 v34, v12;
	v0 =	vadd.f32 v0, v2;
	v38 =	vmul.f32 v15, v7;
	v40, _, _ =	vpop (xrf2)  }
0x586: {  	v41 =	vbroadcast v33, $0xF;
	v42 =	vbroadcast v40, $0xF  }
0x587: {  	v44 =	vmul.f32 v3, v63;
	v43 =	vbroadcast v8, $0xF;
	v0 =	vadd.f32 v38, v0;
	(xrf2) =	vadd.scan.msk.f32 $0xffff, v37  }
0x588: {  	v46 =	vbroadcast v13, $0xF;
	v45 =	vsel vm0, v41, v42;
	v47, _, _ =	vpop (xrf2)  }
0x589: {  	v0 =	vadd.f32 v44, v0;
	v1 =	vsel vm1, v45, v43;
	v48 =	vbroadcast v47, $0xF  }
0x58a: {  	v49 =	vbroadcast v18, $0xF;
	v1 =	vsel vm2, v1, v46  }
0x58b: {  	v50 =	vbroadcast v26, $0xF;
	v51, _, _ =	vpop (xrf2);
	(xrf2) =	vadd.scan.msk.f32 $0xffff, v0;
	v1 =	vsel vm3, v1, v48  }
0x58c: {  	v53 =	vbroadcast v51, $0xF;
	v52 =	vsel vm4, v1, v49  }
0x58d: {  	v55 =	vbroadcast v39, $0xF;
	v0 =	vsel vm5, v52, v50  }
0x58e: {  	v56 =	vbroadcast v29, $0xF;
	v57, _, _ =	vpop (xrf2);
	v0 =	vsel vm6, v0, v53  }
0x58f: {  	v58 =	vbroadcast v57, $0xF;
	v0 =	vsel vm7, v0, v55  }
0x590: {  	v59 =	vbroadcast v22, $0xF;
	v0 =	vsel vm8, v0, v56  }
0x591: {  	v60 =	vbroadcast v21, $0xF;
	v61, _, _ =	vpop (xrf2);
	v0 =	vsel vm9, v0, v58  }
0x592: {  	v3 =	vbroadcast v61, $0xF;
	v0 =	vsel vm10, v0, v59  }
0x593: {  	v62 =	vbroadcast v54, $0xF;
	v0 =	vsel vm11, v0, v60  }
0x594: {  	v0 =	vsel vm12, v0, v3  }
0x595: {  	v63, _, _ =	vpop (xrf2);
	v0 =	vsel vm13, v0, v62  }
0x596: {  	s26 =	sadd.s32 $0x10, s26;
	v0 =	vsel vm14, v0, v63  }
0x597: {  	s28 =	sshra.s32 s29, $0x2;
	[tilespmem:s26+$0x0] =	vst v0  }
0x598: {  	v0 =	vld [tilespmem:s28+$0xB30]  }
0x599: {  	v21 =	vld [tilespmem:s28+$0x4B30]  }
0x59a: {  	v4 =	vld [tilespmem:s28+$0xB80]  }
0x59b: {  	v5 =	vld [tilespmem:s28+$0x4B80]  }
0x59c: {  	v6 =	vld [tilespmem:s28+$0xB90]  }
0x59d: {  	v7 =	vld [tilespmem:s28+$0x4B90]  }
0x59e: {  	v26 =	vld [tilespmem:s28+$0xB20]  }
0x59f: {  	v31 =	vld [tilespmem:s28+$0x4B20]  }
0x5a0: {  	v34 =	vld [tilespmem:s28+$0xA30]  }
0x5a1: {  	v37 =	vld [tilespmem:s28+$0x4A30]  }
0x5a2: {  	v8 =	vld [tilespmem:s28+$0xAA0]  }
0x5a3: {  	v24 =	vld [tilespmem:s28+$0xB00]  }
0x5a4: {  	v25 =	vld [tilespmem:s28+$0x4B00]  }
0x5a5: {  	v32 =	vld [tilespmem:s28+$0xB10]  }
0x5a6: {  	v48 =	vld [tilespmem:s28+$0x4B10]  }
0x5a7: {  	v9 =	vld [tilespmem:s28+$0x9B0]  }
0x5a8: {  	v22 =	vld [tilespmem:s28+$0x49B0]  }
0x5a9: {  	v33 =	vld [tilespmem:s28+$0xA20]  }
0x5aa: {  	v35 =	vld [tilespmem:s28+$0x4A20]  }
0x5ab: {  	v10 =	vld [tilespmem:s28+$0xA80]  }
0x5ac: {  	v11 =	vld [tilespmem:s28+$0x4A80]  }
0x5ad: {  	v36 =	vld [tilespmem:s28+$0xA90]  }
0x5ae: {  	v38 =	vld [tilespmem:s28+$0x4A90]  }
0x5af: {  	v43 =	vld [tilespmem:s28+$0x9A0]  }
0x5b0: {  	v46 =	vld [tilespmem:s28+$0x49A0]  }
0x5b1: {  	v53 =	vld [tilespmem:s28+$0xA00]  }
0x5b2: {  	v54 =	vld [tilespmem:s28+$0x4A00]  }
0x5b3: {  	v55 =	vld [tilespmem:s28+$0xA10]  }
0x5b4: {  	v56 =	vld [tilespmem:s28+$0x4A10]  }
0x5b5: {  	v39 =	vld [tilespmem:s28+$0x8B0]  }
0x5b6: {  	v41 =	vld [tilespmem:s28+$0x48B0]  }
0x5b7: {  	v40 =	vld [tilespmem:s28+$0x920]  }
0x5b8: {  	v57 =	vld [tilespmem:s28+$0x980]  }
0x5b9: {  	v58 =	vld [tilespmem:s28+$0x4980]  }
0x5ba: {  	v59 =	vld [tilespmem:s28+$0x990]  }
0x5bb: {  	v60 =	vld [tilespmem:s28+$0x4990]  }
0x5bc: {  	v42 =	vld [tilespmem:s28+$0x830]  }
0x5bd: {  	v44 =	vld [tilespmem:s28+$0x4830]  }
0x5be: {  	v52 =	vld [tilespmem:s28+$0x48A0]  }
0x5bf: {  	v45 =	vld [tilespmem:s28+$0x900]  }
0x5c0: {  	v47 =	vld [tilespmem:s28+$0x4900]  }
0x5c1: {  	v49 =	vld [tilespmem:s28+$0x910]  }
0x5c2: {  	v50 =	vld [tilespmem:s28+$0x4910]  }
0x5c3: {  	v61 =	vld [tilespmem:s28+$0x880]  }
0x5c4: {  	v62 =	vld [tilespmem:s28+$0x4880]  }
0x5c5: {  	v63 =	vld [tilespmem:s28+$0x890]  }
0x5c6: {  	v51 =	vld [tilespmem:s28+$0x7A0]  }
0x5c7: {  	v1 =	vld [tilespmem:s28+$0x800]  }
0x5c8: {  	v2 =	vld [tilespmem:s28+$0x4800]  }
0x5c9: {  	v3 =	vld [tilespmem:s28+$0x810]  }
0x5ca: {  	v23 =	vld [tilespmem:s28+$0x4780]  }
0x5cb: {  	v12 =	vld [tilespmem:s28+$0x4710]  }
0x5cc: {  	v29 =	vld [tilespmem:s28+$0x5B0]  }
0x5cd: {  	v30 =	vld [tilespmem:s28+$0x45B0]  }
0x5ce: {  	v19 =	vld [tilespmem:s28+$0x620]  }
0x5cf: {  	v13 =	vld [tilespmem:s28+$0x680]  }
0x5d0: {  	v14 =	vld [tilespmem:s28+$0x4680]  }
0x5d1: {  	v15 =	vld [tilespmem:s28+$0x690]  }
0x5d2: {  	v16 =	vld [tilespmem:s28+$0x4690]  }
0x5d3: {  	v27 =	vld [tilespmem:s28+$0x530]  }
0x5d4: {  	v28 =	vld [tilespmem:s28+$0x4530]  }
0x5d5: {  	v17 =	vld [tilespmem:s28+$0x5A0]  }
0x5d6: {  	v18 =	vld [tilespmem:s28+$0x45A0]  }
0x5d7: {  	[tilespmem:$0x1F870] =	vst v36;
	v36 =	vld [tilespmem:s28+$0x8A0]  }
0x5d8: {  	[tilespmem:$0x1F8C0] =	vst v49;
	v49 =	vld [tilespmem:s28+$0x820]  }
0x5d9: {  	[tilespmem:$0x1F880] =	vst v38;
	v38 =	vld [tilespmem:s28+$0x4820]  }
0x5da: {  	[tilespmem:$0x1F610] =	vst v0;
	v0 =	vld [tilespmem:s28+$0x4890]  }
0x5db: {  	[tilespmem:$0x1F890] =	vst v40;
	v40 =	vld [tilespmem:s28+$0x730]  }
0x5dc: {  	[tilespmem:$0x1F630] =	vst v39;
	v39 =	vld [tilespmem:s28+$0x4730]  }
0x5dd: {  	[tilespmem:$0x1F800] =	vst v4;
	v4 =	vld [tilespmem:s28+$0x4810]  }
0x5de: {  	[tilespmem:$0x1F640] =	vst v42;
	v42 =	vld [tilespmem:s28+$0x6B0]  }
0x5df: {  	[tilespmem:$0x1F8A0] =	vst v45;
	v45 =	vld [tilespmem:s28+$0x46B0]  }
0x5e0: {  	[tilespmem:$0x1F810] =	vst v5;
	v5 =	vld [tilespmem:s28+$0x720]  }
0x5e1: {  	[tilespmem:$0x1F820] =	vst v6;
	v6 =	vld [tilespmem:s28+$0x4720]  }
0x5e2: {  	[tilespmem:$0x1F8D0] =	vst v50;
	v50 =	vld [tilespmem:s28+$0x780]  }
0x5e3: {  	[tilespmem:$0x1F8B0] =	vst v47;
	v47 =	vld [tilespmem:s28+$0x790]  }
0x5e4: {  	[tilespmem:$0x1F650] =	vst v44;
	v44 =	vld [tilespmem:s28+$0x4790]  }
0x5e5: {  	[tilespmem:$0x1F830] =	vst v7;
	v7 =	vld [tilespmem:s28+$0x6A0]  }
0x5e6: {  	[tilespmem:$0x1F840] =	vst v8;
	v8 =	vld [tilespmem:s28+$0x46A0]  }
0x5e7: {  	[tilespmem:$0x1F620] =	vst v9;
	v9 =	vld [tilespmem:s28+$0x700]  }
0x5e8: {  	[tilespmem:$0x1F850] =	vst v10;
	v10 =	vld [tilespmem:s28+$0x4700]  }
0x5e9: {  	[tilespmem:$0x1F860] =	vst v11;
	v11 =	vld [tilespmem:s28+$0x710]  }
0x5ea: {  	[tilespmem:$0x1F8E0] =	vst v51;
	v51 =	vld [tilespmem:s28+$0x600]  }
0x5eb: {  	v20 =	vmul.f32 v25, v24;
	v24 =	vld [tilespmem:s28+$0x4600]  }
0x5ec: {  	v32 =	vmul.f32 v48, v32;
	v25 =	vld [tilespmem:s28+$0x610]  }
0x5ed: {  	v48 =	vmul.f32 v54, v53;
	v53 =	vmul.f32 v56, v55;
	v56 =	vld [tilespmem:$0x1F610]  }
0x5ee: {  	v60 =	vmul.f32 v60, v59;
	v59 =	vld [tilespmem:$0x1F620]  }
0x5ef: {  	v43 =	vmul.f32 v46, v43;
	v46 =	vld [tilespmem:$0x1F650]  }
0x5f0: {  	v20 =	vadd.f32 v32, v20;
	v32 =	vmul.f32 v31, v26;
	v26 =	vld [tilespmem:s28+$0x4610]  }
0x5f1: {  	v58 =	vmul.f32 v58, v57;
	v31 =	vld [tilespmem:s28+$0x430]  }
0x5f2: {  	v48 =	vadd.f32 v53, v48;
	v53 =	vmul.f32 v35, v33;
	v33 =	vld [tilespmem:s28+$0x520]  }
0x5f3: {  	v35 =	vld [tilespmem:s28+$0x4520];
	v57 =	vadd.f32 v60, v58  }
0x5f4: {  	v20 =	vadd.f32 v32, v20;
	v32 =	vld [tilespmem:s28+$0x4430]  }
0x5f5: {  	v34 =	vmul.f32 v37, v34;
	v37 =	vadd.f32 v43, v57;
	v43 =	vld [tilespmem:s28+$0x4590]  }
0x5f6: {  	v60 =	vmul.f32 v52, v36;
	v36 =	vld [tilespmem:s28+$0x4420];
	v21 =	vmul.f32 v21, v56  }
0x5f7: {  	v58 =	vmul.f32 v62, v61;
	v0 =	vmul.f32 v0, v63;
	v63 =	vld [tilespmem:$0x1F630]  }
0x5f8: {  	v61 =	vmul.f32 v4, v3;
	v3 =	vld [tilespmem:s28+$0x4500];
	v20 =	vadd.f32 v21, v20;
	v21 =	vadd.f32 v53, v48  }
0x5f9: {  	v22 =	vmul.f32 v22, v59;
	v59 =	vmul.f32 v39, v40;
	v39 =	vld [tilespmem:s28+$0x410]  }
0x5fa: {  	v40 =	vld [tilespmem:s28+$0x480];
	v21 =	vadd.f32 v34, v21  }
0x5fb: {  	v48 =	vld [tilespmem:s28+$0x580];
	v62 =	vadd.f32 v22, v37;
	(xrf2) =	vadd.scan.msk.f32 $0xffff, v20  }
0x5fc: {  	v53 =	vld [tilespmem:s28+$0x590];
	(xrf2) =	vadd.scan.msk.f32 $0xffff, v21  }
0x5fd: {  	v0 =	vadd.f32 v0, v58;
	v4 =	vmul.f32 v41, v63;
	v41 =	vld [tilespmem:$0x1F640];
	(xrf2) =	vadd.scan.msk.f32 $0xffff, v62  }
0x5fe: {  	v1 =	vmul.f32 v2, v1;
	v9 =	vmul.f32 v10, v9;
	v22 =	vld [tilespmem:s28+$0x500]  }
0x5ff: {  	v37 =	vmul.f32 v38, v49;
	v38 =	vmul.f32 v12, v11;
	v0 =	vadd.f32 v60, v0;
	v20 =	vld [tilespmem:s28+$0x4580]  }
0x600: {  	v57 =	vmul.f32 v16, v15;
	v5 =	vmul.f32 v6, v5;
	v1 =	vadd.f32 v61, v1;
	v11 =	vld [tilespmem:s28+$0x4510]  }
0x601: {  	v49 =	vmul.f32 v14, v13;
	v34 =	vld [tilespmem:s28+$0x420];
	v9 =	vadd.f32 v38, v9;
	v0 =	vadd.f32 v4, v0  }
0x602: {  	p0 =	sne.s32 s29, $0xE000;
	v16 =	vmovc v23;
	v60 =	vmul.f32 v8, v7;
	v1 =	vadd.f32 v37, v1;
	v4 =	vld [tilespmem:s28+$0x510];
	v2 =	vmul.f32 v46, v41  }
.Ltmp2:
0x603: {  	v37 =	vld [tilespmem:s28+$0x4400];
	v63 =	vmul.f32 v45, v42;
	v58 =	vadd.f32 v5, v9;
	(xrf2) =	vadd.scan.msk.f32 $0xffff, v0;
	v0 =	vadd.f32 v57, v49;
	(pc) =	sbr.rel @p0 .LBB2_6-.Ltmp2, $4  }
0x604: {  	v15 =	vmovc v50;
	v38 =	vld [tilespmem:s28+$0x400];
	v62 =	vmul.f32 v43, v53;
	v61 =	vmul.f32 v20, v48;
	v1 =	vadd.f32 v2, v1  }
0x605: {  	v42 =	vld [tilespmem:s28+$0x4480];
	v46 =	vmul.f32 v18, v17;
	v0 =	vadd.f32 v60, v0;
	v2 =	vadd.f32 v59, v58;
	v54, _, _ =	vpop (xrf2)  }
0x606: {  	v43 =	vld [tilespmem:s28+$0x490];
	v18 =	vmov v44;
	v17 =	vmov v47;
	v47 =	vmul.f32 v3, v22;
	(xrf2) =	vadd.scan.msk.f32 $0xffff, v1;
	v21, _, _ =	vpop (xrf2)  }
0x607: {  	s29 =	sadd.s32 $0x2000, s29;
	v41 =	vld [tilespmem:s28+$0x4410];
	v45 =	vadd.f32 v62, v61;
	v48 =	vmul.f32 v11, v4;
	v44 =	vadd.f32 v63, v0;
	(xrf2) =	vadd.scan.msk.f32 $0xffff, v2;
	v22, _, _ =	vpop (xrf2)  }
0x608: {  	v0 =	vld [tilespmem:s28+$0x4490]  }
0x609: {  	v1 =	vld [tilespmem:s28+$0x4A0]  }
0x60a: {  	v4 =	vld [tilespmem:s28+$0x44A0]  }
0x60b: {  	v7 =	vld [tilespmem:s28+$0x4B0]  }
0x60c: {  	v10 =	vld [tilespmem:s28+$0x4620]  }
0x60d: {  	v12 =	vld [tilespmem:s28+$0x630]  }
0x60e: {  	v14 =	vld [tilespmem:s28+$0x47A0]  }
0x60f: {  	v53 =	vld [tilespmem:s28+$0x7B0]  }
0x610: {  	v58 =	vld [tilespmem:s28+$0x47B0]  }
0x611: {  	v61 =	vld [tilespmem:s28+$0x4920]  }
0x612: {  	v63 =	vld [tilespmem:s28+$0x930]  }
0x613: {  	v13 =	vmul.f32 v32, v31;
	v32 =	vld [tilespmem:$0x1F8E0]  }
0x614: {  	v6 =	vmul.f32 v35, v33;
	v33 =	vld [tilespmem:s28+$0x4930]  }
0x615: {  	v35 =	vld [tilespmem:$0x1F8A0]  }
0x616: {  	v2 =	vadd.f32 v46, v45;
	v45 =	vld [tilespmem:s28+$0x44B0]  }
0x617: {  	v5 =	vadd.f32 v48, v47;
	v48 =	vld [tilespmem:s28+$0x4630]  }
0x618: {  	v47 =	vmul.f32 v36, v34;
	v36 =	vld [tilespmem:$0x1F8B0]  }
0x619: {  	v8 =	vmul.f32 v37, v38;
	v37 =	vld [tilespmem:$0x1F8C0]  }
0x61a: {  	v50 =	vmul.f32 v24, v51;
	v51 =	vmul.f32 v26, v25;
	v38 =	vld [tilespmem:$0x1F8D0]  }
0x61b: {  	v46 =	vmul.f32 v42, v40;
	v40 =	vld [tilespmem:s28+$0xAB0];
	v9 =	vmul.f32 v41, v39  }
0x61c: {  	v3 =	vmul.f32 v30, v29;
	v42 =	vld [tilespmem:$0x1F890];
	v0 =	vmul.f32 v0, v43  }
0x61d: {  	v11 =	vmul.f32 v28, v27;
	v56 =	vadd.f32 v51, v50;
	v51 =	vld [tilespmem:$0x1F840];
	v8 =	vadd.f32 v9, v8  }
0x61e: {  	v5 =	vadd.f32 v6, v5;
	v39 =	vld [tilespmem:s28+$0x4AA0];
	v1 =	vmul.f32 v4, v1;
	v0 =	vadd.f32 v0, v46  }
0x61f: {  	v2 =	vadd.f32 v3, v2;
	v43 =	vld [tilespmem:s28+$0x4AB0];
	v49 =	vadd.f32 v47, v8  }
0x620: {  	(xrf2) =	vadd.scan.msk.f32 $0xffff, v44;
	v5 =	vadd.f32 v11, v5;
	v52 =	vmul.f32 v45, v7;
	v45 =	vld [tilespmem:$0x1F850];
	v0 =	vadd.f32 v1, v0  }
0x621: {  	(xrf2) =	vadd.scan.msk.f32 $0xffff, v2;
	v57 =	vmul.f32 v10, v19;
	v4 =	vmul.f32 v48, v12;
	v12 =	vld [tilespmem:$0x1F880];
	v55 =	vadd.f32 v13, v49  }
0x622: {  	v59 =	vmul.f32 v16, v15;
	v60 =	vmul.f32 v18, v17;
	(xrf2) =	vadd.scan.msk.f32 $0xffff, v5;
	v46 =	vld [tilespmem:$0x1F860];
	v0 =	vadd.f32 v52, v0  }
0x623: {  	v62 =	vadd.f32 v57, v56;
	v47 =	vld [tilespmem:$0x1F870];
	(xrf2) =	vadd.scan.msk.f32 $0xffff, v55  }
0x624: {  	v5 =	vmul.f32 v14, v32;
	v14 =	vld [tilespmem:$0x1F810];
	v1 =	vadd.f32 v60, v59;
	(xrf2) =	vadd.scan.msk.f32 $0xffff, v0  }
0x625: {  	v2 =	vmul.f32 v36, v35;
	v56 =	vld [tilespmem:$0x1F820];
	v34 =	vadd.f32 v4, v62;
	v4 =	vmul.f32 v38, v37  }
0x626: {  	v3 =	vmul.f32 v58, v53;
	v1 =	vadd.f32 v5, v1;
	v55 =	vld [tilespmem:$0x1F800]  }
0x627: {  	v41, _, _ =	vpop (xrf2);
	v57 =	vld [tilespmem:$0x1F830];
	v2 =	vadd.f32 v4, v2;
	v4 =	vmul.f32 v61, v42;
	(xrf2) =	vadd.scan.msk.f32 $0xffff, v34  }
0x628: {  	v44, _, _ =	vpop (xrf2);
	v49 =	vld [tilespmem:s28+$0x4BA0];
	v1 =	vadd.f32 v3, v1;
	v3 =	vmul.f32 v46, v45;
	v11 =	vmul.f32 v12, v47  }
0x629: {  	v48 =	vmul.f32 v33, v63;
	v13, _, _ =	vpop (xrf2);
	v12 =	vld [tilespmem:s28+$0xBA0];
	v2 =	vadd.f32 v4, v2  }
0x62a: {  	v10 =	vmul.f32 v39, v51;
	v50, _, _ =	vpop (xrf2);
	v52 =	vld [tilespmem:s28+$0xBB0];
	v3 =	vadd.f32 v11, v3;
	(xrf2) =	vadd.scan.msk.f32 $0xffff, v1  }
0x62b: {  	v53, _, _ =	vpop (xrf2);
	v2 =	vadd.f32 v48, v2;
	v4 =	vmul.f32 v14, v55;
	v14 =	vld [tilespmem:s28+$0x4BB0]  }
0x62c: {  	v5 =	vmul.f32 v43, v40;
	v9 =	vmul.f32 v57, v56;
	v15, _, _ =	vpop (xrf2);
	v3 =	vadd.f32 v10, v3  }
0x62d: {  	(xrf2) =	vadd.scan.msk.f32 $0xffff, v2;
	v58, _, _ =	vpop (xrf2)  }
0x62e: {  	v61 =	vmul.f32 v49, v12;
	v59 =	vadd.f32 v5, v3;
	v60 =	vadd.f32 v9, v4;
	v62, _, _ =	vpop (xrf2)  }
0x62f: {  	v63 =	vbroadcast v58, $0xF;
	v5 =	vbroadcast v62, $0xF  }
0x630: {  	v32 =	vbroadcast v15, $0xF;
	v3 =	vadd.f32 v61, v60;
	(xrf2) =	vadd.scan.msk.f32 $0xffff, v59;
	v33 =	vmul.f32 v14, v52  }
0x631: {  	v1 =	vbroadcast v53, $0xF;
	v35, _, _ =	vpop (xrf2);
	v34 =	vsel vm0, v63, v5  }
0x632: {  	v3 =	vadd.f32 v33, v3;
	v5 =	vbroadcast v35, $0xF;
	v2 =	vsel vm1, v34, v32  }
0x633: {  	v36 =	vbroadcast v50, $0xF;
	v1 =	vsel vm2, v2, v1  }
0x634: {  	v37 =	vbroadcast v13, $0xF;
	v38, _, _ =	vpop (xrf2);
	(xrf2) =	vadd.scan.msk.f32 $0xffff, v3;
	v1 =	vsel vm3, v1, v5  }
0x635: {  	v39 =	vbroadcast v38, $0xF;
	v1 =	vsel vm4, v1, v36  }
0x636: {  	v0 =	vbroadcast v44, $0xF;
	v1 =	vsel vm5, v1, v37  }
0x637: {  	v40 =	vbroadcast v41, $0xF;
	v41, _, _ =	vpop (xrf2);
	v1 =	vsel vm6, v1, v39  }
0x638: {  	v42 =	vbroadcast v41, $0xF;
	v0 =	vsel vm7, v1, v0  }
0x639: {  	v43 =	vbroadcast v22, $0xF;
	v0 =	vsel vm8, v0, v40  }
0x63a: {  	v44 =	vbroadcast v21, $0xF;
	v45, _, _ =	vpop (xrf2);
	v0 =	vsel vm9, v0, v42  }
0x63b: {  	v46 =	vbroadcast v45, $0xF;
	v0 =	vsel vm10, v0, v43  }
0x63c: {  	v47 =	vbroadcast v54, $0xF;
	v0 =	vsel vm11, v0, v44  }
0x63d: {  	v0 =	vsel vm12, v0, v46  }
0x63e: {  	v48, _, _ =	vpop (xrf2);
	v0 =	vsel vm13, v0, v47  }
0x63f: {  	s26 =	sadd.s32 $0x10, s26;
	v0 =	vsel vm14, v0, v48  }
0x640: {  	[tilespmem:s26+$0x0] =	vst v0  }
0x641: {  	_ =	swait.ge [sflag:s20], $0x4000  }
0x642: {  	[sflag:s20] =	ssyncset.done $0x0  }
0x643: {  	[sflag:s20] =	ssyncadd.s32 $0xFFFFC000  }
0x644: {  	_ =	swait.ge [sflag:s21], $0x4000  }
0x645: {  	[sflag:s21] =	ssyncset.done $0x0  }
0x646: {  	s31 =	simm.s32 $0x0;
	[sflag:s21] =	ssyncadd.s32 $0xFFFFC000  }
0x647: {  	v20 =	vld [tilespmem:s31+$0x8B30]  }
0x648: {  	v21 =	vld [tilespmem:s31+$0xCB30]  }
0x649: {  	v49 =	vld [tilespmem:s31+$0x8B80]  }
0x64a: {  	v50 =	vld [tilespmem:s31+$0xCB80]  }
0x64b: {  	v51 =	vld [tilespmem:s31+$0x8B90]  }
0x64c: {  	v52 =	vld [tilespmem:s31+$0xCB90]  }
0x64d: {  	v22 =	vld [tilespmem:s31+$0x8B20]  }
0x64e: {  	v23 =	vld [tilespmem:s31+$0xCB20]  }
0x64f: {  	v24 =	vld [tilespmem:s31+$0x8A30]  }
0x650: {  	v25 =	vld [tilespmem:s31+$0xCA30]  }
0x651: {  	v53 =	vld [tilespmem:s31+$0x8AA0]  }
0x652: {  	v26 =	vld [tilespmem:s31+$0x8B00]  }
0x653: {  	v27 =	vld [tilespmem:s31+$0xCB00]  }
0x654: {  	v28 =	vld [tilespmem:s31+$0x8B10]  }
0x655: {  	v29 =	vld [tilespmem:s31+$0xCB10]  }
0x656: {  	v54 =	vld [tilespmem:s31+$0x89B0]  }
0x657: {  	v55 =	vld [tilespmem:s31+$0xC9B0]  }
0x658: {  	v32 =	vld [tilespmem:s31+$0x8A20]  }
0x659: {  	v33 =	vld [tilespmem:s31+$0xCA20]  }
0x65a: {  	v56 =	vld [tilespmem:s31+$0x8A80]  }
0x65b: {  	v57 =	vld [tilespmem:s31+$0xCA80]  }
0x65c: {  	v58 =	vld [tilespmem:s31+$0x8A90]  }
0x65d: {  	v59 =	vld [tilespmem:s31+$0xCA90]  }
0x65e: {  	v34 =	vld [tilespmem:s31+$0x89A0]  }
0x65f: {  	v35 =	vld [tilespmem:s31+$0xC9A0]  }
0x660: {  	v36 =	vld [tilespmem:s31+$0x8A00]  }
0x661: {  	v37 =	vld [tilespmem:s31+$0xCA00]  }
0x662: {  	v38 =	vld [tilespmem:s31+$0x8A10]  }
0x663: {  	v39 =	vld [tilespmem:s31+$0xCA10]  }
0x664: {  	v40 =	vld [tilespmem:s31+$0x88B0]  }
0x665: {  	v41 =	vld [tilespmem:s31+$0xC8B0]  }
0x666: {  	v60 =	vld [tilespmem:s31+$0x8920]  }
0x667: {  	v42 =	vld [tilespmem:s31+$0x8980]  }
0x668: {  	v43 =	vld [tilespmem:s31+$0xC980]  }
0x669: {  	v44 =	vld [tilespmem:s31+$0x8990]  }
0x66a: {  	v45 =	vld [tilespmem:s31+$0xC990]  }
0x66b: {  	v46 =	vld [tilespmem:s31+$0x8830]  }
0x66c: {  	v47 =	vld [tilespmem:s31+$0xC830]  }
0x66d: {  	v48 =	vld [tilespmem:s31+$0x88A0]  }
0x66e: {  	v61 =	vld [tilespmem:s31+$0x8900]  }
0x66f: {  	v62 =	vld [tilespmem:s31+$0xC900]  }
0x670: {  	v63 =	vld [tilespmem:s31+$0x8910]  }
0x671: {  	v4 =	vld [tilespmem:s31+$0xC910]  }
0x672: {  	v5 =	vld [tilespmem:s31+$0x87A0]  }
0x673: {  	v13 =	vld [tilespmem:s31+$0x8720]  }
0x674: {  	v10 =	vld [tilespmem:s31+$0xC720]  }
0x675: {  	v6 =	vld [tilespmem:s31+$0x8780]  }
0x676: {  	v7 =	vld [tilespmem:s31+$0xC780]  }
0x677: {  	v8 =	vld [tilespmem:s31+$0x8790]  }
0x678: {  	v9 =	vld [tilespmem:s31+$0xC790]  }
0x679: {  	v15 =	vld [tilespmem:s31+$0x86A0]  }
0x67a: {  	v14 =	vld [tilespmem:s31+$0xC6A0]  }
0x67b: {  	v3 =	vld [tilespmem:s31+$0x8700]  }
0x67c: {  	v2 =	vld [tilespmem:s31+$0xC700]  }
0x67d: {  	v1 =	vld [tilespmem:s31+$0x8710]  }
0x67e: {  	v0 =	vld [tilespmem:s31+$0xC710]  }
0x67f: {  	v17 =	vld [tilespmem:s31+$0x85B0]  }
0x680: {  	v16 =	vld [tilespmem:s31+$0xC5B0]  }
0x681: {  	v11 =	vld [tilespmem:s31+$0x8620]  }
0x682: {  	v31 =	vld [tilespmem:s31+$0x8530]  }
0x683: {  	v30 =	vld [tilespmem:s31+$0xC530]  }
0x684: {  	v19 =	vld [tilespmem:s31+$0x8430]  }
0x685: {  	v18 =	vld [tilespmem:s31+$0xC430]  }
0x686: {  	v12 =	vld [tilespmem:s31+$0x8520]  }
0x687: {  	[tilespmem:$0x1F470] =	vst v49;
	v49 =	vld [tilespmem:s31+$0xC8A0]  }
0x688: {  	[tilespmem:$0x1F480] =	vst v50;
	v50 =	vld [tilespmem:s31+$0x8820]  }
0x689: {  	[tilespmem:$0x1F490] =	vst v51;
	v51 =	vld [tilespmem:s31+$0xC820]  }
0x68a: {  	[tilespmem:$0x1F4A0] =	vst v52;
	v52 =	vld [tilespmem:s31+$0x8880]  }
0x68b: {  	[tilespmem:$0x1F460] =	vst v53;
	v53 =	vld [tilespmem:s31+$0xC880]  }
0x68c: {  	[tilespmem:$0x1F310] =	vst v54;
	v54 =	vld [tilespmem:s31+$0x8890]  }
0x68d: {  	[tilespmem:$0x1F320] =	vst v55;
	v55 =	vld [tilespmem:s31+$0xC890]  }
0x68e: {  	[tilespmem:$0x1F420] =	vst v56;
	v56 =	vld [tilespmem:s31+$0x8730]  }
0x68f: {  	[tilespmem:$0x1F430] =	vst v57;
	v57 =	vld [tilespmem:s31+$0xC730]  }
0x690: {  	[tilespmem:$0x1F440] =	vst v58;
	v58 =	vld [tilespmem:s31+$0x8800]  }
0x691: {  	[tilespmem:$0x1F450] =	vst v59;
	v59 =	vld [tilespmem:s31+$0xC800]  }
0x692: {  	[tilespmem:$0x1F410] =	vst v60;
	v60 =	vld [tilespmem:s31+$0x8810]  }
0x693: {  	[tilespmem:$0x1F3D0] =	vst v61;
	v61 =	vld [tilespmem:s31+$0xC810]  }
0x694: {  	[tilespmem:$0x1F3E0] =	vst v62;
	v62 =	vld [tilespmem:s31+$0x86B0]  }
0x695: {  	[tilespmem:$0x1F3F0] =	vst v63;
	v63 =	vld [tilespmem:s31+$0xC6B0]  }
0x696: {  	[tilespmem:$0x1F390] =	vst v7;
	v7 =	vld [tilespmem:s31+$0x8680]  }
0x697: {  	[tilespmem:$0x1F380] =	vst v6;
	v6 =	vld [tilespmem:s31+$0xC680]  }
0x698: {  	[tilespmem:$0x1F3C0] =	vst v5;
	v5 =	vld [tilespmem:s31+$0x8690]  }
0x699: {  	[tilespmem:$0x1F400] =	vst v4;
	v4 =	vld [tilespmem:s31+$0xC690]  }
0x69a: {  	[tilespmem:$0x1F3B0] =	vst v9;
	v9 =	vld [tilespmem:s31+$0x85A0]  }
0x69b: {  	[tilespmem:$0x1F3A0] =	vst v8;
	v8 =	vld [tilespmem:s31+$0xC5A0]  }
0x69c: {  	[tilespmem:$0x1F370] =	vst v11;
	v11 =	vld [tilespmem:s31+$0x8600]  }
0x69d: {  	v26 =	vmul.f32 v27, v26;
	v27 =	vmul.f32 v29, v28;
	v28 =	vld [tilespmem:s31+$0x8580]  }
0x69e: {  	v29 =	vmul.f32 v37, v36;
	v37 =	vld [tilespmem:s31+$0xC580]  }
0x69f: {  	v22 =	vmul.f32 v23, v22;
	v23 =	vld [tilespmem:s31+$0x8590]  }
0x6a0: {  	v24 =	vmul.f32 v25, v24;
	v25 =	vld [tilespmem:s31+$0xC420]  }
0x6a1: {  	v36 =	vmul.f32 v39, v38;
	v39 =	vld [tilespmem:$0x1F380]  }
0x6a2: {  	v40 =	vmul.f32 v41, v40;
	v41 =	vld [tilespmem:$0x1F3A0]  }
0x6a3: {  	v20 =	vmul.f32 v21, v20;
	v21 =	vadd.f32 v36, v29;
	v29 =	vld [tilespmem:s31+$0xC590]  }
0x6a4: {  	v26 =	vadd.f32 v27, v26;
	v27 =	vmul.f32 v33, v32;
	v33 =	vld [tilespmem:s31+$0x8420]  }
0x6a5: {  	v36 =	vld [tilespmem:$0x1F370]  }
0x6a6: {  	v21 =	vadd.f32 v27, v21;
	v27 =	vld [tilespmem:s31+$0x8500]  }
0x6a7: {  	[tilespmem:$0x1F330] =	vst v11;
	v11 =	vld [tilespmem:s31+$0xC600]  }
0x6a8: {  	v22 =	vadd.f32 v22, v26;
	v26 =	vmul.f32 v43, v42;
	v43 =	vmul.f32 v53, v52;
	v52 =	vld [tilespmem:s31+$0x8510]  }
0x6a9: {  	v53 =	vld [tilespmem:$0x1F310]  }
0x6aa: {  	v42 =	vmul.f32 v45, v44;
	v44 =	vmul.f32 v55, v54;
	v54 =	vld [tilespmem:$0x1F320]  }
0x6ab: {  	v45 =	vmul.f32 v61, v60;
	v60 =	vld [tilespmem:s31+$0xC400]  }
0x6ac: {  	v61 =	vld [tilespmem:s31+$0x8400]  }
0x6ad: {  	v55 =	vmul.f32 v49, v48;
	v48 =	vmul.f32 v14, v15;
	v14 =	vld [tilespmem:s31+$0x8490]  }
0x6ae: {  	v49 =	vld [tilespmem:s31+$0xC490]  }
0x6af: {  	v21 =	vadd.f32 v24, v21;
	v24 =	vld [tilespmem:s31+$0xC500]  }
0x6b0: {  	v20 =	vadd.f32 v20, v22;
	v22 =	vadd.f32 v42, v26;
	v42 =	vld [tilespmem:s31+$0x8410]  }
0x6b1: {  	v15 =	vmul.f32 v63, v62;
	v62 =	vld [tilespmem:$0x1F330]  }
0x6b2: {  	v26 =	vmul.f32 v35, v34;
	v35 =	vld [tilespmem:s31+$0x87B0]  }
0x6b3: {  	v32 =	vadd.f32 v44, v43;
	v43 =	vmul.f32 v10, v13;
	v44 =	vld [tilespmem:s31+$0xC410]  }
0x6b4: {  	v13 =	vmul.f32 v29, v23;
	v23 =	vmul.f32 v57, v56;
	v56 =	vld [tilespmem:s31+$0xC620]  }
0x6b5: {  	[tilespmem:$0x1F340] =	vst v11;
	v11 =	vld [tilespmem:s31+$0x8610]  }
0x6b6: {  	v22 =	vadd.f32 v26, v22;
	v26 =	vmul.f32 v59, v58;
	v58 =	vld [tilespmem:s31+$0xC510]  }
0x6b7: {  	v59 =	vmul.f32 v51, v50;
	v51 =	vmul.f32 v16, v17;
	v16 =	vld [tilespmem:s31+$0xC4A0]  }
0x6b8: {  	v32 =	vadd.f32 v55, v32;
	v55 =	vmul.f32 v49, v14;
	v14 =	vld [tilespmem:s31+$0xC630]  }
0x6b9: {  	v38 =	vmul.f32 v54, v53;
	v26 =	vadd.f32 v45, v26;
	v50 =	vmul.f32 v24, v27;
	v24 =	vld [tilespmem:s31+$0x84A0]  }
0x6ba: {  	v6 =	vmul.f32 v6, v7;
	v4 =	vmul.f32 v4, v5;
	v32 =	vadd.f32 v40, v32;
	[tilespmem:$0x1F350] =	vst v11;
	v11 =	vld [tilespmem:s31+$0xC610]  }
0x6bb: {  	(xrf2) =	vadd.scan.msk.f32 $0xffff, v20;
	v40 =	vld [tilespmem:$0x1F390];
	v38 =	vadd.f32 v38, v22;
	v22 =	vadd.f32 v59, v26;
	v26 =	vmul.f32 v47, v46  }
0x6bc: {  	v4 =	vadd.f32 v4, v6;
	(xrf2) =	vadd.scan.msk.f32 $0xffff, v21;
	v46 =	vld [tilespmem:s31+$0x8480]  }
0x6bd: {  	v2 =	vmul.f32 v2, v3;
	v0 =	vmul.f32 v0, v1;
	v45 =	vadd.f32 v26, v22;
	v22 =	vld [tilespmem:s31+$0xC480];
	(xrf2) =	vadd.scan.msk.f32 $0xffff, v38  }
0x6be: {  	v4 =	vadd.f32 v48, v4;
	(xrf2) =	vadd.scan.msk.f32 $0xffff, v32;
	v32 =	vld [tilespmem:$0x1F350]  }
0x6bf: {  	v0 =	vadd.f32 v0, v2;
	[tilespmem:$0x1F360] =	vst v11;
	v11 =	vld [tilespmem:s31+$0xC520]  }
0x6c0: {  	v4 =	vadd.f32 v15, v4;
	v47 =	vmul.f32 v37, v28;
	v15 =	vld [tilespmem:$0x1F360]  }
0x6c1: {  	v0 =	vadd.f32 v43, v0;
	v37 =	vld [tilespmem:s31+$0xC7B0]  }
0x6c2: {  	v10 =	vmul.f32 v44, v42;
	v42 =	vld [tilespmem:$0x1F3B0];
	v2 =	vadd.f32 v13, v47;
	v13 =	vmul.f32 v58, v52  }
0x6c3: {  	v1 =	vmul.f32 v60, v61;
	v0 =	vadd.f32 v23, v0;
	v47 =	vld [tilespmem:$0x1F3C0]  }
0x6c4: {  	v6 =	vadd.f32 v13, v50;
	v13 =	vld [tilespmem:s31+$0x8630];
	v54 =	vmul.f32 v22, v46;
	v11 =	vmul.f32 v11, v12  }
0x6c5: {  	v1 =	vadd.f32 v10, v1;
	v58 =	vmul.f32 v25, v33;
	v10 =	vmul.f32 v15, v32;
	v15 =	vld [tilespmem:s31+$0xC7A0]  }
0x6c6: {  	v52 =	vld [tilespmem:s31+$0xC4B0];
	(xrf2) =	vadd.scan.msk.f32 $0xffff, v45;
	v60 =	vmul.f32 v16, v24;
	v53 =	vadd.f32 v11, v6;
	v6 =	vadd.f32 v55, v54  }
0x6c7: {  	v61 =	vadd.f32 v58, v1;
	(xrf2) =	vadd.scan.msk.f32 $0xffff, v0;
	v12 =	vld [tilespmem:s31+$0x84B0]  }
0x6c8: {  	v58 =	vld [tilespmem:$0x1F420];
	(xrf2) =	vadd.scan.msk.f32 $0xffff, v4;
	v4 =	vmul.f32 v40, v39;
	v33 =	vadd.f32 v60, v6;
	v6 =	vmul.f32 v42, v41  }
0x6c9: {  	v45 =	vmul.f32 v14, v13;
	v14 =	vld [tilespmem:$0x1F430]  }
0x6ca: {  	v17 =	vld [tilespmem:$0x1F480];
	v4 =	vadd.f32 v6, v4;
	v6 =	vmul.f32 v15, v47  }
0x6cb: {  	v63 =	vld [tilespmem:$0x1F340]  }
0x6cc: {  	v5 =	vmul.f32 v37, v35;
	v34 =	vmul.f32 v52, v12;
	v52 =	vld [tilespmem:$0x1F3F0];
	v4 =	vadd.f32 v6, v4  }
0x6cd: {  	v15 =	vld [tilespmem:$0x1F450]  }
0x6ce: {  	v4 =	vadd.f32 v5, v4;
	v5 =	vmul.f32 v14, v58;
	v14 =	vld [tilespmem:$0x1F440]  }
0x6cf: {  	v8 =	vmul.f32 v8, v9;
	v12 =	vld [tilespmem:$0x1F400]  }
0x6d0: {  	v43 =	vld [tilespmem:s31+$0xC920]  }
0x6d1: {  	v48 =	vld [tilespmem:s31+$0xC930];
	v2 =	vadd.f32 v8, v2  }
0x6d2: {  	v57 =	vmul.f32 v30, v31;
	v50 =	vld [tilespmem:$0x1F3D0]  }
0x6d3: {  	v59 =	vmul.f32 v18, v19;
	v2 =	vadd.f32 v51, v2;
	v51 =	vld [tilespmem:$0x1F3E0];
	v14 =	vmul.f32 v15, v14  }
0x6d4: {  	v1 =	vmul.f32 v63, v62;
	v11 =	vmul.f32 v12, v52;
	v12 =	vld [tilespmem:s31+$0xCAA0]  }
0x6d5: {  	v3 =	vadd.f32 v57, v53;
	v5 =	vadd.f32 v14, v5;
	v14 =	vld [tilespmem:$0x1F460]  }
0x6d6: {  	v0 =	vadd.f32 v59, v61;
	(xrf2) =	vadd.scan.msk.f32 $0xffff, v2;
	v2 =	vmul.f32 v56, v36;
	v55 =	vld [tilespmem:$0x1F410];
	v1 =	vadd.f32 v10, v1  }
0x6d7: {  	v62 =	vld [tilespmem:$0x1F470];
	(xrf2) =	vadd.scan.msk.f32 $0xffff, v3;
	v38 =	vadd.f32 v34, v33  }
0x6d8: {  	v46 =	vld [tilespmem:s31+$0x8930];
	v44 =	vadd.f32 v2, v1;
	(xrf2) =	vadd.scan.msk.f32 $0xffff, v0  }
0x6d9: {  	v63 =	vld [tilespmem:$0x1F490];
	v9, _, _ =	vpop (xrf2);
	v1 =	vmul.f32 v51, v50;
	(xrf2) =	vadd.scan.msk.f32 $0xffff, v38  }
0x6da: {  	v49, _, _ =	vpop (xrf2);
	v56 =	vld [tilespmem:s31+$0xCAB0];
	v0 =	vadd.f32 v45, v44;
	v12 =	vmul.f32 v12, v14  }
0x6db: {  	v13, _, _ =	vpop (xrf2);
	v53 =	vld [tilespmem:s31+$0x8AB0];
	v8 =	vmul.f32 v43, v55;
	v1 =	vadd.f32 v11, v1  }
0x6dc: {  	v54, _, _ =	vpop (xrf2);
	(xrf2) =	vadd.scan.msk.f32 $0xffff, v0;
	v5 =	vadd.f32 v12, v5;
	v12 =	vld [tilespmem:$0x1F4A0]  }
0x6dd: {  	v59 =	vld [tilespmem:s31+$0xCBA0];
	v57, _, _ =	vpop (xrf2);
	v2 =	vmul.f32 v48, v46;
	v1 =	vadd.f32 v8, v1  }
0x6de: {  	v16, _, _ =	vpop (xrf2);
	v15 =	vld [tilespmem:s31+$0x8BA0]  }
0x6df: {  	v60, _, _ =	vpop (xrf2);
	(xrf2) =	vadd.scan.msk.f32 $0xffff, v4;
	v1 =	vadd.f32 v2, v1;
	v2 =	vmul.f32 v17, v62;
	v17 =	vld [tilespmem:s31+$0xCBB0]  }
0x6e0: {  	v61, _, _ =	vpop (xrf2);
	v14 =	vld [tilespmem:s31+$0x8BB0]  }
0x6e1: {  	v6 =	vmul.f32 v56, v53;
	v18, _, _ =	vpop (xrf2);
	v11 =	vmul.f32 v12, v63  }
0x6e2: {  	(xrf2) =	vadd.scan.msk.f32 $0xffff, v1;
	v12, _, _ =	vpop (xrf2)  }
0x6e3: {  	v33 =	vmul.f32 v59, v15;
	v32 =	vadd.f32 v6, v5;
	v34, _, _ =	vpop (xrf2);
	v2 =	vadd.f32 v11, v2  }
0x6e4: {  	v35 =	vbroadcast v12, $0xF;
	v6 =	vbroadcast v34, $0xF  }
0x6e5: {  	v36 =	vbroadcast v18, $0xF;
	v37 =	vmul.f32 v17, v14;
	(xrf2) =	vadd.scan.msk.f32 $0xffff, v32;
	v2 =	vadd.f32 v33, v2  }
0x6e6: {  	v4 =	vbroadcast v61, $0xF;
	v39, _, _ =	vpop (xrf2);
	v38 =	vsel vm0, v35, v6  }
0x6e7: {  	v6 =	vbroadcast v39, $0xF;
	v1 =	vsel vm1, v38, v36;
	v2 =	vadd.f32 v37, v2  }
0x6e8: {  	v40 =	vbroadcast v60, $0xF;
	v1 =	vsel vm2, v1, v4  }
0x6e9: {  	v41 =	vbroadcast v16, $0xF;
	v42, _, _ =	vpop (xrf2);
	v1 =	vsel vm3, v1, v6;
	(xrf2) =	vadd.scan.msk.f32 $0xffff, v2  }
0x6ea: {  	v43 =	vbroadcast v42, $0xF;
	v1 =	vsel vm4, v1, v40  }
0x6eb: {  	v0 =	vbroadcast v57, $0xF;
	v1 =	vsel vm5, v1, v41  }
0x6ec: {  	v44 =	vbroadcast v54, $0xF;
	v45, _, _ =	vpop (xrf2);
	v1 =	vsel vm6, v1, v43  }
0x6ed: {  	v46 =	vbroadcast v45, $0xF;
	v0 =	vsel vm7, v1, v0  }
0x6ee: {  	v47 =	vbroadcast v13, $0xF;
	v0 =	vsel vm8, v0, v44  }
0x6ef: {  	v48 =	vbroadcast v49, $0xF;
	v49, _, _ =	vpop (xrf2);
	v0 =	vsel vm9, v0, v46  }
0x6f0: {  	v50 =	vbroadcast v49, $0xF;
	v0 =	vsel vm10, v0, v47  }
0x6f1: {  	v51 =	vbroadcast v9, $0xF;
	v0 =	vsel vm11, v0, v48  }
0x6f2: {  	v0 =	vsel vm12, v0, v50  }
0x6f3: {  	v0 =	vsel vm13, v0, v51;
	v52, _, _ =	vpop (xrf2)  }
0x6f4: {  	s26 =	simm.s32 $0x10580;
	v0 =	vsel vm14, v0, v52  }
0x6f5: {  	s28 =	simm.s32 $0x800;
	[tilespmem:s26+$0x0] =	vst v0  }
0x6f6: {  	v6 =	vld [tilespmem:s28+$0x8B30]  }
0x6f7: {  	v9 =	vld [tilespmem:s28+$0xCB30]  }
0x6f8: {  	v0 =	vld [tilespmem:s28+$0x8B80]  }
0x6f9: {  	v53 =	vld [tilespmem:s28+$0xCB80]  }
0x6fa: {  	v54 =	vld [tilespmem:s28+$0x8B90]  }
0x6fb: {  	v55 =	vld [tilespmem:s28+$0xCB90]  }
0x6fc: {  	v56 =	vld [tilespmem:s28+$0x8B20]  }
0x6fd: {  	v31 =	vld [tilespmem:s28+$0xCB20]  }
0x6fe: {  	v11 =	vld [tilespmem:s28+$0x8A30]  }
0x6ff: {  	v12 =	vld [tilespmem:s28+$0xCA30]  }
0x700: {  	v57 =	vld [tilespmem:s28+$0x8AA0]  }
0x701: {  	v26 =	vld [tilespmem:s28+$0x8B00]  }
0x702: {  	v32 =	vld [tilespmem:s28+$0xCB00]  }
0x703: {  	v33 =	vld [tilespmem:s28+$0x8B10]  }
0x704: {  	v35 =	vld [tilespmem:s28+$0xCB10]  }
0x705: {  	v14 =	vld [tilespmem:s28+$0x89B0]  }
0x706: {  	v23 =	vld [tilespmem:s28+$0xC9B0]  }
0x707: {  	v58 =	vld [tilespmem:s28+$0x8A20]  }
0x708: {  	v63 =	vld [tilespmem:s28+$0xCA20]  }
0x709: {  	v59 =	vld [tilespmem:s28+$0x8A80]  }
0x70a: {  	v60 =	vld [tilespmem:s28+$0xCA80]  }
0x70b: {  	v61 =	vld [tilespmem:s28+$0x8A90]  }
0x70c: {  	v62 =	vld [tilespmem:s28+$0xCA90]  }
0x70d: {  	v36 =	vld [tilespmem:s28+$0x89A0]  }
0x70e: {  	v34 =	vld [tilespmem:s28+$0xC9A0]  }
0x70f: {  	v43 =	vld [tilespmem:s28+$0x8A00]  }
0x710: {  	v44 =	vld [tilespmem:s28+$0xCA00]  }
0x711: {  	v45 =	vld [tilespmem:s28+$0x8A10]  }
0x712: {  	v46 =	vld [tilespmem:s28+$0xCA10]  }
0x713: {  	v5 =	vld [tilespmem:s28+$0x88B0]  }
0x714: {  	v7 =	vld [tilespmem:s28+$0xC8B0]  }
0x715: {  	v4 =	vld [tilespmem:s28+$0x8920]  }
0x716: {  	v49 =	vld [tilespmem:s28+$0x8980]  }
0x717: {  	v1 =	vld [tilespmem:s28+$0xC980]  }
0x718: {  	v2 =	vld [tilespmem:s28+$0x8990]  }
0x719: {  	v52 =	vld [tilespmem:s28+$0xC990]  }
0x71a: {  	v3 =	vld [tilespmem:s28+$0x8830]  }
0x71b: {  	v8 =	vld [tilespmem:s28+$0x8900]  }
0x71c: {  	v10 =	vld [tilespmem:s28+$0xC900]  }
0x71d: {  	v37 =	vld [tilespmem:s28+$0x8910]  }
0x71e: {  	v38 =	vld [tilespmem:s28+$0xC910]  }
0x71f: {  	v50 =	vld [tilespmem:s28+$0x8820]  }
0x720: {  	v39 =	vld [tilespmem:s28+$0xC820]  }
0x721: {  	v13 =	vld [tilespmem:s28+$0x8730]  }
0x722: {  	v20 =	vld [tilespmem:s28+$0xC730]  }
0x723: {  	v40 =	vld [tilespmem:s28+$0x87A0]  }
0x724: {  	v48 =	vld [tilespmem:s28+$0xC800]  }
0x725: {  	v47 =	vld [tilespmem:s28+$0xC810]  }
0x726: {  	v15 =	vld [tilespmem:s28+$0x8780]  }
0x727: {  	v16 =	vld [tilespmem:s28+$0xC780]  }
0x728: {  	v17 =	vld [tilespmem:s28+$0x8790]  }
0x729: {  	v18 =	vld [tilespmem:s28+$0xC790]  }
0x72a: {  	v41 =	vld [tilespmem:s28+$0x86A0]  }
0x72b: {  	v42 =	vld [tilespmem:s28+$0xC6A0]  }
0x72c: {  	v22 =	vld [tilespmem:s28+$0xC700]  }
0x72d: {  	v21 =	vld [tilespmem:s28+$0xC710]  }
0x72e: {  	v29 =	vld [tilespmem:s28+$0x85B0]  }
0x72f: {  	v30 =	vld [tilespmem:s28+$0xC5B0]  }
0x730: {  	v19 =	vld [tilespmem:s28+$0x8620]  }
0x731: {  	v27 =	vld [tilespmem:s28+$0x8530]  }
0x732: {  	v28 =	vld [tilespmem:s28+$0xC530]  }
0x733: {  	v51 =	vld [tilespmem:s28+$0x85A0]  }
0x734: {  	v24 =	vld [tilespmem:s28+$0xC600]  }
0x735: {  	v25 =	vld [tilespmem:s28+$0x8610]  }
0x736: {  	[tilespmem:$0x1F540] =	vst v4;
	v4 =	vld [tilespmem:s28+$0xC830]  }
0x737: {  	[tilespmem:$0x1F5B0] =	vst v58;
	v58 =	vld [tilespmem:s28+$0x88A0]  }
0x738: {  	[tilespmem:$0x1F4F0] =	vst v57;
	v57 =	vld [tilespmem:s28+$0xC8A0]  }
0x739: {  	[tilespmem:$0x1F500] =	vst v59;
	v59 =	vld [tilespmem:s28+$0x8880]  }
0x73a: {  	[tilespmem:$0x1F510] =	vst v60;
	v60 =	vld [tilespmem:s28+$0xC880]  }
0x73b: {  	[tilespmem:$0x1F520] =	vst v61;
	v61 =	vld [tilespmem:s28+$0x8890]  }
0x73c: {  	[tilespmem:$0x1F530] =	vst v62;
	v62 =	vld [tilespmem:s28+$0xC890]  }
0x73d: {  	[tilespmem:$0x1F4D0] =	vst v54;
	v54 =	vld [tilespmem:s28+$0x8800]  }
0x73e: {  	[tilespmem:$0x1F4C0] =	vst v53;
	v53 =	vld [tilespmem:s28+$0x8810]  }
0x73f: {  	[tilespmem:$0x1F550] =	vst v8;
	v8 =	vld [tilespmem:s28+$0x86B0]  }
0x740: {  	[tilespmem:$0x1F560] =	vst v10;
	v10 =	vld [tilespmem:s28+$0xC6B0]  }
0x741: {  	[tilespmem:$0x1F5A0] =	vst v56;
	v56 =	vld [tilespmem:s28+$0x8720]  }
0x742: {  	[tilespmem:$0x1F4E0] =	vst v55;
	v55 =	vld [tilespmem:s28+$0xC720]  }
0x743: {  	[tilespmem:$0x1F580] =	vst v38;
	v38 =	vld [tilespmem:s28+$0x8700]  }
0x744: {  	[tilespmem:$0x1F570] =	vst v37;
	v37 =	vld [tilespmem:s28+$0x8710]  }
0x745: {  	[tilespmem:$0x1F5E0] =	vst v42;
	v42 =	vld [tilespmem:s28+$0x8680]  }
0x746: {  	[tilespmem:$0x1F590] =	vst v40;
	v40 =	vld [tilespmem:s28+$0xC680]  }
0x747: {  	[tilespmem:$0x1F5D0] =	vst v41;
	v41 =	vld [tilespmem:s28+$0x8690]  }
0x748: {  	[tilespmem:$0x1F5C0] =	vst v39;
	v39 =	vld [tilespmem:s28+$0xC690]  }
0x749: {  	[tilespmem:$0x1F5F0] =	vst v51;
	v51 =	vld [tilespmem:s28+$0xC5A0]  }
0x74a: {  	v32 =	vmul.f32 v32, v26;
	v26 =	vld [tilespmem:s28+$0xC610];
	v43 =	vmul.f32 v44, v43  }
0x74b: {  	v44 =	vmul.f32 v46, v45;
	v45 =	vmul.f32 v1, v49;
	v49 =	vld [tilespmem:s28+$0x8590]  }
0x74c: {  	v1 =	vld [tilespmem:s28+$0x8500]  }
0x74d: {  	v33 =	vmul.f32 v35, v33;
	v35 =	vld [tilespmem:$0x1F5A0]  }
0x74e: {  	v46 =	vmul.f32 v52, v2;
	v52 =	vld [tilespmem:$0x1F5B0]  }
0x74f: {  	v5 =	vmul.f32 v7, v5;
	v7 =	vld [tilespmem:$0x1F5C0]  }
0x750: {  	[tilespmem:$0x1F4B0] =	vst v0;
	v0 =	vadd.f32 v33, v32;
	v32 =	vld [tilespmem:s28+$0xC430]  }
0x751: {  	v33 =	vld [tilespmem:s28+$0x8520]  }
0x752: {  	v45 =	vadd.f32 v46, v45;
	v46 =	vld [tilespmem:s28+$0x8580]  }
0x753: {  	v43 =	vadd.f32 v44, v43;
	v44 =	vld [tilespmem:s28+$0xC580]  }
0x754: {  	v6 =	vmul.f32 v9, v6;
	v34 =	vmul.f32 v34, v36;
	[tilespmem:$0x1F600] =	vst v51;
	v51 =	vld [tilespmem:s28+$0x8600]  }
0x755: {  	v21 =	vmul.f32 v21, v37;
	v37 =	vld [tilespmem:s28+$0xC400];
	v35 =	vmul.f32 v31, v35  }
0x756: {  	v22 =	vmul.f32 v22, v38;
	v38 =	vld [tilespmem:s28+$0x8400];
	v2 =	vmul.f32 v63, v52  }
0x757: {  	v11 =	vmul.f32 v12, v11;
	v39 =	vmul.f32 v39, v41;
	v41 =	vld [tilespmem:s28+$0xC410];
	v0 =	vadd.f32 v35, v0  }
0x758: {  	v34 =	vadd.f32 v34, v45;
	v40 =	vmul.f32 v40, v42;
	v31 =	vld [tilespmem:s28+$0x8430];
	v9 =	vadd.f32 v2, v43  }
0x759: {  	v52 =	vmul.f32 v23, v14;
	v63 =	vmul.f32 v57, v58;
	v57 =	vld [tilespmem:$0x1F5D0];
	v0 =	vadd.f32 v6, v0  }
0x75a: {  	v58 =	vld [tilespmem:$0x1F5E0];
	v36 =	vadd.f32 v11, v9  }
0x75b: {  	v40 =	vadd.f32 v39, v40;
	v39 =	vld [tilespmem:s28+$0x8410];
	v45 =	vadd.f32 v52, v34;
	(xrf2) =	vadd.scan.msk.f32 $0xffff, v0  }
0x75c: {  	v60 =	vmul.f32 v60, v59;
	v62 =	vmul.f32 v62, v61;
	v35 =	vld [tilespmem:s28+$0xC520];
	(xrf2) =	vadd.scan.msk.f32 $0xffff, v36  }
0x75d: {  	v48 =	vmul.f32 v48, v54;
	v47 =	vmul.f32 v47, v53;
	v43 =	vld [tilespmem:s28+$0xC590];
	(xrf2) =	vadd.scan.msk.f32 $0xffff, v45  }
0x75e: {  	v21 =	vadd.f32 v21, v22;
	v52 =	vld [tilespmem:s28+$0xC500]  }
0x75f: {  	v22 =	vmul.f32 v55, v56;
	v6 =	vadd.f32 v47, v48;
	v48 =	vld [tilespmem:s28+$0x8510];
	v0 =	vadd.f32 v62, v60  }
0x760: {  	v9 =	vmul.f32 v7, v50;
	v11 =	vld [tilespmem:s28+$0xC510]  }
0x761: {  	v21 =	vadd.f32 v22, v21;
	v22 =	vmul.f32 v20, v13;
	v62 =	vld [tilespmem:$0x1F5F0];
	v0 =	vadd.f32 v63, v0  }
0x762: {  	v56 =	vmul.f32 v4, v3;
	v55 =	vadd.f32 v9, v6;
	v63 =	vld [tilespmem:$0x1F600]  }
0x763: {  	v34 =	vld [tilespmem:s28+$0x8420];
	v59 =	vmul.f32 v58, v57;
	v22 =	vadd.f32 v22, v21;
	v0 =	vadd.f32 v5, v0  }
0x764: {  	v44 =	vmul.f32 v44, v46;
	v36 =	vld [tilespmem:s28+$0xC420];
	v43 =	vmul.f32 v43, v49;
	v42 =	vadd.f32 v56, v55  }
0x765: {  	v61 =	vmul.f32 v10, v8;
	v60 =	vadd.f32 v59, v40;
	v40 =	vld [tilespmem:s28+$0x8480];
	(xrf2) =	vadd.scan.msk.f32 $0xffff, v0;
	v54, _, _ =	vpop (xrf2)  }
0x766: {  	v47 =	vmul.f32 v52, v1;
	v45 =	vadd.f32 v43, v44;
	v43 =	vld [tilespmem:s28+$0x8490];
	(xrf2) =	vadd.scan.msk.f32 $0xffff, v42;
	v21, _, _ =	vpop (xrf2)  }
0x767: {  	s29 =	simm.s32 $0x4000;
	v48 =	vmul.f32 v11, v48;
	v44 =	vadd.f32 v61, v60;
	v46 =	vmul.f32 v63, v62;
	v42 =	vld [tilespmem:s28+$0xC480];
	(xrf2) =	vadd.scan.msk.f32 $0xffff, v22;
	v22, _, _ =	vpop (xrf2)  }
.LBB2_8:
0x768: {  	v49 =	vld [tilespmem:s28+$0xC490]  }
0x769: {  	v10 =	vld [tilespmem:s28+$0xC4A0]  }
0x76a: {  	v11 =	vld [tilespmem:s28+$0x84B0]  }
0x76b: {  	v50 =	vld [tilespmem:s28+$0xC630]  }
0x76c: {  	v15 =	vmul.f32 v16, v15;
	v16 =	vmul.f32 v18, v17;
	v17 =	vld [tilespmem:s28+$0xC920]  }
0x76d: {  	v52 =	vld [tilespmem:$0x1F550]  }
0x76e: {  	v1 =	vld [tilespmem:$0x1F560]  }
0x76f: {  	v53 =	vld [tilespmem:$0x1F570]  }
0x770: {  	v55 =	vld [tilespmem:$0x1F580]  }
0x771: {  	v12 =	vld [tilespmem:s28+$0xCAA0]  }
0x772: {  	v56 =	vld [tilespmem:$0x1F540]  }
0x773: {  	v57 =	vld [tilespmem:s28+$0xCAB0]  }
0x774: {  	v58 =	vld [tilespmem:$0x1F500]  }
0x775: {  	v59 =	vld [tilespmem:$0x1F510]  }
0x776: {  	v60 =	vld [tilespmem:$0x1F520]  }
0x777: {  	v61 =	vld [tilespmem:$0x1F530]  }
0x778: {  	v62 =	vld [tilespmem:$0x1F4F0];
	v45 =	vadd.f32 v46, v45;
	v0 =	vmul.f32 v30, v29;
	v33 =	vmul.f32 v35, v33  }
0x779: {  	v7 =	vadd.f32 v48, v47;
	v30 =	vld [tilespmem:s28+$0x84A0];
	v8 =	vmul.f32 v37, v38;
	v9 =	vmul.f32 v41, v39  }
0x77a: {  	(xrf2) =	vadd.scan.msk.f32 $0xffff, v44;
	v47 =	vld [tilespmem:s28+$0xC620];
	v15 =	vadd.f32 v16, v15;
	v27 =	vmul.f32 v28, v27;
	v34 =	vmul.f32 v36, v34  }
0x77b: {  	v44 =	vld [tilespmem:s28+$0xC4B0];
	v31 =	vmul.f32 v32, v31;
	v0 =	vadd.f32 v0, v45;
	v33 =	vadd.f32 v33, v7  }
0x77c: {  	v48 =	vld [tilespmem:s28+$0x8630];
	v46 =	vmul.f32 v49, v43;
	v28 =	vadd.f32 v9, v8;
	v45 =	vmul.f32 v42, v40  }
0x77d: {  	v16 =	vld [tilespmem:s28+$0xC930];
	v23 =	vmul.f32 v24, v51;
	v24 =	vmul.f32 v26, v25;
	v29, _, _ =	vpop (xrf2);
	(xrf2) =	vadd.scan.msk.f32 $0xffff, v0;
	v27 =	vadd.f32 v27, v33  }
0x77e: {  	v25 =	vld [tilespmem:s28+$0xC7A0];
	v28 =	vadd.f32 v34, v28;
	v49 =	vadd.f32 v46, v45;
	v30 =	vmul.f32 v10, v30  }
0x77f: {  	v51 =	vld [tilespmem:$0x1F590];
	v23 =	vadd.f32 v24, v23;
	v20 =	vmul.f32 v47, v19  }
0x780: {  	v24 =	vld [tilespmem:s28+$0xC7B0];
	v39, _, _ =	vpop (xrf2);
	(xrf2) =	vadd.scan.msk.f32 $0xffff, v27;
	v27 =	vadd.f32 v31, v28;
	v28 =	vadd.f32 v30, v49;
	v30 =	vmul.f32 v44, v11  }
0x781: {  	v31 =	vld [tilespmem:s28+$0x87B0]  }
0x782: {  	v32 =	vld [tilespmem:$0x1F4C0];
	v20 =	vadd.f32 v20, v23;
	v23 =	vmul.f32 v50, v48;
	v26, _, _ =	vpop (xrf2);
	(xrf2) =	vadd.scan.msk.f32 $0xffff, v27;
	v27 =	vadd.f32 v30, v28  }
0x783: {  	v35 =	vld [tilespmem:$0x1F4D0];
	v10 =	vmul.f32 v1, v52;
	v11 =	vmul.f32 v55, v53  }
0x784: {  	v14 =	vmul.f32 v25, v51;
	v18, _, _ =	vpop (xrf2);
	v28 =	vld [tilespmem:s28+$0x8930];
	(xrf2) =	vadd.scan.msk.f32 $0xffff, v27  }
0x785: {  	v36 =	vld [tilespmem:$0x1F4E0];
	v9 =	vmul.f32 v17, v56;
	v20 =	vadd.f32 v23, v20;
	v10 =	vadd.f32 v11, v10  }
0x786: {  	v23 =	vld [tilespmem:s28+$0x8AB0];
	v14 =	vadd.f32 v14, v15;
	v15 =	vmul.f32 v24, v31  }
0x787: {  	v9 =	vadd.f32 v9, v10;
	v10 =	vld [tilespmem:$0x1F4B0];
	v13, _, _ =	vpop (xrf2);
	(xrf2) =	vadd.scan.msk.f32 $0xffff, v20  }
0x788: {  	v5 =	vmul.f32 v59, v58;
	v6 =	vmul.f32 v61, v60;
	v7 =	vld [tilespmem:s28+$0x8BA0];
	v14 =	vadd.f32 v15, v14  }
0x789: {  	v15 =	vld [tilespmem:s28+$0xCBA0];
	v16 =	vmul.f32 v16, v28  }
0x78a: {  	v63 =	vld [tilespmem:s28+$0x8BB0];
	v4 =	vmul.f32 v12, v62;
	v5 =	vadd.f32 v6, v5;
	v8, _, _ =	vpop (xrf2);
	(xrf2) =	vadd.scan.msk.f32 $0xffff, v14  }
0x78b: {  	v3 =	vld [tilespmem:s28+$0xCBB0];
	v0 =	vmul.f32 v36, v35;
	v9 =	vadd.f32 v16, v9  }
0x78c: {  	v12 =	vadd.f32 v4, v5;
	v34 =	vmul.f32 v57, v23;
	v2 =	vmul.f32 v32, v10  }
0x78d: {  	v33, _, _ =	vpop (xrf2);
	(xrf2) =	vadd.scan.msk.f32 $0xffff, v9  }
0x78e: {  	v37 =	vadd.f32 v34, v12;
	v0 =	vadd.f32 v0, v2;
	v38 =	vmul.f32 v15, v7;
	v40, _, _ =	vpop (xrf2)  }
0x78f: {  	v41 =	vbroadcast v33, $0xF;
	v42 =	vbroadcast v40, $0xF  }
0x790: {  	v44 =	vmul.f32 v3, v63;
	v43 =	vbroadcast v8, $0xF;
	v0 =	vadd.f32 v38, v0;
	(xrf2) =	vadd.scan.msk.f32 $0xffff, v37  }
0x791: {  	v46 =	vbroadcast v13, $0xF;
	v45 =	vsel vm0, v41, v42;
	v47, _, _ =	vpop (xrf2)  }
0x792: {  	v0 =	vadd.f32 v44, v0;
	v1 =	vsel vm1, v45, v43;
	v48 =	vbroadcast v47, $0xF  }
0x793: {  	v49 =	vbroadcast v18, $0xF;
	v1 =	vsel vm2, v1, v46  }
0x794: {  	v50 =	vbroadcast v26, $0xF;
	v51, _, _ =	vpop (xrf2);
	(xrf2) =	vadd.scan.msk.f32 $0xffff, v0;
	v1 =	vsel vm3, v1, v48  }
0x795: {  	v53 =	vbroadcast v51, $0xF;
	v52 =	vsel vm4, v1, v49  }
0x796: {  	v55 =	vbroadcast v39, $0xF;
	v0 =	vsel vm5, v52, v50  }
0x797: {  	v56 =	vbroadcast v29, $0xF;
	v57, _, _ =	vpop (xrf2);
	v0 =	vsel vm6, v0, v53  }
0x798: {  	v58 =	vbroadcast v57, $0xF;
	v0 =	vsel vm7, v0, v55  }
0x799: {  	v59 =	vbroadcast v22, $0xF;
	v0 =	vsel vm8, v0, v56  }
0x79a: {  	v60 =	vbroadcast v21, $0xF;
	v61, _, _ =	vpop (xrf2);
	v0 =	vsel vm9, v0, v58  }
0x79b: {  	v3 =	vbroadcast v61, $0xF;
	v0 =	vsel vm10, v0, v59  }
0x79c: {  	v62 =	vbroadcast v54, $0xF;
	v0 =	vsel vm11, v0, v60  }
0x79d: {  	v0 =	vsel vm12, v0, v3  }
0x79e: {  	v63, _, _ =	vpop (xrf2);
	v0 =	vsel vm13, v0, v62  }
0x79f: {  	s26 =	sadd.s32 $0x10, s26;
	v0 =	vsel vm14, v0, v63  }
0x7a0: {  	s28 =	sshra.s32 s29, $0x2;
	[tilespmem:s26+$0x0] =	vst v0  }
0x7a1: {  	v0 =	vld [tilespmem:s28+$0x8B30]  }
0x7a2: {  	v21 =	vld [tilespmem:s28+$0xCB30]  }
0x7a3: {  	v4 =	vld [tilespmem:s28+$0x8B80]  }
0x7a4: {  	v5 =	vld [tilespmem:s28+$0xCB80]  }
0x7a5: {  	v6 =	vld [tilespmem:s28+$0x8B90]  }
0x7a6: {  	v7 =	vld [tilespmem:s28+$0xCB90]  }
0x7a7: {  	v26 =	vld [tilespmem:s28+$0x8B20]  }
0x7a8: {  	v31 =	vld [tilespmem:s28+$0xCB20]  }
0x7a9: {  	v34 =	vld [tilespmem:s28+$0x8A30]  }
0x7aa: {  	v37 =	vld [tilespmem:s28+$0xCA30]  }
0x7ab: {  	v8 =	vld [tilespmem:s28+$0x8AA0]  }
0x7ac: {  	v24 =	vld [tilespmem:s28+$0x8B00]  }
0x7ad: {  	v25 =	vld [tilespmem:s28+$0xCB00]  }
0x7ae: {  	v32 =	vld [tilespmem:s28+$0x8B10]  }
0x7af: {  	v48 =	vld [tilespmem:s28+$0xCB10]  }
0x7b0: {  	v9 =	vld [tilespmem:s28+$0x89B0]  }
0x7b1: {  	v22 =	vld [tilespmem:s28+$0xC9B0]  }
0x7b2: {  	v33 =	vld [tilespmem:s28+$0x8A20]  }
0x7b3: {  	v35 =	vld [tilespmem:s28+$0xCA20]  }
0x7b4: {  	v10 =	vld [tilespmem:s28+$0x8A80]  }
0x7b5: {  	v11 =	vld [tilespmem:s28+$0xCA80]  }
0x7b6: {  	v36 =	vld [tilespmem:s28+$0x8A90]  }
0x7b7: {  	v38 =	vld [tilespmem:s28+$0xCA90]  }
0x7b8: {  	v43 =	vld [tilespmem:s28+$0x89A0]  }
0x7b9: {  	v46 =	vld [tilespmem:s28+$0xC9A0]  }
0x7ba: {  	v53 =	vld [tilespmem:s28+$0x8A00]  }
0x7bb: {  	v54 =	vld [tilespmem:s28+$0xCA00]  }
0x7bc: {  	v55 =	vld [tilespmem:s28+$0x8A10]  }
0x7bd: {  	v56 =	vld [tilespmem:s28+$0xCA10]  }
0x7be: {  	v39 =	vld [tilespmem:s28+$0x88B0]  }
0x7bf: {  	v41 =	vld [tilespmem:s28+$0xC8B0]  }
0x7c0: {  	v40 =	vld [tilespmem:s28+$0x8920]  }
0x7c1: {  	v57 =	vld [tilespmem:s28+$0x8980]  }
0x7c2: {  	v58 =	vld [tilespmem:s28+$0xC980]  }
0x7c3: {  	v59 =	vld [tilespmem:s28+$0x8990]  }
0x7c4: {  	v60 =	vld [tilespmem:s28+$0xC990]  }
0x7c5: {  	v42 =	vld [tilespmem:s28+$0x8830]  }
0x7c6: {  	v44 =	vld [tilespmem:s28+$0xC830]  }
0x7c7: {  	v52 =	vld [tilespmem:s28+$0xC8A0]  }
0x7c8: {  	v45 =	vld [tilespmem:s28+$0x8900]  }
0x7c9: {  	v47 =	vld [tilespmem:s28+$0xC900]  }
0x7ca: {  	v49 =	vld [tilespmem:s28+$0x8910]  }
0x7cb: {  	v50 =	vld [tilespmem:s28+$0xC910]  }
0x7cc: {  	v61 =	vld [tilespmem:s28+$0x8880]  }
0x7cd: {  	v62 =	vld [tilespmem:s28+$0xC880]  }
0x7ce: {  	v63 =	vld [tilespmem:s28+$0x8890]  }
0x7cf: {  	v51 =	vld [tilespmem:s28+$0x87A0]  }
0x7d0: {  	v1 =	vld [tilespmem:s28+$0x8800]  }
0x7d1: {  	v2 =	vld [tilespmem:s28+$0xC800]  }
0x7d2: {  	v3 =	vld [tilespmem:s28+$0x8810]  }
0x7d3: {  	v23 =	vld [tilespmem:s28+$0xC780]  }
0x7d4: {  	v12 =	vld [tilespmem:s28+$0xC710]  }
0x7d5: {  	v29 =	vld [tilespmem:s28+$0x85B0]  }
0x7d6: {  	v30 =	vld [tilespmem:s28+$0xC5B0]  }
0x7d7: {  	v19 =	vld [tilespmem:s28+$0x8620]  }
0x7d8: {  	v13 =	vld [tilespmem:s28+$0x8680]  }
0x7d9: {  	v14 =	vld [tilespmem:s28+$0xC680]  }
0x7da: {  	v15 =	vld [tilespmem:s28+$0x8690]  }
0x7db: {  	v16 =	vld [tilespmem:s28+$0xC690]  }
0x7dc: {  	v27 =	vld [tilespmem:s28+$0x8530]  }
0x7dd: {  	v28 =	vld [tilespmem:s28+$0xC530]  }
0x7de: {  	v17 =	vld [tilespmem:s28+$0x85A0]  }
0x7df: {  	v18 =	vld [tilespmem:s28+$0xC5A0]  }
0x7e0: {  	[tilespmem:$0x1F520] =	vst v36;
	v36 =	vld [tilespmem:s28+$0x88A0]  }
0x7e1: {  	[tilespmem:$0x1F570] =	vst v49;
	v49 =	vld [tilespmem:s28+$0x8820]  }
0x7e2: {  	[tilespmem:$0x1F530] =	vst v38;
	v38 =	vld [tilespmem:s28+$0xC820]  }
0x7e3: {  	[tilespmem:$0x1F2C0] =	vst v0;
	v0 =	vld [tilespmem:s28+$0xC890]  }
0x7e4: {  	[tilespmem:$0x1F540] =	vst v40;
	v40 =	vld [tilespmem:s28+$0x8730]  }
0x7e5: {  	[tilespmem:$0x1F2E0] =	vst v39;
	v39 =	vld [tilespmem:s28+$0xC730]  }
0x7e6: {  	[tilespmem:$0x1F4B0] =	vst v4;
	v4 =	vld [tilespmem:s28+$0xC810]  }
0x7e7: {  	[tilespmem:$0x1F2F0] =	vst v42;
	v42 =	vld [tilespmem:s28+$0x86B0]  }
0x7e8: {  	[tilespmem:$0x1F550] =	vst v45;
	v45 =	vld [tilespmem:s28+$0xC6B0]  }
0x7e9: {  	[tilespmem:$0x1F4C0] =	vst v5;
	v5 =	vld [tilespmem:s28+$0x8720]  }
0x7ea: {  	[tilespmem:$0x1F4D0] =	vst v6;
	v6 =	vld [tilespmem:s28+$0xC720]  }
0x7eb: {  	[tilespmem:$0x1F580] =	vst v50;
	v50 =	vld [tilespmem:s28+$0x8780]  }
0x7ec: {  	[tilespmem:$0x1F560] =	vst v47;
	v47 =	vld [tilespmem:s28+$0x8790]  }
0x7ed: {  	[tilespmem:$0x1F300] =	vst v44;
	v44 =	vld [tilespmem:s28+$0xC790]  }
0x7ee: {  	[tilespmem:$0x1F4E0] =	vst v7;
	v7 =	vld [tilespmem:s28+$0x86A0]  }
0x7ef: {  	[tilespmem:$0x1F4F0] =	vst v8;
	v8 =	vld [tilespmem:s28+$0xC6A0]  }
0x7f0: {  	[tilespmem:$0x1F2D0] =	vst v9;
	v9 =	vld [tilespmem:s28+$0x8700]  }
0x7f1: {  	[tilespmem:$0x1F500] =	vst v10;
	v10 =	vld [tilespmem:s28+$0xC700]  }
0x7f2: {  	[tilespmem:$0x1F510] =	vst v11;
	v11 =	vld [tilespmem:s28+$0x8710]  }
0x7f3: {  	[tilespmem:$0x1F590] =	vst v51;
	v51 =	vld [tilespmem:s28+$0x8600]  }
0x7f4: {  	v20 =	vmul.f32 v25, v24;
	v24 =	vld [tilespmem:s28+$0xC600]  }
0x7f5: {  	v32 =	vmul.f32 v48, v32;
	v25 =	vld [tilespmem:s28+$0x8610]  }
0x7f6: {  	v48 =	vmul.f32 v54, v53;
	v53 =	vmul.f32 v56, v55;
	v56 =	vld [tilespmem:$0x1F2C0]  }
0x7f7: {  	v60 =	vmul.f32 v60, v59;
	v59 =	vld [tilespmem:$0x1F2D0]  }
0x7f8: {  	v43 =	vmul.f32 v46, v43;
	v46 =	vld [tilespmem:$0x1F300]  }
0x7f9: {  	v20 =	vadd.f32 v32, v20;
	v32 =	vmul.f32 v31, v26;
	v26 =	vld [tilespmem:s28+$0xC610]  }
0x7fa: {  	v58 =	vmul.f32 v58, v57;
	v31 =	vld [tilespmem:s28+$0x8430]  }
0x7fb: {  	v48 =	vadd.f32 v53, v48;
	v53 =	vmul.f32 v35, v33;
	v33 =	vld [tilespmem:s28+$0x8520]  }
0x7fc: {  	v35 =	vld [tilespmem:s28+$0xC520];
	v57 =	vadd.f32 v60, v58  }
0x7fd: {  	v20 =	vadd.f32 v32, v20;
	v32 =	vld [tilespmem:s28+$0xC430]  }
0x7fe: {  	v34 =	vmul.f32 v37, v34;
	v37 =	vadd.f32 v43, v57;
	v43 =	vld [tilespmem:s28+$0xC590]  }
0x7ff: {  	v60 =	vmul.f32 v52, v36;
	v36 =	vld [tilespmem:s28+$0xC420];
	v21 =	vmul.f32 v21, v56  }
0x800: {  	v58 =	vmul.f32 v62, v61;
	v0 =	vmul.f32 v0, v63;
	v63 =	vld [tilespmem:$0x1F2E0]  }
0x801: {  	v61 =	vmul.f32 v4, v3;
	v3 =	vld [tilespmem:s28+$0xC500];
	v20 =	vadd.f32 v21, v20;
	v21 =	vadd.f32 v53, v48  }
0x802: {  	v22 =	vmul.f32 v22, v59;
	v59 =	vmul.f32 v39, v40;
	v39 =	vld [tilespmem:s28+$0x8410]  }
0x803: {  	v40 =	vld [tilespmem:s28+$0x8480];
	v21 =	vadd.f32 v34, v21  }
0x804: {  	v48 =	vld [tilespmem:s28+$0x8580];
	v62 =	vadd.f32 v22, v37;
	(xrf2) =	vadd.scan.msk.f32 $0xffff, v20  }
0x805: {  	v53 =	vld [tilespmem:s28+$0x8590];
	(xrf2) =	vadd.scan.msk.f32 $0xffff, v21  }
0x806: {  	v0 =	vadd.f32 v0, v58;
	v4 =	vmul.f32 v41, v63;
	v41 =	vld [tilespmem:$0x1F2F0];
	(xrf2) =	vadd.scan.msk.f32 $0xffff, v62  }
0x807: {  	v1 =	vmul.f32 v2, v1;
	v9 =	vmul.f32 v10, v9;
	v22 =	vld [tilespmem:s28+$0x8500]  }
0x808: {  	v37 =	vmul.f32 v38, v49;
	v38 =	vmul.f32 v12, v11;
	v0 =	vadd.f32 v60, v0;
	v20 =	vld [tilespmem:s28+$0xC580]  }
0x809: {  	v57 =	vmul.f32 v16, v15;
	v5 =	vmul.f32 v6, v5;
	v1 =	vadd.f32 v61, v1;
	v11 =	vld [tilespmem:s28+$0xC510]  }
0x80a: {  	v49 =	vmul.f32 v14, v13;
	v34 =	vld [tilespmem:s28+$0x8420];
	v9 =	vadd.f32 v38, v9;
	v0 =	vadd.f32 v4, v0  }
0x80b: {  	p0 =	sne.s32 s29, $0xE000;
	v16 =	vmovc v23;
	v60 =	vmul.f32 v8, v7;
	v1 =	vadd.f32 v37, v1;
	v4 =	vld [tilespmem:s28+$0x8510];
	v2 =	vmul.f32 v46, v41  }
.Ltmp3:
0x80c: {  	v37 =	vld [tilespmem:s28+$0xC400];
	v63 =	vmul.f32 v45, v42;
	v58 =	vadd.f32 v5, v9;
	(xrf2) =	vadd.scan.msk.f32 $0xffff, v0;
	v0 =	vadd.f32 v57, v49;
	(pc) =	sbr.rel @p0 .LBB2_8-.Ltmp3, $4  }
0x80d: {  	v15 =	vmovc v50;
	v38 =	vld [tilespmem:s28+$0x8400];
	v62 =	vmul.f32 v43, v53;
	v61 =	vmul.f32 v20, v48;
	v1 =	vadd.f32 v2, v1  }
0x80e: {  	v42 =	vld [tilespmem:s28+$0xC480];
	v46 =	vmul.f32 v18, v17;
	v0 =	vadd.f32 v60, v0;
	v2 =	vadd.f32 v59, v58;
	v54, _, _ =	vpop (xrf2)  }
0x80f: {  	v43 =	vld [tilespmem:s28+$0x8490];
	v18 =	vmov v44;
	v17 =	vmov v47;
	v47 =	vmul.f32 v3, v22;
	(xrf2) =	vadd.scan.msk.f32 $0xffff, v1;
	v21, _, _ =	vpop (xrf2)  }
0x810: {  	s29 =	sadd.s32 $0x2000, s29;
	v41 =	vld [tilespmem:s28+$0xC410];
	v45 =	vadd.f32 v62, v61;
	v48 =	vmul.f32 v11, v4;
	v44 =	vadd.f32 v63, v0;
	(xrf2) =	vadd.scan.msk.f32 $0xffff, v2;
	v22, _, _ =	vpop (xrf2)  }
0x811: {  	v0 =	vld [tilespmem:s28+$0xC490]  }
0x812: {  	v1 =	vld [tilespmem:s28+$0x84A0]  }
0x813: {  	v4 =	vld [tilespmem:s28+$0xC4A0]  }
0x814: {  	v7 =	vld [tilespmem:s28+$0x84B0]  }
0x815: {  	v6 =	vmul.f32 v35, v33;
	v33 =	vld [tilespmem:s28+$0xC4B0]  }
0x816: {  	v10 =	vld [tilespmem:s28+$0xC620]  }
0x817: {  	v12 =	vld [tilespmem:s28+$0x8630]  }
0x818: {  	v14 =	vld [tilespmem:s28+$0xC7A0]  }
0x819: {  	v50 =	vld [tilespmem:s28+$0xC920]  }
0x81a: {  	v52 =	vld [tilespmem:s28+$0x8930]  }
0x81b: {  	v53 =	vld [tilespmem:$0x1F590]  }
0x81c: {  	v55 =	vld [tilespmem:s28+$0xC930]  }
0x81d: {  	v57 =	vld [tilespmem:$0x1F550]  }
0x81e: {  	v58 =	vld [tilespmem:$0x1F560]  }
0x81f: {  	v59 =	vld [tilespmem:$0x1F570]  }
0x820: {  	v60 =	vld [tilespmem:$0x1F580]  }
0x821: {  	v61 =	vld [tilespmem:s28+$0xCAA0]  }
0x822: {  	v3 =	vmul.f32 v30, v29;
	v11 =	vmul.f32 v28, v27;
	v62 =	vld [tilespmem:s28+$0x8AB0]  }
0x823: {  	v13 =	vmul.f32 v32, v31;
	v49 =	vmul.f32 v18, v17;
	v17 =	vld [tilespmem:$0x1F540]  }
0x824: {  	v18 =	vld [tilespmem:s28+$0xCAB0];
	v2 =	vadd.f32 v46, v45;
	v8 =	vmul.f32 v37, v38;
	v9 =	vmul.f32 v41, v39  }
0x825: {  	v20 =	vld [tilespmem:$0x1F500];
	v5 =	vadd.f32 v48, v47;
	v35 =	vmul.f32 v42, v40;
	v0 =	vmul.f32 v0, v43  }
0x826: {  	v23 =	vld [tilespmem:$0x1F510];
	v37 =	vmul.f32 v36, v34;
	v40 =	vmul.f32 v24, v51;
	v8 =	vadd.f32 v9, v8  }
0x827: {  	v38 =	vld [tilespmem:s28+$0xC630];
	v5 =	vadd.f32 v6, v5;
	v1 =	vmul.f32 v4, v1;
	v0 =	vadd.f32 v0, v35  }
0x828: {  	v31 =	vld [tilespmem:$0x1F4F0];
	v2 =	vadd.f32 v3, v2;
	v41 =	vmul.f32 v26, v25;
	v39 =	vadd.f32 v37, v8  }
0x829: {  	(xrf2) =	vadd.scan.msk.f32 $0xffff, v44;
	v47 =	vld [tilespmem:s28+$0xC7B0];
	v5 =	vadd.f32 v11, v5;
	v42 =	vmul.f32 v33, v7;
	v0 =	vadd.f32 v1, v0  }
0x82a: {  	v43 =	vld [tilespmem:s28+$0x87B0];
	(xrf2) =	vadd.scan.msk.f32 $0xffff, v2;
	v46 =	vmul.f32 v10, v19;
	v45 =	vadd.f32 v41, v40;
	v44 =	vadd.f32 v13, v39  }
0x82b: {  	v48 =	vmul.f32 v16, v15;
	v24 =	vld [tilespmem:$0x1F520];
	(xrf2) =	vadd.scan.msk.f32 $0xffff, v5;
	v0 =	vadd.f32 v42, v0  }
0x82c: {  	v25 =	vld [tilespmem:$0x1F530];
	v4 =	vmul.f32 v38, v12;
	v51 =	vadd.f32 v46, v45;
	(xrf2) =	vadd.scan.msk.f32 $0xffff, v44  }
0x82d: {  	v34 =	vld [tilespmem:$0x1F4B0];
	v5 =	vmul.f32 v14, v53;
	v1 =	vadd.f32 v49, v48;
	(xrf2) =	vadd.scan.msk.f32 $0xffff, v0  }
0x82e: {  	v2 =	vmul.f32 v58, v57;
	v38 =	vld [tilespmem:$0x1F4D0];
	v56 =	vadd.f32 v4, v51;
	v4 =	vmul.f32 v60, v59  }
0x82f: {  	v35 =	vld [tilespmem:$0x1F4C0];
	v3 =	vmul.f32 v47, v43;
	v1 =	vadd.f32 v5, v1  }
0x830: {  	v63, _, _ =	vpop (xrf2);
	v39 =	vld [tilespmem:$0x1F4E0];
	v2 =	vadd.f32 v4, v2;
	v4 =	vmul.f32 v50, v17;
	(xrf2) =	vadd.scan.msk.f32 $0xffff, v56  }
0x831: {  	v29 =	vld [tilespmem:s28+$0xCBA0];
	v19, _, _ =	vpop (xrf2);
	v11 =	vmul.f32 v25, v24;
	v1 =	vadd.f32 v3, v1;
	v3 =	vmul.f32 v23, v20  }
0x832: {  	v26 =	vld [tilespmem:s28+$0x8BA0];
	v28 =	vmul.f32 v55, v52;
	v27, _, _ =	vpop (xrf2);
	v2 =	vadd.f32 v4, v2  }
0x833: {  	v32 =	vld [tilespmem:s28+$0x8BB0];
	v10 =	vmul.f32 v61, v31;
	v30, _, _ =	vpop (xrf2);
	v3 =	vadd.f32 v11, v3;
	(xrf2) =	vadd.scan.msk.f32 $0xffff, v1  }
0x834: {  	v36 =	vld [tilespmem:s28+$0xCBB0];
	v5 =	vmul.f32 v18, v62;
	v33, _, _ =	vpop (xrf2);
	v2 =	vadd.f32 v28, v2  }
0x835: {  	v4 =	vmul.f32 v35, v34;
	v9 =	vmul.f32 v39, v38;
	v37, _, _ =	vpop (xrf2);
	v3 =	vadd.f32 v10, v3  }
0x836: {  	(xrf2) =	vadd.scan.msk.f32 $0xffff, v2;
	v40, _, _ =	vpop (xrf2)  }
0x837: {  	v43 =	vmul.f32 v29, v26;
	v42 =	vadd.f32 v9, v4;
	v41 =	vadd.f32 v5, v3;
	v44, _, _ =	vpop (xrf2)  }
0x838: {  	v45 =	vbroadcast v40, $0xF;
	v5 =	vbroadcast v44, $0xF  }
0x839: {  	v47 =	vmul.f32 v36, v32;
	v46 =	vbroadcast v37, $0xF;
	v3 =	vadd.f32 v43, v42;
	(xrf2) =	vadd.scan.msk.f32 $0xffff, v41  }
0x83a: {  	v1 =	vbroadcast v33, $0xF;
	v49, _, _ =	vpop (xrf2);
	v48 =	vsel vm0, v45, v5  }
0x83b: {  	v3 =	vadd.f32 v47, v3;
	v5 =	vbroadcast v49, $0xF;
	v2 =	vsel vm1, v48, v46  }
0x83c: {  	v50 =	vbroadcast v30, $0xF;
	v1 =	vsel vm2, v2, v1  }
0x83d: {  	v51 =	vbroadcast v27, $0xF;
	(xrf2) =	vadd.scan.msk.f32 $0xffff, v3;
	v52, _, _ =	vpop (xrf2);
	v1 =	vsel vm3, v1, v5  }
0x83e: {  	v53 =	vbroadcast v52, $0xF;
	v1 =	vsel vm4, v1, v50  }
0x83f: {  	v0 =	vbroadcast v19, $0xF;
	v1 =	vsel vm5, v1, v51  }
0x840: {  	v55 =	vbroadcast v63, $0xF;
	v56, _, _ =	vpop (xrf2);
	v1 =	vsel vm6, v1, v53  }
0x841: {  	v57 =	vbroadcast v56, $0xF;
	v0 =	vsel vm7, v1, v0  }
0x842: {  	v58 =	vbroadcast v22, $0xF;
	v0 =	vsel vm8, v0, v55  }
0x843: {  	v59 =	vbroadcast v21, $0xF;
	v60, _, _ =	vpop (xrf2);
	v0 =	vsel vm9, v0, v57  }
0x844: {  	v61 =	vbroadcast v60, $0xF;
	v0 =	vsel vm10, v0, v58  }
0x845: {  	v62 =	vbroadcast v54, $0xF;
	v0 =	vsel vm11, v0, v59  }
0x846: {  	v0 =	vsel vm12, v0, v61  }
0x847: {  	s25 =	sadd.s32 $0x1, s25;
	v63, _, _ =	vpop (xrf2);
	v0 =	vsel vm13, v0, v62  }
0x848: {  	s26 =	sadd.s32 $0x10, s26;
	p0 =	sne.s32 s25, s7;
	v0 =	vsel vm14, v0, v63  }
.Ltmp4:
0x849: {  	[tilespmem:s26+$0x0] =	vst v0;
	(pc) =	sbr.rel @p0 .LBB2_1-.Ltmp4, $4  }
0x84a: {  	[hbm4b:s6+s3] =	stream.linear.scatter [tilespmem:s24], [sflag:$0x5], $0x200, $0x38;
	[tilespmem:$0x10600] =	vst v63  }
0x84b: {  	_ =	swait.ge [sflag:s8], $0x200  }
0x84c: {  	[sflag:s8] =	ssyncset.done $0x0  }
0x84d: {  	[sflag:s8] =	ssyncadd.s32 $0xFFFFFE00  }
0x84e: {  	_ =	sfence.sel $0x180000  }
0x84f: {  	[bflag:$0x0] =	sbarrier.arrive $0xFFFF  }
0x850: {  	p0 =	sne.s32 s2, $0x0;
	_ =	strace $0x90000047  }
0x851: {  	s0 =	sadd.s32 @!p0 $0x100000, s0;
	[bflag:$0x2] =	sbarrier.arrive $0xFFFF  }
0x852: {  	[sflag:s0] =	ssyncadd.tile.s32 @!p0 $0x1;
	_ =	shalt  }
.Lfunc_end2:
_tile_overlayer_lowered:
.L_overlay_start_2:
0x853: {  	(tag) =	ssettag $0x2  }
0x854: {  	s0 =	rddreg [dreg:$0x0];
	s2 =	stileid.u32  }
0x855: {  	s1 =	rddreg [dreg:$0x1];
	p0 =	sne.s32 s2, $0x0  }
0x856: {  	s3 =	rddreg [dreg:$0x2];
	[bflag:$0x3] =	sbarrier.arrive $0xFFFF;
	s2 =	simm.s32 @!p0 $0x1C05  }
0x857: {  	[timem:s3], [sflag:s2] =	dma.local @!p0 [hbm:s0], s1  }
0x858: {  	s0 =	simm.s32 @!p0 $0x5  }
0x859: {  	_ =	swait.ge @!p0 [sflag:s0], s1  }
0x85a: {  	s1 =	ssub.s32 @!p0 $0x0, s1;
	[sflag:s0] =	ssyncset.done @!p0 $0x0  }
0x85b: {  	[sflag:s0] =	ssyncadd.s32 @!p0 s1  }
0x85c: {  	[bflag:$0x3] =	sbarrier.arrive $0xFFFF  }
0x85d: {  	_ =	shalt  }

</sc_bundles>
